<compile_context>
chip_gen: v7x
topology: tpu7x:2x2x1
jax: 0.10.2.dev20260603
libtpu: 0.0.44.dev20260713+nightly
codegen_flags: <defaults>
</compile_context>

<pallas_src>
import jax
import jax.numpy as jnp
from jax import lax
from jax.experimental import pallas as pl
from jax.experimental.pallas import tpu as pltpu
from jax.experimental.pallas import tpu_sc as plsc

_NC = 2
_NS = 16
_NW = _NC * _NS
_CHUNK = 128
_NCH = 4
_RPW = _CHUNK * _NCH
_K = 4
_ES = 32
_L = 16


def _fused_body(ih_hbm, ir_hbm, it_hbm, ent_hbm, rel_hbm, w_hbm, b_hbm,
                pos_out, neg_out, y_out, a0_out, a1_out, a2_out, a3_out,
                idxh_v, idxr_v, idxt_v,
                h0, h1, t0, t1, r0, r1,
                norm_v, att_v, y_v, w_v, b_v,
                sem_h0, sem_h1, sem_t0, sem_t1, sem_r0, sem_r1):
    wid = lax.axis_index("s") * _NC + lax.axis_index("c")
    base_row = wid * _RPW
    len_pos = (_NW * _RPW) // 4
    pltpu.sync_copy(w_hbm, w_v)
    pltpu.sync_copy(b_hbm, b_v)
    iota = lax.iota(jnp.int32, _L)

    pltpu.sync_copy(ih_hbm.at[pl.ds(base_row, _RPW)], idxh_v)
    pltpu.sync_copy(ir_hbm.at[pl.ds(base_row, _RPW)], idxr_v)
    pltpu.sync_copy(it_hbm.at[pl.ds(base_row, _RPW)], idxt_v)

    h_bufs, t_bufs, r_bufs = (h0, h1), (t0, t1), (r0, r1)
    sem_h, sem_t, sem_r = (sem_h0, sem_h1), (sem_t0, sem_t1), (sem_r0, sem_r1)

    def issue(ch):
        p = ch % 2
        cph = pltpu.async_copy(
            ent_hbm.at[idxh_v.at[pl.ds(ch * _CHUNK, _CHUNK)]], h_bufs[p], sem_h[p])
        cpt = pltpu.async_copy(
            ent_hbm.at[idxt_v.at[pl.ds(ch * _CHUNK, _CHUNK)]], t_bufs[p], sem_t[p])

        def rel_issue(g, _):
            vec = idxr_v[pl.ds(ch * _CHUNK + g * _L, _L)]
            for j in range(_L):
                pltpu.async_copy(rel_hbm.at[vec[j]],
                                 r_bufs[p].at[g * _L + j], sem_r[p])
            return 0

        lax.fori_loop(0, _CHUNK // _L, rel_issue, 0)
        return cph, cpt

    def wait(ch, cph, cpt):
        p = ch % 2
        cph.wait()
        cpt.wait()
        pltpu.make_async_copy(rel_hbm.at[pl.ds(0, _CHUNK)], r_bufs[p],
                              sem_r[p]).wait()

    wvecs = [plsc.load_gather(w_v, [jnp.zeros((_L,), jnp.int32), iota + j * _L])
             for j in range(6)]
    bias = plsc.load_gather(b_v, [jnp.zeros((_L,), jnp.int32)])
    zero = jnp.zeros((_L,), jnp.float32)
    m15 = iota == 15
    m0 = iota == 0
    neg1 = jnp.full((_L,), -1.0, jnp.float32)
    for g in range(_RPW // _L):
        y_v[pl.ds(g * _L, _L)] = neg1

    pending = issue(0)

    for ch in range(_NCH):
        p = ch % 2
        wait(ch, *pending)
        if ch + 1 < _NCH:
            pending = issue(ch + 1)
        hb, tb, rb = h_bufs[p], t_bufs[p], r_bufs[p]

        @plsc.parallel_loop(0, _CHUNK, unroll=2)
        def row_body(i):
            hv = [hb[i, pl.ds(j * _L, _L)] for j in range(8)]
            tv = [tb[i, pl.ds(j * _L, _L)] for j in range(8)]
            rv = [rb[i, pl.ds(0, _L)], rb[i, pl.ds(_L, _L)]]
            difs = [hv[j] - tv[j] for j in range(8)]
            sr = jnp.sum(rv[0] * wvecs[2] + rv[1] * wvecs[3]) + bias
            ts = []
            for k in range(_K):
                pk = (hv[2 * k] * wvecs[0] + hv[2 * k + 1] * wvecs[1]
                      + tv[2 * k] * wvecs[4] + tv[2 * k + 1] * wvecs[5])
                ts.append(jnp.maximum(zero + jnp.sum(pk) + sr, 0.0))
            m = jnp.maximum(jnp.maximum(ts[0], ts[1]), jnp.maximum(ts[2], ts[3]))
            es = [jnp.exp(tk - m) for tk in ts]
            inv = 1.0 / (es[0] + es[1] + es[2] + es[3])
            att = [e * inv for e in es]
            x0 = rv[0] + att[0] * difs[0] + att[1] * difs[2] \
                + att[2] * difs[4] + att[3] * difs[6]
            x1 = rv[1] + att[0] * difs[1] + att[1] * difs[3] \
                + att[2] * difs[5] + att[3] * difs[7]
            nrm = jnp.cumsum(jnp.abs(x0) + jnp.abs(x1))
            pos = ch * _CHUNK + i
            plsc.store_scatter(norm_v, [jnp.full((_L,), pos, jnp.int32)], nrm,
                               mask=m15)
            for k in range(_K):
                plsc.store_scatter(
                    att_v, [jnp.full((_L,), k * _RPW + pos, jnp.int32)],
                    att[k], mask=m0)

        del row_body

    for k, ao in enumerate((a0_out, a1_out, a2_out, a3_out)):
        pltpu.sync_copy(att_v.at[pl.ds(k * _RPW, _RPW)],
                        ao.at[pl.ds(base_row, _RPW)])

    @pl.when(base_row < len_pos)
    def _write_pos():
        for j in range(3):
            pltpu.sync_copy(norm_v, pos_out.at[pl.ds(base_row + j * len_pos, _RPW)])

    @pl.when(base_row >= len_pos)
    def _write_neg():
        pltpu.sync_copy(norm_v, neg_out.at[pl.ds(base_row - len_pos, _RPW)])
        pltpu.sync_copy(y_v, y_out.at[pl.ds(base_row - len_pos, _RPW)])


def _sc_fused(ih, ir, it, entity_emb, relation_emb, fc1_w, fc1_b):
    b = _NW * _RPW
    dr = relation_emb.shape[1]
    mesh = plsc.VectorSubcoreMesh(core_axis_name="c", subcore_axis_name="s",
                                  num_cores=_NC, num_subcores=_NS)
    return pl.kernel(
        _fused_body,
        out_type=(
            jax.ShapeDtypeStruct((3 * (b // 4),), jnp.float32),
            jax.ShapeDtypeStruct((3 * (b // 4),), jnp.float32),
            jax.ShapeDtypeStruct((3 * (b // 4),), jnp.float32),
            jax.ShapeDtypeStruct((b,), jnp.float32),
            jax.ShapeDtypeStruct((b,), jnp.float32),
            jax.ShapeDtypeStruct((b,), jnp.float32),
            jax.ShapeDtypeStruct((b,), jnp.float32),
        ),
        mesh=mesh,
        scratch_types=[
            pltpu.VMEM((_RPW,), jnp.int32),
            pltpu.VMEM((_RPW,), jnp.int32),
            pltpu.VMEM((_RPW,), jnp.int32),
            pltpu.VMEM((_CHUNK, 128), jnp.float32),
            pltpu.VMEM((_CHUNK, 128), jnp.float32),
            pltpu.VMEM((_CHUNK, 128), jnp.float32),
            pltpu.VMEM((_CHUNK, 128), jnp.float32),
            pltpu.VMEM((_CHUNK, _ES), jnp.float32),
            pltpu.VMEM((_CHUNK, _ES), jnp.float32),
            pltpu.VMEM((_RPW,), jnp.float32),
            pltpu.VMEM((_RPW * _K,), jnp.float32),
            pltpu.VMEM((_RPW,), jnp.float32),
            pltpu.VMEM((1, 3 * _ES), jnp.float32),
            pltpu.VMEM((1,), jnp.float32),
            pltpu.SemaphoreType.DMA,
            pltpu.SemaphoreType.DMA,
            pltpu.SemaphoreType.DMA,
            pltpu.SemaphoreType.DMA,
            pltpu.SemaphoreType.DMA,
            pltpu.SemaphoreType.DMA,
        ],
        compiler_params=pltpu.CompilerParams(needs_layout_passes=False),
    )(ih, ir, it, entity_emb, relation_emb, fc1_w, fc1_b)


def kernel(batch_inputs, entity_emb, relation_emb, fc1_w, fc1_b):
    ih = batch_inputs[:, 0]
    ir = batch_inputs[:, 1]
    it = batch_inputs[:, 2]
    pos_norm, neg_norm, y, a0, a1, a2, a3 = _sc_fused(
        ih, ir, it, entity_emb, relation_emb, fc1_w, fc1_b)
    att = jnp.stack([a0, a1, a2, a3], axis=1)
    return (pos_norm, neg_norm, y, att)

# --- scband reference (transcript-rebuilt; emitter-appended) ---
"""Pipeline reference for scband-disen-e-trans-80427557584980 (READ-ONLY COPY).

The authoritative reference and input builder live on the scoring server;
editing this copy changes nothing except your own understanding.
"""

import jax, jax.numpy as jnp
import numpy as np

K_FACTORS = 4
EMB_S = 32
RATIO = 3
N_ENT = 100000
N_REL = 100000
BATCH = 16384
MARGIN = 1.0


def setup_inputs(seed: int = 0) -> dict:
    key = jax.random.key(seed)
    k1, k2, k3, k4 = jax.random.split(key, 4)
    batch_inputs = jax.random.randint(k1, (BATCH, 3), 0, N_ENT, dtype=jnp.int32)
    entity_emb = jax.random.normal(k2, (N_ENT, K_FACTORS * EMB_S), dtype=jnp.float32) * 0.05
    relation_emb = jax.random.normal(k3, (N_REL, EMB_S), dtype=jnp.float32) * 0.05
    limit = float(np.sqrt(6.0 / (3 * EMB_S + 1))) * 1.414
    fc1_w = jax.random.uniform(k4, (1, 3 * EMB_S), minval=-limit, maxval=limit, dtype=jnp.float32)
    fc1_b = jnp.zeros((1,), dtype=jnp.float32)
    return {
        "batch_inputs": batch_inputs,
        "entity_emb": entity_emb,
        "relation_emb": relation_emb,
        "fc1_w": fc1_w,
        "fc1_b": fc1_b,
    }


def reference(batch_inputs, entity_emb, relation_emb, fc1_w, fc1_b):
    B = batch_inputs.shape[0]
    len_pos = B // (RATIO + 1)
    # embedding gathers (SparseCore-mappable)
    head = jnp.take(entity_emb, batch_inputs[:, 0], axis=0).reshape(-1, K_FACTORS, EMB_S)
    rel = jnp.take(relation_emb, batch_inputs[:, 1], axis=0)
    tail = jnp.take(entity_emb, batch_inputs[:, 2], axis=0).reshape(-1, K_FACTORS, EMB_S)
    ex_rel = jnp.broadcast_to(rel[:, None, :], (B, K_FACTORS, EMB_S))
    e1_rel_e2 = jnp.concatenate([head, ex_rel, tail], axis=2)
    tmp = jax.nn.relu(jnp.squeeze(e1_rel_e2 @ fc1_w.T + fc1_b, -1))
    att = jax.nn.softmax(tmp, axis=1)
    pos_head = jnp.tile(head[:len_pos], (RATIO, 1, 1))
    pos_tail = jnp.tile(tail[:len_pos], (RATIO, 1, 1))
    pos_rel = jnp.tile(ex_rel[:len_pos], (RATIO, 1, 1))
    pos_att = jnp.tile(att[:len_pos], (RATIO, 1))
    neg_head = head[len_pos:]
    neg_tail = tail[len_pos:]
    neg_rel = ex_rel[len_pos:]
    neg_att = att[len_pos:]
    pos_x = pos_head + pos_rel - pos_tail
    neg_x = neg_head + neg_rel - neg_tail
    pos_x = jnp.sum(pos_att[..., None] * pos_x, axis=1)
    neg_x = jnp.sum(neg_att[..., None] * neg_x, axis=1)
    pos_norm = jnp.sum(jnp.abs(pos_x), axis=1)
    neg_norm = jnp.sum(jnp.abs(neg_x), axis=1)
    y = -jnp.ones((RATIO * len_pos,), dtype=jnp.float32)
    return (pos_norm, neg_norm, y, att)

if __name__ == "__main__":
    import jax
    _d = setup_inputs()
    print(jax.jit(kernel)(*tuple(_d.values())))

</pallas_src>

<mosaic_0001>
#map = affine_map<(d0, d1) -> (0)>
#map1 = affine_map<(d0, d1) -> (0, 0)>
module attributes {stable_mosaic.version = 14 : i64} {
  func.func @_fused_body(%arg0: i32, %arg1: i32, %arg2: memref<16384xi32, #tpu.memory_space<hbm>>, %arg3: memref<16384xi32, #tpu.memory_space<hbm>>, %arg4: memref<16384xi32, #tpu.memory_space<hbm>>, %arg5: memref<100000x128xf32, #tpu.memory_space<hbm>>, %arg6: memref<100000x32xf32, #tpu.memory_space<hbm>>, %arg7: memref<1x96xf32, #tpu.memory_space<hbm>>, %arg8: memref<1xf32, #tpu.memory_space<hbm>>, %arg9: memref<12288xf32, #tpu.memory_space<hbm>>, %arg10: memref<12288xf32, #tpu.memory_space<hbm>>, %arg11: memref<12288xf32, #tpu.memory_space<hbm>>, %arg12: memref<16384xf32, #tpu.memory_space<hbm>>, %arg13: memref<16384xf32, #tpu.memory_space<hbm>>, %arg14: memref<16384xf32, #tpu.memory_space<hbm>>, %arg15: memref<16384xf32, #tpu.memory_space<hbm>>, %arg16: memref<512xi32, #tpu.memory_space<vmem>>, %arg17: memref<512xi32, #tpu.memory_space<vmem>>, %arg18: memref<512xi32, #tpu.memory_space<vmem>>, %arg19: memref<128x128xf32, #tpu.memory_space<vmem>>, %arg20: memref<128x128xf32, #tpu.memory_space<vmem>>, %arg21: memref<128x128xf32, #tpu.memory_space<vmem>>, %arg22: memref<128x128xf32, #tpu.memory_space<vmem>>, %arg23: memref<128x32xf32, #tpu.memory_space<vmem>>, %arg24: memref<128x32xf32, #tpu.memory_space<vmem>>, %arg25: memref<512xf32, #tpu.memory_space<vmem>>, %arg26: memref<2048xf32, #tpu.memory_space<vmem>>, %arg27: memref<512xf32, #tpu.memory_space<vmem>>, %arg28: memref<1x96xf32, #tpu.memory_space<vmem>>, %arg29: memref<1xf32, #tpu.memory_space<vmem>>, %arg30: memref<!tpu.dma_semaphore, #tpu.memory_space<semaphore_mem>>, %arg31: memref<!tpu.dma_semaphore, #tpu.memory_space<semaphore_mem>>, %arg32: memref<!tpu.dma_semaphore, #tpu.memory_space<semaphore_mem>>, %arg33: memref<!tpu.dma_semaphore, #tpu.memory_space<semaphore_mem>>, %arg34: memref<!tpu.dma_semaphore, #tpu.memory_space<semaphore_mem>>, %arg35: memref<!tpu.dma_semaphore, #tpu.memory_space<semaphore_mem>>) attributes {dimension_semantics = [#tpu.dimension_semantics<core_parallel>, #tpu.dimension_semantics<subcore_parallel>], iteration_bounds = array<i64: 2, 16>, scalar_prefetch = 0 : i64, scratch_operands = 20 : i64, tpu.core_type = #tpu.core_type<sc_vector_subcore>, window_params = [{transform_indices = #map}, {transform_indices = #map}, {transform_indices = #map}, {transform_indices = #map1}, {transform_indices = #map1}, {transform_indices = #map1}, {transform_indices = #map}, {transform_indices = #map}, {transform_indices = #map}, {transform_indices = #map}, {transform_indices = #map}, {transform_indices = #map}, {transform_indices = #map}, {transform_indices = #map}]} {
    %mul3A = arith.constant 2 : i32
    %mul3A_0 = arith.muli %arg1, %mul3A : i32
    %add3A = arith.addi %mul3A_0, %arg0 : i32
    %mul3A_1 = arith.constant 512 : i32
    %mul3A_2 = arith.muli %add3A, %mul3A_1 : i32
    "tpu.region"() ({
      %run_scoped3A = tpu.sem_alloc : memref<!tpu.dma_semaphore, #tpu.memory_space<semaphore_mem>>
      tpu.enqueue_dma source(%arg7 : memref<1x96xf32, #tpu.memory_space<hbm>>) target(%arg28 : memref<1x96xf32, #tpu.memory_space<vmem>>) target_semaphore(%run_scoped3A : memref<!tpu.dma_semaphore, #tpu.memory_space<semaphore_mem>>)
      tpu.wait_dma2 semaphore(%run_scoped3A : memref<!tpu.dma_semaphore, #tpu.memory_space<semaphore_mem>>) src(%arg7 : memref<1x96xf32, #tpu.memory_space<hbm>>) dst(%arg28 : memref<1x96xf32, #tpu.memory_space<vmem>>)
      tpu.yield
    }) : () -> ()
    "tpu.region"() ({
      %run_scoped3A = tpu.sem_alloc : memref<!tpu.dma_semaphore, #tpu.memory_space<semaphore_mem>>
      tpu.enqueue_dma source(%arg8 : memref<1xf32, #tpu.memory_space<hbm>>) target(%arg29 : memref<1xf32, #tpu.memory_space<vmem>>) target_semaphore(%run_scoped3A : memref<!tpu.dma_semaphore, #tpu.memory_space<semaphore_mem>>)
      tpu.wait_dma2 semaphore(%run_scoped3A : memref<!tpu.dma_semaphore, #tpu.memory_space<semaphore_mem>>) src(%arg8 : memref<1xf32, #tpu.memory_space<hbm>>) dst(%arg29 : memref<1xf32, #tpu.memory_space<vmem>>)
      tpu.yield
    }) : () -> ()
    %iota3A = tpu.iota {dimensions = array<i32: 0>} : vector<16xi32>
    "tpu.region"() ({
      %run_scoped3A = tpu.sem_alloc : memref<!tpu.dma_semaphore, #tpu.memory_space<semaphore_mem>>
      %dma_start3A_258 = tpu.memref_slice %arg2[%mul3A_2] : memref<16384xi32, #tpu.memory_space<hbm>> -> memref<512xi32, #tpu.memory_space<hbm>>
      %dma_start3A_259 = tpu.memref_slice %arg2[%mul3A_2] : memref<16384xi32, #tpu.memory_space<hbm>> -> memref<512xi32, #tpu.memory_space<hbm>>
      tpu.enqueue_dma source(%dma_start3A_259 : memref<512xi32, #tpu.memory_space<hbm>>) target(%arg16 : memref<512xi32, #tpu.memory_space<vmem>>) target_semaphore(%run_scoped3A : memref<!tpu.dma_semaphore, #tpu.memory_space<semaphore_mem>>)
      %dma_wait3A_260 = tpu.memref_slice %arg2[%mul3A_2] : memref<16384xi32, #tpu.memory_space<hbm>> -> memref<512xi32, #tpu.memory_space<hbm>>
      %dma_wait3A_261 = tpu.memref_slice %arg2[%mul3A_2] : memref<16384xi32, #tpu.memory_space<hbm>> -> memref<512xi32, #tpu.memory_space<hbm>>
      tpu.wait_dma2 semaphore(%run_scoped3A : memref<!tpu.dma_semaphore, #tpu.memory_space<semaphore_mem>>) src(%dma_wait3A_261 : memref<512xi32, #tpu.memory_space<hbm>>) dst(%arg16 : memref<512xi32, #tpu.memory_space<vmem>>)
      tpu.yield
    }) : () -> ()
    "tpu.region"() ({
      %run_scoped3A = tpu.sem_alloc : memref<!tpu.dma_semaphore, #tpu.memory_space<semaphore_mem>>
      %dma_start3A_258 = tpu.memref_slice %arg3[%mul3A_2] : memref<16384xi32, #tpu.memory_space<hbm>> -> memref<512xi32, #tpu.memory_space<hbm>>
      %dma_start3A_259 = tpu.memref_slice %arg3[%mul3A_2] : memref<16384xi32, #tpu.memory_space<hbm>> -> memref<512xi32, #tpu.memory_space<hbm>>
      tpu.enqueue_dma source(%dma_start3A_259 : memref<512xi32, #tpu.memory_space<hbm>>) target(%arg17 : memref<512xi32, #tpu.memory_space<vmem>>) target_semaphore(%run_scoped3A : memref<!tpu.dma_semaphore, #tpu.memory_space<semaphore_mem>>)
      %dma_wait3A_260 = tpu.memref_slice %arg3[%mul3A_2] : memref<16384xi32, #tpu.memory_space<hbm>> -> memref<512xi32, #tpu.memory_space<hbm>>
      %dma_wait3A_261 = tpu.memref_slice %arg3[%mul3A_2] : memref<16384xi32, #tpu.memory_space<hbm>> -> memref<512xi32, #tpu.memory_space<hbm>>
      tpu.wait_dma2 semaphore(%run_scoped3A : memref<!tpu.dma_semaphore, #tpu.memory_space<semaphore_mem>>) src(%dma_wait3A_261 : memref<512xi32, #tpu.memory_space<hbm>>) dst(%arg17 : memref<512xi32, #tpu.memory_space<vmem>>)
      tpu.yield
    }) : () -> ()
    "tpu.region"() ({
      %run_scoped3A = tpu.sem_alloc : memref<!tpu.dma_semaphore, #tpu.memory_space<semaphore_mem>>
      %dma_start3A_258 = tpu.memref_slice %arg4[%mul3A_2] : memref<16384xi32, #tpu.memory_space<hbm>> -> memref<512xi32, #tpu.memory_space<hbm>>
      %dma_start3A_259 = tpu.memref_slice %arg4[%mul3A_2] : memref<16384xi32, #tpu.memory_space<hbm>> -> memref<512xi32, #tpu.memory_space<hbm>>
      tpu.enqueue_dma source(%dma_start3A_259 : memref<512xi32, #tpu.memory_space<hbm>>) target(%arg18 : memref<512xi32, #tpu.memory_space<vmem>>) target_semaphore(%run_scoped3A : memref<!tpu.dma_semaphore, #tpu.memory_space<semaphore_mem>>)
      %dma_wait3A_260 = tpu.memref_slice %arg4[%mul3A_2] : memref<16384xi32, #tpu.memory_space<hbm>> -> memref<512xi32, #tpu.memory_space<hbm>>
      %dma_wait3A_261 = tpu.memref_slice %arg4[%mul3A_2] : memref<16384xi32, #tpu.memory_space<hbm>> -> memref<512xi32, #tpu.memory_space<hbm>>
      tpu.wait_dma2 semaphore(%run_scoped3A : memref<!tpu.dma_semaphore, #tpu.memory_space<semaphore_mem>>) src(%dma_wait3A_261 : memref<512xi32, #tpu.memory_space<hbm>>) dst(%arg18 : memref<512xi32, #tpu.memory_space<vmem>>)
      tpu.yield
    }) : () -> ()
    %broadcast_in_dim3A = arith.constant 0 : i32
    %broadcast_in_dim3A_3 = vector.broadcast %broadcast_in_dim3A : i32 to vector<16xi32>
    %add3A_4 = arith.constant 0 : i32
    %add3A_5 = vector.broadcast %add3A_4 : i32 to vector<16xi32>
    %add3A_6 = arith.addi %iota3A, %add3A_5 : vector<16xi32>
    %gather3A = tpu.vector_load_idx %arg28[%broadcast_in_dim3A_3, %add3A_6] : memref<1x96xf32, #tpu.memory_space<vmem>>[vector<16xi32>, vector<16xi32>], vector<16xf32>,
    %broadcast_in_dim3A_7 = arith.constant 0 : i32
    %broadcast_in_dim3A_8 = vector.broadcast %broadcast_in_dim3A_7 : i32 to vector<16xi32>
    %add3A_9 = arith.constant 16 : i32
    %add3A_10 = vector.broadcast %add3A_9 : i32 to vector<16xi32>
    %add3A_11 = arith.addi %iota3A, %add3A_10 : vector<16xi32>
    %gather3A_12 = tpu.vector_load_idx %arg28[%broadcast_in_dim3A_8, %add3A_11] : memref<1x96xf32, #tpu.memory_space<vmem>>[vector<16xi32>, vector<16xi32>], vector<16xf32>,
    %broadcast_in_dim3A_13 = arith.constant 0 : i32
    %broadcast_in_dim3A_14 = vector.broadcast %broadcast_in_dim3A_13 : i32 to vector<16xi32>
    %add3A_15 = arith.constant 32 : i32
    %add3A_16 = vector.broadcast %add3A_15 : i32 to vector<16xi32>
    %add3A_17 = arith.addi %iota3A, %add3A_16 : vector<16xi32>
    %gather3A_18 = tpu.vector_load_idx %arg28[%broadcast_in_dim3A_14, %add3A_17] : memref<1x96xf32, #tpu.memory_space<vmem>>[vector<16xi32>, vector<16xi32>], vector<16xf32>,
    %broadcast_in_dim3A_19 = arith.constant 0 : i32
    %broadcast_in_dim3A_20 = vector.broadcast %broadcast_in_dim3A_19 : i32 to vector<16xi32>
    %add3A_21 = arith.constant 48 : i32
    %add3A_22 = vector.broadcast %add3A_21 : i32 to vector<16xi32>
    %add3A_23 = arith.addi %iota3A, %add3A_22 : vector<16xi32>
    %gather3A_24 = tpu.vector_load_idx %arg28[%broadcast_in_dim3A_20, %add3A_23] : memref<1x96xf32, #tpu.memory_space<vmem>>[vector<16xi32>, vector<16xi32>], vector<16xf32>,
    %broadcast_in_dim3A_25 = arith.constant 0 : i32
    %broadcast_in_dim3A_26 = vector.broadcast %broadcast_in_dim3A_25 : i32 to vector<16xi32>
    %add3A_27 = arith.constant 64 : i32
    %add3A_28 = vector.broadcast %add3A_27 : i32 to vector<16xi32>
    %add3A_29 = arith.addi %iota3A, %add3A_28 : vector<16xi32>
    %gather3A_30 = tpu.vector_load_idx %arg28[%broadcast_in_dim3A_26, %add3A_29] : memref<1x96xf32, #tpu.memory_space<vmem>>[vector<16xi32>, vector<16xi32>], vector<16xf32>,
    %broadcast_in_dim3A_31 = arith.constant 0 : i32
    %broadcast_in_dim3A_32 = vector.broadcast %broadcast_in_dim3A_31 : i32 to vector<16xi32>
    %add3A_33 = arith.constant 80 : i32
    %add3A_34 = vector.broadcast %add3A_33 : i32 to vector<16xi32>
    %add3A_35 = arith.addi %iota3A, %add3A_34 : vector<16xi32>
    %gather3A_36 = tpu.vector_load_idx %arg28[%broadcast_in_dim3A_32, %add3A_35] : memref<1x96xf32, #tpu.memory_space<vmem>>[vector<16xi32>, vector<16xi32>], vector<16xf32>,
    %broadcast_in_dim3A_37 = arith.constant 0 : i32
    %broadcast_in_dim3A_38 = vector.broadcast %broadcast_in_dim3A_37 : i32 to vector<16xi32>
    %gather3A_39 = tpu.vector_load_idx %arg29[%broadcast_in_dim3A_38] : memref<1xf32, #tpu.memory_space<vmem>>[vector<16xi32>], vector<16xf32>,
    %broadcast_in_dim3A_40 = arith.constant 0.000000e+00 : f32
    %broadcast_in_dim3A_41 = vector.broadcast %broadcast_in_dim3A_40 : f32 to vector<16xf32>
    %eq3A = arith.constant 15 : i32
    %eq3A_42 = vector.broadcast %eq3A : i32 to vector<16xi32>
    %eq3A_43 = arith.cmpi eq, %iota3A, %eq3A_42 : vector<16xi32>
    %eq3A_44 = arith.constant 0 : i32
    %eq3A_45 = vector.broadcast %eq3A_44 : i32 to vector<16xi32>
    %eq3A_46 = arith.cmpi eq, %iota3A, %eq3A_45 : vector<16xi32>
    %broadcast_in_dim3A_47 = arith.constant -1.000000e+00 : f32
    %broadcast_in_dim3A_48 = vector.broadcast %broadcast_in_dim3A_47 : f32 to vector<16xf32>
    %swap3A = arith.constant 0 : index
    %swap3A_49 = tpu.vector_load %arg27[%swap3A] {strides = array<i32>} : memref<512xf32, #tpu.memory_space<vmem>>, vector<16xf32>,
    tpu.vector_store %arg27[%swap3A], %broadcast_in_dim3A_48 {strides = array<i32>} : memref<512xf32, #tpu.memory_space<vmem>>, vector<16xf32>,
    %swap3A_50 = arith.constant 16 : index
    %swap3A_51 = tpu.vector_load %arg27[%swap3A_50] {strides = array<i32>} : memref<512xf32, #tpu.memory_space<vmem>>, vector<16xf32>,
    tpu.vector_store %arg27[%swap3A_50], %broadcast_in_dim3A_48 {strides = array<i32>} : memref<512xf32, #tpu.memory_space<vmem>>, vector<16xf32>,
    %swap3A_52 = arith.constant 32 : index
    %swap3A_53 = tpu.vector_load %arg27[%swap3A_52] {strides = array<i32>} : memref<512xf32, #tpu.memory_space<vmem>>, vector<16xf32>,
    tpu.vector_store %arg27[%swap3A_52], %broadcast_in_dim3A_48 {strides = array<i32>} : memref<512xf32, #tpu.memory_space<vmem>>, vector<16xf32>,
    %swap3A_54 = arith.constant 48 : index
    %swap3A_55 = tpu.vector_load %arg27[%swap3A_54] {strides = array<i32>} : memref<512xf32, #tpu.memory_space<vmem>>, vector<16xf32>,
    tpu.vector_store %arg27[%swap3A_54], %broadcast_in_dim3A_48 {strides = array<i32>} : memref<512xf32, #tpu.memory_space<vmem>>, vector<16xf32>,
    %swap3A_56 = arith.constant 64 : index
    %swap3A_57 = tpu.vector_load %arg27[%swap3A_56] {strides = array<i32>} : memref<512xf32, #tpu.memory_space<vmem>>, vector<16xf32>,
    tpu.vector_store %arg27[%swap3A_56], %broadcast_in_dim3A_48 {strides = array<i32>} : memref<512xf32, #tpu.memory_space<vmem>>, vector<16xf32>,
    %swap3A_58 = arith.constant 80 : index
    %swap3A_59 = tpu.vector_load %arg27[%swap3A_58] {strides = array<i32>} : memref<512xf32, #tpu.memory_space<vmem>>, vector<16xf32>,
    tpu.vector_store %arg27[%swap3A_58], %broadcast_in_dim3A_48 {strides = array<i32>} : memref<512xf32, #tpu.memory_space<vmem>>, vector<16xf32>,
    %swap3A_60 = arith.constant 96 : index
    %swap3A_61 = tpu.vector_load %arg27[%swap3A_60] {strides = array<i32>} : memref<512xf32, #tpu.memory_space<vmem>>, vector<16xf32>,
    tpu.vector_store %arg27[%swap3A_60], %broadcast_in_dim3A_48 {strides = array<i32>} : memref<512xf32, #tpu.memory_space<vmem>>, vector<16xf32>,
    %swap3A_62 = arith.constant 112 : index
    %swap3A_63 = tpu.vector_load %arg27[%swap3A_62] {strides = array<i32>} : memref<512xf32, #tpu.memory_space<vmem>>, vector<16xf32>,
    tpu.vector_store %arg27[%swap3A_62], %broadcast_in_dim3A_48 {strides = array<i32>} : memref<512xf32, #tpu.memory_space<vmem>>, vector<16xf32>,
    %swap3A_64 = arith.constant 128 : index
    %swap3A_65 = tpu.vector_load %arg27[%swap3A_64] {strides = array<i32>} : memref<512xf32, #tpu.memory_space<vmem>>, vector<16xf32>,
    tpu.vector_store %arg27[%swap3A_64], %broadcast_in_dim3A_48 {strides = array<i32>} : memref<512xf32, #tpu.memory_space<vmem>>, vector<16xf32>,
    %swap3A_66 = arith.constant 144 : index
    %swap3A_67 = tpu.vector_load %arg27[%swap3A_66] {strides = array<i32>} : memref<512xf32, #tpu.memory_space<vmem>>, vector<16xf32>,
    tpu.vector_store %arg27[%swap3A_66], %broadcast_in_dim3A_48 {strides = array<i32>} : memref<512xf32, #tpu.memory_space<vmem>>, vector<16xf32>,
    %swap3A_68 = arith.constant 160 : index
    %swap3A_69 = tpu.vector_load %arg27[%swap3A_68] {strides = array<i32>} : memref<512xf32, #tpu.memory_space<vmem>>, vector<16xf32>,
    tpu.vector_store %arg27[%swap3A_68], %broadcast_in_dim3A_48 {strides = array<i32>} : memref<512xf32, #tpu.memory_space<vmem>>, vector<16xf32>,
    %swap3A_70 = arith.constant 176 : index
    %swap3A_71 = tpu.vector_load %arg27[%swap3A_70] {strides = array<i32>} : memref<512xf32, #tpu.memory_space<vmem>>, vector<16xf32>,
    tpu.vector_store %arg27[%swap3A_70], %broadcast_in_dim3A_48 {strides = array<i32>} : memref<512xf32, #tpu.memory_space<vmem>>, vector<16xf32>,
    %swap3A_72 = arith.constant 192 : index
    %swap3A_73 = tpu.vector_load %arg27[%swap3A_72] {strides = array<i32>} : memref<512xf32, #tpu.memory_space<vmem>>, vector<16xf32>,
    tpu.vector_store %arg27[%swap3A_72], %broadcast_in_dim3A_48 {strides = array<i32>} : memref<512xf32, #tpu.memory_space<vmem>>, vector<16xf32>,
    %swap3A_74 = arith.constant 208 : index
    %swap3A_75 = tpu.vector_load %arg27[%swap3A_74] {strides = array<i32>} : memref<512xf32, #tpu.memory_space<vmem>>, vector<16xf32>,
    tpu.vector_store %arg27[%swap3A_74], %broadcast_in_dim3A_48 {strides = array<i32>} : memref<512xf32, #tpu.memory_space<vmem>>, vector<16xf32>,
    %swap3A_76 = arith.constant 224 : index
    %swap3A_77 = tpu.vector_load %arg27[%swap3A_76] {strides = array<i32>} : memref<512xf32, #tpu.memory_space<vmem>>, vector<16xf32>,
    tpu.vector_store %arg27[%swap3A_76], %broadcast_in_dim3A_48 {strides = array<i32>} : memref<512xf32, #tpu.memory_space<vmem>>, vector<16xf32>,
    %swap3A_78 = arith.constant 240 : index
    %swap3A_79 = tpu.vector_load %arg27[%swap3A_78] {strides = array<i32>} : memref<512xf32, #tpu.memory_space<vmem>>, vector<16xf32>,
    tpu.vector_store %arg27[%swap3A_78], %broadcast_in_dim3A_48 {strides = array<i32>} : memref<512xf32, #tpu.memory_space<vmem>>, vector<16xf32>,
    %swap3A_80 = arith.constant 256 : index
    %swap3A_81 = tpu.vector_load %arg27[%swap3A_80] {strides = array<i32>} : memref<512xf32, #tpu.memory_space<vmem>>, vector<16xf32>,
    tpu.vector_store %arg27[%swap3A_80], %broadcast_in_dim3A_48 {strides = array<i32>} : memref<512xf32, #tpu.memory_space<vmem>>, vector<16xf32>,
    %swap3A_82 = arith.constant 272 : index
    %swap3A_83 = tpu.vector_load %arg27[%swap3A_82] {strides = array<i32>} : memref<512xf32, #tpu.memory_space<vmem>>, vector<16xf32>,
    tpu.vector_store %arg27[%swap3A_82], %broadcast_in_dim3A_48 {strides = array<i32>} : memref<512xf32, #tpu.memory_space<vmem>>, vector<16xf32>,
    %swap3A_84 = arith.constant 288 : index
    %swap3A_85 = tpu.vector_load %arg27[%swap3A_84] {strides = array<i32>} : memref<512xf32, #tpu.memory_space<vmem>>, vector<16xf32>,
    tpu.vector_store %arg27[%swap3A_84], %broadcast_in_dim3A_48 {strides = array<i32>} : memref<512xf32, #tpu.memory_space<vmem>>, vector<16xf32>,
    %swap3A_86 = arith.constant 304 : index
    %swap3A_87 = tpu.vector_load %arg27[%swap3A_86] {strides = array<i32>} : memref<512xf32, #tpu.memory_space<vmem>>, vector<16xf32>,
    tpu.vector_store %arg27[%swap3A_86], %broadcast_in_dim3A_48 {strides = array<i32>} : memref<512xf32, #tpu.memory_space<vmem>>, vector<16xf32>,
    %swap3A_88 = arith.constant 320 : index
    %swap3A_89 = tpu.vector_load %arg27[%swap3A_88] {strides = array<i32>} : memref<512xf32, #tpu.memory_space<vmem>>, vector<16xf32>,
    tpu.vector_store %arg27[%swap3A_88], %broadcast_in_dim3A_48 {strides = array<i32>} : memref<512xf32, #tpu.memory_space<vmem>>, vector<16xf32>,
    %swap3A_90 = arith.constant 336 : index
    %swap3A_91 = tpu.vector_load %arg27[%swap3A_90] {strides = array<i32>} : memref<512xf32, #tpu.memory_space<vmem>>, vector<16xf32>,
    tpu.vector_store %arg27[%swap3A_90], %broadcast_in_dim3A_48 {strides = array<i32>} : memref<512xf32, #tpu.memory_space<vmem>>, vector<16xf32>,
    %swap3A_92 = arith.constant 352 : index
    %swap3A_93 = tpu.vector_load %arg27[%swap3A_92] {strides = array<i32>} : memref<512xf32, #tpu.memory_space<vmem>>, vector<16xf32>,
    tpu.vector_store %arg27[%swap3A_92], %broadcast_in_dim3A_48 {strides = array<i32>} : memref<512xf32, #tpu.memory_space<vmem>>, vector<16xf32>,
    %swap3A_94 = arith.constant 368 : index
    %swap3A_95 = tpu.vector_load %arg27[%swap3A_94] {strides = array<i32>} : memref<512xf32, #tpu.memory_space<vmem>>, vector<16xf32>,
    tpu.vector_store %arg27[%swap3A_94], %broadcast_in_dim3A_48 {strides = array<i32>} : memref<512xf32, #tpu.memory_space<vmem>>, vector<16xf32>,
    %swap3A_96 = arith.constant 384 : index
    %swap3A_97 = tpu.vector_load %arg27[%swap3A_96] {strides = array<i32>} : memref<512xf32, #tpu.memory_space<vmem>>, vector<16xf32>,
    tpu.vector_store %arg27[%swap3A_96], %broadcast_in_dim3A_48 {strides = array<i32>} : memref<512xf32, #tpu.memory_space<vmem>>, vector<16xf32>,
    %swap3A_98 = arith.constant 400 : index
    %swap3A_99 = tpu.vector_load %arg27[%swap3A_98] {strides = array<i32>} : memref<512xf32, #tpu.memory_space<vmem>>, vector<16xf32>,
    tpu.vector_store %arg27[%swap3A_98], %broadcast_in_dim3A_48 {strides = array<i32>} : memref<512xf32, #tpu.memory_space<vmem>>, vector<16xf32>,
    %swap3A_100 = arith.constant 416 : index
    %swap3A_101 = tpu.vector_load %arg27[%swap3A_100] {strides = array<i32>} : memref<512xf32, #tpu.memory_space<vmem>>, vector<16xf32>,
    tpu.vector_store %arg27[%swap3A_100], %broadcast_in_dim3A_48 {strides = array<i32>} : memref<512xf32, #tpu.memory_space<vmem>>, vector<16xf32>,
    %swap3A_102 = arith.constant 432 : index
    %swap3A_103 = tpu.vector_load %arg27[%swap3A_102] {strides = array<i32>} : memref<512xf32, #tpu.memory_space<vmem>>, vector<16xf32>,
    tpu.vector_store %arg27[%swap3A_102], %broadcast_in_dim3A_48 {strides = array<i32>} : memref<512xf32, #tpu.memory_space<vmem>>, vector<16xf32>,
    %swap3A_104 = arith.constant 448 : index
    %swap3A_105 = tpu.vector_load %arg27[%swap3A_104] {strides = array<i32>} : memref<512xf32, #tpu.memory_space<vmem>>, vector<16xf32>,
    tpu.vector_store %arg27[%swap3A_104], %broadcast_in_dim3A_48 {strides = array<i32>} : memref<512xf32, #tpu.memory_space<vmem>>, vector<16xf32>,
    %swap3A_106 = arith.constant 464 : index
    %swap3A_107 = tpu.vector_load %arg27[%swap3A_106] {strides = array<i32>} : memref<512xf32, #tpu.memory_space<vmem>>, vector<16xf32>,
    tpu.vector_store %arg27[%swap3A_106], %broadcast_in_dim3A_48 {strides = array<i32>} : memref<512xf32, #tpu.memory_space<vmem>>, vector<16xf32>,
    %swap3A_108 = arith.constant 480 : index
    %swap3A_109 = tpu.vector_load %arg27[%swap3A_108] {strides = array<i32>} : memref<512xf32, #tpu.memory_space<vmem>>, vector<16xf32>,
    tpu.vector_store %arg27[%swap3A_108], %broadcast_in_dim3A_48 {strides = array<i32>} : memref<512xf32, #tpu.memory_space<vmem>>, vector<16xf32>,
    %swap3A_110 = arith.constant 496 : index
    %swap3A_111 = tpu.vector_load %arg27[%swap3A_110] {strides = array<i32>} : memref<512xf32, #tpu.memory_space<vmem>>, vector<16xf32>,
    tpu.vector_store %arg27[%swap3A_110], %broadcast_in_dim3A_48 {strides = array<i32>} : memref<512xf32, #tpu.memory_space<vmem>>, vector<16xf32>,
    %dma_start3A = arith.constant 0 : i32
    %dma_start3A_112 = tpu.memref_slice %arg16[%dma_start3A] : memref<512xi32, #tpu.memory_space<vmem>> -> memref<128xi32, #tpu.memory_space<vmem>>
    %dma_start3A_113 = arith.constant 0 : i32
    %dma_start3A_114 = arith.constant 0 : i32
    %dma_start3A_115 = tpu.memref_slice %arg5[%dma_start3A_113, %dma_start3A_114] : memref<100000x128xf32, #tpu.memory_space<hbm>> -> memref<100000x128xf32, #tpu.memory_space<hbm>>
    tpu.enqueue_indirect_dma source(%dma_start3A_115 : memref<100000x128xf32, #tpu.memory_space<hbm>>) target(%arg19 : memref<128x128xf32, #tpu.memory_space<vmem>>) offsets(%dma_start3A_112 : memref<128xi32, #tpu.memory_space<vmem>>) semaphore(%arg30 : memref<!tpu.dma_semaphore, #tpu.memory_space<semaphore_mem>>)
    %dma_start3A_116 = arith.constant 0 : i32
    %dma_start3A_117 = tpu.memref_slice %arg18[%dma_start3A_116] : memref<512xi32, #tpu.memory_space<vmem>> -> memref<128xi32, #tpu.memory_space<vmem>>
    %dma_start3A_118 = arith.constant 0 : i32
    %dma_start3A_119 = arith.constant 0 : i32
    %dma_start3A_120 = tpu.memref_slice %arg5[%dma_start3A_118, %dma_start3A_119] : memref<100000x128xf32, #tpu.memory_space<hbm>> -> memref<100000x128xf32, #tpu.memory_space<hbm>>
    tpu.enqueue_indirect_dma source(%dma_start3A_120 : memref<100000x128xf32, #tpu.memory_space<hbm>>) target(%arg21 : memref<128x128xf32, #tpu.memory_space<vmem>>) offsets(%dma_start3A_117 : memref<128xi32, #tpu.memory_space<vmem>>) semaphore(%arg32 : memref<!tpu.dma_semaphore, #tpu.memory_space<semaphore_mem>>)
    %scan3A = arith.constant 0 : i32
    %scan3A_121 = arith.constant 0 : i32
    %scan3A_122 = arith.constant 8 : i32
    %scan3A_123 = arith.addi %scan3A_121, %scan3A_122 : i32
    %scan3A_124 = arith.constant 1 : i32
    %scan3A_125 = scf.for %scan3A_258 = %scan3A_121 to %scan3A_123 step %scan3A_124 iter_args(%scan3A_259 = %scan3A) -> (i32)  : i32 {
      %mul3A_260 = arith.constant 16 : i32
      %mul3A_261 = arith.muli %scan3A_258, %mul3A_260 : i32
      %add3A_262 = arith.constant 0 : i32
      %add3A_263 = arith.addi %add3A_262, %mul3A_261 : i32
      %get3A = arith.index_cast %add3A_263 : i32 to index
      %get3A_264 = tpu.vector_load %arg17[%get3A] {strides = array<i32>} : memref<512xi32, #tpu.memory_space<vmem>>, vector<16xi32>,
      %slice3A = vector.extract_strided_slice %get3A_264 {offsets = [0], sizes = [1], strides = [1]} : vector<16xi32> to vector<1xi32>
      %squeeze3A = vector.extract %slice3A[0] : i32 from vector<1xi32>
      %mul3A_265 = arith.constant 16 : i32
      %mul3A_266 = arith.muli %scan3A_258, %mul3A_265 : i32
      %add3A_267 = arith.constant 0 : i32
      %add3A_268 = arith.addi %mul3A_266, %add3A_267 : i32
      %dma_start3A_269 = arith.constant 0 : i32
      %dma_start3A_270 = tpu.memref_slice %arg23[%add3A_268, %dma_start3A_269] : memref<128x32xf32, #tpu.memory_space<vmem>> -> memref<1x32xf32, #tpu.memory_space<vmem>>
      %dma_start3A_271 = tpu.memref_squeeze %dma_start3A_270 : memref<1x32xf32, #tpu.memory_space<vmem>> -> memref<32xf32, #tpu.memory_space<vmem>>
      %dma_start3A_272 = arith.constant 0 : i32
      %dma_start3A_273 = tpu.memref_slice %arg6[%squeeze3A, %dma_start3A_272] : memref<100000x32xf32, #tpu.memory_space<hbm>> -> memref<1x32xf32, #tpu.memory_space<hbm>>
      %dma_start3A_274 = tpu.memref_squeeze %dma_start3A_273 : memref<1x32xf32, #tpu.memory_space<hbm>> -> memref<32xf32, #tpu.memory_space<hbm>>
      %dma_start3A_275 = arith.constant 0 : i32
      %dma_start3A_276 = tpu.memref_slice %arg23[%add3A_268, %dma_start3A_275] : memref<128x32xf32, #tpu.memory_space<vmem>> -> memref<1x32xf32, #tpu.memory_space<vmem>>
      %dma_start3A_277 = tpu.memref_squeeze %dma_start3A_276 : memref<1x32xf32, #tpu.memory_space<vmem>> -> memref<32xf32, #tpu.memory_space<vmem>>
      %dma_start3A_278 = arith.constant 0 : i32
      %dma_start3A_279 = tpu.memref_slice %arg6[%squeeze3A, %dma_start3A_278] : memref<100000x32xf32, #tpu.memory_space<hbm>> -> memref<1x32xf32, #tpu.memory_space<hbm>>
      %dma_start3A_280 = tpu.memref_squeeze %dma_start3A_279 : memref<1x32xf32, #tpu.memory_space<hbm>> -> memref<32xf32, #tpu.memory_space<hbm>>
      tpu.enqueue_dma source(%dma_start3A_280 : memref<32xf32, #tpu.memory_space<hbm>>) target(%dma_start3A_277 : memref<32xf32, #tpu.memory_space<vmem>>) target_semaphore(%arg34 : memref<!tpu.dma_semaphore, #tpu.memory_space<semaphore_mem>>)
      %slice3A_281 = vector.extract_strided_slice %get3A_264 {offsets = [1], sizes = [1], strides = [1]} : vector<16xi32> to vector<1xi32>
      %squeeze3A_282 = vector.extract %slice3A_281[0] : i32 from vector<1xi32>
      %mul3A_283 = arith.constant 16 : i32
      %mul3A_284 = arith.muli %scan3A_258, %mul3A_283 : i32
      %add3A_285 = arith.constant 1 : i32
      %add3A_286 = arith.addi %mul3A_284, %add3A_285 : i32
      %dma_start3A_287 = arith.constant 0 : i32
      %dma_start3A_288 = tpu.memref_slice %arg23[%add3A_286, %dma_start3A_287] : memref<128x32xf32, #tpu.memory_space<vmem>> -> memref<1x32xf32, #tpu.memory_space<vmem>>
      %dma_start3A_289 = tpu.memref_squeeze %dma_start3A_288 : memref<1x32xf32, #tpu.memory_space<vmem>> -> memref<32xf32, #tpu.memory_space<vmem>>
      %dma_start3A_290 = arith.constant 0 : i32
      %dma_start3A_291 = tpu.memref_slice %arg6[%squeeze3A_282, %dma_start3A_290] : memref<100000x32xf32, #tpu.memory_space<hbm>> -> memref<1x32xf32, #tpu.memory_space<hbm>>
      %dma_start3A_292 = tpu.memref_squeeze %dma_start3A_291 : memref<1x32xf32, #tpu.memory_space<hbm>> -> memref<32xf32, #tpu.memory_space<hbm>>
      %dma_start3A_293 = arith.constant 0 : i32
      %dma_start3A_294 = tpu.memref_slice %arg23[%add3A_286, %dma_start3A_293] : memref<128x32xf32, #tpu.memory_space<vmem>> -> memref<1x32xf32, #tpu.memory_space<vmem>>
      %dma_start3A_295 = tpu.memref_squeeze %dma_start3A_294 : memref<1x32xf32, #tpu.memory_space<vmem>> -> memref<32xf32, #tpu.memory_space<vmem>>
      %dma_start3A_296 = arith.constant 0 : i32
      %dma_start3A_297 = tpu.memref_slice %arg6[%squeeze3A_282, %dma_start3A_296] : memref<100000x32xf32, #tpu.memory_space<hbm>> -> memref<1x32xf32, #tpu.memory_space<hbm>>
      %dma_start3A_298 = tpu.memref_squeeze %dma_start3A_297 : memref<1x32xf32, #tpu.memory_space<hbm>> -> memref<32xf32, #tpu.memory_space<hbm>>
      tpu.enqueue_dma source(%dma_start3A_298 : memref<32xf32, #tpu.memory_space<hbm>>) target(%dma_start3A_295 : memref<32xf32, #tpu.memory_space<vmem>>) target_semaphore(%arg34 : memref<!tpu.dma_semaphore, #tpu.memory_space<semaphore_mem>>)
      %slice3A_299 = vector.extract_strided_slice %get3A_264 {offsets = [2], sizes = [1], strides = [1]} : vector<16xi32> to vector<1xi32>
      %squeeze3A_300 = vector.extract %slice3A_299[0] : i32 from vector<1xi32>
      %mul3A_301 = arith.constant 16 : i32
      %mul3A_302 = arith.muli %scan3A_258, %mul3A_301 : i32
      %add3A_303 = arith.constant 2 : i32
      %add3A_304 = arith.addi %mul3A_302, %add3A_303 : i32
      %dma_start3A_305 = arith.constant 0 : i32
      %dma_start3A_306 = tpu.memref_slice %arg23[%add3A_304, %dma_start3A_305] : memref<128x32xf32, #tpu.memory_space<vmem>> -> memref<1x32xf32, #tpu.memory_space<vmem>>
      %dma_start3A_307 = tpu.memref_squeeze %dma_start3A_306 : memref<1x32xf32, #tpu.memory_space<vmem>> -> memref<32xf32, #tpu.memory_space<vmem>>
      %dma_start3A_308 = arith.constant 0 : i32
      %dma_start3A_309 = tpu.memref_slice %arg6[%squeeze3A_300, %dma_start3A_308] : memref<100000x32xf32, #tpu.memory_space<hbm>> -> memref<1x32xf32, #tpu.memory_space<hbm>>
      %dma_start3A_310 = tpu.memref_squeeze %dma_start3A_309 : memref<1x32xf32, #tpu.memory_space<hbm>> -> memref<32xf32, #tpu.memory_space<hbm>>
      %dma_start3A_311 = arith.constant 0 : i32
      %dma_start3A_312 = tpu.memref_slice %arg23[%add3A_304, %dma_start3A_311] : memref<128x32xf32, #tpu.memory_space<vmem>> -> memref<1x32xf32, #tpu.memory_space<vmem>>
      %dma_start3A_313 = tpu.memref_squeeze %dma_start3A_312 : memref<1x32xf32, #tpu.memory_space<vmem>> -> memref<32xf32, #tpu.memory_space<vmem>>
      %dma_start3A_314 = arith.constant 0 : i32
      %dma_start3A_315 = tpu.memref_slice %arg6[%squeeze3A_300, %dma_start3A_314] : memref<100000x32xf32, #tpu.memory_space<hbm>> -> memref<1x32xf32, #tpu.memory_space<hbm>>
      %dma_start3A_316 = tpu.memref_squeeze %dma_start3A_315 : memref<1x32xf32, #tpu.memory_space<hbm>> -> memref<32xf32, #tpu.memory_space<hbm>>
      tpu.enqueue_dma source(%dma_start3A_316 : memref<32xf32, #tpu.memory_space<hbm>>) target(%dma_start3A_313 : memref<32xf32, #tpu.memory_space<vmem>>) target_semaphore(%arg34 : memref<!tpu.dma_semaphore, #tpu.memory_space<semaphore_mem>>)
      %slice3A_317 = vector.extract_strided_slice %get3A_264 {offsets = [3], sizes = [1], strides = [1]} : vector<16xi32> to vector<1xi32>
      %squeeze3A_318 = vector.extract %slice3A_317[0] : i32 from vector<1xi32>
      %mul3A_319 = arith.constant 16 : i32
      %mul3A_320 = arith.muli %scan3A_258, %mul3A_319 : i32
      %add3A_321 = arith.constant 3 : i32
      %add3A_322 = arith.addi %mul3A_320, %add3A_321 : i32
      %dma_start3A_323 = arith.constant 0 : i32
      %dma_start3A_324 = tpu.memref_slice %arg23[%add3A_322, %dma_start3A_323] : memref<128x32xf32, #tpu.memory_space<vmem>> -> memref<1x32xf32, #tpu.memory_space<vmem>>
      %dma_start3A_325 = tpu.memref_squeeze %dma_start3A_324 : memref<1x32xf32, #tpu.memory_space<vmem>> -> memref<32xf32, #tpu.memory_space<vmem>>
      %dma_start3A_326 = arith.constant 0 : i32
      %dma_start3A_327 = tpu.memref_slice %arg6[%squeeze3A_318, %dma_start3A_326] : memref<100000x32xf32, #tpu.memory_space<hbm>> -> memref<1x32xf32, #tpu.memory_space<hbm>>
      %dma_start3A_328 = tpu.memref_squeeze %dma_start3A_327 : memref<1x32xf32, #tpu.memory_space<hbm>> -> memref<32xf32, #tpu.memory_space<hbm>>
      %dma_start3A_329 = arith.constant 0 : i32
      %dma_start3A_330 = tpu.memref_slice %arg23[%add3A_322, %dma_start3A_329] : memref<128x32xf32, #tpu.memory_space<vmem>> -> memref<1x32xf32, #tpu.memory_space<vmem>>
      %dma_start3A_331 = tpu.memref_squeeze %dma_start3A_330 : memref<1x32xf32, #tpu.memory_space<vmem>> -> memref<32xf32, #tpu.memory_space<vmem>>
      %dma_start3A_332 = arith.constant 0 : i32
      %dma_start3A_333 = tpu.memref_slice %arg6[%squeeze3A_318, %dma_start3A_332] : memref<100000x32xf32, #tpu.memory_space<hbm>> -> memref<1x32xf32, #tpu.memory_space<hbm>>
      %dma_start3A_334 = tpu.memref_squeeze %dma_start3A_333 : memref<1x32xf32, #tpu.memory_space<hbm>> -> memref<32xf32, #tpu.memory_space<hbm>>
      tpu.enqueue_dma source(%dma_start3A_334 : memref<32xf32, #tpu.memory_space<hbm>>) target(%dma_start3A_331 : memref<32xf32, #tpu.memory_space<vmem>>) target_semaphore(%arg34 : memref<!tpu.dma_semaphore, #tpu.memory_space<semaphore_mem>>)
      %slice3A_335 = vector.extract_strided_slice %get3A_264 {offsets = [4], sizes = [1], strides = [1]} : vector<16xi32> to vector<1xi32>
      %squeeze3A_336 = vector.extract %slice3A_335[0] : i32 from vector<1xi32>
      %mul3A_337 = arith.constant 16 : i32
      %mul3A_338 = arith.muli %scan3A_258, %mul3A_337 : i32
      %add3A_339 = arith.constant 4 : i32
      %add3A_340 = arith.addi %mul3A_338, %add3A_339 : i32
      %dma_start3A_341 = arith.constant 0 : i32
      %dma_start3A_342 = tpu.memref_slice %arg23[%add3A_340, %dma_start3A_341] : memref<128x32xf32, #tpu.memory_space<vmem>> -> memref<1x32xf32, #tpu.memory_space<vmem>>
      %dma_start3A_343 = tpu.memref_squeeze %dma_start3A_342 : memref<1x32xf32, #tpu.memory_space<vmem>> -> memref<32xf32, #tpu.memory_space<vmem>>
      %dma_start3A_344 = arith.constant 0 : i32
      %dma_start3A_345 = tpu.memref_slice %arg6[%squeeze3A_336, %dma_start3A_344] : memref<100000x32xf32, #tpu.memory_space<hbm>> -> memref<1x32xf32, #tpu.memory_space<hbm>>
      %dma_start3A_346 = tpu.memref_squeeze %dma_start3A_345 : memref<1x32xf32, #tpu.memory_space<hbm>> -> memref<32xf32, #tpu.memory_space<hbm>>
      %dma_start3A_347 = arith.constant 0 : i32
      %dma_start3A_348 = tpu.memref_slice %arg23[%add3A_340, %dma_start3A_347] : memref<128x32xf32, #tpu.memory_space<vmem>> -> memref<1x32xf32, #tpu.memory_space<vmem>>
      %dma_start3A_349 = tpu.memref_squeeze %dma_start3A_348 : memref<1x32xf32, #tpu.memory_space<vmem>> -> memref<32xf32, #tpu.memory_space<vmem>>
      %dma_start3A_350 = arith.constant 0 : i32
      %dma_start3A_351 = tpu.memref_slice %arg6[%squeeze3A_336, %dma_start3A_350] : memref<100000x32xf32, #tpu.memory_space<hbm>> -> memref<1x32xf32, #tpu.memory_space<hbm>>
      %dma_start3A_352 = tpu.memref_squeeze %dma_start3A_351 : memref<1x32xf32, #tpu.memory_space<hbm>> -> memref<32xf32, #tpu.memory_space<hbm>>
      tpu.enqueue_dma source(%dma_start3A_352 : memref<32xf32, #tpu.memory_space<hbm>>) target(%dma_start3A_349 : memref<32xf32, #tpu.memory_space<vmem>>) target_semaphore(%arg34 : memref<!tpu.dma_semaphore, #tpu.memory_space<semaphore_mem>>)
      %slice3A_353 = vector.extract_strided_slice %get3A_264 {offsets = [5], sizes = [1], strides = [1]} : vector<16xi32> to vector<1xi32>
      %squeeze3A_354 = vector.extract %slice3A_353[0] : i32 from vector<1xi32>
      %mul3A_355 = arith.constant 16 : i32
      %mul3A_356 = arith.muli %scan3A_258, %mul3A_355 : i32
      %add3A_357 = arith.constant 5 : i32
      %add3A_358 = arith.addi %mul3A_356, %add3A_357 : i32
      %dma_start3A_359 = arith.constant 0 : i32
      %dma_start3A_360 = tpu.memref_slice %arg23[%add3A_358, %dma_start3A_359] : memref<128x32xf32, #tpu.memory_space<vmem>> -> memref<1x32xf32, #tpu.memory_space<vmem>>
      %dma_start3A_361 = tpu.memref_squeeze %dma_start3A_360 : memref<1x32xf32, #tpu.memory_space<vmem>> -> memref<32xf32, #tpu.memory_space<vmem>>
      %dma_start3A_362 = arith.constant 0 : i32
      %dma_start3A_363 = tpu.memref_slice %arg6[%squeeze3A_354, %dma_start3A_362] : memref<100000x32xf32, #tpu.memory_space<hbm>> -> memref<1x32xf32, #tpu.memory_space<hbm>>
      %dma_start3A_364 = tpu.memref_squeeze %dma_start3A_363 : memref<1x32xf32, #tpu.memory_space<hbm>> -> memref<32xf32, #tpu.memory_space<hbm>>
      %dma_start3A_365 = arith.constant 0 : i32
      %dma_start3A_366 = tpu.memref_slice %arg23[%add3A_358, %dma_start3A_365] : memref<128x32xf32, #tpu.memory_space<vmem>> -> memref<1x32xf32, #tpu.memory_space<vmem>>
      %dma_start3A_367 = tpu.memref_squeeze %dma_start3A_366 : memref<1x32xf32, #tpu.memory_space<vmem>> -> memref<32xf32, #tpu.memory_space<vmem>>
      %dma_start3A_368 = arith.constant 0 : i32
      %dma_start3A_369 = tpu.memref_slice %arg6[%squeeze3A_354, %dma_start3A_368] : memref<100000x32xf32, #tpu.memory_space<hbm>> -> memref<1x32xf32, #tpu.memory_space<hbm>>
      %dma_start3A_370 = tpu.memref_squeeze %dma_start3A_369 : memref<1x32xf32, #tpu.memory_space<hbm>> -> memref<32xf32, #tpu.memory_space<hbm>>
      tpu.enqueue_dma source(%dma_start3A_370 : memref<32xf32, #tpu.memory_space<hbm>>) target(%dma_start3A_367 : memref<32xf32, #tpu.memory_space<vmem>>) target_semaphore(%arg34 : memref<!tpu.dma_semaphore, #tpu.memory_space<semaphore_mem>>)
      %slice3A_371 = vector.extract_strided_slice %get3A_264 {offsets = [6], sizes = [1], strides = [1]} : vector<16xi32> to vector<1xi32>
      %squeeze3A_372 = vector.extract %slice3A_371[0] : i32 from vector<1xi32>
      %mul3A_373 = arith.constant 16 : i32
      %mul3A_374 = arith.muli %scan3A_258, %mul3A_373 : i32
      %add3A_375 = arith.constant 6 : i32
      %add3A_376 = arith.addi %mul3A_374, %add3A_375 : i32
      %dma_start3A_377 = arith.constant 0 : i32
      %dma_start3A_378 = tpu.memref_slice %arg23[%add3A_376, %dma_start3A_377] : memref<128x32xf32, #tpu.memory_space<vmem>> -> memref<1x32xf32, #tpu.memory_space<vmem>>
      %dma_start3A_379 = tpu.memref_squeeze %dma_start3A_378 : memref<1x32xf32, #tpu.memory_space<vmem>> -> memref<32xf32, #tpu.memory_space<vmem>>
      %dma_start3A_380 = arith.constant 0 : i32
      %dma_start3A_381 = tpu.memref_slice %arg6[%squeeze3A_372, %dma_start3A_380] : memref<100000x32xf32, #tpu.memory_space<hbm>> -> memref<1x32xf32, #tpu.memory_space<hbm>>
      %dma_start3A_382 = tpu.memref_squeeze %dma_start3A_381 : memref<1x32xf32, #tpu.memory_space<hbm>> -> memref<32xf32, #tpu.memory_space<hbm>>
      %dma_start3A_383 = arith.constant 0 : i32
      %dma_start3A_384 = tpu.memref_slice %arg23[%add3A_376, %dma_start3A_383] : memref<128x32xf32, #tpu.memory_space<vmem>> -> memref<1x32xf32, #tpu.memory_space<vmem>>
      %dma_start3A_385 = tpu.memref_squeeze %dma_start3A_384 : memref<1x32xf32, #tpu.memory_space<vmem>> -> memref<32xf32, #tpu.memory_space<vmem>>
      %dma_start3A_386 = arith.constant 0 : i32
      %dma_start3A_387 = tpu.memref_slice %arg6[%squeeze3A_372, %dma_start3A_386] : memref<100000x32xf32, #tpu.memory_space<hbm>> -> memref<1x32xf32, #tpu.memory_space<hbm>>
      %dma_start3A_388 = tpu.memref_squeeze %dma_start3A_387 : memref<1x32xf32, #tpu.memory_space<hbm>> -> memref<32xf32, #tpu.memory_space<hbm>>
      tpu.enqueue_dma source(%dma_start3A_388 : memref<32xf32, #tpu.memory_space<hbm>>) target(%dma_start3A_385 : memref<32xf32, #tpu.memory_space<vmem>>) target_semaphore(%arg34 : memref<!tpu.dma_semaphore, #tpu.memory_space<semaphore_mem>>)
      %slice3A_389 = vector.extract_strided_slice %get3A_264 {offsets = [7], sizes = [1], strides = [1]} : vector<16xi32> to vector<1xi32>
      %squeeze3A_390 = vector.extract %slice3A_389[0] : i32 from vector<1xi32>
      %mul3A_391 = arith.constant 16 : i32
      %mul3A_392 = arith.muli %scan3A_258, %mul3A_391 : i32
      %add3A_393 = arith.constant 7 : i32
      %add3A_394 = arith.addi %mul3A_392, %add3A_393 : i32
      %dma_start3A_395 = arith.constant 0 : i32
      %dma_start3A_396 = tpu.memref_slice %arg23[%add3A_394, %dma_start3A_395] : memref<128x32xf32, #tpu.memory_space<vmem>> -> memref<1x32xf32, #tpu.memory_space<vmem>>
      %dma_start3A_397 = tpu.memref_squeeze %dma_start3A_396 : memref<1x32xf32, #tpu.memory_space<vmem>> -> memref<32xf32, #tpu.memory_space<vmem>>
      %dma_start3A_398 = arith.constant 0 : i32
      %dma_start3A_399 = tpu.memref_slice %arg6[%squeeze3A_390, %dma_start3A_398] : memref<100000x32xf32, #tpu.memory_space<hbm>> -> memref<1x32xf32, #tpu.memory_space<hbm>>
      %dma_start3A_400 = tpu.memref_squeeze %dma_start3A_399 : memref<1x32xf32, #tpu.memory_space<hbm>> -> memref<32xf32, #tpu.memory_space<hbm>>
      %dma_start3A_401 = arith.constant 0 : i32
      %dma_start3A_402 = tpu.memref_slice %arg23[%add3A_394, %dma_start3A_401] : memref<128x32xf32, #tpu.memory_space<vmem>> -> memref<1x32xf32, #tpu.memory_space<vmem>>
      %dma_start3A_403 = tpu.memref_squeeze %dma_start3A_402 : memref<1x32xf32, #tpu.memory_space<vmem>> -> memref<32xf32, #tpu.memory_space<vmem>>
      %dma_start3A_404 = arith.constant 0 : i32
      %dma_start3A_405 = tpu.memref_slice %arg6[%squeeze3A_390, %dma_start3A_404] : memref<100000x32xf32, #tpu.memory_space<hbm>> -> memref<1x32xf32, #tpu.memory_space<hbm>>
      %dma_start3A_406 = tpu.memref_squeeze %dma_start3A_405 : memref<1x32xf32, #tpu.memory_space<hbm>> -> memref<32xf32, #tpu.memory_space<hbm>>
      tpu.enqueue_dma source(%dma_start3A_406 : memref<32xf32, #tpu.memory_space<hbm>>) target(%dma_start3A_403 : memref<32xf32, #tpu.memory_space<vmem>>) target_semaphore(%arg34 : memref<!tpu.dma_semaphore, #tpu.memory_space<semaphore_mem>>)
      %slice3A_407 = vector.extract_strided_slice %get3A_264 {offsets = [8], sizes = [1], strides = [1]} : vector<16xi32> to vector<1xi32>
      %squeeze3A_408 = vector.extract %slice3A_407[0] : i32 from vector<1xi32>
      %mul3A_409 = arith.constant 16 : i32
      %mul3A_410 = arith.muli %scan3A_258, %mul3A_409 : i32
      %add3A_411 = arith.constant 8 : i32
      %add3A_412 = arith.addi %mul3A_410, %add3A_411 : i32
      %dma_start3A_413 = arith.constant 0 : i32
      %dma_start3A_414 = tpu.memref_slice %arg23[%add3A_412, %dma_start3A_413] : memref<128x32xf32, #tpu.memory_space<vmem>> -> memref<1x32xf32, #tpu.memory_space<vmem>>
      %dma_start3A_415 = tpu.memref_squeeze %dma_start3A_414 : memref<1x32xf32, #tpu.memory_space<vmem>> -> memref<32xf32, #tpu.memory_space<vmem>>
      %dma_start3A_416 = arith.constant 0 : i32
      %dma_start3A_417 = tpu.memref_slice %arg6[%squeeze3A_408, %dma_start3A_416] : memref<100000x32xf32, #tpu.memory_space<hbm>> -> memref<1x32xf32, #tpu.memory_space<hbm>>
      %dma_start3A_418 = tpu.memref_squeeze %dma_start3A_417 : memref<1x32xf32, #tpu.memory_space<hbm>> -> memref<32xf32, #tpu.memory_space<hbm>>
      %dma_start3A_419 = arith.constant 0 : i32
      %dma_start3A_420 = tpu.memref_slice %arg23[%add3A_412, %dma_start3A_419] : memref<128x32xf32, #tpu.memory_space<vmem>> -> memref<1x32xf32, #tpu.memory_space<vmem>>
      %dma_start3A_421 = tpu.memref_squeeze %dma_start3A_420 : memref<1x32xf32, #tpu.memory_space<vmem>> -> memref<32xf32, #tpu.memory_space<vmem>>
      %dma_start3A_422 = arith.constant 0 : i32
      %dma_start3A_423 = tpu.memref_slice %arg6[%squeeze3A_408, %dma_start3A_422] : memref<100000x32xf32, #tpu.memory_space<hbm>> -> memref<1x32xf32, #tpu.memory_space<hbm>>
      %dma_start3A_424 = tpu.memref_squeeze %dma_start3A_423 : memref<1x32xf32, #tpu.memory_space<hbm>> -> memref<32xf32, #tpu.memory_space<hbm>>
      tpu.enqueue_dma source(%dma_start3A_424 : memref<32xf32, #tpu.memory_space<hbm>>) target(%dma_start3A_421 : memref<32xf32, #tpu.memory_space<vmem>>) target_semaphore(%arg34 : memref<!tpu.dma_semaphore, #tpu.memory_space<semaphore_mem>>)
      %slice3A_425 = vector.extract_strided_slice %get3A_264 {offsets = [9], sizes = [1], strides = [1]} : vector<16xi32> to vector<1xi32>
      %squeeze3A_426 = vector.extract %slice3A_425[0] : i32 from vector<1xi32>
      %mul3A_427 = arith.constant 16 : i32
      %mul3A_428 = arith.muli %scan3A_258, %mul3A_427 : i32
      %add3A_429 = arith.constant 9 : i32
      %add3A_430 = arith.addi %mul3A_428, %add3A_429 : i32
      %dma_start3A_431 = arith.constant 0 : i32
      %dma_start3A_432 = tpu.memref_slice %arg23[%add3A_430, %dma_start3A_431] : memref<128x32xf32, #tpu.memory_space<vmem>> -> memref<1x32xf32, #tpu.memory_space<vmem>>
      %dma_start3A_433 = tpu.memref_squeeze %dma_start3A_432 : memref<1x32xf32, #tpu.memory_space<vmem>> -> memref<32xf32, #tpu.memory_space<vmem>>
      %dma_start3A_434 = arith.constant 0 : i32
      %dma_start3A_435 = tpu.memref_slice %arg6[%squeeze3A_426, %dma_start3A_434] : memref<100000x32xf32, #tpu.memory_space<hbm>> -> memref<1x32xf32, #tpu.memory_space<hbm>>
      %dma_start3A_436 = tpu.memref_squeeze %dma_start3A_435 : memref<1x32xf32, #tpu.memory_space<hbm>> -> memref<32xf32, #tpu.memory_space<hbm>>
      %dma_start3A_437 = arith.constant 0 : i32
      %dma_start3A_438 = tpu.memref_slice %arg23[%add3A_430, %dma_start3A_437] : memref<128x32xf32, #tpu.memory_space<vmem>> -> memref<1x32xf32, #tpu.memory_space<vmem>>
      %dma_start3A_439 = tpu.memref_squeeze %dma_start3A_438 : memref<1x32xf32, #tpu.memory_space<vmem>> -> memref<32xf32, #tpu.memory_space<vmem>>
      %dma_start3A_440 = arith.constant 0 : i32
      %dma_start3A_441 = tpu.memref_slice %arg6[%squeeze3A_426, %dma_start3A_440] : memref<100000x32xf32, #tpu.memory_space<hbm>> -> memref<1x32xf32, #tpu.memory_space<hbm>>
      %dma_start3A_442 = tpu.memref_squeeze %dma_start3A_441 : memref<1x32xf32, #tpu.memory_space<hbm>> -> memref<32xf32, #tpu.memory_space<hbm>>
      tpu.enqueue_dma source(%dma_start3A_442 : memref<32xf32, #tpu.memory_space<hbm>>) target(%dma_start3A_439 : memref<32xf32, #tpu.memory_space<vmem>>) target_semaphore(%arg34 : memref<!tpu.dma_semaphore, #tpu.memory_space<semaphore_mem>>)
      %slice3A_443 = vector.extract_strided_slice %get3A_264 {offsets = [10], sizes = [1], strides = [1]} : vector<16xi32> to vector<1xi32>
      %squeeze3A_444 = vector.extract %slice3A_443[0] : i32 from vector<1xi32>
      %mul3A_445 = arith.constant 16 : i32
      %mul3A_446 = arith.muli %scan3A_258, %mul3A_445 : i32
      %add3A_447 = arith.constant 10 : i32
      %add3A_448 = arith.addi %mul3A_446, %add3A_447 : i32
      %dma_start3A_449 = arith.constant 0 : i32
      %dma_start3A_450 = tpu.memref_slice %arg23[%add3A_448, %dma_start3A_449] : memref<128x32xf32, #tpu.memory_space<vmem>> -> memref<1x32xf32, #tpu.memory_space<vmem>>
      %dma_start3A_451 = tpu.memref_squeeze %dma_start3A_450 : memref<1x32xf32, #tpu.memory_space<vmem>> -> memref<32xf32, #tpu.memory_space<vmem>>
      %dma_start3A_452 = arith.constant 0 : i32
      %dma_start3A_453 = tpu.memref_slice %arg6[%squeeze3A_444, %dma_start3A_452] : memref<100000x32xf32, #tpu.memory_space<hbm>> -> memref<1x32xf32, #tpu.memory_space<hbm>>
      %dma_start3A_454 = tpu.memref_squeeze %dma_start3A_453 : memref<1x32xf32, #tpu.memory_space<hbm>> -> memref<32xf32, #tpu.memory_space<hbm>>
      %dma_start3A_455 = arith.constant 0 : i32
      %dma_start3A_456 = tpu.memref_slice %arg23[%add3A_448, %dma_start3A_455] : memref<128x32xf32, #tpu.memory_space<vmem>> -> memref<1x32xf32, #tpu.memory_space<vmem>>
      %dma_start3A_457 = tpu.memref_squeeze %dma_start3A_456 : memref<1x32xf32, #tpu.memory_space<vmem>> -> memref<32xf32, #tpu.memory_space<vmem>>
      %dma_start3A_458 = arith.constant 0 : i32
      %dma_start3A_459 = tpu.memref_slice %arg6[%squeeze3A_444, %dma_start3A_458] : memref<100000x32xf32, #tpu.memory_space<hbm>> -> memref<1x32xf32, #tpu.memory_space<hbm>>
      %dma_start3A_460 = tpu.memref_squeeze %dma_start3A_459 : memref<1x32xf32, #tpu.memory_space<hbm>> -> memref<32xf32, #tpu.memory_space<hbm>>
      tpu.enqueue_dma source(%dma_start3A_460 : memref<32xf32, #tpu.memory_space<hbm>>) target(%dma_start3A_457 : memref<32xf32, #tpu.memory_space<vmem>>) target_semaphore(%arg34 : memref<!tpu.dma_semaphore, #tpu.memory_space<semaphore_mem>>)
      %slice3A_461 = vector.extract_strided_slice %get3A_264 {offsets = [11], sizes = [1], strides = [1]} : vector<16xi32> to vector<1xi32>
      %squeeze3A_462 = vector.extract %slice3A_461[0] : i32 from vector<1xi32>
      %mul3A_463 = arith.constant 16 : i32
      %mul3A_464 = arith.muli %scan3A_258, %mul3A_463 : i32
      %add3A_465 = arith.constant 11 : i32
      %add3A_466 = arith.addi %mul3A_464, %add3A_465 : i32
      %dma_start3A_467 = arith.constant 0 : i32
      %dma_start3A_468 = tpu.memref_slice %arg23[%add3A_466, %dma_start3A_467] : memref<128x32xf32, #tpu.memory_space<vmem>> -> memref<1x32xf32, #tpu.memory_space<vmem>>
      %dma_start3A_469 = tpu.memref_squeeze %dma_start3A_468 : memref<1x32xf32, #tpu.memory_space<vmem>> -> memref<32xf32, #tpu.memory_space<vmem>>
      %dma_start3A_470 = arith.constant 0 : i32
      %dma_start3A_471 = tpu.memref_slice %arg6[%squeeze3A_462, %dma_start3A_470] : memref<100000x32xf32, #tpu.memory_space<hbm>> -> memref<1x32xf32, #tpu.memory_space<hbm>>
      %dma_start3A_472 = tpu.memref_squeeze %dma_start3A_471 : memref<1x32xf32, #tpu.memory_space<hbm>> -> memref<32xf32, #tpu.memory_space<hbm>>
      %dma_start3A_473 = arith.constant 0 : i32
      %dma_start3A_474 = tpu.memref_slice %arg23[%add3A_466, %dma_start3A_473] : memref<128x32xf32, #tpu.memory_space<vmem>> -> memref<1x32xf32, #tpu.memory_space<vmem>>
      %dma_start3A_475 = tpu.memref_squeeze %dma_start3A_474 : memref<1x32xf32, #tpu.memory_space<vmem>> -> memref<32xf32, #tpu.memory_space<vmem>>
      %dma_start3A_476 = arith.constant 0 : i32
      %dma_start3A_477 = tpu.memref_slice %arg6[%squeeze3A_462, %dma_start3A_476] : memref<100000x32xf32, #tpu.memory_space<hbm>> -> memref<1x32xf32, #tpu.memory_space<hbm>>
      %dma_start3A_478 = tpu.memref_squeeze %dma_start3A_477 : memref<1x32xf32, #tpu.memory_space<hbm>> -> memref<32xf32, #tpu.memory_space<hbm>>
      tpu.enqueue_dma source(%dma_start3A_478 : memref<32xf32, #tpu.memory_space<hbm>>) target(%dma_start3A_475 : memref<32xf32, #tpu.memory_space<vmem>>) target_semaphore(%arg34 : memref<!tpu.dma_semaphore, #tpu.memory_space<semaphore_mem>>)
      %slice3A_479 = vector.extract_strided_slice %get3A_264 {offsets = [12], sizes = [1], strides = [1]} : vector<16xi32> to vector<1xi32>
      %squeeze3A_480 = vector.extract %slice3A_479[0] : i32 from vector<1xi32>
      %mul3A_481 = arith.constant 16 : i32
      %mul3A_482 = arith.muli %scan3A_258, %mul3A_481 : i32
      %add3A_483 = arith.constant 12 : i32
      %add3A_484 = arith.addi %mul3A_482, %add3A_483 : i32
      %dma_start3A_485 = arith.constant 0 : i32
      %dma_start3A_486 = tpu.memref_slice %arg23[%add3A_484, %dma_start3A_485] : memref<128x32xf32, #tpu.memory_space<vmem>> -> memref<1x32xf32, #tpu.memory_space<vmem>>
      %dma_start3A_487 = tpu.memref_squeeze %dma_start3A_486 : memref<1x32xf32, #tpu.memory_space<vmem>> -> memref<32xf32, #tpu.memory_space<vmem>>
      %dma_start3A_488 = arith.constant 0 : i32
      %dma_start3A_489 = tpu.memref_slice %arg6[%squeeze3A_480, %dma_start3A_488] : memref<100000x32xf32, #tpu.memory_space<hbm>> -> memref<1x32xf32, #tpu.memory_space<hbm>>
      %dma_start3A_490 = tpu.memref_squeeze %dma_start3A_489 : memref<1x32xf32, #tpu.memory_space<hbm>> -> memref<32xf32, #tpu.memory_space<hbm>>
      %dma_start3A_491 = arith.constant 0 : i32
      %dma_start3A_492 = tpu.memref_slice %arg23[%add3A_484, %dma_start3A_491] : memref<128x32xf32, #tpu.memory_space<vmem>> -> memref<1x32xf32, #tpu.memory_space<vmem>>
      %dma_start3A_493 = tpu.memref_squeeze %dma_start3A_492 : memref<1x32xf32, #tpu.memory_space<vmem>> -> memref<32xf32, #tpu.memory_space<vmem>>
      %dma_start3A_494 = arith.constant 0 : i32
      %dma_start3A_495 = tpu.memref_slice %arg6[%squeeze3A_480, %dma_start3A_494] : memref<100000x32xf32, #tpu.memory_space<hbm>> -> memref<1x32xf32, #tpu.memory_space<hbm>>
      %dma_start3A_496 = tpu.memref_squeeze %dma_start3A_495 : memref<1x32xf32, #tpu.memory_space<hbm>> -> memref<32xf32, #tpu.memory_space<hbm>>
      tpu.enqueue_dma source(%dma_start3A_496 : memref<32xf32, #tpu.memory_space<hbm>>) target(%dma_start3A_493 : memref<32xf32, #tpu.memory_space<vmem>>) target_semaphore(%arg34 : memref<!tpu.dma_semaphore, #tpu.memory_space<semaphore_mem>>)
      %slice3A_497 = vector.extract_strided_slice %get3A_264 {offsets = [13], sizes = [1], strides = [1]} : vector<16xi32> to vector<1xi32>
      %squeeze3A_498 = vector.extract %slice3A_497[0] : i32 from vector<1xi32>
      %mul3A_499 = arith.constant 16 : i32
      %mul3A_500 = arith.muli %scan3A_258, %mul3A_499 : i32
      %add3A_501 = arith.constant 13 : i32
      %add3A_502 = arith.addi %mul3A_500, %add3A_501 : i32
      %dma_start3A_503 = arith.constant 0 : i32
      %dma_start3A_504 = tpu.memref_slice %arg23[%add3A_502, %dma_start3A_503] : memref<128x32xf32, #tpu.memory_space<vmem>> -> memref<1x32xf32, #tpu.memory_space<vmem>>
      %dma_start3A_505 = tpu.memref_squeeze %dma_start3A_504 : memref<1x32xf32, #tpu.memory_space<vmem>> -> memref<32xf32, #tpu.memory_space<vmem>>
      %dma_start3A_506 = arith.constant 0 : i32
      %dma_start3A_507 = tpu.memref_slice %arg6[%squeeze3A_498, %dma_start3A_506] : memref<100000x32xf32, #tpu.memory_space<hbm>> -> memref<1x32xf32, #tpu.memory_space<hbm>>
      %dma_start3A_508 = tpu.memref_squeeze %dma_start3A_507 : memref<1x32xf32, #tpu.memory_space<hbm>> -> memref<32xf32, #tpu.memory_space<hbm>>
      %dma_start3A_509 = arith.constant 0 : i32
      %dma_start3A_510 = tpu.memref_slice %arg23[%add3A_502, %dma_start3A_509] : memref<128x32xf32, #tpu.memory_space<vmem>> -> memref<1x32xf32, #tpu.memory_space<vmem>>
      %dma_start3A_511 = tpu.memref_squeeze %dma_start3A_510 : memref<1x32xf32, #tpu.memory_space<vmem>> -> memref<32xf32, #tpu.memory_space<vmem>>
      %dma_start3A_512 = arith.constant 0 : i32
      %dma_start3A_513 = tpu.memref_slice %arg6[%squeeze3A_498, %dma_start3A_512] : memref<100000x32xf32, #tpu.memory_space<hbm>> -> memref<1x32xf32, #tpu.memory_space<hbm>>
      %dma_start3A_514 = tpu.memref_squeeze %dma_start3A_513 : memref<1x32xf32, #tpu.memory_space<hbm>> -> memref<32xf32, #tpu.memory_space<hbm>>
      tpu.enqueue_dma source(%dma_start3A_514 : memref<32xf32, #tpu.memory_space<hbm>>) target(%dma_start3A_511 : memref<32xf32, #tpu.memory_space<vmem>>) target_semaphore(%arg34 : memref<!tpu.dma_semaphore, #tpu.memory_space<semaphore_mem>>)
      %slice3A_515 = vector.extract_strided_slice %get3A_264 {offsets = [14], sizes = [1], strides = [1]} : vector<16xi32> to vector<1xi32>
      %squeeze3A_516 = vector.extract %slice3A_515[0] : i32 from vector<1xi32>
      %mul3A_517 = arith.constant 16 : i32
      %mul3A_518 = arith.muli %scan3A_258, %mul3A_517 : i32
      %add3A_519 = arith.constant 14 : i32
      %add3A_520 = arith.addi %mul3A_518, %add3A_519 : i32
      %dma_start3A_521 = arith.constant 0 : i32
      %dma_start3A_522 = tpu.memref_slice %arg23[%add3A_520, %dma_start3A_521] : memref<128x32xf32, #tpu.memory_space<vmem>> -> memref<1x32xf32, #tpu.memory_space<vmem>>
      %dma_start3A_523 = tpu.memref_squeeze %dma_start3A_522 : memref<1x32xf32, #tpu.memory_space<vmem>> -> memref<32xf32, #tpu.memory_space<vmem>>
      %dma_start3A_524 = arith.constant 0 : i32
      %dma_start3A_525 = tpu.memref_slice %arg6[%squeeze3A_516, %dma_start3A_524] : memref<100000x32xf32, #tpu.memory_space<hbm>> -> memref<1x32xf32, #tpu.memory_space<hbm>>
      %dma_start3A_526 = tpu.memref_squeeze %dma_start3A_525 : memref<1x32xf32, #tpu.memory_space<hbm>> -> memref<32xf32, #tpu.memory_space<hbm>>
      %dma_start3A_527 = arith.constant 0 : i32
      %dma_start3A_528 = tpu.memref_slice %arg23[%add3A_520, %dma_start3A_527] : memref<128x32xf32, #tpu.memory_space<vmem>> -> memref<1x32xf32, #tpu.memory_space<vmem>>
      %dma_start3A_529 = tpu.memref_squeeze %dma_start3A_528 : memref<1x32xf32, #tpu.memory_space<vmem>> -> memref<32xf32, #tpu.memory_space<vmem>>
      %dma_start3A_530 = arith.constant 0 : i32
      %dma_start3A_531 = tpu.memref_slice %arg6[%squeeze3A_516, %dma_start3A_530] : memref<100000x32xf32, #tpu.memory_space<hbm>> -> memref<1x32xf32, #tpu.memory_space<hbm>>
      %dma_start3A_532 = tpu.memref_squeeze %dma_start3A_531 : memref<1x32xf32, #tpu.memory_space<hbm>> -> memref<32xf32, #tpu.memory_space<hbm>>
      tpu.enqueue_dma source(%dma_start3A_532 : memref<32xf32, #tpu.memory_space<hbm>>) target(%dma_start3A_529 : memref<32xf32, #tpu.memory_space<vmem>>) target_semaphore(%arg34 : memref<!tpu.dma_semaphore, #tpu.memory_space<semaphore_mem>>)
      %slice3A_533 = vector.extract_strided_slice %get3A_264 {offsets = [15], sizes = [1], strides = [1]} : vector<16xi32> to vector<1xi32>
      %squeeze3A_534 = vector.extract %slice3A_533[0] : i32 from vector<1xi32>
      %mul3A_535 = arith.constant 16 : i32
      %mul3A_536 = arith.muli %scan3A_258, %mul3A_535 : i32
      %add3A_537 = arith.constant 15 : i32
      %add3A_538 = arith.addi %mul3A_536, %add3A_537 : i32
      %dma_start3A_539 = arith.constant 0 : i32
      %dma_start3A_540 = tpu.memref_slice %arg23[%add3A_538, %dma_start3A_539] : memref<128x32xf32, #tpu.memory_space<vmem>> -> memref<1x32xf32, #tpu.memory_space<vmem>>
      %dma_start3A_541 = tpu.memref_squeeze %dma_start3A_540 : memref<1x32xf32, #tpu.memory_space<vmem>> -> memref<32xf32, #tpu.memory_space<vmem>>
      %dma_start3A_542 = arith.constant 0 : i32
      %dma_start3A_543 = tpu.memref_slice %arg6[%squeeze3A_534, %dma_start3A_542] : memref<100000x32xf32, #tpu.memory_space<hbm>> -> memref<1x32xf32, #tpu.memory_space<hbm>>
      %dma_start3A_544 = tpu.memref_squeeze %dma_start3A_543 : memref<1x32xf32, #tpu.memory_space<hbm>> -> memref<32xf32, #tpu.memory_space<hbm>>
      %dma_start3A_545 = arith.constant 0 : i32
      %dma_start3A_546 = tpu.memref_slice %arg23[%add3A_538, %dma_start3A_545] : memref<128x32xf32, #tpu.memory_space<vmem>> -> memref<1x32xf32, #tpu.memory_space<vmem>>
      %dma_start3A_547 = tpu.memref_squeeze %dma_start3A_546 : memref<1x32xf32, #tpu.memory_space<vmem>> -> memref<32xf32, #tpu.memory_space<vmem>>
      %dma_start3A_548 = arith.constant 0 : i32
      %dma_start3A_549 = tpu.memref_slice %arg6[%squeeze3A_534, %dma_start3A_548] : memref<100000x32xf32, #tpu.memory_space<hbm>> -> memref<1x32xf32, #tpu.memory_space<hbm>>
      %dma_start3A_550 = tpu.memref_squeeze %dma_start3A_549 : memref<1x32xf32, #tpu.memory_space<hbm>> -> memref<32xf32, #tpu.memory_space<hbm>>
      tpu.enqueue_dma source(%dma_start3A_550 : memref<32xf32, #tpu.memory_space<hbm>>) target(%dma_start3A_547 : memref<32xf32, #tpu.memory_space<vmem>>) target_semaphore(%arg34 : memref<!tpu.dma_semaphore, #tpu.memory_space<semaphore_mem>>)
      %scan3A_551 = arith.constant 0 : i32
      scf.yield %scan3A_551 : i32
    }
    %scan3A_126 = arith.constant 8 : i32
    %dma_wait3A = arith.constant 0 : i32
    %dma_wait3A_127 = tpu.memref_slice %arg16[%dma_wait3A] : memref<512xi32, #tpu.memory_space<vmem>> -> memref<128xi32, #tpu.memory_space<vmem>>
    %dma_wait3A_128 = arith.constant 0 : i32
    %dma_wait3A_129 = arith.constant 0 : i32
    %dma_wait3A_130 = tpu.memref_slice %arg5[%dma_wait3A_128, %dma_wait3A_129] : memref<100000x128xf32, #tpu.memory_space<hbm>> -> memref<100000x128xf32, #tpu.memory_space<hbm>>
    tpu.wait_indirect_dma semaphore(%arg30 : memref<!tpu.dma_semaphore, #tpu.memory_space<semaphore_mem>>) src(%dma_wait3A_130 : memref<100000x128xf32, #tpu.memory_space<hbm>>) dst(%arg19 : memref<128x128xf32, #tpu.memory_space<vmem>>)
    %dma_wait3A_131 = arith.constant 0 : i32
    %dma_wait3A_132 = tpu.memref_slice %arg18[%dma_wait3A_131] : memref<512xi32, #tpu.memory_space<vmem>> -> memref<128xi32, #tpu.memory_space<vmem>>
    %dma_wait3A_133 = arith.constant 0 : i32
    %dma_wait3A_134 = arith.constant 0 : i32
    %dma_wait3A_135 = tpu.memref_slice %arg5[%dma_wait3A_133, %dma_wait3A_134] : memref<100000x128xf32, #tpu.memory_space<hbm>> -> memref<100000x128xf32, #tpu.memory_space<hbm>>
    tpu.wait_indirect_dma semaphore(%arg32 : memref<!tpu.dma_semaphore, #tpu.memory_space<semaphore_mem>>) src(%dma_wait3A_135 : memref<100000x128xf32, #tpu.memory_space<hbm>>) dst(%arg21 : memref<128x128xf32, #tpu.memory_space<vmem>>)
    %dma_wait3A_136 = arith.constant 0 : i32
    %dma_wait3A_137 = arith.constant 0 : i32
    %dma_wait3A_138 = tpu.memref_slice %arg6[%dma_wait3A_136, %dma_wait3A_137] : memref<100000x32xf32, #tpu.memory_space<hbm>> -> memref<128x32xf32, #tpu.memory_space<hbm>>
    %dma_wait3A_139 = arith.constant 0 : i32
    %dma_wait3A_140 = arith.constant 0 : i32
    %dma_wait3A_141 = tpu.memref_slice %arg6[%dma_wait3A_139, %dma_wait3A_140] : memref<100000x32xf32, #tpu.memory_space<hbm>> -> memref<128x32xf32, #tpu.memory_space<hbm>>
    tpu.wait_dma2 semaphore(%arg34 : memref<!tpu.dma_semaphore, #tpu.memory_space<semaphore_mem>>) src(%dma_wait3A_141 : memref<128x32xf32, #tpu.memory_space<hbm>>) dst(%arg23 : memref<128x32xf32, #tpu.memory_space<vmem>>)
    %dma_start3A_142 = arith.constant 128 : i32
    %dma_start3A_143 = tpu.memref_slice %arg16[%dma_start3A_142] : memref<512xi32, #tpu.memory_space<vmem>> -> memref<128xi32, #tpu.memory_space<vmem>>
    %dma_start3A_144 = arith.constant 0 : i32
    %dma_start3A_145 = arith.constant 0 : i32
    %dma_start3A_146 = tpu.memref_slice %arg5[%dma_start3A_144, %dma_start3A_145] : memref<100000x128xf32, #tpu.memory_space<hbm>> -> memref<100000x128xf32, #tpu.memory_space<hbm>>
    tpu.enqueue_indirect_dma source(%dma_start3A_146 : memref<100000x128xf32, #tpu.memory_space<hbm>>) target(%arg20 : memref<128x128xf32, #tpu.memory_space<vmem>>) offsets(%dma_start3A_143 : memref<128xi32, #tpu.memory_space<vmem>>) semaphore(%arg31 : memref<!tpu.dma_semaphore, #tpu.memory_space<semaphore_mem>>)
    %dma_start3A_147 = arith.constant 128 : i32
    %dma_start3A_148 = tpu.memref_slice %arg18[%dma_start3A_147] : memref<512xi32, #tpu.memory_space<vmem>> -> memref<128xi32, #tpu.memory_space<vmem>>
    %dma_start3A_149 = arith.constant 0 : i32
    %dma_start3A_150 = arith.constant 0 : i32
    %dma_start3A_151 = tpu.memref_slice %arg5[%dma_start3A_149, %dma_start3A_150] : memref<100000x128xf32, #tpu.memory_space<hbm>> -> memref<100000x128xf32, #tpu.memory_space<hbm>>
    tpu.enqueue_indirect_dma source(%dma_start3A_151 : memref<100000x128xf32, #tpu.memory_space<hbm>>) target(%arg22 : memref<128x128xf32, #tpu.memory_space<vmem>>) offsets(%dma_start3A_148 : memref<128xi32, #tpu.memory_space<vmem>>) semaphore(%arg33 : memref<!tpu.dma_semaphore, #tpu.memory_space<semaphore_mem>>)
    %scan3A_152 = arith.constant 0 : i32
    %scan3A_153 = arith.constant 0 : i32
    %scan3A_154 = arith.constant 8 : i32
    %scan3A_155 = arith.addi %scan3A_153, %scan3A_154 : i32
    %scan3A_156 = arith.constant 1 : i32
    %scan3A_157 = scf.for %scan3A_258 = %scan3A_153 to %scan3A_155 step %scan3A_156 iter_args(%scan3A_259 = %scan3A_152) -> (i32)  : i32 {
      %mul3A_260 = arith.constant 16 : i32
      %mul3A_261 = arith.muli %scan3A_258, %mul3A_260 : i32
      %add3A_262 = arith.constant 128 : i32
      %add3A_263 = arith.addi %add3A_262, %mul3A_261 : i32
      %get3A = arith.index_cast %add3A_263 : i32 to index
      %get3A_264 = tpu.vector_load %arg17[%get3A] {strides = array<i32>} : memref<512xi32, #tpu.memory_space<vmem>>, vector<16xi32>,
      %slice3A = vector.extract_strided_slice %get3A_264 {offsets = [0], sizes = [1], strides = [1]} : vector<16xi32> to vector<1xi32>
      %squeeze3A = vector.extract %slice3A[0] : i32 from vector<1xi32>
      %mul3A_265 = arith.constant 16 : i32
      %mul3A_266 = arith.muli %scan3A_258, %mul3A_265 : i32
      %add3A_267 = arith.constant 0 : i32
      %add3A_268 = arith.addi %mul3A_266, %add3A_267 : i32
      %dma_start3A_269 = arith.constant 0 : i32
      %dma_start3A_270 = tpu.memref_slice %arg24[%add3A_268, %dma_start3A_269] : memref<128x32xf32, #tpu.memory_space<vmem>> -> memref<1x32xf32, #tpu.memory_space<vmem>>
      %dma_start3A_271 = tpu.memref_squeeze %dma_start3A_270 : memref<1x32xf32, #tpu.memory_space<vmem>> -> memref<32xf32, #tpu.memory_space<vmem>>
      %dma_start3A_272 = arith.constant 0 : i32
      %dma_start3A_273 = tpu.memref_slice %arg6[%squeeze3A, %dma_start3A_272] : memref<100000x32xf32, #tpu.memory_space<hbm>> -> memref<1x32xf32, #tpu.memory_space<hbm>>
      %dma_start3A_274 = tpu.memref_squeeze %dma_start3A_273 : memref<1x32xf32, #tpu.memory_space<hbm>> -> memref<32xf32, #tpu.memory_space<hbm>>
      %dma_start3A_275 = arith.constant 0 : i32
      %dma_start3A_276 = tpu.memref_slice %arg24[%add3A_268, %dma_start3A_275] : memref<128x32xf32, #tpu.memory_space<vmem>> -> memref<1x32xf32, #tpu.memory_space<vmem>>
      %dma_start3A_277 = tpu.memref_squeeze %dma_start3A_276 : memref<1x32xf32, #tpu.memory_space<vmem>> -> memref<32xf32, #tpu.memory_space<vmem>>
      %dma_start3A_278 = arith.constant 0 : i32
      %dma_start3A_279 = tpu.memref_slice %arg6[%squeeze3A, %dma_start3A_278] : memref<100000x32xf32, #tpu.memory_space<hbm>> -> memref<1x32xf32, #tpu.memory_space<hbm>>
      %dma_start3A_280 = tpu.memref_squeeze %dma_start3A_279 : memref<1x32xf32, #tpu.memory_space<hbm>> -> memref<32xf32, #tpu.memory_space<hbm>>
      tpu.enqueue_dma source(%dma_start3A_280 : memref<32xf32, #tpu.memory_space<hbm>>) target(%dma_start3A_277 : memref<32xf32, #tpu.memory_space<vmem>>) target_semaphore(%arg35 : memref<!tpu.dma_semaphore, #tpu.memory_space<semaphore_mem>>)
      %slice3A_281 = vector.extract_strided_slice %get3A_264 {offsets = [1], sizes = [1], strides = [1]} : vector<16xi32> to vector<1xi32>
      %squeeze3A_282 = vector.extract %slice3A_281[0] : i32 from vector<1xi32>
      %mul3A_283 = arith.constant 16 : i32
      %mul3A_284 = arith.muli %scan3A_258, %mul3A_283 : i32
      %add3A_285 = arith.constant 1 : i32
      %add3A_286 = arith.addi %mul3A_284, %add3A_285 : i32
      %dma_start3A_287 = arith.constant 0 : i32
      %dma_start3A_288 = tpu.memref_slice %arg24[%add3A_286, %dma_start3A_287] : memref<128x32xf32, #tpu.memory_space<vmem>> -> memref<1x32xf32, #tpu.memory_space<vmem>>
      %dma_start3A_289 = tpu.memref_squeeze %dma_start3A_288 : memref<1x32xf32, #tpu.memory_space<vmem>> -> memref<32xf32, #tpu.memory_space<vmem>>
      %dma_start3A_290 = arith.constant 0 : i32
      %dma_start3A_291 = tpu.memref_slice %arg6[%squeeze3A_282, %dma_start3A_290] : memref<100000x32xf32, #tpu.memory_space<hbm>> -> memref<1x32xf32, #tpu.memory_space<hbm>>
      %dma_start3A_292 = tpu.memref_squeeze %dma_start3A_291 : memref<1x32xf32, #tpu.memory_space<hbm>> -> memref<32xf32, #tpu.memory_space<hbm>>
      %dma_start3A_293 = arith.constant 0 : i32
      %dma_start3A_294 = tpu.memref_slice %arg24[%add3A_286, %dma_start3A_293] : memref<128x32xf32, #tpu.memory_space<vmem>> -> memref<1x32xf32, #tpu.memory_space<vmem>>
      %dma_start3A_295 = tpu.memref_squeeze %dma_start3A_294 : memref<1x32xf32, #tpu.memory_space<vmem>> -> memref<32xf32, #tpu.memory_space<vmem>>
      %dma_start3A_296 = arith.constant 0 : i32
      %dma_start3A_297 = tpu.memref_slice %arg6[%squeeze3A_282, %dma_start3A_296] : memref<100000x32xf32, #tpu.memory_space<hbm>> -> memref<1x32xf32, #tpu.memory_space<hbm>>
      %dma_start3A_298 = tpu.memref_squeeze %dma_start3A_297 : memref<1x32xf32, #tpu.memory_space<hbm>> -> memref<32xf32, #tpu.memory_space<hbm>>
      tpu.enqueue_dma source(%dma_start3A_298 : memref<32xf32, #tpu.memory_space<hbm>>) target(%dma_start3A_295 : memref<32xf32, #tpu.memory_space<vmem>>) target_semaphore(%arg35 : memref<!tpu.dma_semaphore, #tpu.memory_space<semaphore_mem>>)
      %slice3A_299 = vector.extract_strided_slice %get3A_264 {offsets = [2], sizes = [1], strides = [1]} : vector<16xi32> to vector<1xi32>
      %squeeze3A_300 = vector.extract %slice3A_299[0] : i32 from vector<1xi32>
      %mul3A_301 = arith.constant 16 : i32
      %mul3A_302 = arith.muli %scan3A_258, %mul3A_301 : i32
      %add3A_303 = arith.constant 2 : i32
      %add3A_304 = arith.addi %mul3A_302, %add3A_303 : i32
      %dma_start3A_305 = arith.constant 0 : i32
      %dma_start3A_306 = tpu.memref_slice %arg24[%add3A_304, %dma_start3A_305] : memref<128x32xf32, #tpu.memory_space<vmem>> -> memref<1x32xf32, #tpu.memory_space<vmem>>
      %dma_start3A_307 = tpu.memref_squeeze %dma_start3A_306 : memref<1x32xf32, #tpu.memory_space<vmem>> -> memref<32xf32, #tpu.memory_space<vmem>>
      %dma_start3A_308 = arith.constant 0 : i32
      %dma_start3A_309 = tpu.memref_slice %arg6[%squeeze3A_300, %dma_start3A_308] : memref<100000x32xf32, #tpu.memory_space<hbm>> -> memref<1x32xf32, #tpu.memory_space<hbm>>
      %dma_start3A_310 = tpu.memref_squeeze %dma_start3A_309 : memref<1x32xf32, #tpu.memory_space<hbm>> -> memref<32xf32, #tpu.memory_space<hbm>>
      %dma_start3A_311 = arith.constant 0 : i32
      %dma_start3A_312 = tpu.memref_slice %arg24[%add3A_304, %dma_start3A_311] : memref<128x32xf32, #tpu.memory_space<vmem>> -> memref<1x32xf32, #tpu.memory_space<vmem>>
      %dma_start3A_313 = tpu.memref_squeeze %dma_start3A_312 : memref<1x32xf32, #tpu.memory_space<vmem>> -> memref<32xf32, #tpu.memory_space<vmem>>
      %dma_start3A_314 = arith.constant 0 : i32
      %dma_start3A_315 = tpu.memref_slice %arg6[%squeeze3A_300, %dma_start3A_314] : memref<100000x32xf32, #tpu.memory_space<hbm>> -> memref<1x32xf32, #tpu.memory_space<hbm>>
      %dma_start3A_316 = tpu.memref_squeeze %dma_start3A_315 : memref<1x32xf32, #tpu.memory_space<hbm>> -> memref<32xf32, #tpu.memory_space<hbm>>
      tpu.enqueue_dma source(%dma_start3A_316 : memref<32xf32, #tpu.memory_space<hbm>>) target(%dma_start3A_313 : memref<32xf32, #tpu.memory_space<vmem>>) target_semaphore(%arg35 : memref<!tpu.dma_semaphore, #tpu.memory_space<semaphore_mem>>)
      %slice3A_317 = vector.extract_strided_slice %get3A_264 {offsets = [3], sizes = [1], strides = [1]} : vector<16xi32> to vector<1xi32>
      %squeeze3A_318 = vector.extract %slice3A_317[0] : i32 from vector<1xi32>
      %mul3A_319 = arith.constant 16 : i32
      %mul3A_320 = arith.muli %scan3A_258, %mul3A_319 : i32
      %add3A_321 = arith.constant 3 : i32
      %add3A_322 = arith.addi %mul3A_320, %add3A_321 : i32
      %dma_start3A_323 = arith.constant 0 : i32
      %dma_start3A_324 = tpu.memref_slice %arg24[%add3A_322, %dma_start3A_323] : memref<128x32xf32, #tpu.memory_space<vmem>> -> memref<1x32xf32, #tpu.memory_space<vmem>>
      %dma_start3A_325 = tpu.memref_squeeze %dma_start3A_324 : memref<1x32xf32, #tpu.memory_space<vmem>> -> memref<32xf32, #tpu.memory_space<vmem>>
      %dma_start3A_326 = arith.constant 0 : i32
      %dma_start3A_327 = tpu.memref_slice %arg6[%squeeze3A_318, %dma_start3A_326] : memref<100000x32xf32, #tpu.memory_space<hbm>> -> memref<1x32xf32, #tpu.memory_space<hbm>>
      %dma_start3A_328 = tpu.memref_squeeze %dma_start3A_327 : memref<1x32xf32, #tpu.memory_space<hbm>> -> memref<32xf32, #tpu.memory_space<hbm>>
      %dma_start3A_329 = arith.constant 0 : i32
      %dma_start3A_330 = tpu.memref_slice %arg24[%add3A_322, %dma_start3A_329] : memref<128x32xf32, #tpu.memory_space<vmem>> -> memref<1x32xf32, #tpu.memory_space<vmem>>
      %dma_start3A_331 = tpu.memref_squeeze %dma_start3A_330 : memref<1x32xf32, #tpu.memory_space<vmem>> -> memref<32xf32, #tpu.memory_space<vmem>>
      %dma_start3A_332 = arith.constant 0 : i32
      %dma_start3A_333 = tpu.memref_slice %arg6[%squeeze3A_318, %dma_start3A_332] : memref<100000x32xf32, #tpu.memory_space<hbm>> -> memref<1x32xf32, #tpu.memory_space<hbm>>
      %dma_start3A_334 = tpu.memref_squeeze %dma_start3A_333 : memref<1x32xf32, #tpu.memory_space<hbm>> -> memref<32xf32, #tpu.memory_space<hbm>>
      tpu.enqueue_dma source(%dma_start3A_334 : memref<32xf32, #tpu.memory_space<hbm>>) target(%dma_start3A_331 : memref<32xf32, #tpu.memory_space<vmem>>) target_semaphore(%arg35 : memref<!tpu.dma_semaphore, #tpu.memory_space<semaphore_mem>>)
      %slice3A_335 = vector.extract_strided_slice %get3A_264 {offsets = [4], sizes = [1], strides = [1]} : vector<16xi32> to vector<1xi32>
      %squeeze3A_336 = vector.extract %slice3A_335[0] : i32 from vector<1xi32>
      %mul3A_337 = arith.constant 16 : i32
      %mul3A_338 = arith.muli %scan3A_258, %mul3A_337 : i32
      %add3A_339 = arith.constant 4 : i32
      %add3A_340 = arith.addi %mul3A_338, %add3A_339 : i32
      %dma_start3A_341 = arith.constant 0 : i32
      %dma_start3A_342 = tpu.memref_slice %arg24[%add3A_340, %dma_start3A_341] : memref<128x32xf32, #tpu.memory_space<vmem>> -> memref<1x32xf32, #tpu.memory_space<vmem>>
      %dma_start3A_343 = tpu.memref_squeeze %dma_start3A_342 : memref<1x32xf32, #tpu.memory_space<vmem>> -> memref<32xf32, #tpu.memory_space<vmem>>
      %dma_start3A_344 = arith.constant 0 : i32
      %dma_start3A_345 = tpu.memref_slice %arg6[%squeeze3A_336, %dma_start3A_344] : memref<100000x32xf32, #tpu.memory_space<hbm>> -> memref<1x32xf32, #tpu.memory_space<hbm>>
      %dma_start3A_346 = tpu.memref_squeeze %dma_start3A_345 : memref<1x32xf32, #tpu.memory_space<hbm>> -> memref<32xf32, #tpu.memory_space<hbm>>
      %dma_start3A_347 = arith.constant 0 : i32
      %dma_start3A_348 = tpu.memref_slice %arg24[%add3A_340, %dma_start3A_347] : memref<128x32xf32, #tpu.memory_space<vmem>> -> memref<1x32xf32, #tpu.memory_space<vmem>>
      %dma_start3A_349 = tpu.memref_squeeze %dma_start3A_348 : memref<1x32xf32, #tpu.memory_space<vmem>> -> memref<32xf32, #tpu.memory_space<vmem>>
      %dma_start3A_350 = arith.constant 0 : i32
      %dma_start3A_351 = tpu.memref_slice %arg6[%squeeze3A_336, %dma_start3A_350] : memref<100000x32xf32, #tpu.memory_space<hbm>> -> memref<1x32xf32, #tpu.memory_space<hbm>>
      %dma_start3A_352 = tpu.memref_squeeze %dma_start3A_351 : memref<1x32xf32, #tpu.memory_space<hbm>> -> memref<32xf32, #tpu.memory_space<hbm>>
      tpu.enqueue_dma source(%dma_start3A_352 : memref<32xf32, #tpu.memory_space<hbm>>) target(%dma_start3A_349 : memref<32xf32, #tpu.memory_space<vmem>>) target_semaphore(%arg35 : memref<!tpu.dma_semaphore, #tpu.memory_space<semaphore_mem>>)
      %slice3A_353 = vector.extract_strided_slice %get3A_264 {offsets = [5], sizes = [1], strides = [1]} : vector<16xi32> to vector<1xi32>
      %squeeze3A_354 = vector.extract %slice3A_353[0] : i32 from vector<1xi32>
      %mul3A_355 = arith.constant 16 : i32
      %mul3A_356 = arith.muli %scan3A_258, %mul3A_355 : i32
      %add3A_357 = arith.constant 5 : i32
      %add3A_358 = arith.addi %mul3A_356, %add3A_357 : i32
      %dma_start3A_359 = arith.constant 0 : i32
      %dma_start3A_360 = tpu.memref_slice %arg24[%add3A_358, %dma_start3A_359] : memref<128x32xf32, #tpu.memory_space<vmem>> -> memref<1x32xf32, #tpu.memory_space<vmem>>
      %dma_start3A_361 = tpu.memref_squeeze %dma_start3A_360 : memref<1x32xf32, #tpu.memory_space<vmem>> -> memref<32xf32, #tpu.memory_space<vmem>>
      %dma_start3A_362 = arith.constant 0 : i32
      %dma_start3A_363 = tpu.memref_slice %arg6[%squeeze3A_354, %dma_start3A_362] : memref<100000x32xf32, #tpu.memory_space<hbm>> -> memref<1x32xf32, #tpu.memory_space<hbm>>
      %dma_start3A_364 = tpu.memref_squeeze %dma_start3A_363 : memref<1x32xf32, #tpu.memory_space<hbm>> -> memref<32xf32, #tpu.memory_space<hbm>>
      %dma_start3A_365 = arith.constant 0 : i32
      %dma_start3A_366 = tpu.memref_slice %arg24[%add3A_358, %dma_start3A_365] : memref<128x32xf32, #tpu.memory_space<vmem>> -> memref<1x32xf32, #tpu.memory_space<vmem>>
      %dma_start3A_367 = tpu.memref_squeeze %dma_start3A_366 : memref<1x32xf32, #tpu.memory_space<vmem>> -> memref<32xf32, #tpu.memory_space<vmem>>
      %dma_start3A_368 = arith.constant 0 : i32
      %dma_start3A_369 = tpu.memref_slice %arg6[%squeeze3A_354, %dma_start3A_368] : memref<100000x32xf32, #tpu.memory_space<hbm>> -> memref<1x32xf32, #tpu.memory_space<hbm>>
      %dma_start3A_370 = tpu.memref_squeeze %dma_start3A_369 : memref<1x32xf32, #tpu.memory_space<hbm>> -> memref<32xf32, #tpu.memory_space<hbm>>
      tpu.enqueue_dma source(%dma_start3A_370 : memref<32xf32, #tpu.memory_space<hbm>>) target(%dma_start3A_367 : memref<32xf32, #tpu.memory_space<vmem>>) target_semaphore(%arg35 : memref<!tpu.dma_semaphore, #tpu.memory_space<semaphore_mem>>)
      %slice3A_371 = vector.extract_strided_slice %get3A_264 {offsets = [6], sizes = [1], strides = [1]} : vector<16xi32> to vector<1xi32>
      %squeeze3A_372 = vector.extract %slice3A_371[0] : i32 from vector<1xi32>
      %mul3A_373 = arith.constant 16 : i32
      %mul3A_374 = arith.muli %scan3A_258, %mul3A_373 : i32
      %add3A_375 = arith.constant 6 : i32
      %add3A_376 = arith.addi %mul3A_374, %add3A_375 : i32
      %dma_start3A_377 = arith.constant 0 : i32
      %dma_start3A_378 = tpu.memref_slice %arg24[%add3A_376, %dma_start3A_377] : memref<128x32xf32, #tpu.memory_space<vmem>> -> memref<1x32xf32, #tpu.memory_space<vmem>>
      %dma_start3A_379 = tpu.memref_squeeze %dma_start3A_378 : memref<1x32xf32, #tpu.memory_space<vmem>> -> memref<32xf32, #tpu.memory_space<vmem>>
      %dma_start3A_380 = arith.constant 0 : i32
      %dma_start3A_381 = tpu.memref_slice %arg6[%squeeze3A_372, %dma_start3A_380] : memref<100000x32xf32, #tpu.memory_space<hbm>> -> memref<1x32xf32, #tpu.memory_space<hbm>>
      %dma_start3A_382 = tpu.memref_squeeze %dma_start3A_381 : memref<1x32xf32, #tpu.memory_space<hbm>> -> memref<32xf32, #tpu.memory_space<hbm>>
      %dma_start3A_383 = arith.constant 0 : i32
      %dma_start3A_384 = tpu.memref_slice %arg24[%add3A_376, %dma_start3A_383] : memref<128x32xf32, #tpu.memory_space<vmem>> -> memref<1x32xf32, #tpu.memory_space<vmem>>
      %dma_start3A_385 = tpu.memref_squeeze %dma_start3A_384 : memref<1x32xf32, #tpu.memory_space<vmem>> -> memref<32xf32, #tpu.memory_space<vmem>>
      %dma_start3A_386 = arith.constant 0 : i32
      %dma_start3A_387 = tpu.memref_slice %arg6[%squeeze3A_372, %dma_start3A_386] : memref<100000x32xf32, #tpu.memory_space<hbm>> -> memref<1x32xf32, #tpu.memory_space<hbm>>
      %dma_start3A_388 = tpu.memref_squeeze %dma_start3A_387 : memref<1x32xf32, #tpu.memory_space<hbm>> -> memref<32xf32, #tpu.memory_space<hbm>>
      tpu.enqueue_dma source(%dma_start3A_388 : memref<32xf32, #tpu.memory_space<hbm>>) target(%dma_start3A_385 : memref<32xf32, #tpu.memory_space<vmem>>) target_semaphore(%arg35 : memref<!tpu.dma_semaphore, #tpu.memory_space<semaphore_mem>>)
      %slice3A_389 = vector.extract_strided_slice %get3A_264 {offsets = [7], sizes = [1], strides = [1]} : vector<16xi32> to vector<1xi32>
      %squeeze3A_390 = vector.extract %slice3A_389[0] : i32 from vector<1xi32>
      %mul3A_391 = arith.constant 16 : i32
      %mul3A_392 = arith.muli %scan3A_258, %mul3A_391 : i32
      %add3A_393 = arith.constant 7 : i32
      %add3A_394 = arith.addi %mul3A_392, %add3A_393 : i32
      %dma_start3A_395 = arith.constant 0 : i32
      %dma_start3A_396 = tpu.memref_slice %arg24[%add3A_394, %dma_start3A_395] : memref<128x32xf32, #tpu.memory_space<vmem>> -> memref<1x32xf32, #tpu.memory_space<vmem>>
      %dma_start3A_397 = tpu.memref_squeeze %dma_start3A_396 : memref<1x32xf32, #tpu.memory_space<vmem>> -> memref<32xf32, #tpu.memory_space<vmem>>
      %dma_start3A_398 = arith.constant 0 : i32
      %dma_start3A_399 = tpu.memref_slice %arg6[%squeeze3A_390, %dma_start3A_398] : memref<100000x32xf32, #tpu.memory_space<hbm>> -> memref<1x32xf32, #tpu.memory_space<hbm>>
      %dma_start3A_400 = tpu.memref_squeeze %dma_start3A_399 : memref<1x32xf32, #tpu.memory_space<hbm>> -> memref<32xf32, #tpu.memory_space<hbm>>
      %dma_start3A_401 = arith.constant 0 : i32
      %dma_start3A_402 = tpu.memref_slice %arg24[%add3A_394, %dma_start3A_401] : memref<128x32xf32, #tpu.memory_space<vmem>> -> memref<1x32xf32, #tpu.memory_space<vmem>>
      %dma_start3A_403 = tpu.memref_squeeze %dma_start3A_402 : memref<1x32xf32, #tpu.memory_space<vmem>> -> memref<32xf32, #tpu.memory_space<vmem>>
      %dma_start3A_404 = arith.constant 0 : i32
      %dma_start3A_405 = tpu.memref_slice %arg6[%squeeze3A_390, %dma_start3A_404] : memref<100000x32xf32, #tpu.memory_space<hbm>> -> memref<1x32xf32, #tpu.memory_space<hbm>>
      %dma_start3A_406 = tpu.memref_squeeze %dma_start3A_405 : memref<1x32xf32, #tpu.memory_space<hbm>> -> memref<32xf32, #tpu.memory_space<hbm>>
      tpu.enqueue_dma source(%dma_start3A_406 : memref<32xf32, #tpu.memory_space<hbm>>) target(%dma_start3A_403 : memref<32xf32, #tpu.memory_space<vmem>>) target_semaphore(%arg35 : memref<!tpu.dma_semaphore, #tpu.memory_space<semaphore_mem>>)
      %slice3A_407 = vector.extract_strided_slice %get3A_264 {offsets = [8], sizes = [1], strides = [1]} : vector<16xi32> to vector<1xi32>
      %squeeze3A_408 = vector.extract %slice3A_407[0] : i32 from vector<1xi32>
      %mul3A_409 = arith.constant 16 : i32
      %mul3A_410 = arith.muli %scan3A_258, %mul3A_409 : i32
      %add3A_411 = arith.constant 8 : i32
      %add3A_412 = arith.addi %mul3A_410, %add3A_411 : i32
      %dma_start3A_413 = arith.constant 0 : i32
      %dma_start3A_414 = tpu.memref_slice %arg24[%add3A_412, %dma_start3A_413] : memref<128x32xf32, #tpu.memory_space<vmem>> -> memref<1x32xf32, #tpu.memory_space<vmem>>
      %dma_start3A_415 = tpu.memref_squeeze %dma_start3A_414 : memref<1x32xf32, #tpu.memory_space<vmem>> -> memref<32xf32, #tpu.memory_space<vmem>>
      %dma_start3A_416 = arith.constant 0 : i32
      %dma_start3A_417 = tpu.memref_slice %arg6[%squeeze3A_408, %dma_start3A_416] : memref<100000x32xf32, #tpu.memory_space<hbm>> -> memref<1x32xf32, #tpu.memory_space<hbm>>
      %dma_start3A_418 = tpu.memref_squeeze %dma_start3A_417 : memref<1x32xf32, #tpu.memory_space<hbm>> -> memref<32xf32, #tpu.memory_space<hbm>>
      %dma_start3A_419 = arith.constant 0 : i32
      %dma_start3A_420 = tpu.memref_slice %arg24[%add3A_412, %dma_start3A_419] : memref<128x32xf32, #tpu.memory_space<vmem>> -> memref<1x32xf32, #tpu.memory_space<vmem>>
      %dma_start3A_421 = tpu.memref_squeeze %dma_start3A_420 : memref<1x32xf32, #tpu.memory_space<vmem>> -> memref<32xf32, #tpu.memory_space<vmem>>
      %dma_start3A_422 = arith.constant 0 : i32
      %dma_start3A_423 = tpu.memref_slice %arg6[%squeeze3A_408, %dma_start3A_422] : memref<100000x32xf32, #tpu.memory_space<hbm>> -> memref<1x32xf32, #tpu.memory_space<hbm>>
      %dma_start3A_424 = tpu.memref_squeeze %dma_start3A_423 : memref<1x32xf32, #tpu.memory_space<hbm>> -> memref<32xf32, #tpu.memory_space<hbm>>
      tpu.enqueue_dma source(%dma_start3A_424 : memref<32xf32, #tpu.memory_space<hbm>>) target(%dma_start3A_421 : memref<32xf32, #tpu.memory_space<vmem>>) target_semaphore(%arg35 : memref<!tpu.dma_semaphore, #tpu.memory_space<semaphore_mem>>)
      %slice3A_425 = vector.extract_strided_slice %get3A_264 {offsets = [9], sizes = [1], strides = [1]} : vector<16xi32> to vector<1xi32>
      %squeeze3A_426 = vector.extract %slice3A_425[0] : i32 from vector<1xi32>
      %mul3A_427 = arith.constant 16 : i32
      %mul3A_428 = arith.muli %scan3A_258, %mul3A_427 : i32
      %add3A_429 = arith.constant 9 : i32
      %add3A_430 = arith.addi %mul3A_428, %add3A_429 : i32
      %dma_start3A_431 = arith.constant 0 : i32
      %dma_start3A_432 = tpu.memref_slice %arg24[%add3A_430, %dma_start3A_431] : memref<128x32xf32, #tpu.memory_space<vmem>> -> memref<1x32xf32, #tpu.memory_space<vmem>>
      %dma_start3A_433 = tpu.memref_squeeze %dma_start3A_432 : memref<1x32xf32, #tpu.memory_space<vmem>> -> memref<32xf32, #tpu.memory_space<vmem>>
      %dma_start3A_434 = arith.constant 0 : i32
      %dma_start3A_435 = tpu.memref_slice %arg6[%squeeze3A_426, %dma_start3A_434] : memref<100000x32xf32, #tpu.memory_space<hbm>> -> memref<1x32xf32, #tpu.memory_space<hbm>>
      %dma_start3A_436 = tpu.memref_squeeze %dma_start3A_435 : memref<1x32xf32, #tpu.memory_space<hbm>> -> memref<32xf32, #tpu.memory_space<hbm>>
      %dma_start3A_437 = arith.constant 0 : i32
      %dma_start3A_438 = tpu.memref_slice %arg24[%add3A_430, %dma_start3A_437] : memref<128x32xf32, #tpu.memory_space<vmem>> -> memref<1x32xf32, #tpu.memory_space<vmem>>
      %dma_start3A_439 = tpu.memref_squeeze %dma_start3A_438 : memref<1x32xf32, #tpu.memory_space<vmem>> -> memref<32xf32, #tpu.memory_space<vmem>>
      %dma_start3A_440 = arith.constant 0 : i32
      %dma_start3A_441 = tpu.memref_slice %arg6[%squeeze3A_426, %dma_start3A_440] : memref<100000x32xf32, #tpu.memory_space<hbm>> -> memref<1x32xf32, #tpu.memory_space<hbm>>
      %dma_start3A_442 = tpu.memref_squeeze %dma_start3A_441 : memref<1x32xf32, #tpu.memory_space<hbm>> -> memref<32xf32, #tpu.memory_space<hbm>>
      tpu.enqueue_dma source(%dma_start3A_442 : memref<32xf32, #tpu.memory_space<hbm>>) target(%dma_start3A_439 : memref<32xf32, #tpu.memory_space<vmem>>) target_semaphore(%arg35 : memref<!tpu.dma_semaphore, #tpu.memory_space<semaphore_mem>>)
      %slice3A_443 = vector.extract_strided_slice %get3A_264 {offsets = [10], sizes = [1], strides = [1]} : vector<16xi32> to vector<1xi32>
      %squeeze3A_444 = vector.extract %slice3A_443[0] : i32 from vector<1xi32>
      %mul3A_445 = arith.constant 16 : i32
      %mul3A_446 = arith.muli %scan3A_258, %mul3A_445 : i32
      %add3A_447 = arith.constant 10 : i32
      %add3A_448 = arith.addi %mul3A_446, %add3A_447 : i32
      %dma_start3A_449 = arith.constant 0 : i32
      %dma_start3A_450 = tpu.memref_slice %arg24[%add3A_448, %dma_start3A_449] : memref<128x32xf32, #tpu.memory_space<vmem>> -> memref<1x32xf32, #tpu.memory_space<vmem>>
      %dma_start3A_451 = tpu.memref_squeeze %dma_start3A_450 : memref<1x32xf32, #tpu.memory_space<vmem>> -> memref<32xf32, #tpu.memory_space<vmem>>
      %dma_start3A_452 = arith.constant 0 : i32
      %dma_start3A_453 = tpu.memref_slice %arg6[%squeeze3A_444, %dma_start3A_452] : memref<100000x32xf32, #tpu.memory_space<hbm>> -> memref<1x32xf32, #tpu.memory_space<hbm>>
      %dma_start3A_454 = tpu.memref_squeeze %dma_start3A_453 : memref<1x32xf32, #tpu.memory_space<hbm>> -> memref<32xf32, #tpu.memory_space<hbm>>
      %dma_start3A_455 = arith.constant 0 : i32
      %dma_start3A_456 = tpu.memref_slice %arg24[%add3A_448, %dma_start3A_455] : memref<128x32xf32, #tpu.memory_space<vmem>> -> memref<1x32xf32, #tpu.memory_space<vmem>>
      %dma_start3A_457 = tpu.memref_squeeze %dma_start3A_456 : memref<1x32xf32, #tpu.memory_space<vmem>> -> memref<32xf32, #tpu.memory_space<vmem>>
      %dma_start3A_458 = arith.constant 0 : i32
      %dma_start3A_459 = tpu.memref_slice %arg6[%squeeze3A_444, %dma_start3A_458] : memref<100000x32xf32, #tpu.memory_space<hbm>> -> memref<1x32xf32, #tpu.memory_space<hbm>>
      %dma_start3A_460 = tpu.memref_squeeze %dma_start3A_459 : memref<1x32xf32, #tpu.memory_space<hbm>> -> memref<32xf32, #tpu.memory_space<hbm>>
      tpu.enqueue_dma source(%dma_start3A_460 : memref<32xf32, #tpu.memory_space<hbm>>) target(%dma_start3A_457 : memref<32xf32, #tpu.memory_space<vmem>>) target_semaphore(%arg35 : memref<!tpu.dma_semaphore, #tpu.memory_space<semaphore_mem>>)
      %slice3A_461 = vector.extract_strided_slice %get3A_264 {offsets = [11], sizes = [1], strides = [1]} : vector<16xi32> to vector<1xi32>
      %squeeze3A_462 = vector.extract %slice3A_461[0] : i32 from vector<1xi32>
      %mul3A_463 = arith.constant 16 : i32
      %mul3A_464 = arith.muli %scan3A_258, %mul3A_463 : i32
      %add3A_465 = arith.constant 11 : i32
      %add3A_466 = arith.addi %mul3A_464, %add3A_465 : i32
      %dma_start3A_467 = arith.constant 0 : i32
      %dma_start3A_468 = tpu.memref_slice %arg24[%add3A_466, %dma_start3A_467] : memref<128x32xf32, #tpu.memory_space<vmem>> -> memref<1x32xf32, #tpu.memory_space<vmem>>
      %dma_start3A_469 = tpu.memref_squeeze %dma_start3A_468 : memref<1x32xf32, #tpu.memory_space<vmem>> -> memref<32xf32, #tpu.memory_space<vmem>>
      %dma_start3A_470 = arith.constant 0 : i32
      %dma_start3A_471 = tpu.memref_slice %arg6[%squeeze3A_462, %dma_start3A_470] : memref<100000x32xf32, #tpu.memory_space<hbm>> -> memref<1x32xf32, #tpu.memory_space<hbm>>
      %dma_start3A_472 = tpu.memref_squeeze %dma_start3A_471 : memref<1x32xf32, #tpu.memory_space<hbm>> -> memref<32xf32, #tpu.memory_space<hbm>>
      %dma_start3A_473 = arith.constant 0 : i32
      %dma_start3A_474 = tpu.memref_slice %arg24[%add3A_466, %dma_start3A_473] : memref<128x32xf32, #tpu.memory_space<vmem>> -> memref<1x32xf32, #tpu.memory_space<vmem>>
      %dma_start3A_475 = tpu.memref_squeeze %dma_start3A_474 : memref<1x32xf32, #tpu.memory_space<vmem>> -> memref<32xf32, #tpu.memory_space<vmem>>
      %dma_start3A_476 = arith.constant 0 : i32
      %dma_start3A_477 = tpu.memref_slice %arg6[%squeeze3A_462, %dma_start3A_476] : memref<100000x32xf32, #tpu.memory_space<hbm>> -> memref<1x32xf32, #tpu.memory_space<hbm>>
      %dma_start3A_478 = tpu.memref_squeeze %dma_start3A_477 : memref<1x32xf32, #tpu.memory_space<hbm>> -> memref<32xf32, #tpu.memory_space<hbm>>
      tpu.enqueue_dma source(%dma_start3A_478 : memref<32xf32, #tpu.memory_space<hbm>>) target(%dma_start3A_475 : memref<32xf32, #tpu.memory_space<vmem>>) target_semaphore(%arg35 : memref<!tpu.dma_semaphore, #tpu.memory_space<semaphore_mem>>)
      %slice3A_479 = vector.extract_strided_slice %get3A_264 {offsets = [12], sizes = [1], strides = [1]} : vector<16xi32> to vector<1xi32>
      %squeeze3A_480 = vector.extract %slice3A_479[0] : i32 from vector<1xi32>
      %mul3A_481 = arith.constant 16 : i32
      %mul3A_482 = arith.muli %scan3A_258, %mul3A_481 : i32
      %add3A_483 = arith.constant 12 : i32
      %add3A_484 = arith.addi %mul3A_482, %add3A_483 : i32
      %dma_start3A_485 = arith.constant 0 : i32
      %dma_start3A_486 = tpu.memref_slice %arg24[%add3A_484, %dma_start3A_485] : memref<128x32xf32, #tpu.memory_space<vmem>> -> memref<1x32xf32, #tpu.memory_space<vmem>>
      %dma_start3A_487 = tpu.memref_squeeze %dma_start3A_486 : memref<1x32xf32, #tpu.memory_space<vmem>> -> memref<32xf32, #tpu.memory_space<vmem>>
      %dma_start3A_488 = arith.constant 0 : i32
      %dma_start3A_489 = tpu.memref_slice %arg6[%squeeze3A_480, %dma_start3A_488] : memref<100000x32xf32, #tpu.memory_space<hbm>> -> memref<1x32xf32, #tpu.memory_space<hbm>>
      %dma_start3A_490 = tpu.memref_squeeze %dma_start3A_489 : memref<1x32xf32, #tpu.memory_space<hbm>> -> memref<32xf32, #tpu.memory_space<hbm>>
      %dma_start3A_491 = arith.constant 0 : i32
      %dma_start3A_492 = tpu.memref_slice %arg24[%add3A_484, %dma_start3A_491] : memref<128x32xf32, #tpu.memory_space<vmem>> -> memref<1x32xf32, #tpu.memory_space<vmem>>
      %dma_start3A_493 = tpu.memref_squeeze %dma_start3A_492 : memref<1x32xf32, #tpu.memory_space<vmem>> -> memref<32xf32, #tpu.memory_space<vmem>>
      %dma_start3A_494 = arith.constant 0 : i32
      %dma_start3A_495 = tpu.memref_slice %arg6[%squeeze3A_480, %dma_start3A_494] : memref<100000x32xf32, #tpu.memory_space<hbm>> -> memref<1x32xf32, #tpu.memory_space<hbm>>
      %dma_start3A_496 = tpu.memref_squeeze %dma_start3A_495 : memref<1x32xf32, #tpu.memory_space<hbm>> -> memref<32xf32, #tpu.memory_space<hbm>>
      tpu.enqueue_dma source(%dma_start3A_496 : memref<32xf32, #tpu.memory_space<hbm>>) target(%dma_start3A_493 : memref<32xf32, #tpu.memory_space<vmem>>) target_semaphore(%arg35 : memref<!tpu.dma_semaphore, #tpu.memory_space<semaphore_mem>>)
      %slice3A_497 = vector.extract_strided_slice %get3A_264 {offsets = [13], sizes = [1], strides = [1]} : vector<16xi32> to vector<1xi32>
      %squeeze3A_498 = vector.extract %slice3A_497[0] : i32 from vector<1xi32>
      %mul3A_499 = arith.constant 16 : i32
      %mul3A_500 = arith.muli %scan3A_258, %mul3A_499 : i32
      %add3A_501 = arith.constant 13 : i32
      %add3A_502 = arith.addi %mul3A_500, %add3A_501 : i32
      %dma_start3A_503 = arith.constant 0 : i32
      %dma_start3A_504 = tpu.memref_slice %arg24[%add3A_502, %dma_start3A_503] : memref<128x32xf32, #tpu.memory_space<vmem>> -> memref<1x32xf32, #tpu.memory_space<vmem>>
      %dma_start3A_505 = tpu.memref_squeeze %dma_start3A_504 : memref<1x32xf32, #tpu.memory_space<vmem>> -> memref<32xf32, #tpu.memory_space<vmem>>
      %dma_start3A_506 = arith.constant 0 : i32
      %dma_start3A_507 = tpu.memref_slice %arg6[%squeeze3A_498, %dma_start3A_506] : memref<100000x32xf32, #tpu.memory_space<hbm>> -> memref<1x32xf32, #tpu.memory_space<hbm>>
      %dma_start3A_508 = tpu.memref_squeeze %dma_start3A_507 : memref<1x32xf32, #tpu.memory_space<hbm>> -> memref<32xf32, #tpu.memory_space<hbm>>
      %dma_start3A_509 = arith.constant 0 : i32
      %dma_start3A_510 = tpu.memref_slice %arg24[%add3A_502, %dma_start3A_509] : memref<128x32xf32, #tpu.memory_space<vmem>> -> memref<1x32xf32, #tpu.memory_space<vmem>>
      %dma_start3A_511 = tpu.memref_squeeze %dma_start3A_510 : memref<1x32xf32, #tpu.memory_space<vmem>> -> memref<32xf32, #tpu.memory_space<vmem>>
      %dma_start3A_512 = arith.constant 0 : i32
      %dma_start3A_513 = tpu.memref_slice %arg6[%squeeze3A_498, %dma_start3A_512] : memref<100000x32xf32, #tpu.memory_space<hbm>> -> memref<1x32xf32, #tpu.memory_space<hbm>>
      %dma_start3A_514 = tpu.memref_squeeze %dma_start3A_513 : memref<1x32xf32, #tpu.memory_space<hbm>> -> memref<32xf32, #tpu.memory_space<hbm>>
      tpu.enqueue_dma source(%dma_start3A_514 : memref<32xf32, #tpu.memory_space<hbm>>) target(%dma_start3A_511 : memref<32xf32, #tpu.memory_space<vmem>>) target_semaphore(%arg35 : memref<!tpu.dma_semaphore, #tpu.memory_space<semaphore_mem>>)
      %slice3A_515 = vector.extract_strided_slice %get3A_264 {offsets = [14], sizes = [1], strides = [1]} : vector<16xi32> to vector<1xi32>
      %squeeze3A_516 = vector.extract %slice3A_515[0] : i32 from vector<1xi32>
      %mul3A_517 = arith.constant 16 : i32
      %mul3A_518 = arith.muli %scan3A_258, %mul3A_517 : i32
      %add3A_519 = arith.constant 14 : i32
      %add3A_520 = arith.addi %mul3A_518, %add3A_519 : i32
      %dma_start3A_521 = arith.constant 0 : i32
      %dma_start3A_522 = tpu.memref_slice %arg24[%add3A_520, %dma_start3A_521] : memref<128x32xf32, #tpu.memory_space<vmem>> -> memref<1x32xf32, #tpu.memory_space<vmem>>
      %dma_start3A_523 = tpu.memref_squeeze %dma_start3A_522 : memref<1x32xf32, #tpu.memory_space<vmem>> -> memref<32xf32, #tpu.memory_space<vmem>>
      %dma_start3A_524 = arith.constant 0 : i32
      %dma_start3A_525 = tpu.memref_slice %arg6[%squeeze3A_516, %dma_start3A_524] : memref<100000x32xf32, #tpu.memory_space<hbm>> -> memref<1x32xf32, #tpu.memory_space<hbm>>
      %dma_start3A_526 = tpu.memref_squeeze %dma_start3A_525 : memref<1x32xf32, #tpu.memory_space<hbm>> -> memref<32xf32, #tpu.memory_space<hbm>>
      %dma_start3A_527 = arith.constant 0 : i32
      %dma_start3A_528 = tpu.memref_slice %arg24[%add3A_520, %dma_start3A_527] : memref<128x32xf32, #tpu.memory_space<vmem>> -> memref<1x32xf32, #tpu.memory_space<vmem>>
      %dma_start3A_529 = tpu.memref_squeeze %dma_start3A_528 : memref<1x32xf32, #tpu.memory_space<vmem>> -> memref<32xf32, #tpu.memory_space<vmem>>
      %dma_start3A_530 = arith.constant 0 : i32
      %dma_start3A_531 = tpu.memref_slice %arg6[%squeeze3A_516, %dma_start3A_530] : memref<100000x32xf32, #tpu.memory_space<hbm>> -> memref<1x32xf32, #tpu.memory_space<hbm>>
      %dma_start3A_532 = tpu.memref_squeeze %dma_start3A_531 : memref<1x32xf32, #tpu.memory_space<hbm>> -> memref<32xf32, #tpu.memory_space<hbm>>
      tpu.enqueue_dma source(%dma_start3A_532 : memref<32xf32, #tpu.memory_space<hbm>>) target(%dma_start3A_529 : memref<32xf32, #tpu.memory_space<vmem>>) target_semaphore(%arg35 : memref<!tpu.dma_semaphore, #tpu.memory_space<semaphore_mem>>)
      %slice3A_533 = vector.extract_strided_slice %get3A_264 {offsets = [15], sizes = [1], strides = [1]} : vector<16xi32> to vector<1xi32>
      %squeeze3A_534 = vector.extract %slice3A_533[0] : i32 from vector<1xi32>
      %mul3A_535 = arith.constant 16 : i32
      %mul3A_536 = arith.muli %scan3A_258, %mul3A_535 : i32
      %add3A_537 = arith.constant 15 : i32
      %add3A_538 = arith.addi %mul3A_536, %add3A_537 : i32
      %dma_start3A_539 = arith.constant 0 : i32
      %dma_start3A_540 = tpu.memref_slice %arg24[%add3A_538, %dma_start3A_539] : memref<128x32xf32, #tpu.memory_space<vmem>> -> memref<1x32xf32, #tpu.memory_space<vmem>>
      %dma_start3A_541 = tpu.memref_squeeze %dma_start3A_540 : memref<1x32xf32, #tpu.memory_space<vmem>> -> memref<32xf32, #tpu.memory_space<vmem>>
      %dma_start3A_542 = arith.constant 0 : i32
      %dma_start3A_543 = tpu.memref_slice %arg6[%squeeze3A_534, %dma_start3A_542] : memref<100000x32xf32, #tpu.memory_space<hbm>> -> memref<1x32xf32, #tpu.memory_space<hbm>>
      %dma_start3A_544 = tpu.memref_squeeze %dma_start3A_543 : memref<1x32xf32, #tpu.memory_space<hbm>> -> memref<32xf32, #tpu.memory_space<hbm>>
      %dma_start3A_545 = arith.constant 0 : i32
      %dma_start3A_546 = tpu.memref_slice %arg24[%add3A_538, %dma_start3A_545] : memref<128x32xf32, #tpu.memory_space<vmem>> -> memref<1x32xf32, #tpu.memory_space<vmem>>
      %dma_start3A_547 = tpu.memref_squeeze %dma_start3A_546 : memref<1x32xf32, #tpu.memory_space<vmem>> -> memref<32xf32, #tpu.memory_space<vmem>>
      %dma_start3A_548 = arith.constant 0 : i32
      %dma_start3A_549 = tpu.memref_slice %arg6[%squeeze3A_534, %dma_start3A_548] : memref<100000x32xf32, #tpu.memory_space<hbm>> -> memref<1x32xf32, #tpu.memory_space<hbm>>
      %dma_start3A_550 = tpu.memref_squeeze %dma_start3A_549 : memref<1x32xf32, #tpu.memory_space<hbm>> -> memref<32xf32, #tpu.memory_space<hbm>>
      tpu.enqueue_dma source(%dma_start3A_550 : memref<32xf32, #tpu.memory_space<hbm>>) target(%dma_start3A_547 : memref<32xf32, #tpu.memory_space<vmem>>) target_semaphore(%arg35 : memref<!tpu.dma_semaphore, #tpu.memory_space<semaphore_mem>>)
      %scan3A_551 = arith.constant 0 : i32
      scf.yield %scan3A_551 : i32
    }
    %scan3A_158 = arith.constant 8 : i32
    %parallel_loop3A = arith.constant 0 : i32
    %parallel_loop3A_159 = arith.constant 128 : i32
    %parallel_loop3A_160 = arith.constant 1 : i32
    scf.for %parallel_loop3A_258 = %parallel_loop3A to %parallel_loop3A_159 step %parallel_loop3A_160  : i32 {
      %parallel_loop3A_259 = arith.index_cast %parallel_loop3A_258 : i32 to index
      %parallel_loop3A_260 = arith.constant 0 : index
      %parallel_loop3A_261 = tpu.vector_load %arg19[%parallel_loop3A_259, %parallel_loop3A_260] {strides = array<i32>} : memref<128x128xf32, #tpu.memory_space<vmem>>, vector<16xf32>,
      %parallel_loop3A_262 = arith.index_cast %parallel_loop3A_258 : i32 to index
      %parallel_loop3A_263 = arith.constant 16 : index
      %parallel_loop3A_264 = tpu.vector_load %arg19[%parallel_loop3A_262, %parallel_loop3A_263] {strides = array<i32>} : memref<128x128xf32, #tpu.memory_space<vmem>>, vector<16xf32>,
      %parallel_loop3A_265 = arith.index_cast %parallel_loop3A_258 : i32 to index
      %parallel_loop3A_266 = arith.constant 32 : index
      %parallel_loop3A_267 = tpu.vector_load %arg19[%parallel_loop3A_265, %parallel_loop3A_266] {strides = array<i32>} : memref<128x128xf32, #tpu.memory_space<vmem>>, vector<16xf32>,
      %parallel_loop3A_268 = arith.index_cast %parallel_loop3A_258 : i32 to index
      %parallel_loop3A_269 = arith.constant 48 : index
      %parallel_loop3A_270 = tpu.vector_load %arg19[%parallel_loop3A_268, %parallel_loop3A_269] {strides = array<i32>} : memref<128x128xf32, #tpu.memory_space<vmem>>, vector<16xf32>,
      %parallel_loop3A_271 = arith.index_cast %parallel_loop3A_258 : i32 to index
      %parallel_loop3A_272 = arith.constant 64 : index
      %parallel_loop3A_273 = tpu.vector_load %arg19[%parallel_loop3A_271, %parallel_loop3A_272] {strides = array<i32>} : memref<128x128xf32, #tpu.memory_space<vmem>>, vector<16xf32>,
      %parallel_loop3A_274 = arith.index_cast %parallel_loop3A_258 : i32 to index
      %parallel_loop3A_275 = arith.constant 80 : index
      %parallel_loop3A_276 = tpu.vector_load %arg19[%parallel_loop3A_274, %parallel_loop3A_275] {strides = array<i32>} : memref<128x128xf32, #tpu.memory_space<vmem>>, vector<16xf32>,
      %parallel_loop3A_277 = arith.index_cast %parallel_loop3A_258 : i32 to index
      %parallel_loop3A_278 = arith.constant 96 : index
      %parallel_loop3A_279 = tpu.vector_load %arg19[%parallel_loop3A_277, %parallel_loop3A_278] {strides = array<i32>} : memref<128x128xf32, #tpu.memory_space<vmem>>, vector<16xf32>,
      %parallel_loop3A_280 = arith.index_cast %parallel_loop3A_258 : i32 to index
      %parallel_loop3A_281 = arith.constant 112 : index
      %parallel_loop3A_282 = tpu.vector_load %arg19[%parallel_loop3A_280, %parallel_loop3A_281] {strides = array<i32>} : memref<128x128xf32, #tpu.memory_space<vmem>>, vector<16xf32>,
      %parallel_loop3A_283 = arith.index_cast %parallel_loop3A_258 : i32 to index
      %parallel_loop3A_284 = arith.constant 0 : index
      %parallel_loop3A_285 = tpu.vector_load %arg21[%parallel_loop3A_283, %parallel_loop3A_284] {strides = array<i32>} : memref<128x128xf32, #tpu.memory_space<vmem>>, vector<16xf32>,
      %parallel_loop3A_286 = arith.index_cast %parallel_loop3A_258 : i32 to index
      %parallel_loop3A_287 = arith.constant 16 : index
      %parallel_loop3A_288 = tpu.vector_load %arg21[%parallel_loop3A_286, %parallel_loop3A_287] {strides = array<i32>} : memref<128x128xf32, #tpu.memory_space<vmem>>, vector<16xf32>,
      %parallel_loop3A_289 = arith.index_cast %parallel_loop3A_258 : i32 to index
      %parallel_loop3A_290 = arith.constant 32 : index
      %parallel_loop3A_291 = tpu.vector_load %arg21[%parallel_loop3A_289, %parallel_loop3A_290] {strides = array<i32>} : memref<128x128xf32, #tpu.memory_space<vmem>>, vector<16xf32>,
      %parallel_loop3A_292 = arith.index_cast %parallel_loop3A_258 : i32 to index
      %parallel_loop3A_293 = arith.constant 48 : index
      %parallel_loop3A_294 = tpu.vector_load %arg21[%parallel_loop3A_292, %parallel_loop3A_293] {strides = array<i32>} : memref<128x128xf32, #tpu.memory_space<vmem>>, vector<16xf32>,
      %parallel_loop3A_295 = arith.index_cast %parallel_loop3A_258 : i32 to index
      %parallel_loop3A_296 = arith.constant 64 : index
      %parallel_loop3A_297 = tpu.vector_load %arg21[%parallel_loop3A_295, %parallel_loop3A_296] {strides = array<i32>} : memref<128x128xf32, #tpu.memory_space<vmem>>, vector<16xf32>,
      %parallel_loop3A_298 = arith.index_cast %parallel_loop3A_258 : i32 to index
      %parallel_loop3A_299 = arith.constant 80 : index
      %parallel_loop3A_300 = tpu.vector_load %arg21[%parallel_loop3A_298, %parallel_loop3A_299] {strides = array<i32>} : memref<128x128xf32, #tpu.memory_space<vmem>>, vector<16xf32>,
      %parallel_loop3A_301 = arith.index_cast %parallel_loop3A_258 : i32 to index
      %parallel_loop3A_302 = arith.constant 96 : index
      %parallel_loop3A_303 = tpu.vector_load %arg21[%parallel_loop3A_301, %parallel_loop3A_302] {strides = array<i32>} : memref<128x128xf32, #tpu.memory_space<vmem>>, vector<16xf32>,
      %parallel_loop3A_304 = arith.index_cast %parallel_loop3A_258 : i32 to index
      %parallel_loop3A_305 = arith.constant 112 : index
      %parallel_loop3A_306 = tpu.vector_load %arg21[%parallel_loop3A_304, %parallel_loop3A_305] {strides = array<i32>} : memref<128x128xf32, #tpu.memory_space<vmem>>, vector<16xf32>,
      %parallel_loop3A_307 = arith.index_cast %parallel_loop3A_258 : i32 to index
      %parallel_loop3A_308 = arith.constant 0 : index
      %parallel_loop3A_309 = tpu.vector_load %arg23[%parallel_loop3A_307, %parallel_loop3A_308] {strides = array<i32>} : memref<128x32xf32, #tpu.memory_space<vmem>>, vector<16xf32>,
      %parallel_loop3A_310 = arith.index_cast %parallel_loop3A_258 : i32 to index
      %parallel_loop3A_311 = arith.constant 16 : index
      %parallel_loop3A_312 = tpu.vector_load %arg23[%parallel_loop3A_310, %parallel_loop3A_311] {strides = array<i32>} : memref<128x32xf32, #tpu.memory_space<vmem>>, vector<16xf32>,
      %parallel_loop3A_313 = arith.subf %parallel_loop3A_261, %parallel_loop3A_285 : vector<16xf32>
      %parallel_loop3A_314 = arith.subf %parallel_loop3A_264, %parallel_loop3A_288 : vector<16xf32>
      %parallel_loop3A_315 = arith.subf %parallel_loop3A_267, %parallel_loop3A_291 : vector<16xf32>
      %parallel_loop3A_316 = arith.subf %parallel_loop3A_270, %parallel_loop3A_294 : vector<16xf32>
      %parallel_loop3A_317 = arith.subf %parallel_loop3A_273, %parallel_loop3A_297 : vector<16xf32>
      %parallel_loop3A_318 = arith.subf %parallel_loop3A_276, %parallel_loop3A_300 : vector<16xf32>
      %parallel_loop3A_319 = arith.subf %parallel_loop3A_279, %parallel_loop3A_303 : vector<16xf32>
      %parallel_loop3A_320 = arith.subf %parallel_loop3A_282, %parallel_loop3A_306 : vector<16xf32>
      %parallel_loop3A_321 = arith.mulf %parallel_loop3A_309, %gather3A_18 : vector<16xf32>
      %parallel_loop3A_322 = arith.mulf %parallel_loop3A_312, %gather3A_24 : vector<16xf32>
      %parallel_loop3A_323 = arith.addf %parallel_loop3A_321, %parallel_loop3A_322 : vector<16xf32>
      %parallel_loop3A_324 = arith.constant true
      %parallel_loop3A_325 = vector.broadcast %parallel_loop3A_324 : i1 to vector<16xi1>
      %parallel_loop3A_326 = tpu.scan <sum>, %parallel_loop3A_323 masked %parallel_loop3A_325 : vector<16xf32>, vector<16xi1> -> vector<16xf32>
      %parallel_loop3A_327 = vector.extract %parallel_loop3A_326[15] : f32 from vector<16xf32>
      %parallel_loop3A_328 = vector.broadcast %parallel_loop3A_327 : f32 to vector<16xf32>
      %parallel_loop3A_329 = arith.addf %parallel_loop3A_328, %gather3A_39 : vector<16xf32>
      %parallel_loop3A_330 = arith.mulf %parallel_loop3A_261, %gather3A : vector<16xf32>
      %parallel_loop3A_331 = arith.mulf %parallel_loop3A_264, %gather3A_12 : vector<16xf32>
      %parallel_loop3A_332 = arith.addf %parallel_loop3A_330, %parallel_loop3A_331 : vector<16xf32>
      %parallel_loop3A_333 = arith.mulf %parallel_loop3A_285, %gather3A_30 : vector<16xf32>
      %parallel_loop3A_334 = arith.addf %parallel_loop3A_332, %parallel_loop3A_333 : vector<16xf32>
      %parallel_loop3A_335 = arith.mulf %parallel_loop3A_288, %gather3A_36 : vector<16xf32>
      %parallel_loop3A_336 = arith.addf %parallel_loop3A_334, %parallel_loop3A_335 : vector<16xf32>
      %parallel_loop3A_337 = arith.constant true
      %parallel_loop3A_338 = vector.broadcast %parallel_loop3A_337 : i1 to vector<16xi1>
      %parallel_loop3A_339 = tpu.scan <sum>, %parallel_loop3A_336 masked %parallel_loop3A_338 : vector<16xf32>, vector<16xi1> -> vector<16xf32>
      %parallel_loop3A_340 = vector.extract %parallel_loop3A_339[15] : f32 from vector<16xf32>
      %parallel_loop3A_341 = vector.broadcast %parallel_loop3A_340 : f32 to vector<16xf32>
      %parallel_loop3A_342 = arith.addf %broadcast_in_dim3A_41, %parallel_loop3A_341 : vector<16xf32>
      %parallel_loop3A_343 = arith.addf %parallel_loop3A_342, %parallel_loop3A_329 : vector<16xf32>
      %parallel_loop3A_344 = arith.constant 0.000000e+00 : f32
      %parallel_loop3A_345 = vector.broadcast %parallel_loop3A_344 : f32 to vector<16xf32>
      %parallel_loop3A_346 = arith.maximumf %parallel_loop3A_343, %parallel_loop3A_345 : vector<16xf32>
      %parallel_loop3A_347 = arith.mulf %parallel_loop3A_267, %gather3A : vector<16xf32>
      %parallel_loop3A_348 = arith.mulf %parallel_loop3A_270, %gather3A_12 : vector<16xf32>
      %parallel_loop3A_349 = arith.addf %parallel_loop3A_347, %parallel_loop3A_348 : vector<16xf32>
      %parallel_loop3A_350 = arith.mulf %parallel_loop3A_291, %gather3A_30 : vector<16xf32>
      %parallel_loop3A_351 = arith.addf %parallel_loop3A_349, %parallel_loop3A_350 : vector<16xf32>
      %parallel_loop3A_352 = arith.mulf %parallel_loop3A_294, %gather3A_36 : vector<16xf32>
      %parallel_loop3A_353 = arith.addf %parallel_loop3A_351, %parallel_loop3A_352 : vector<16xf32>
      %parallel_loop3A_354 = arith.constant true
      %parallel_loop3A_355 = vector.broadcast %parallel_loop3A_354 : i1 to vector<16xi1>
      %parallel_loop3A_356 = tpu.scan <sum>, %parallel_loop3A_353 masked %parallel_loop3A_355 : vector<16xf32>, vector<16xi1> -> vector<16xf32>
      %parallel_loop3A_357 = vector.extract %parallel_loop3A_356[15] : f32 from vector<16xf32>
      %parallel_loop3A_358 = vector.broadcast %parallel_loop3A_357 : f32 to vector<16xf32>
      %parallel_loop3A_359 = arith.addf %broadcast_in_dim3A_41, %parallel_loop3A_358 : vector<16xf32>
      %parallel_loop3A_360 = arith.addf %parallel_loop3A_359, %parallel_loop3A_329 : vector<16xf32>
      %parallel_loop3A_361 = arith.constant 0.000000e+00 : f32
      %parallel_loop3A_362 = vector.broadcast %parallel_loop3A_361 : f32 to vector<16xf32>
      %parallel_loop3A_363 = arith.maximumf %parallel_loop3A_360, %parallel_loop3A_362 : vector<16xf32>
      %parallel_loop3A_364 = arith.mulf %parallel_loop3A_273, %gather3A : vector<16xf32>
      %parallel_loop3A_365 = arith.mulf %parallel_loop3A_276, %gather3A_12 : vector<16xf32>
      %parallel_loop3A_366 = arith.addf %parallel_loop3A_364, %parallel_loop3A_365 : vector<16xf32>
      %parallel_loop3A_367 = arith.mulf %parallel_loop3A_297, %gather3A_30 : vector<16xf32>
      %parallel_loop3A_368 = arith.addf %parallel_loop3A_366, %parallel_loop3A_367 : vector<16xf32>
      %parallel_loop3A_369 = arith.mulf %parallel_loop3A_300, %gather3A_36 : vector<16xf32>
      %parallel_loop3A_370 = arith.addf %parallel_loop3A_368, %parallel_loop3A_369 : vector<16xf32>
      %parallel_loop3A_371 = arith.constant true
      %parallel_loop3A_372 = vector.broadcast %parallel_loop3A_371 : i1 to vector<16xi1>
      %parallel_loop3A_373 = tpu.scan <sum>, %parallel_loop3A_370 masked %parallel_loop3A_372 : vector<16xf32>, vector<16xi1> -> vector<16xf32>
      %parallel_loop3A_374 = vector.extract %parallel_loop3A_373[15] : f32 from vector<16xf32>
      %parallel_loop3A_375 = vector.broadcast %parallel_loop3A_374 : f32 to vector<16xf32>
      %parallel_loop3A_376 = arith.addf %broadcast_in_dim3A_41, %parallel_loop3A_375 : vector<16xf32>
      %parallel_loop3A_377 = arith.addf %parallel_loop3A_376, %parallel_loop3A_329 : vector<16xf32>
      %parallel_loop3A_378 = arith.constant 0.000000e+00 : f32
      %parallel_loop3A_379 = vector.broadcast %parallel_loop3A_378 : f32 to vector<16xf32>
      %parallel_loop3A_380 = arith.maximumf %parallel_loop3A_377, %parallel_loop3A_379 : vector<16xf32>
      %parallel_loop3A_381 = arith.mulf %parallel_loop3A_279, %gather3A : vector<16xf32>
      %parallel_loop3A_382 = arith.mulf %parallel_loop3A_282, %gather3A_12 : vector<16xf32>
      %parallel_loop3A_383 = arith.addf %parallel_loop3A_381, %parallel_loop3A_382 : vector<16xf32>
      %parallel_loop3A_384 = arith.mulf %parallel_loop3A_303, %gather3A_30 : vector<16xf32>
      %parallel_loop3A_385 = arith.addf %parallel_loop3A_383, %parallel_loop3A_384 : vector<16xf32>
      %parallel_loop3A_386 = arith.mulf %parallel_loop3A_306, %gather3A_36 : vector<16xf32>
      %parallel_loop3A_387 = arith.addf %parallel_loop3A_385, %parallel_loop3A_386 : vector<16xf32>
      %parallel_loop3A_388 = arith.constant true
      %parallel_loop3A_389 = vector.broadcast %parallel_loop3A_388 : i1 to vector<16xi1>
      %parallel_loop3A_390 = tpu.scan <sum>, %parallel_loop3A_387 masked %parallel_loop3A_389 : vector<16xf32>, vector<16xi1> -> vector<16xf32>
      %parallel_loop3A_391 = vector.extract %parallel_loop3A_390[15] : f32 from vector<16xf32>
      %parallel_loop3A_392 = vector.broadcast %parallel_loop3A_391 : f32 to vector<16xf32>
      %parallel_loop3A_393 = arith.addf %broadcast_in_dim3A_41, %parallel_loop3A_392 : vector<16xf32>
      %parallel_loop3A_394 = arith.addf %parallel_loop3A_393, %parallel_loop3A_329 : vector<16xf32>
      %parallel_loop3A_395 = arith.constant 0.000000e+00 : f32
      %parallel_loop3A_396 = vector.broadcast %parallel_loop3A_395 : f32 to vector<16xf32>
      %parallel_loop3A_397 = arith.maximumf %parallel_loop3A_394, %parallel_loop3A_396 : vector<16xf32>
      %parallel_loop3A_398 = arith.maximumf %parallel_loop3A_346, %parallel_loop3A_363 : vector<16xf32>
      %parallel_loop3A_399 = arith.maximumf %parallel_loop3A_380, %parallel_loop3A_397 : vector<16xf32>
      %parallel_loop3A_400 = arith.maximumf %parallel_loop3A_398, %parallel_loop3A_399 : vector<16xf32>
      %parallel_loop3A_401 = arith.subf %parallel_loop3A_346, %parallel_loop3A_400 : vector<16xf32>
      %parallel_loop3A_402 = math.exp %parallel_loop3A_401 : vector<16xf32>
      %parallel_loop3A_403 = arith.subf %parallel_loop3A_363, %parallel_loop3A_400 : vector<16xf32>
      %parallel_loop3A_404 = math.exp %parallel_loop3A_403 : vector<16xf32>
      %parallel_loop3A_405 = arith.subf %parallel_loop3A_380, %parallel_loop3A_400 : vector<16xf32>
      %parallel_loop3A_406 = math.exp %parallel_loop3A_405 : vector<16xf32>
      %parallel_loop3A_407 = arith.subf %parallel_loop3A_397, %parallel_loop3A_400 : vector<16xf32>
      %parallel_loop3A_408 = math.exp %parallel_loop3A_407 : vector<16xf32>
      %parallel_loop3A_409 = arith.addf %parallel_loop3A_402, %parallel_loop3A_404 : vector<16xf32>
      %parallel_loop3A_410 = arith.addf %parallel_loop3A_409, %parallel_loop3A_406 : vector<16xf32>
      %parallel_loop3A_411 = arith.addf %parallel_loop3A_410, %parallel_loop3A_408 : vector<16xf32>
      %parallel_loop3A_412 = arith.constant 1.000000e+00 : f32
      %parallel_loop3A_413 = vector.broadcast %parallel_loop3A_412 : f32 to vector<16xf32>
      %parallel_loop3A_414 = arith.divf %parallel_loop3A_413, %parallel_loop3A_411 : vector<16xf32>
      %parallel_loop3A_415 = arith.mulf %parallel_loop3A_402, %parallel_loop3A_414 : vector<16xf32>
      %parallel_loop3A_416 = arith.mulf %parallel_loop3A_404, %parallel_loop3A_414 : vector<16xf32>
      %parallel_loop3A_417 = arith.mulf %parallel_loop3A_406, %parallel_loop3A_414 : vector<16xf32>
      %parallel_loop3A_418 = arith.mulf %parallel_loop3A_408, %parallel_loop3A_414 : vector<16xf32>
      %parallel_loop3A_419 = arith.mulf %parallel_loop3A_415, %parallel_loop3A_313 : vector<16xf32>
      %parallel_loop3A_420 = arith.addf %parallel_loop3A_309, %parallel_loop3A_419 : vector<16xf32>
      %parallel_loop3A_421 = arith.mulf %parallel_loop3A_416, %parallel_loop3A_315 : vector<16xf32>
      %parallel_loop3A_422 = arith.addf %parallel_loop3A_420, %parallel_loop3A_421 : vector<16xf32>
      %parallel_loop3A_423 = arith.mulf %parallel_loop3A_417, %parallel_loop3A_317 : vector<16xf32>
      %parallel_loop3A_424 = arith.addf %parallel_loop3A_422, %parallel_loop3A_423 : vector<16xf32>
      %parallel_loop3A_425 = arith.mulf %parallel_loop3A_418, %parallel_loop3A_319 : vector<16xf32>
      %parallel_loop3A_426 = arith.addf %parallel_loop3A_424, %parallel_loop3A_425 : vector<16xf32>
      %parallel_loop3A_427 = arith.mulf %parallel_loop3A_415, %parallel_loop3A_314 : vector<16xf32>
      %parallel_loop3A_428 = arith.addf %parallel_loop3A_312, %parallel_loop3A_427 : vector<16xf32>
      %parallel_loop3A_429 = arith.mulf %parallel_loop3A_416, %parallel_loop3A_316 : vector<16xf32>
      %parallel_loop3A_430 = arith.addf %parallel_loop3A_428, %parallel_loop3A_429 : vector<16xf32>
      %parallel_loop3A_431 = arith.mulf %parallel_loop3A_417, %parallel_loop3A_318 : vector<16xf32>
      %parallel_loop3A_432 = arith.addf %parallel_loop3A_430, %parallel_loop3A_431 : vector<16xf32>
      %parallel_loop3A_433 = arith.mulf %parallel_loop3A_418, %parallel_loop3A_320 : vector<16xf32>
      %parallel_loop3A_434 = arith.addf %parallel_loop3A_432, %parallel_loop3A_433 : vector<16xf32>
      %parallel_loop3A_435 = math.absf %parallel_loop3A_426 : vector<16xf32>
      %parallel_loop3A_436 = math.absf %parallel_loop3A_434 : vector<16xf32>
      %parallel_loop3A_437 = arith.addf %parallel_loop3A_435, %parallel_loop3A_436 : vector<16xf32>
      %parallel_loop3A_438 = arith.constant true
      %parallel_loop3A_439 = vector.broadcast %parallel_loop3A_438 : i1 to vector<16xi1>
      %parallel_loop3A_440 = tpu.scan <sum>, %parallel_loop3A_437 masked %parallel_loop3A_439 : vector<16xf32>, vector<16xi1> -> vector<16xf32>
      %parallel_loop3A_441 = arith.constant 0 : i32
      %parallel_loop3A_442 = arith.addi %parallel_loop3A_441, %parallel_loop3A_258 : i32
      %parallel_loop3A_443 = vector.broadcast %parallel_loop3A_442 : i32 to vector<16xi32>
      tpu.vector_store_idx %arg25[%parallel_loop3A_443], %parallel_loop3A_440 masked %eq3A_43 : memref<512xf32, #tpu.memory_space<vmem>>[vector<16xi32>], vector<16xf32>, vector<16xi1>
      %parallel_loop3A_444 = arith.constant 0 : i32
      %parallel_loop3A_445 = arith.addi %parallel_loop3A_444, %parallel_loop3A_442 : i32
      %parallel_loop3A_446 = vector.broadcast %parallel_loop3A_445 : i32 to vector<16xi32>
      tpu.vector_store_idx %arg26[%parallel_loop3A_446], %parallel_loop3A_415 masked %eq3A_46 : memref<2048xf32, #tpu.memory_space<vmem>>[vector<16xi32>], vector<16xf32>, vector<16xi1>
      %parallel_loop3A_447 = arith.constant 512 : i32
      %parallel_loop3A_448 = arith.addi %parallel_loop3A_447, %parallel_loop3A_442 : i32
      %parallel_loop3A_449 = vector.broadcast %parallel_loop3A_448 : i32 to vector<16xi32>
      tpu.vector_store_idx %arg26[%parallel_loop3A_449], %parallel_loop3A_416 masked %eq3A_46 : memref<2048xf32, #tpu.memory_space<vmem>>[vector<16xi32>], vector<16xf32>, vector<16xi1>
      %parallel_loop3A_450 = arith.constant 1024 : i32
      %parallel_loop3A_451 = arith.addi %parallel_loop3A_450, %parallel_loop3A_442 : i32
      %parallel_loop3A_452 = vector.broadcast %parallel_loop3A_451 : i32 to vector<16xi32>
      tpu.vector_store_idx %arg26[%parallel_loop3A_452], %parallel_loop3A_417 masked %eq3A_46 : memref<2048xf32, #tpu.memory_space<vmem>>[vector<16xi32>], vector<16xf32>, vector<16xi1>
      %parallel_loop3A_453 = arith.constant 1536 : i32
      %parallel_loop3A_454 = arith.addi %parallel_loop3A_453, %parallel_loop3A_442 : i32
      %parallel_loop3A_455 = vector.broadcast %parallel_loop3A_454 : i32 to vector<16xi32>
      tpu.vector_store_idx %arg26[%parallel_loop3A_455], %parallel_loop3A_418 masked %eq3A_46 : memref<2048xf32, #tpu.memory_space<vmem>>[vector<16xi32>], vector<16xf32>, vector<16xi1>
    } {sc.loop_unroll_factor = 2 : i64, sc.parallel_access}
    %dma_wait3A_161 = arith.constant 128 : i32
    %dma_wait3A_162 = tpu.memref_slice %arg16[%dma_wait3A_161] : memref<512xi32, #tpu.memory_space<vmem>> -> memref<128xi32, #tpu.memory_space<vmem>>
    %dma_wait3A_163 = arith.constant 0 : i32
    %dma_wait3A_164 = arith.constant 0 : i32
    %dma_wait3A_165 = tpu.memref_slice %arg5[%dma_wait3A_163, %dma_wait3A_164] : memref<100000x128xf32, #tpu.memory_space<hbm>> -> memref<100000x128xf32, #tpu.memory_space<hbm>>
    tpu.wait_indirect_dma semaphore(%arg31 : memref<!tpu.dma_semaphore, #tpu.memory_space<semaphore_mem>>) src(%dma_wait3A_165 : memref<100000x128xf32, #tpu.memory_space<hbm>>) dst(%arg20 : memref<128x128xf32, #tpu.memory_space<vmem>>)
    %dma_wait3A_166 = arith.constant 128 : i32
    %dma_wait3A_167 = tpu.memref_slice %arg18[%dma_wait3A_166] : memref<512xi32, #tpu.memory_space<vmem>> -> memref<128xi32, #tpu.memory_space<vmem>>
    %dma_wait3A_168 = arith.constant 0 : i32
    %dma_wait3A_169 = arith.constant 0 : i32
    %dma_wait3A_170 = tpu.memref_slice %arg5[%dma_wait3A_168, %dma_wait3A_169] : memref<100000x128xf32, #tpu.memory_space<hbm>> -> memref<100000x128xf32, #tpu.memory_space<hbm>>
    tpu.wait_indirect_dma semaphore(%arg33 : memref<!tpu.dma_semaphore, #tpu.memory_space<semaphore_mem>>) src(%dma_wait3A_170 : memref<100000x128xf32, #tpu.memory_space<hbm>>) dst(%arg22 : memref<128x128xf32, #tpu.memory_space<vmem>>)
    %dma_wait3A_171 = arith.constant 0 : i32
    %dma_wait3A_172 = arith.constant 0 : i32
    %dma_wait3A_173 = tpu.memref_slice %arg6[%dma_wait3A_171, %dma_wait3A_172] : memref<100000x32xf32, #tpu.memory_space<hbm>> -> memref<128x32xf32, #tpu.memory_space<hbm>>
    %dma_wait3A_174 = arith.constant 0 : i32
    %dma_wait3A_175 = arith.constant 0 : i32
    %dma_wait3A_176 = tpu.memref_slice %arg6[%dma_wait3A_174, %dma_wait3A_175] : memref<100000x32xf32, #tpu.memory_space<hbm>> -> memref<128x32xf32, #tpu.memory_space<hbm>>
    tpu.wait_dma2 semaphore(%arg35 : memref<!tpu.dma_semaphore, #tpu.memory_space<semaphore_mem>>) src(%dma_wait3A_176 : memref<128x32xf32, #tpu.memory_space<hbm>>) dst(%arg24 : memref<128x32xf32, #tpu.memory_space<vmem>>)
    %dma_start3A_177 = arith.constant 256 : i32
    %dma_start3A_178 = tpu.memref_slice %arg16[%dma_start3A_177] : memref<512xi32, #tpu.memory_space<vmem>> -> memref<128xi32, #tpu.memory_space<vmem>>
    %dma_start3A_179 = arith.constant 0 : i32
    %dma_start3A_180 = arith.constant 0 : i32
    %dma_start3A_181 = tpu.memref_slice %arg5[%dma_start3A_179, %dma_start3A_180] : memref<100000x128xf32, #tpu.memory_space<hbm>> -> memref<100000x128xf32, #tpu.memory_space<hbm>>
    tpu.enqueue_indirect_dma source(%dma_start3A_181 : memref<100000x128xf32, #tpu.memory_space<hbm>>) target(%arg19 : memref<128x128xf32, #tpu.memory_space<vmem>>) offsets(%dma_start3A_178 : memref<128xi32, #tpu.memory_space<vmem>>) semaphore(%arg30 : memref<!tpu.dma_semaphore, #tpu.memory_space<semaphore_mem>>)
    %dma_start3A_182 = arith.constant 256 : i32
    %dma_start3A_183 = tpu.memref_slice %arg18[%dma_start3A_182] : memref<512xi32, #tpu.memory_space<vmem>> -> memref<128xi32, #tpu.memory_space<vmem>>
    %dma_start3A_184 = arith.constant 0 : i32
    %dma_start3A_185 = arith.constant 0 : i32
    %dma_start3A_186 = tpu.memref_slice %arg5[%dma_start3A_184, %dma_start3A_185] : memref<100000x128xf32, #tpu.memory_space<hbm>> -> memref<100000x128xf32, #tpu.memory_space<hbm>>
    tpu.enqueue_indirect_dma source(%dma_start3A_186 : memref<100000x128xf32, #tpu.memory_space<hbm>>) target(%arg21 : memref<128x128xf32, #tpu.memory_space<vmem>>) offsets(%dma_start3A_183 : memref<128xi32, #tpu.memory_space<vmem>>) semaphore(%arg32 : memref<!tpu.dma_semaphore, #tpu.memory_space<semaphore_mem>>)
    %scan3A_187 = arith.constant 0 : i32
    %scan3A_188 = arith.constant 0 : i32
    %scan3A_189 = arith.constant 8 : i32
    %scan3A_190 = arith.addi %scan3A_188, %scan3A_189 : i32
    %scan3A_191 = arith.constant 1 : i32
    %scan3A_192 = scf.for %scan3A_258 = %scan3A_188 to %scan3A_190 step %scan3A_191 iter_args(%scan3A_259 = %scan3A_187) -> (i32)  : i32 {
      %mul3A_260 = arith.constant 16 : i32
      %mul3A_261 = arith.muli %scan3A_258, %mul3A_260 : i32
      %add3A_262 = arith.constant 256 : i32
      %add3A_263 = arith.addi %add3A_262, %mul3A_261 : i32
      %get3A = arith.index_cast %add3A_263 : i32 to index
      %get3A_264 = tpu.vector_load %arg17[%get3A] {strides = array<i32>} : memref<512xi32, #tpu.memory_space<vmem>>, vector<16xi32>,
      %slice3A = vector.extract_strided_slice %get3A_264 {offsets = [0], sizes = [1], strides = [1]} : vector<16xi32> to vector<1xi32>
      %squeeze3A = vector.extract %slice3A[0] : i32 from vector<1xi32>
      %mul3A_265 = arith.constant 16 : i32
      %mul3A_266 = arith.muli %scan3A_258, %mul3A_265 : i32
      %add3A_267 = arith.constant 0 : i32
      %add3A_268 = arith.addi %mul3A_266, %add3A_267 : i32
      %dma_start3A_269 = arith.constant 0 : i32
      %dma_start3A_270 = tpu.memref_slice %arg23[%add3A_268, %dma_start3A_269] : memref<128x32xf32, #tpu.memory_space<vmem>> -> memref<1x32xf32, #tpu.memory_space<vmem>>
      %dma_start3A_271 = tpu.memref_squeeze %dma_start3A_270 : memref<1x32xf32, #tpu.memory_space<vmem>> -> memref<32xf32, #tpu.memory_space<vmem>>
      %dma_start3A_272 = arith.constant 0 : i32
      %dma_start3A_273 = tpu.memref_slice %arg6[%squeeze3A, %dma_start3A_272] : memref<100000x32xf32, #tpu.memory_space<hbm>> -> memref<1x32xf32, #tpu.memory_space<hbm>>
      %dma_start3A_274 = tpu.memref_squeeze %dma_start3A_273 : memref<1x32xf32, #tpu.memory_space<hbm>> -> memref<32xf32, #tpu.memory_space<hbm>>
      %dma_start3A_275 = arith.constant 0 : i32
      %dma_start3A_276 = tpu.memref_slice %arg23[%add3A_268, %dma_start3A_275] : memref<128x32xf32, #tpu.memory_space<vmem>> -> memref<1x32xf32, #tpu.memory_space<vmem>>
      %dma_start3A_277 = tpu.memref_squeeze %dma_start3A_276 : memref<1x32xf32, #tpu.memory_space<vmem>> -> memref<32xf32, #tpu.memory_space<vmem>>
      %dma_start3A_278 = arith.constant 0 : i32
      %dma_start3A_279 = tpu.memref_slice %arg6[%squeeze3A, %dma_start3A_278] : memref<100000x32xf32, #tpu.memory_space<hbm>> -> memref<1x32xf32, #tpu.memory_space<hbm>>
      %dma_start3A_280 = tpu.memref_squeeze %dma_start3A_279 : memref<1x32xf32, #tpu.memory_space<hbm>> -> memref<32xf32, #tpu.memory_space<hbm>>
      tpu.enqueue_dma source(%dma_start3A_280 : memref<32xf32, #tpu.memory_space<hbm>>) target(%dma_start3A_277 : memref<32xf32, #tpu.memory_space<vmem>>) target_semaphore(%arg34 : memref<!tpu.dma_semaphore, #tpu.memory_space<semaphore_mem>>)
      %slice3A_281 = vector.extract_strided_slice %get3A_264 {offsets = [1], sizes = [1], strides = [1]} : vector<16xi32> to vector<1xi32>
      %squeeze3A_282 = vector.extract %slice3A_281[0] : i32 from vector<1xi32>
      %mul3A_283 = arith.constant 16 : i32
      %mul3A_284 = arith.muli %scan3A_258, %mul3A_283 : i32
      %add3A_285 = arith.constant 1 : i32
      %add3A_286 = arith.addi %mul3A_284, %add3A_285 : i32
      %dma_start3A_287 = arith.constant 0 : i32
      %dma_start3A_288 = tpu.memref_slice %arg23[%add3A_286, %dma_start3A_287] : memref<128x32xf32, #tpu.memory_space<vmem>> -> memref<1x32xf32, #tpu.memory_space<vmem>>
      %dma_start3A_289 = tpu.memref_squeeze %dma_start3A_288 : memref<1x32xf32, #tpu.memory_space<vmem>> -> memref<32xf32, #tpu.memory_space<vmem>>
      %dma_start3A_290 = arith.constant 0 : i32
      %dma_start3A_291 = tpu.memref_slice %arg6[%squeeze3A_282, %dma_start3A_290] : memref<100000x32xf32, #tpu.memory_space<hbm>> -> memref<1x32xf32, #tpu.memory_space<hbm>>
      %dma_start3A_292 = tpu.memref_squeeze %dma_start3A_291 : memref<1x32xf32, #tpu.memory_space<hbm>> -> memref<32xf32, #tpu.memory_space<hbm>>
      %dma_start3A_293 = arith.constant 0 : i32
      %dma_start3A_294 = tpu.memref_slice %arg23[%add3A_286, %dma_start3A_293] : memref<128x32xf32, #tpu.memory_space<vmem>> -> memref<1x32xf32, #tpu.memory_space<vmem>>
      %dma_start3A_295 = tpu.memref_squeeze %dma_start3A_294 : memref<1x32xf32, #tpu.memory_space<vmem>> -> memref<32xf32, #tpu.memory_space<vmem>>
      %dma_start3A_296 = arith.constant 0 : i32
      %dma_start3A_297 = tpu.memref_slice %arg6[%squeeze3A_282, %dma_start3A_296] : memref<100000x32xf32, #tpu.memory_space<hbm>> -> memref<1x32xf32, #tpu.memory_space<hbm>>
      %dma_start3A_298 = tpu.memref_squeeze %dma_start3A_297 : memref<1x32xf32, #tpu.memory_space<hbm>> -> memref<32xf32, #tpu.memory_space<hbm>>
      tpu.enqueue_dma source(%dma_start3A_298 : memref<32xf32, #tpu.memory_space<hbm>>) target(%dma_start3A_295 : memref<32xf32, #tpu.memory_space<vmem>>) target_semaphore(%arg34 : memref<!tpu.dma_semaphore, #tpu.memory_space<semaphore_mem>>)
      %slice3A_299 = vector.extract_strided_slice %get3A_264 {offsets = [2], sizes = [1], strides = [1]} : vector<16xi32> to vector<1xi32>
      %squeeze3A_300 = vector.extract %slice3A_299[0] : i32 from vector<1xi32>
      %mul3A_301 = arith.constant 16 : i32
      %mul3A_302 = arith.muli %scan3A_258, %mul3A_301 : i32
      %add3A_303 = arith.constant 2 : i32
      %add3A_304 = arith.addi %mul3A_302, %add3A_303 : i32
      %dma_start3A_305 = arith.constant 0 : i32
      %dma_start3A_306 = tpu.memref_slice %arg23[%add3A_304, %dma_start3A_305] : memref<128x32xf32, #tpu.memory_space<vmem>> -> memref<1x32xf32, #tpu.memory_space<vmem>>
      %dma_start3A_307 = tpu.memref_squeeze %dma_start3A_306 : memref<1x32xf32, #tpu.memory_space<vmem>> -> memref<32xf32, #tpu.memory_space<vmem>>
      %dma_start3A_308 = arith.constant 0 : i32
      %dma_start3A_309 = tpu.memref_slice %arg6[%squeeze3A_300, %dma_start3A_308] : memref<100000x32xf32, #tpu.memory_space<hbm>> -> memref<1x32xf32, #tpu.memory_space<hbm>>
      %dma_start3A_310 = tpu.memref_squeeze %dma_start3A_309 : memref<1x32xf32, #tpu.memory_space<hbm>> -> memref<32xf32, #tpu.memory_space<hbm>>
      %dma_start3A_311 = arith.constant 0 : i32
      %dma_start3A_312 = tpu.memref_slice %arg23[%add3A_304, %dma_start3A_311] : memref<128x32xf32, #tpu.memory_space<vmem>> -> memref<1x32xf32, #tpu.memory_space<vmem>>
      %dma_start3A_313 = tpu.memref_squeeze %dma_start3A_312 : memref<1x32xf32, #tpu.memory_space<vmem>> -> memref<32xf32, #tpu.memory_space<vmem>>
      %dma_start3A_314 = arith.constant 0 : i32
      %dma_start3A_315 = tpu.memref_slice %arg6[%squeeze3A_300, %dma_start3A_314] : memref<100000x32xf32, #tpu.memory_space<hbm>> -> memref<1x32xf32, #tpu.memory_space<hbm>>
      %dma_start3A_316 = tpu.memref_squeeze %dma_start3A_315 : memref<1x32xf32, #tpu.memory_space<hbm>> -> memref<32xf32, #tpu.memory_space<hbm>>
      tpu.enqueue_dma source(%dma_start3A_316 : memref<32xf32, #tpu.memory_space<hbm>>) target(%dma_start3A_313 : memref<32xf32, #tpu.memory_space<vmem>>) target_semaphore(%arg34 : memref<!tpu.dma_semaphore, #tpu.memory_space<semaphore_mem>>)
      %slice3A_317 = vector.extract_strided_slice %get3A_264 {offsets = [3], sizes = [1], strides = [1]} : vector<16xi32> to vector<1xi32>
      %squeeze3A_318 = vector.extract %slice3A_317[0] : i32 from vector<1xi32>
      %mul3A_319 = arith.constant 16 : i32
      %mul3A_320 = arith.muli %scan3A_258, %mul3A_319 : i32
      %add3A_321 = arith.constant 3 : i32
      %add3A_322 = arith.addi %mul3A_320, %add3A_321 : i32
      %dma_start3A_323 = arith.constant 0 : i32
      %dma_start3A_324 = tpu.memref_slice %arg23[%add3A_322, %dma_start3A_323] : memref<128x32xf32, #tpu.memory_space<vmem>> -> memref<1x32xf32, #tpu.memory_space<vmem>>
      %dma_start3A_325 = tpu.memref_squeeze %dma_start3A_324 : memref<1x32xf32, #tpu.memory_space<vmem>> -> memref<32xf32, #tpu.memory_space<vmem>>
      %dma_start3A_326 = arith.constant 0 : i32
      %dma_start3A_327 = tpu.memref_slice %arg6[%squeeze3A_318, %dma_start3A_326] : memref<100000x32xf32, #tpu.memory_space<hbm>> -> memref<1x32xf32, #tpu.memory_space<hbm>>
      %dma_start3A_328 = tpu.memref_squeeze %dma_start3A_327 : memref<1x32xf32, #tpu.memory_space<hbm>> -> memref<32xf32, #tpu.memory_space<hbm>>
      %dma_start3A_329 = arith.constant 0 : i32
      %dma_start3A_330 = tpu.memref_slice %arg23[%add3A_322, %dma_start3A_329] : memref<128x32xf32, #tpu.memory_space<vmem>> -> memref<1x32xf32, #tpu.memory_space<vmem>>
      %dma_start3A_331 = tpu.memref_squeeze %dma_start3A_330 : memref<1x32xf32, #tpu.memory_space<vmem>> -> memref<32xf32, #tpu.memory_space<vmem>>
      %dma_start3A_332 = arith.constant 0 : i32
      %dma_start3A_333 = tpu.memref_slice %arg6[%squeeze3A_318, %dma_start3A_332] : memref<100000x32xf32, #tpu.memory_space<hbm>> -> memref<1x32xf32, #tpu.memory_space<hbm>>
      %dma_start3A_334 = tpu.memref_squeeze %dma_start3A_333 : memref<1x32xf32, #tpu.memory_space<hbm>> -> memref<32xf32, #tpu.memory_space<hbm>>
      tpu.enqueue_dma source(%dma_start3A_334 : memref<32xf32, #tpu.memory_space<hbm>>) target(%dma_start3A_331 : memref<32xf32, #tpu.memory_space<vmem>>) target_semaphore(%arg34 : memref<!tpu.dma_semaphore, #tpu.memory_space<semaphore_mem>>)
      %slice3A_335 = vector.extract_strided_slice %get3A_264 {offsets = [4], sizes = [1], strides = [1]} : vector<16xi32> to vector<1xi32>
      %squeeze3A_336 = vector.extract %slice3A_335[0] : i32 from vector<1xi32>
      %mul3A_337 = arith.constant 16 : i32
      %mul3A_338 = arith.muli %scan3A_258, %mul3A_337 : i32
      %add3A_339 = arith.constant 4 : i32
      %add3A_340 = arith.addi %mul3A_338, %add3A_339 : i32
      %dma_start3A_341 = arith.constant 0 : i32
      %dma_start3A_342 = tpu.memref_slice %arg23[%add3A_340, %dma_start3A_341] : memref<128x32xf32, #tpu.memory_space<vmem>> -> memref<1x32xf32, #tpu.memory_space<vmem>>
      %dma_start3A_343 = tpu.memref_squeeze %dma_start3A_342 : memref<1x32xf32, #tpu.memory_space<vmem>> -> memref<32xf32, #tpu.memory_space<vmem>>
      %dma_start3A_344 = arith.constant 0 : i32
      %dma_start3A_345 = tpu.memref_slice %arg6[%squeeze3A_336, %dma_start3A_344] : memref<100000x32xf32, #tpu.memory_space<hbm>> -> memref<1x32xf32, #tpu.memory_space<hbm>>
      %dma_start3A_346 = tpu.memref_squeeze %dma_start3A_345 : memref<1x32xf32, #tpu.memory_space<hbm>> -> memref<32xf32, #tpu.memory_space<hbm>>
      %dma_start3A_347 = arith.constant 0 : i32
      %dma_start3A_348 = tpu.memref_slice %arg23[%add3A_340, %dma_start3A_347] : memref<128x32xf32, #tpu.memory_space<vmem>> -> memref<1x32xf32, #tpu.memory_space<vmem>>
      %dma_start3A_349 = tpu.memref_squeeze %dma_start3A_348 : memref<1x32xf32, #tpu.memory_space<vmem>> -> memref<32xf32, #tpu.memory_space<vmem>>
      %dma_start3A_350 = arith.constant 0 : i32
      %dma_start3A_351 = tpu.memref_slice %arg6[%squeeze3A_336, %dma_start3A_350] : memref<100000x32xf32, #tpu.memory_space<hbm>> -> memref<1x32xf32, #tpu.memory_space<hbm>>
      %dma_start3A_352 = tpu.memref_squeeze %dma_start3A_351 : memref<1x32xf32, #tpu.memory_space<hbm>> -> memref<32xf32, #tpu.memory_space<hbm>>
      tpu.enqueue_dma source(%dma_start3A_352 : memref<32xf32, #tpu.memory_space<hbm>>) target(%dma_start3A_349 : memref<32xf32, #tpu.memory_space<vmem>>) target_semaphore(%arg34 : memref<!tpu.dma_semaphore, #tpu.memory_space<semaphore_mem>>)
      %slice3A_353 = vector.extract_strided_slice %get3A_264 {offsets = [5], sizes = [1], strides = [1]} : vector<16xi32> to vector<1xi32>
      %squeeze3A_354 = vector.extract %slice3A_353[0] : i32 from vector<1xi32>
      %mul3A_355 = arith.constant 16 : i32
      %mul3A_356 = arith.muli %scan3A_258, %mul3A_355 : i32
      %add3A_357 = arith.constant 5 : i32
      %add3A_358 = arith.addi %mul3A_356, %add3A_357 : i32
      %dma_start3A_359 = arith.constant 0 : i32
      %dma_start3A_360 = tpu.memref_slice %arg23[%add3A_358, %dma_start3A_359] : memref<128x32xf32, #tpu.memory_space<vmem>> -> memref<1x32xf32, #tpu.memory_space<vmem>>
      %dma_start3A_361 = tpu.memref_squeeze %dma_start3A_360 : memref<1x32xf32, #tpu.memory_space<vmem>> -> memref<32xf32, #tpu.memory_space<vmem>>
      %dma_start3A_362 = arith.constant 0 : i32
      %dma_start3A_363 = tpu.memref_slice %arg6[%squeeze3A_354, %dma_start3A_362] : memref<100000x32xf32, #tpu.memory_space<hbm>> -> memref<1x32xf32, #tpu.memory_space<hbm>>
      %dma_start3A_364 = tpu.memref_squeeze %dma_start3A_363 : memref<1x32xf32, #tpu.memory_space<hbm>> -> memref<32xf32, #tpu.memory_space<hbm>>
      %dma_start3A_365 = arith.constant 0 : i32
      %dma_start3A_366 = tpu.memref_slice %arg23[%add3A_358, %dma_start3A_365] : memref<128x32xf32, #tpu.memory_space<vmem>> -> memref<1x32xf32, #tpu.memory_space<vmem>>
      %dma_start3A_367 = tpu.memref_squeeze %dma_start3A_366 : memref<1x32xf32, #tpu.memory_space<vmem>> -> memref<32xf32, #tpu.memory_space<vmem>>
      %dma_start3A_368 = arith.constant 0 : i32
      %dma_start3A_369 = tpu.memref_slice %arg6[%squeeze3A_354, %dma_start3A_368] : memref<100000x32xf32, #tpu.memory_space<hbm>> -> memref<1x32xf32, #tpu.memory_space<hbm>>
      %dma_start3A_370 = tpu.memref_squeeze %dma_start3A_369 : memref<1x32xf32, #tpu.memory_space<hbm>> -> memref<32xf32, #tpu.memory_space<hbm>>
      tpu.enqueue_dma source(%dma_start3A_370 : memref<32xf32, #tpu.memory_space<hbm>>) target(%dma_start3A_367 : memref<32xf32, #tpu.memory_space<vmem>>) target_semaphore(%arg34 : memref<!tpu.dma_semaphore, #tpu.memory_space<semaphore_mem>>)
      %slice3A_371 = vector.extract_strided_slice %get3A_264 {offsets = [6], sizes = [1], strides = [1]} : vector<16xi32> to vector<1xi32>
      %squeeze3A_372 = vector.extract %slice3A_371[0] : i32 from vector<1xi32>
      %mul3A_373 = arith.constant 16 : i32
      %mul3A_374 = arith.muli %scan3A_258, %mul3A_373 : i32
      %add3A_375 = arith.constant 6 : i32
      %add3A_376 = arith.addi %mul3A_374, %add3A_375 : i32
      %dma_start3A_377 = arith.constant 0 : i32
      %dma_start3A_378 = tpu.memref_slice %arg23[%add3A_376, %dma_start3A_377] : memref<128x32xf32, #tpu.memory_space<vmem>> -> memref<1x32xf32, #tpu.memory_space<vmem>>
      %dma_start3A_379 = tpu.memref_squeeze %dma_start3A_378 : memref<1x32xf32, #tpu.memory_space<vmem>> -> memref<32xf32, #tpu.memory_space<vmem>>
      %dma_start3A_380 = arith.constant 0 : i32
      %dma_start3A_381 = tpu.memref_slice %arg6[%squeeze3A_372, %dma_start3A_380] : memref<100000x32xf32, #tpu.memory_space<hbm>> -> memref<1x32xf32, #tpu.memory_space<hbm>>
      %dma_start3A_382 = tpu.memref_squeeze %dma_start3A_381 : memref<1x32xf32, #tpu.memory_space<hbm>> -> memref<32xf32, #tpu.memory_space<hbm>>
      %dma_start3A_383 = arith.constant 0 : i32
      %dma_start3A_384 = tpu.memref_slice %arg23[%add3A_376, %dma_start3A_383] : memref<128x32xf32, #tpu.memory_space<vmem>> -> memref<1x32xf32, #tpu.memory_space<vmem>>
      %dma_start3A_385 = tpu.memref_squeeze %dma_start3A_384 : memref<1x32xf32, #tpu.memory_space<vmem>> -> memref<32xf32, #tpu.memory_space<vmem>>
      %dma_start3A_386 = arith.constant 0 : i32
      %dma_start3A_387 = tpu.memref_slice %arg6[%squeeze3A_372, %dma_start3A_386] : memref<100000x32xf32, #tpu.memory_space<hbm>> -> memref<1x32xf32, #tpu.memory_space<hbm>>
      %dma_start3A_388 = tpu.memref_squeeze %dma_start3A_387 : memref<1x32xf32, #tpu.memory_space<hbm>> -> memref<32xf32, #tpu.memory_space<hbm>>
      tpu.enqueue_dma source(%dma_start3A_388 : memref<32xf32, #tpu.memory_space<hbm>>) target(%dma_start3A_385 : memref<32xf32, #tpu.memory_space<vmem>>) target_semaphore(%arg34 : memref<!tpu.dma_semaphore, #tpu.memory_space<semaphore_mem>>)
      %slice3A_389 = vector.extract_strided_slice %get3A_264 {offsets = [7], sizes = [1], strides = [1]} : vector<16xi32> to vector<1xi32>
      %squeeze3A_390 = vector.extract %slice3A_389[0] : i32 from vector<1xi32>
      %mul3A_391 = arith.constant 16 : i32
      %mul3A_392 = arith.muli %scan3A_258, %mul3A_391 : i32
      %add3A_393 = arith.constant 7 : i32
      %add3A_394 = arith.addi %mul3A_392, %add3A_393 : i32
      %dma_start3A_395 = arith.constant 0 : i32
      %dma_start3A_396 = tpu.memref_slice %arg23[%add3A_394, %dma_start3A_395] : memref<128x32xf32, #tpu.memory_space<vmem>> -> memref<1x32xf32, #tpu.memory_space<vmem>>
      %dma_start3A_397 = tpu.memref_squeeze %dma_start3A_396 : memref<1x32xf32, #tpu.memory_space<vmem>> -> memref<32xf32, #tpu.memory_space<vmem>>
      %dma_start3A_398 = arith.constant 0 : i32
      %dma_start3A_399 = tpu.memref_slice %arg6[%squeeze3A_390, %dma_start3A_398] : memref<100000x32xf32, #tpu.memory_space<hbm>> -> memref<1x32xf32, #tpu.memory_space<hbm>>
      %dma_start3A_400 = tpu.memref_squeeze %dma_start3A_399 : memref<1x32xf32, #tpu.memory_space<hbm>> -> memref<32xf32, #tpu.memory_space<hbm>>
      %dma_start3A_401 = arith.constant 0 : i32
      %dma_start3A_402 = tpu.memref_slice %arg23[%add3A_394, %dma_start3A_401] : memref<128x32xf32, #tpu.memory_space<vmem>> -> memref<1x32xf32, #tpu.memory_space<vmem>>
      %dma_start3A_403 = tpu.memref_squeeze %dma_start3A_402 : memref<1x32xf32, #tpu.memory_space<vmem>> -> memref<32xf32, #tpu.memory_space<vmem>>
      %dma_start3A_404 = arith.constant 0 : i32
      %dma_start3A_405 = tpu.memref_slice %arg6[%squeeze3A_390, %dma_start3A_404] : memref<100000x32xf32, #tpu.memory_space<hbm>> -> memref<1x32xf32, #tpu.memory_space<hbm>>
      %dma_start3A_406 = tpu.memref_squeeze %dma_start3A_405 : memref<1x32xf32, #tpu.memory_space<hbm>> -> memref<32xf32, #tpu.memory_space<hbm>>
      tpu.enqueue_dma source(%dma_start3A_406 : memref<32xf32, #tpu.memory_space<hbm>>) target(%dma_start3A_403 : memref<32xf32, #tpu.memory_space<vmem>>) target_semaphore(%arg34 : memref<!tpu.dma_semaphore, #tpu.memory_space<semaphore_mem>>)
      %slice3A_407 = vector.extract_strided_slice %get3A_264 {offsets = [8], sizes = [1], strides = [1]} : vector<16xi32> to vector<1xi32>
      %squeeze3A_408 = vector.extract %slice3A_407[0] : i32 from vector<1xi32>
      %mul3A_409 = arith.constant 16 : i32
      %mul3A_410 = arith.muli %scan3A_258, %mul3A_409 : i32
      %add3A_411 = arith.constant 8 : i32
      %add3A_412 = arith.addi %mul3A_410, %add3A_411 : i32
      %dma_start3A_413 = arith.constant 0 : i32
      %dma_start3A_414 = tpu.memref_slice %arg23[%add3A_412, %dma_start3A_413] : memref<128x32xf32, #tpu.memory_space<vmem>> -> memref<1x32xf32, #tpu.memory_space<vmem>>
      %dma_start3A_415 = tpu.memref_squeeze %dma_start3A_414 : memref<1x32xf32, #tpu.memory_space<vmem>> -> memref<32xf32, #tpu.memory_space<vmem>>
      %dma_start3A_416 = arith.constant 0 : i32
      %dma_start3A_417 = tpu.memref_slice %arg6[%squeeze3A_408, %dma_start3A_416] : memref<100000x32xf32, #tpu.memory_space<hbm>> -> memref<1x32xf32, #tpu.memory_space<hbm>>
      %dma_start3A_418 = tpu.memref_squeeze %dma_start3A_417 : memref<1x32xf32, #tpu.memory_space<hbm>> -> memref<32xf32, #tpu.memory_space<hbm>>
      %dma_start3A_419 = arith.constant 0 : i32
      %dma_start3A_420 = tpu.memref_slice %arg23[%add3A_412, %dma_start3A_419] : memref<128x32xf32, #tpu.memory_space<vmem>> -> memref<1x32xf32, #tpu.memory_space<vmem>>
      %dma_start3A_421 = tpu.memref_squeeze %dma_start3A_420 : memref<1x32xf32, #tpu.memory_space<vmem>> -> memref<32xf32, #tpu.memory_space<vmem>>
      %dma_start3A_422 = arith.constant 0 : i32
      %dma_start3A_423 = tpu.memref_slice %arg6[%squeeze3A_408, %dma_start3A_422] : memref<100000x32xf32, #tpu.memory_space<hbm>> -> memref<1x32xf32, #tpu.memory_space<hbm>>
      %dma_start3A_424 = tpu.memref_squeeze %dma_start3A_423 : memref<1x32xf32, #tpu.memory_space<hbm>> -> memref<32xf32, #tpu.memory_space<hbm>>
      tpu.enqueue_dma source(%dma_start3A_424 : memref<32xf32, #tpu.memory_space<hbm>>) target(%dma_start3A_421 : memref<32xf32, #tpu.memory_space<vmem>>) target_semaphore(%arg34 : memref<!tpu.dma_semaphore, #tpu.memory_space<semaphore_mem>>)
      %slice3A_425 = vector.extract_strided_slice %get3A_264 {offsets = [9], sizes = [1], strides = [1]} : vector<16xi32> to vector<1xi32>
      %squeeze3A_426 = vector.extract %slice3A_425[0] : i32 from vector<1xi32>
      %mul3A_427 = arith.constant 16 : i32
      %mul3A_428 = arith.muli %scan3A_258, %mul3A_427 : i32
      %add3A_429 = arith.constant 9 : i32
      %add3A_430 = arith.addi %mul3A_428, %add3A_429 : i32
      %dma_start3A_431 = arith.constant 0 : i32
      %dma_start3A_432 = tpu.memref_slice %arg23[%add3A_430, %dma_start3A_431] : memref<128x32xf32, #tpu.memory_space<vmem>> -> memref<1x32xf32, #tpu.memory_space<vmem>>
      %dma_start3A_433 = tpu.memref_squeeze %dma_start3A_432 : memref<1x32xf32, #tpu.memory_space<vmem>> -> memref<32xf32, #tpu.memory_space<vmem>>
      %dma_start3A_434 = arith.constant 0 : i32
      %dma_start3A_435 = tpu.memref_slice %arg6[%squeeze3A_426, %dma_start3A_434] : memref<100000x32xf32, #tpu.memory_space<hbm>> -> memref<1x32xf32, #tpu.memory_space<hbm>>
      %dma_start3A_436 = tpu.memref_squeeze %dma_start3A_435 : memref<1x32xf32, #tpu.memory_space<hbm>> -> memref<32xf32, #tpu.memory_space<hbm>>
      %dma_start3A_437 = arith.constant 0 : i32
      %dma_start3A_438 = tpu.memref_slice %arg23[%add3A_430, %dma_start3A_437] : memref<128x32xf32, #tpu.memory_space<vmem>> -> memref<1x32xf32, #tpu.memory_space<vmem>>
      %dma_start3A_439 = tpu.memref_squeeze %dma_start3A_438 : memref<1x32xf32, #tpu.memory_space<vmem>> -> memref<32xf32, #tpu.memory_space<vmem>>
      %dma_start3A_440 = arith.constant 0 : i32
      %dma_start3A_441 = tpu.memref_slice %arg6[%squeeze3A_426, %dma_start3A_440] : memref<100000x32xf32, #tpu.memory_space<hbm>> -> memref<1x32xf32, #tpu.memory_space<hbm>>
      %dma_start3A_442 = tpu.memref_squeeze %dma_start3A_441 : memref<1x32xf32, #tpu.memory_space<hbm>> -> memref<32xf32, #tpu.memory_space<hbm>>
      tpu.enqueue_dma source(%dma_start3A_442 : memref<32xf32, #tpu.memory_space<hbm>>) target(%dma_start3A_439 : memref<32xf32, #tpu.memory_space<vmem>>) target_semaphore(%arg34 : memref<!tpu.dma_semaphore, #tpu.memory_space<semaphore_mem>>)
      %slice3A_443 = vector.extract_strided_slice %get3A_264 {offsets = [10], sizes = [1], strides = [1]} : vector<16xi32> to vector<1xi32>
      %squeeze3A_444 = vector.extract %slice3A_443[0] : i32 from vector<1xi32>
      %mul3A_445 = arith.constant 16 : i32
      %mul3A_446 = arith.muli %scan3A_258, %mul3A_445 : i32
      %add3A_447 = arith.constant 10 : i32
      %add3A_448 = arith.addi %mul3A_446, %add3A_447 : i32
      %dma_start3A_449 = arith.constant 0 : i32
      %dma_start3A_450 = tpu.memref_slice %arg23[%add3A_448, %dma_start3A_449] : memref<128x32xf32, #tpu.memory_space<vmem>> -> memref<1x32xf32, #tpu.memory_space<vmem>>
      %dma_start3A_451 = tpu.memref_squeeze %dma_start3A_450 : memref<1x32xf32, #tpu.memory_space<vmem>> -> memref<32xf32, #tpu.memory_space<vmem>>
      %dma_start3A_452 = arith.constant 0 : i32
      %dma_start3A_453 = tpu.memref_slice %arg6[%squeeze3A_444, %dma_start3A_452] : memref<100000x32xf32, #tpu.memory_space<hbm>> -> memref<1x32xf32, #tpu.memory_space<hbm>>
      %dma_start3A_454 = tpu.memref_squeeze %dma_start3A_453 : memref<1x32xf32, #tpu.memory_space<hbm>> -> memref<32xf32, #tpu.memory_space<hbm>>
      %dma_start3A_455 = arith.constant 0 : i32
      %dma_start3A_456 = tpu.memref_slice %arg23[%add3A_448, %dma_start3A_455] : memref<128x32xf32, #tpu.memory_space<vmem>> -> memref<1x32xf32, #tpu.memory_space<vmem>>
      %dma_start3A_457 = tpu.memref_squeeze %dma_start3A_456 : memref<1x32xf32, #tpu.memory_space<vmem>> -> memref<32xf32, #tpu.memory_space<vmem>>
      %dma_start3A_458 = arith.constant 0 : i32
      %dma_start3A_459 = tpu.memref_slice %arg6[%squeeze3A_444, %dma_start3A_458] : memref<100000x32xf32, #tpu.memory_space<hbm>> -> memref<1x32xf32, #tpu.memory_space<hbm>>
      %dma_start3A_460 = tpu.memref_squeeze %dma_start3A_459 : memref<1x32xf32, #tpu.memory_space<hbm>> -> memref<32xf32, #tpu.memory_space<hbm>>
      tpu.enqueue_dma source(%dma_start3A_460 : memref<32xf32, #tpu.memory_space<hbm>>) target(%dma_start3A_457 : memref<32xf32, #tpu.memory_space<vmem>>) target_semaphore(%arg34 : memref<!tpu.dma_semaphore, #tpu.memory_space<semaphore_mem>>)
      %slice3A_461 = vector.extract_strided_slice %get3A_264 {offsets = [11], sizes = [1], strides = [1]} : vector<16xi32> to vector<1xi32>
      %squeeze3A_462 = vector.extract %slice3A_461[0] : i32 from vector<1xi32>
      %mul3A_463 = arith.constant 16 : i32
      %mul3A_464 = arith.muli %scan3A_258, %mul3A_463 : i32
      %add3A_465 = arith.constant 11 : i32
      %add3A_466 = arith.addi %mul3A_464, %add3A_465 : i32
      %dma_start3A_467 = arith.constant 0 : i32
      %dma_start3A_468 = tpu.memref_slice %arg23[%add3A_466, %dma_start3A_467] : memref<128x32xf32, #tpu.memory_space<vmem>> -> memref<1x32xf32, #tpu.memory_space<vmem>>
      %dma_start3A_469 = tpu.memref_squeeze %dma_start3A_468 : memref<1x32xf32, #tpu.memory_space<vmem>> -> memref<32xf32, #tpu.memory_space<vmem>>
      %dma_start3A_470 = arith.constant 0 : i32
      %dma_start3A_471 = tpu.memref_slice %arg6[%squeeze3A_462, %dma_start3A_470] : memref<100000x32xf32, #tpu.memory_space<hbm>> -> memref<1x32xf32, #tpu.memory_space<hbm>>
      %dma_start3A_472 = tpu.memref_squeeze %dma_start3A_471 : memref<1x32xf32, #tpu.memory_space<hbm>> -> memref<32xf32, #tpu.memory_space<hbm>>
      %dma_start3A_473 = arith.constant 0 : i32
      %dma_start3A_474 = tpu.memref_slice %arg23[%add3A_466, %dma_start3A_473] : memref<128x32xf32, #tpu.memory_space<vmem>> -> memref<1x32xf32, #tpu.memory_space<vmem>>
      %dma_start3A_475 = tpu.memref_squeeze %dma_start3A_474 : memref<1x32xf32, #tpu.memory_space<vmem>> -> memref<32xf32, #tpu.memory_space<vmem>>
      %dma_start3A_476 = arith.constant 0 : i32
      %dma_start3A_477 = tpu.memref_slice %arg6[%squeeze3A_462, %dma_start3A_476] : memref<100000x32xf32, #tpu.memory_space<hbm>> -> memref<1x32xf32, #tpu.memory_space<hbm>>
      %dma_start3A_478 = tpu.memref_squeeze %dma_start3A_477 : memref<1x32xf32, #tpu.memory_space<hbm>> -> memref<32xf32, #tpu.memory_space<hbm>>
      tpu.enqueue_dma source(%dma_start3A_478 : memref<32xf32, #tpu.memory_space<hbm>>) target(%dma_start3A_475 : memref<32xf32, #tpu.memory_space<vmem>>) target_semaphore(%arg34 : memref<!tpu.dma_semaphore, #tpu.memory_space<semaphore_mem>>)
      %slice3A_479 = vector.extract_strided_slice %get3A_264 {offsets = [12], sizes = [1], strides = [1]} : vector<16xi32> to vector<1xi32>
      %squeeze3A_480 = vector.extract %slice3A_479[0] : i32 from vector<1xi32>
      %mul3A_481 = arith.constant 16 : i32
      %mul3A_482 = arith.muli %scan3A_258, %mul3A_481 : i32
      %add3A_483 = arith.constant 12 : i32
      %add3A_484 = arith.addi %mul3A_482, %add3A_483 : i32
      %dma_start3A_485 = arith.constant 0 : i32
      %dma_start3A_486 = tpu.memref_slice %arg23[%add3A_484, %dma_start3A_485] : memref<128x32xf32, #tpu.memory_space<vmem>> -> memref<1x32xf32, #tpu.memory_space<vmem>>
      %dma_start3A_487 = tpu.memref_squeeze %dma_start3A_486 : memref<1x32xf32, #tpu.memory_space<vmem>> -> memref<32xf32, #tpu.memory_space<vmem>>
      %dma_start3A_488 = arith.constant 0 : i32
      %dma_start3A_489 = tpu.memref_slice %arg6[%squeeze3A_480, %dma_start3A_488] : memref<100000x32xf32, #tpu.memory_space<hbm>> -> memref<1x32xf32, #tpu.memory_space<hbm>>
      %dma_start3A_490 = tpu.memref_squeeze %dma_start3A_489 : memref<1x32xf32, #tpu.memory_space<hbm>> -> memref<32xf32, #tpu.memory_space<hbm>>
      %dma_start3A_491 = arith.constant 0 : i32
      %dma_start3A_492 = tpu.memref_slice %arg23[%add3A_484, %dma_start3A_491] : memref<128x32xf32, #tpu.memory_space<vmem>> -> memref<1x32xf32, #tpu.memory_space<vmem>>
      %dma_start3A_493 = tpu.memref_squeeze %dma_start3A_492 : memref<1x32xf32, #tpu.memory_space<vmem>> -> memref<32xf32, #tpu.memory_space<vmem>>
      %dma_start3A_494 = arith.constant 0 : i32
      %dma_start3A_495 = tpu.memref_slice %arg6[%squeeze3A_480, %dma_start3A_494] : memref<100000x32xf32, #tpu.memory_space<hbm>> -> memref<1x32xf32, #tpu.memory_space<hbm>>
      %dma_start3A_496 = tpu.memref_squeeze %dma_start3A_495 : memref<1x32xf32, #tpu.memory_space<hbm>> -> memref<32xf32, #tpu.memory_space<hbm>>
      tpu.enqueue_dma source(%dma_start3A_496 : memref<32xf32, #tpu.memory_space<hbm>>) target(%dma_start3A_493 : memref<32xf32, #tpu.memory_space<vmem>>) target_semaphore(%arg34 : memref<!tpu.dma_semaphore, #tpu.memory_space<semaphore_mem>>)
      %slice3A_497 = vector.extract_strided_slice %get3A_264 {offsets = [13], sizes = [1], strides = [1]} : vector<16xi32> to vector<1xi32>
      %squeeze3A_498 = vector.extract %slice3A_497[0] : i32 from vector<1xi32>
      %mul3A_499 = arith.constant 16 : i32
      %mul3A_500 = arith.muli %scan3A_258, %mul3A_499 : i32
      %add3A_501 = arith.constant 13 : i32
      %add3A_502 = arith.addi %mul3A_500, %add3A_501 : i32
      %dma_start3A_503 = arith.constant 0 : i32
      %dma_start3A_504 = tpu.memref_slice %arg23[%add3A_502, %dma_start3A_503] : memref<128x32xf32, #tpu.memory_space<vmem>> -> memref<1x32xf32, #tpu.memory_space<vmem>>
      %dma_start3A_505 = tpu.memref_squeeze %dma_start3A_504 : memref<1x32xf32, #tpu.memory_space<vmem>> -> memref<32xf32, #tpu.memory_space<vmem>>
      %dma_start3A_506 = arith.constant 0 : i32
      %dma_start3A_507 = tpu.memref_slice %arg6[%squeeze3A_498, %dma_start3A_506] : memref<100000x32xf32, #tpu.memory_space<hbm>> -> memref<1x32xf32, #tpu.memory_space<hbm>>
      %dma_start3A_508 = tpu.memref_squeeze %dma_start3A_507 : memref<1x32xf32, #tpu.memory_space<hbm>> -> memref<32xf32, #tpu.memory_space<hbm>>
      %dma_start3A_509 = arith.constant 0 : i32
      %dma_start3A_510 = tpu.memref_slice %arg23[%add3A_502, %dma_start3A_509] : memref<128x32xf32, #tpu.memory_space<vmem>> -> memref<1x32xf32, #tpu.memory_space<vmem>>
      %dma_start3A_511 = tpu.memref_squeeze %dma_start3A_510 : memref<1x32xf32, #tpu.memory_space<vmem>> -> memref<32xf32, #tpu.memory_space<vmem>>
      %dma_start3A_512 = arith.constant 0 : i32
      %dma_start3A_513 = tpu.memref_slice %arg6[%squeeze3A_498, %dma_start3A_512] : memref<100000x32xf32, #tpu.memory_space<hbm>> -> memref<1x32xf32, #tpu.memory_space<hbm>>
      %dma_start3A_514 = tpu.memref_squeeze %dma_start3A_513 : memref<1x32xf32, #tpu.memory_space<hbm>> -> memref<32xf32, #tpu.memory_space<hbm>>
      tpu.enqueue_dma source(%dma_start3A_514 : memref<32xf32, #tpu.memory_space<hbm>>) target(%dma_start3A_511 : memref<32xf32, #tpu.memory_space<vmem>>) target_semaphore(%arg34 : memref<!tpu.dma_semaphore, #tpu.memory_space<semaphore_mem>>)
      %slice3A_515 = vector.extract_strided_slice %get3A_264 {offsets = [14], sizes = [1], strides = [1]} : vector<16xi32> to vector<1xi32>
      %squeeze3A_516 = vector.extract %slice3A_515[0] : i32 from vector<1xi32>
      %mul3A_517 = arith.constant 16 : i32
      %mul3A_518 = arith.muli %scan3A_258, %mul3A_517 : i32
      %add3A_519 = arith.constant 14 : i32
      %add3A_520 = arith.addi %mul3A_518, %add3A_519 : i32
      %dma_start3A_521 = arith.constant 0 : i32
      %dma_start3A_522 = tpu.memref_slice %arg23[%add3A_520, %dma_start3A_521] : memref<128x32xf32, #tpu.memory_space<vmem>> -> memref<1x32xf32, #tpu.memory_space<vmem>>
      %dma_start3A_523 = tpu.memref_squeeze %dma_start3A_522 : memref<1x32xf32, #tpu.memory_space<vmem>> -> memref<32xf32, #tpu.memory_space<vmem>>
      %dma_start3A_524 = arith.constant 0 : i32
      %dma_start3A_525 = tpu.memref_slice %arg6[%squeeze3A_516, %dma_start3A_524] : memref<100000x32xf32, #tpu.memory_space<hbm>> -> memref<1x32xf32, #tpu.memory_space<hbm>>
      %dma_start3A_526 = tpu.memref_squeeze %dma_start3A_525 : memref<1x32xf32, #tpu.memory_space<hbm>> -> memref<32xf32, #tpu.memory_space<hbm>>
      %dma_start3A_527 = arith.constant 0 : i32
      %dma_start3A_528 = tpu.memref_slice %arg23[%add3A_520, %dma_start3A_527] : memref<128x32xf32, #tpu.memory_space<vmem>> -> memref<1x32xf32, #tpu.memory_space<vmem>>
      %dma_start3A_529 = tpu.memref_squeeze %dma_start3A_528 : memref<1x32xf32, #tpu.memory_space<vmem>> -> memref<32xf32, #tpu.memory_space<vmem>>
      %dma_start3A_530 = arith.constant 0 : i32
      %dma_start3A_531 = tpu.memref_slice %arg6[%squeeze3A_516, %dma_start3A_530] : memref<100000x32xf32, #tpu.memory_space<hbm>> -> memref<1x32xf32, #tpu.memory_space<hbm>>
      %dma_start3A_532 = tpu.memref_squeeze %dma_start3A_531 : memref<1x32xf32, #tpu.memory_space<hbm>> -> memref<32xf32, #tpu.memory_space<hbm>>
      tpu.enqueue_dma source(%dma_start3A_532 : memref<32xf32, #tpu.memory_space<hbm>>) target(%dma_start3A_529 : memref<32xf32, #tpu.memory_space<vmem>>) target_semaphore(%arg34 : memref<!tpu.dma_semaphore, #tpu.memory_space<semaphore_mem>>)
      %slice3A_533 = vector.extract_strided_slice %get3A_264 {offsets = [15], sizes = [1], strides = [1]} : vector<16xi32> to vector<1xi32>
      %squeeze3A_534 = vector.extract %slice3A_533[0] : i32 from vector<1xi32>
      %mul3A_535 = arith.constant 16 : i32
      %mul3A_536 = arith.muli %scan3A_258, %mul3A_535 : i32
      %add3A_537 = arith.constant 15 : i32
      %add3A_538 = arith.addi %mul3A_536, %add3A_537 : i32
      %dma_start3A_539 = arith.constant 0 : i32
      %dma_start3A_540 = tpu.memref_slice %arg23[%add3A_538, %dma_start3A_539] : memref<128x32xf32, #tpu.memory_space<vmem>> -> memref<1x32xf32, #tpu.memory_space<vmem>>
      %dma_start3A_541 = tpu.memref_squeeze %dma_start3A_540 : memref<1x32xf32, #tpu.memory_space<vmem>> -> memref<32xf32, #tpu.memory_space<vmem>>
      %dma_start3A_542 = arith.constant 0 : i32
      %dma_start3A_543 = tpu.memref_slice %arg6[%squeeze3A_534, %dma_start3A_542] : memref<100000x32xf32, #tpu.memory_space<hbm>> -> memref<1x32xf32, #tpu.memory_space<hbm>>
      %dma_start3A_544 = tpu.memref_squeeze %dma_start3A_543 : memref<1x32xf32, #tpu.memory_space<hbm>> -> memref<32xf32, #tpu.memory_space<hbm>>
      %dma_start3A_545 = arith.constant 0 : i32
      %dma_start3A_546 = tpu.memref_slice %arg23[%add3A_538, %dma_start3A_545] : memref<128x32xf32, #tpu.memory_space<vmem>> -> memref<1x32xf32, #tpu.memory_space<vmem>>
      %dma_start3A_547 = tpu.memref_squeeze %dma_start3A_546 : memref<1x32xf32, #tpu.memory_space<vmem>> -> memref<32xf32, #tpu.memory_space<vmem>>
      %dma_start3A_548 = arith.constant 0 : i32
      %dma_start3A_549 = tpu.memref_slice %arg6[%squeeze3A_534, %dma_start3A_548] : memref<100000x32xf32, #tpu.memory_space<hbm>> -> memref<1x32xf32, #tpu.memory_space<hbm>>
      %dma_start3A_550 = tpu.memref_squeeze %dma_start3A_549 : memref<1x32xf32, #tpu.memory_space<hbm>> -> memref<32xf32, #tpu.memory_space<hbm>>
      tpu.enqueue_dma source(%dma_start3A_550 : memref<32xf32, #tpu.memory_space<hbm>>) target(%dma_start3A_547 : memref<32xf32, #tpu.memory_space<vmem>>) target_semaphore(%arg34 : memref<!tpu.dma_semaphore, #tpu.memory_space<semaphore_mem>>)
      %scan3A_551 = arith.constant 0 : i32
      scf.yield %scan3A_551 : i32
    }
    %scan3A_193 = arith.constant 8 : i32
    %parallel_loop3A_194 = arith.constant 0 : i32
    %parallel_loop3A_195 = arith.constant 128 : i32
    %parallel_loop3A_196 = arith.constant 1 : i32
    scf.for %parallel_loop3A_258 = %parallel_loop3A_194 to %parallel_loop3A_195 step %parallel_loop3A_196  : i32 {
      %parallel_loop3A_259 = arith.index_cast %parallel_loop3A_258 : i32 to index
      %parallel_loop3A_260 = arith.constant 0 : index
      %parallel_loop3A_261 = tpu.vector_load %arg20[%parallel_loop3A_259, %parallel_loop3A_260] {strides = array<i32>} : memref<128x128xf32, #tpu.memory_space<vmem>>, vector<16xf32>,
      %parallel_loop3A_262 = arith.index_cast %parallel_loop3A_258 : i32 to index
      %parallel_loop3A_263 = arith.constant 16 : index
      %parallel_loop3A_264 = tpu.vector_load %arg20[%parallel_loop3A_262, %parallel_loop3A_263] {strides = array<i32>} : memref<128x128xf32, #tpu.memory_space<vmem>>, vector<16xf32>,
      %parallel_loop3A_265 = arith.index_cast %parallel_loop3A_258 : i32 to index
      %parallel_loop3A_266 = arith.constant 32 : index
      %parallel_loop3A_267 = tpu.vector_load %arg20[%parallel_loop3A_265, %parallel_loop3A_266] {strides = array<i32>} : memref<128x128xf32, #tpu.memory_space<vmem>>, vector<16xf32>,
      %parallel_loop3A_268 = arith.index_cast %parallel_loop3A_258 : i32 to index
      %parallel_loop3A_269 = arith.constant 48 : index
      %parallel_loop3A_270 = tpu.vector_load %arg20[%parallel_loop3A_268, %parallel_loop3A_269] {strides = array<i32>} : memref<128x128xf32, #tpu.memory_space<vmem>>, vector<16xf32>,
      %parallel_loop3A_271 = arith.index_cast %parallel_loop3A_258 : i32 to index
      %parallel_loop3A_272 = arith.constant 64 : index
      %parallel_loop3A_273 = tpu.vector_load %arg20[%parallel_loop3A_271, %parallel_loop3A_272] {strides = array<i32>} : memref<128x128xf32, #tpu.memory_space<vmem>>, vector<16xf32>,
      %parallel_loop3A_274 = arith.index_cast %parallel_loop3A_258 : i32 to index
      %parallel_loop3A_275 = arith.constant 80 : index
      %parallel_loop3A_276 = tpu.vector_load %arg20[%parallel_loop3A_274, %parallel_loop3A_275] {strides = array<i32>} : memref<128x128xf32, #tpu.memory_space<vmem>>, vector<16xf32>,
      %parallel_loop3A_277 = arith.index_cast %parallel_loop3A_258 : i32 to index
      %parallel_loop3A_278 = arith.constant 96 : index
      %parallel_loop3A_279 = tpu.vector_load %arg20[%parallel_loop3A_277, %parallel_loop3A_278] {strides = array<i32>} : memref<128x128xf32, #tpu.memory_space<vmem>>, vector<16xf32>,
      %parallel_loop3A_280 = arith.index_cast %parallel_loop3A_258 : i32 to index
      %parallel_loop3A_281 = arith.constant 112 : index
      %parallel_loop3A_282 = tpu.vector_load %arg20[%parallel_loop3A_280, %parallel_loop3A_281] {strides = array<i32>} : memref<128x128xf32, #tpu.memory_space<vmem>>, vector<16xf32>,
      %parallel_loop3A_283 = arith.index_cast %parallel_loop3A_258 : i32 to index
      %parallel_loop3A_284 = arith.constant 0 : index
      %parallel_loop3A_285 = tpu.vector_load %arg22[%parallel_loop3A_283, %parallel_loop3A_284] {strides = array<i32>} : memref<128x128xf32, #tpu.memory_space<vmem>>, vector<16xf32>,
      %parallel_loop3A_286 = arith.index_cast %parallel_loop3A_258 : i32 to index
      %parallel_loop3A_287 = arith.constant 16 : index
      %parallel_loop3A_288 = tpu.vector_load %arg22[%parallel_loop3A_286, %parallel_loop3A_287] {strides = array<i32>} : memref<128x128xf32, #tpu.memory_space<vmem>>, vector<16xf32>,
      %parallel_loop3A_289 = arith.index_cast %parallel_loop3A_258 : i32 to index
      %parallel_loop3A_290 = arith.constant 32 : index
      %parallel_loop3A_291 = tpu.vector_load %arg22[%parallel_loop3A_289, %parallel_loop3A_290] {strides = array<i32>} : memref<128x128xf32, #tpu.memory_space<vmem>>, vector<16xf32>,
      %parallel_loop3A_292 = arith.index_cast %parallel_loop3A_258 : i32 to index
      %parallel_loop3A_293 = arith.constant 48 : index
      %parallel_loop3A_294 = tpu.vector_load %arg22[%parallel_loop3A_292, %parallel_loop3A_293] {strides = array<i32>} : memref<128x128xf32, #tpu.memory_space<vmem>>, vector<16xf32>,
      %parallel_loop3A_295 = arith.index_cast %parallel_loop3A_258 : i32 to index
      %parallel_loop3A_296 = arith.constant 64 : index
      %parallel_loop3A_297 = tpu.vector_load %arg22[%parallel_loop3A_295, %parallel_loop3A_296] {strides = array<i32>} : memref<128x128xf32, #tpu.memory_space<vmem>>, vector<16xf32>,
      %parallel_loop3A_298 = arith.index_cast %parallel_loop3A_258 : i32 to index
      %parallel_loop3A_299 = arith.constant 80 : index
      %parallel_loop3A_300 = tpu.vector_load %arg22[%parallel_loop3A_298, %parallel_loop3A_299] {strides = array<i32>} : memref<128x128xf32, #tpu.memory_space<vmem>>, vector<16xf32>,
      %parallel_loop3A_301 = arith.index_cast %parallel_loop3A_258 : i32 to index
      %parallel_loop3A_302 = arith.constant 96 : index
      %parallel_loop3A_303 = tpu.vector_load %arg22[%parallel_loop3A_301, %parallel_loop3A_302] {strides = array<i32>} : memref<128x128xf32, #tpu.memory_space<vmem>>, vector<16xf32>,
      %parallel_loop3A_304 = arith.index_cast %parallel_loop3A_258 : i32 to index
      %parallel_loop3A_305 = arith.constant 112 : index
      %parallel_loop3A_306 = tpu.vector_load %arg22[%parallel_loop3A_304, %parallel_loop3A_305] {strides = array<i32>} : memref<128x128xf32, #tpu.memory_space<vmem>>, vector<16xf32>,
      %parallel_loop3A_307 = arith.index_cast %parallel_loop3A_258 : i32 to index
      %parallel_loop3A_308 = arith.constant 0 : index
      %parallel_loop3A_309 = tpu.vector_load %arg24[%parallel_loop3A_307, %parallel_loop3A_308] {strides = array<i32>} : memref<128x32xf32, #tpu.memory_space<vmem>>, vector<16xf32>,
      %parallel_loop3A_310 = arith.index_cast %parallel_loop3A_258 : i32 to index
      %parallel_loop3A_311 = arith.constant 16 : index
      %parallel_loop3A_312 = tpu.vector_load %arg24[%parallel_loop3A_310, %parallel_loop3A_311] {strides = array<i32>} : memref<128x32xf32, #tpu.memory_space<vmem>>, vector<16xf32>,
      %parallel_loop3A_313 = arith.subf %parallel_loop3A_261, %parallel_loop3A_285 : vector<16xf32>
      %parallel_loop3A_314 = arith.subf %parallel_loop3A_264, %parallel_loop3A_288 : vector<16xf32>
      %parallel_loop3A_315 = arith.subf %parallel_loop3A_267, %parallel_loop3A_291 : vector<16xf32>
      %parallel_loop3A_316 = arith.subf %parallel_loop3A_270, %parallel_loop3A_294 : vector<16xf32>
      %parallel_loop3A_317 = arith.subf %parallel_loop3A_273, %parallel_loop3A_297 : vector<16xf32>
      %parallel_loop3A_318 = arith.subf %parallel_loop3A_276, %parallel_loop3A_300 : vector<16xf32>
      %parallel_loop3A_319 = arith.subf %parallel_loop3A_279, %parallel_loop3A_303 : vector<16xf32>
      %parallel_loop3A_320 = arith.subf %parallel_loop3A_282, %parallel_loop3A_306 : vector<16xf32>
      %parallel_loop3A_321 = arith.mulf %parallel_loop3A_309, %gather3A_18 : vector<16xf32>
      %parallel_loop3A_322 = arith.mulf %parallel_loop3A_312, %gather3A_24 : vector<16xf32>
      %parallel_loop3A_323 = arith.addf %parallel_loop3A_321, %parallel_loop3A_322 : vector<16xf32>
      %parallel_loop3A_324 = arith.constant true
      %parallel_loop3A_325 = vector.broadcast %parallel_loop3A_324 : i1 to vector<16xi1>
      %parallel_loop3A_326 = tpu.scan <sum>, %parallel_loop3A_323 masked %parallel_loop3A_325 : vector<16xf32>, vector<16xi1> -> vector<16xf32>
      %parallel_loop3A_327 = vector.extract %parallel_loop3A_326[15] : f32 from vector<16xf32>
      %parallel_loop3A_328 = vector.broadcast %parallel_loop3A_327 : f32 to vector<16xf32>
      %parallel_loop3A_329 = arith.addf %parallel_loop3A_328, %gather3A_39 : vector<16xf32>
      %parallel_loop3A_330 = arith.mulf %parallel_loop3A_261, %gather3A : vector<16xf32>
      %parallel_loop3A_331 = arith.mulf %parallel_loop3A_264, %gather3A_12 : vector<16xf32>
      %parallel_loop3A_332 = arith.addf %parallel_loop3A_330, %parallel_loop3A_331 : vector<16xf32>
      %parallel_loop3A_333 = arith.mulf %parallel_loop3A_285, %gather3A_30 : vector<16xf32>
      %parallel_loop3A_334 = arith.addf %parallel_loop3A_332, %parallel_loop3A_333 : vector<16xf32>
      %parallel_loop3A_335 = arith.mulf %parallel_loop3A_288, %gather3A_36 : vector<16xf32>
      %parallel_loop3A_336 = arith.addf %parallel_loop3A_334, %parallel_loop3A_335 : vector<16xf32>
      %parallel_loop3A_337 = arith.constant true
      %parallel_loop3A_338 = vector.broadcast %parallel_loop3A_337 : i1 to vector<16xi1>
      %parallel_loop3A_339 = tpu.scan <sum>, %parallel_loop3A_336 masked %parallel_loop3A_338 : vector<16xf32>, vector<16xi1> -> vector<16xf32>
      %parallel_loop3A_340 = vector.extract %parallel_loop3A_339[15] : f32 from vector<16xf32>
      %parallel_loop3A_341 = vector.broadcast %parallel_loop3A_340 : f32 to vector<16xf32>
      %parallel_loop3A_342 = arith.addf %broadcast_in_dim3A_41, %parallel_loop3A_341 : vector<16xf32>
      %parallel_loop3A_343 = arith.addf %parallel_loop3A_342, %parallel_loop3A_329 : vector<16xf32>
      %parallel_loop3A_344 = arith.constant 0.000000e+00 : f32
      %parallel_loop3A_345 = vector.broadcast %parallel_loop3A_344 : f32 to vector<16xf32>
      %parallel_loop3A_346 = arith.maximumf %parallel_loop3A_343, %parallel_loop3A_345 : vector<16xf32>
      %parallel_loop3A_347 = arith.mulf %parallel_loop3A_267, %gather3A : vector<16xf32>
      %parallel_loop3A_348 = arith.mulf %parallel_loop3A_270, %gather3A_12 : vector<16xf32>
      %parallel_loop3A_349 = arith.addf %parallel_loop3A_347, %parallel_loop3A_348 : vector<16xf32>
      %parallel_loop3A_350 = arith.mulf %parallel_loop3A_291, %gather3A_30 : vector<16xf32>
      %parallel_loop3A_351 = arith.addf %parallel_loop3A_349, %parallel_loop3A_350 : vector<16xf32>
      %parallel_loop3A_352 = arith.mulf %parallel_loop3A_294, %gather3A_36 : vector<16xf32>
      %parallel_loop3A_353 = arith.addf %parallel_loop3A_351, %parallel_loop3A_352 : vector<16xf32>
      %parallel_loop3A_354 = arith.constant true
      %parallel_loop3A_355 = vector.broadcast %parallel_loop3A_354 : i1 to vector<16xi1>
      %parallel_loop3A_356 = tpu.scan <sum>, %parallel_loop3A_353 masked %parallel_loop3A_355 : vector<16xf32>, vector<16xi1> -> vector<16xf32>
      %parallel_loop3A_357 = vector.extract %parallel_loop3A_356[15] : f32 from vector<16xf32>
      %parallel_loop3A_358 = vector.broadcast %parallel_loop3A_357 : f32 to vector<16xf32>
      %parallel_loop3A_359 = arith.addf %broadcast_in_dim3A_41, %parallel_loop3A_358 : vector<16xf32>
      %parallel_loop3A_360 = arith.addf %parallel_loop3A_359, %parallel_loop3A_329 : vector<16xf32>
      %parallel_loop3A_361 = arith.constant 0.000000e+00 : f32
      %parallel_loop3A_362 = vector.broadcast %parallel_loop3A_361 : f32 to vector<16xf32>
      %parallel_loop3A_363 = arith.maximumf %parallel_loop3A_360, %parallel_loop3A_362 : vector<16xf32>
      %parallel_loop3A_364 = arith.mulf %parallel_loop3A_273, %gather3A : vector<16xf32>
      %parallel_loop3A_365 = arith.mulf %parallel_loop3A_276, %gather3A_12 : vector<16xf32>
      %parallel_loop3A_366 = arith.addf %parallel_loop3A_364, %parallel_loop3A_365 : vector<16xf32>
      %parallel_loop3A_367 = arith.mulf %parallel_loop3A_297, %gather3A_30 : vector<16xf32>
      %parallel_loop3A_368 = arith.addf %parallel_loop3A_366, %parallel_loop3A_367 : vector<16xf32>
      %parallel_loop3A_369 = arith.mulf %parallel_loop3A_300, %gather3A_36 : vector<16xf32>
      %parallel_loop3A_370 = arith.addf %parallel_loop3A_368, %parallel_loop3A_369 : vector<16xf32>
      %parallel_loop3A_371 = arith.constant true
      %parallel_loop3A_372 = vector.broadcast %parallel_loop3A_371 : i1 to vector<16xi1>
      %parallel_loop3A_373 = tpu.scan <sum>, %parallel_loop3A_370 masked %parallel_loop3A_372 : vector<16xf32>, vector<16xi1> -> vector<16xf32>
      %parallel_loop3A_374 = vector.extract %parallel_loop3A_373[15] : f32 from vector<16xf32>
      %parallel_loop3A_375 = vector.broadcast %parallel_loop3A_374 : f32 to vector<16xf32>
      %parallel_loop3A_376 = arith.addf %broadcast_in_dim3A_41, %parallel_loop3A_375 : vector<16xf32>
      %parallel_loop3A_377 = arith.addf %parallel_loop3A_376, %parallel_loop3A_329 : vector<16xf32>
      %parallel_loop3A_378 = arith.constant 0.000000e+00 : f32
      %parallel_loop3A_379 = vector.broadcast %parallel_loop3A_378 : f32 to vector<16xf32>
      %parallel_loop3A_380 = arith.maximumf %parallel_loop3A_377, %parallel_loop3A_379 : vector<16xf32>
      %parallel_loop3A_381 = arith.mulf %parallel_loop3A_279, %gather3A : vector<16xf32>
      %parallel_loop3A_382 = arith.mulf %parallel_loop3A_282, %gather3A_12 : vector<16xf32>
      %parallel_loop3A_383 = arith.addf %parallel_loop3A_381, %parallel_loop3A_382 : vector<16xf32>
      %parallel_loop3A_384 = arith.mulf %parallel_loop3A_303, %gather3A_30 : vector<16xf32>
      %parallel_loop3A_385 = arith.addf %parallel_loop3A_383, %parallel_loop3A_384 : vector<16xf32>
      %parallel_loop3A_386 = arith.mulf %parallel_loop3A_306, %gather3A_36 : vector<16xf32>
      %parallel_loop3A_387 = arith.addf %parallel_loop3A_385, %parallel_loop3A_386 : vector<16xf32>
      %parallel_loop3A_388 = arith.constant true
      %parallel_loop3A_389 = vector.broadcast %parallel_loop3A_388 : i1 to vector<16xi1>
      %parallel_loop3A_390 = tpu.scan <sum>, %parallel_loop3A_387 masked %parallel_loop3A_389 : vector<16xf32>, vector<16xi1> -> vector<16xf32>
      %parallel_loop3A_391 = vector.extract %parallel_loop3A_390[15] : f32 from vector<16xf32>
      %parallel_loop3A_392 = vector.broadcast %parallel_loop3A_391 : f32 to vector<16xf32>
      %parallel_loop3A_393 = arith.addf %broadcast_in_dim3A_41, %parallel_loop3A_392 : vector<16xf32>
      %parallel_loop3A_394 = arith.addf %parallel_loop3A_393, %parallel_loop3A_329 : vector<16xf32>
      %parallel_loop3A_395 = arith.constant 0.000000e+00 : f32
      %parallel_loop3A_396 = vector.broadcast %parallel_loop3A_395 : f32 to vector<16xf32>
      %parallel_loop3A_397 = arith.maximumf %parallel_loop3A_394, %parallel_loop3A_396 : vector<16xf32>
      %parallel_loop3A_398 = arith.maximumf %parallel_loop3A_346, %parallel_loop3A_363 : vector<16xf32>
      %parallel_loop3A_399 = arith.maximumf %parallel_loop3A_380, %parallel_loop3A_397 : vector<16xf32>
      %parallel_loop3A_400 = arith.maximumf %parallel_loop3A_398, %parallel_loop3A_399 : vector<16xf32>
      %parallel_loop3A_401 = arith.subf %parallel_loop3A_346, %parallel_loop3A_400 : vector<16xf32>
      %parallel_loop3A_402 = math.exp %parallel_loop3A_401 : vector<16xf32>
      %parallel_loop3A_403 = arith.subf %parallel_loop3A_363, %parallel_loop3A_400 : vector<16xf32>
      %parallel_loop3A_404 = math.exp %parallel_loop3A_403 : vector<16xf32>
      %parallel_loop3A_405 = arith.subf %parallel_loop3A_380, %parallel_loop3A_400 : vector<16xf32>
      %parallel_loop3A_406 = math.exp %parallel_loop3A_405 : vector<16xf32>
      %parallel_loop3A_407 = arith.subf %parallel_loop3A_397, %parallel_loop3A_400 : vector<16xf32>
      %parallel_loop3A_408 = math.exp %parallel_loop3A_407 : vector<16xf32>
      %parallel_loop3A_409 = arith.addf %parallel_loop3A_402, %parallel_loop3A_404 : vector<16xf32>
      %parallel_loop3A_410 = arith.addf %parallel_loop3A_409, %parallel_loop3A_406 : vector<16xf32>
      %parallel_loop3A_411 = arith.addf %parallel_loop3A_410, %parallel_loop3A_408 : vector<16xf32>
      %parallel_loop3A_412 = arith.constant 1.000000e+00 : f32
      %parallel_loop3A_413 = vector.broadcast %parallel_loop3A_412 : f32 to vector<16xf32>
      %parallel_loop3A_414 = arith.divf %parallel_loop3A_413, %parallel_loop3A_411 : vector<16xf32>
      %parallel_loop3A_415 = arith.mulf %parallel_loop3A_402, %parallel_loop3A_414 : vector<16xf32>
      %parallel_loop3A_416 = arith.mulf %parallel_loop3A_404, %parallel_loop3A_414 : vector<16xf32>
      %parallel_loop3A_417 = arith.mulf %parallel_loop3A_406, %parallel_loop3A_414 : vector<16xf32>
      %parallel_loop3A_418 = arith.mulf %parallel_loop3A_408, %parallel_loop3A_414 : vector<16xf32>
      %parallel_loop3A_419 = arith.mulf %parallel_loop3A_415, %parallel_loop3A_313 : vector<16xf32>
      %parallel_loop3A_420 = arith.addf %parallel_loop3A_309, %parallel_loop3A_419 : vector<16xf32>
      %parallel_loop3A_421 = arith.mulf %parallel_loop3A_416, %parallel_loop3A_315 : vector<16xf32>
      %parallel_loop3A_422 = arith.addf %parallel_loop3A_420, %parallel_loop3A_421 : vector<16xf32>
      %parallel_loop3A_423 = arith.mulf %parallel_loop3A_417, %parallel_loop3A_317 : vector<16xf32>
      %parallel_loop3A_424 = arith.addf %parallel_loop3A_422, %parallel_loop3A_423 : vector<16xf32>
      %parallel_loop3A_425 = arith.mulf %parallel_loop3A_418, %parallel_loop3A_319 : vector<16xf32>
      %parallel_loop3A_426 = arith.addf %parallel_loop3A_424, %parallel_loop3A_425 : vector<16xf32>
      %parallel_loop3A_427 = arith.mulf %parallel_loop3A_415, %parallel_loop3A_314 : vector<16xf32>
      %parallel_loop3A_428 = arith.addf %parallel_loop3A_312, %parallel_loop3A_427 : vector<16xf32>
      %parallel_loop3A_429 = arith.mulf %parallel_loop3A_416, %parallel_loop3A_316 : vector<16xf32>
      %parallel_loop3A_430 = arith.addf %parallel_loop3A_428, %parallel_loop3A_429 : vector<16xf32>
      %parallel_loop3A_431 = arith.mulf %parallel_loop3A_417, %parallel_loop3A_318 : vector<16xf32>
      %parallel_loop3A_432 = arith.addf %parallel_loop3A_430, %parallel_loop3A_431 : vector<16xf32>
      %parallel_loop3A_433 = arith.mulf %parallel_loop3A_418, %parallel_loop3A_320 : vector<16xf32>
      %parallel_loop3A_434 = arith.addf %parallel_loop3A_432, %parallel_loop3A_433 : vector<16xf32>
      %parallel_loop3A_435 = math.absf %parallel_loop3A_426 : vector<16xf32>
      %parallel_loop3A_436 = math.absf %parallel_loop3A_434 : vector<16xf32>
      %parallel_loop3A_437 = arith.addf %parallel_loop3A_435, %parallel_loop3A_436 : vector<16xf32>
      %parallel_loop3A_438 = arith.constant true
      %parallel_loop3A_439 = vector.broadcast %parallel_loop3A_438 : i1 to vector<16xi1>
      %parallel_loop3A_440 = tpu.scan <sum>, %parallel_loop3A_437 masked %parallel_loop3A_439 : vector<16xf32>, vector<16xi1> -> vector<16xf32>
      %parallel_loop3A_441 = arith.constant 128 : i32
      %parallel_loop3A_442 = arith.addi %parallel_loop3A_441, %parallel_loop3A_258 : i32
      %parallel_loop3A_443 = vector.broadcast %parallel_loop3A_442 : i32 to vector<16xi32>
      tpu.vector_store_idx %arg25[%parallel_loop3A_443], %parallel_loop3A_440 masked %eq3A_43 : memref<512xf32, #tpu.memory_space<vmem>>[vector<16xi32>], vector<16xf32>, vector<16xi1>
      %parallel_loop3A_444 = arith.constant 0 : i32
      %parallel_loop3A_445 = arith.addi %parallel_loop3A_444, %parallel_loop3A_442 : i32
      %parallel_loop3A_446 = vector.broadcast %parallel_loop3A_445 : i32 to vector<16xi32>
      tpu.vector_store_idx %arg26[%parallel_loop3A_446], %parallel_loop3A_415 masked %eq3A_46 : memref<2048xf32, #tpu.memory_space<vmem>>[vector<16xi32>], vector<16xf32>, vector<16xi1>
      %parallel_loop3A_447 = arith.constant 512 : i32
      %parallel_loop3A_448 = arith.addi %parallel_loop3A_447, %parallel_loop3A_442 : i32
      %parallel_loop3A_449 = vector.broadcast %parallel_loop3A_448 : i32 to vector<16xi32>
      tpu.vector_store_idx %arg26[%parallel_loop3A_449], %parallel_loop3A_416 masked %eq3A_46 : memref<2048xf32, #tpu.memory_space<vmem>>[vector<16xi32>], vector<16xf32>, vector<16xi1>
      %parallel_loop3A_450 = arith.constant 1024 : i32
      %parallel_loop3A_451 = arith.addi %parallel_loop3A_450, %parallel_loop3A_442 : i32
      %parallel_loop3A_452 = vector.broadcast %parallel_loop3A_451 : i32 to vector<16xi32>
      tpu.vector_store_idx %arg26[%parallel_loop3A_452], %parallel_loop3A_417 masked %eq3A_46 : memref<2048xf32, #tpu.memory_space<vmem>>[vector<16xi32>], vector<16xf32>, vector<16xi1>
      %parallel_loop3A_453 = arith.constant 1536 : i32
      %parallel_loop3A_454 = arith.addi %parallel_loop3A_453, %parallel_loop3A_442 : i32
      %parallel_loop3A_455 = vector.broadcast %parallel_loop3A_454 : i32 to vector<16xi32>
      tpu.vector_store_idx %arg26[%parallel_loop3A_455], %parallel_loop3A_418 masked %eq3A_46 : memref<2048xf32, #tpu.memory_space<vmem>>[vector<16xi32>], vector<16xf32>, vector<16xi1>
    } {sc.loop_unroll_factor = 2 : i64, sc.parallel_access}
    %dma_wait3A_197 = arith.constant 256 : i32
    %dma_wait3A_198 = tpu.memref_slice %arg16[%dma_wait3A_197] : memref<512xi32, #tpu.memory_space<vmem>> -> memref<128xi32, #tpu.memory_space<vmem>>
    %dma_wait3A_199 = arith.constant 0 : i32
    %dma_wait3A_200 = arith.constant 0 : i32
    %dma_wait3A_201 = tpu.memref_slice %arg5[%dma_wait3A_199, %dma_wait3A_200] : memref<100000x128xf32, #tpu.memory_space<hbm>> -> memref<100000x128xf32, #tpu.memory_space<hbm>>
    tpu.wait_indirect_dma semaphore(%arg30 : memref<!tpu.dma_semaphore, #tpu.memory_space<semaphore_mem>>) src(%dma_wait3A_201 : memref<100000x128xf32, #tpu.memory_space<hbm>>) dst(%arg19 : memref<128x128xf32, #tpu.memory_space<vmem>>)
    %dma_wait3A_202 = arith.constant 256 : i32
    %dma_wait3A_203 = tpu.memref_slice %arg18[%dma_wait3A_202] : memref<512xi32, #tpu.memory_space<vmem>> -> memref<128xi32, #tpu.memory_space<vmem>>
    %dma_wait3A_204 = arith.constant 0 : i32
    %dma_wait3A_205 = arith.constant 0 : i32
    %dma_wait3A_206 = tpu.memref_slice %arg5[%dma_wait3A_204, %dma_wait3A_205] : memref<100000x128xf32, #tpu.memory_space<hbm>> -> memref<100000x128xf32, #tpu.memory_space<hbm>>
    tpu.wait_indirect_dma semaphore(%arg32 : memref<!tpu.dma_semaphore, #tpu.memory_space<semaphore_mem>>) src(%dma_wait3A_206 : memref<100000x128xf32, #tpu.memory_space<hbm>>) dst(%arg21 : memref<128x128xf32, #tpu.memory_space<vmem>>)
    %dma_wait3A_207 = arith.constant 0 : i32
    %dma_wait3A_208 = arith.constant 0 : i32
    %dma_wait3A_209 = tpu.memref_slice %arg6[%dma_wait3A_207, %dma_wait3A_208] : memref<100000x32xf32, #tpu.memory_space<hbm>> -> memref<128x32xf32, #tpu.memory_space<hbm>>
    %dma_wait3A_210 = arith.constant 0 : i32
    %dma_wait3A_211 = arith.constant 0 : i32
    %dma_wait3A_212 = tpu.memref_slice %arg6[%dma_wait3A_210, %dma_wait3A_211] : memref<100000x32xf32, #tpu.memory_space<hbm>> -> memref<128x32xf32, #tpu.memory_space<hbm>>
    tpu.wait_dma2 semaphore(%arg34 : memref<!tpu.dma_semaphore, #tpu.memory_space<semaphore_mem>>) src(%dma_wait3A_212 : memref<128x32xf32, #tpu.memory_space<hbm>>) dst(%arg23 : memref<128x32xf32, #tpu.memory_space<vmem>>)
    %dma_start3A_213 = arith.constant 384 : i32
    %dma_start3A_214 = tpu.memref_slice %arg16[%dma_start3A_213] : memref<512xi32, #tpu.memory_space<vmem>> -> memref<128xi32, #tpu.memory_space<vmem>>
    %dma_start3A_215 = arith.constant 0 : i32
    %dma_start3A_216 = arith.constant 0 : i32
    %dma_start3A_217 = tpu.memref_slice %arg5[%dma_start3A_215, %dma_start3A_216] : memref<100000x128xf32, #tpu.memory_space<hbm>> -> memref<100000x128xf32, #tpu.memory_space<hbm>>
    tpu.enqueue_indirect_dma source(%dma_start3A_217 : memref<100000x128xf32, #tpu.memory_space<hbm>>) target(%arg20 : memref<128x128xf32, #tpu.memory_space<vmem>>) offsets(%dma_start3A_214 : memref<128xi32, #tpu.memory_space<vmem>>) semaphore(%arg31 : memref<!tpu.dma_semaphore, #tpu.memory_space<semaphore_mem>>)
    %dma_start3A_218 = arith.constant 384 : i32
    %dma_start3A_219 = tpu.memref_slice %arg18[%dma_start3A_218] : memref<512xi32, #tpu.memory_space<vmem>> -> memref<128xi32, #tpu.memory_space<vmem>>
    %dma_start3A_220 = arith.constant 0 : i32
    %dma_start3A_221 = arith.constant 0 : i32
    %dma_start3A_222 = tpu.memref_slice %arg5[%dma_start3A_220, %dma_start3A_221] : memref<100000x128xf32, #tpu.memory_space<hbm>> -> memref<100000x128xf32, #tpu.memory_space<hbm>>
    tpu.enqueue_indirect_dma source(%dma_start3A_222 : memref<100000x128xf32, #tpu.memory_space<hbm>>) target(%arg22 : memref<128x128xf32, #tpu.memory_space<vmem>>) offsets(%dma_start3A_219 : memref<128xi32, #tpu.memory_space<vmem>>) semaphore(%arg33 : memref<!tpu.dma_semaphore, #tpu.memory_space<semaphore_mem>>)
    %scan3A_223 = arith.constant 0 : i32
    %scan3A_224 = arith.constant 0 : i32
    %scan3A_225 = arith.constant 8 : i32
    %scan3A_226 = arith.addi %scan3A_224, %scan3A_225 : i32
    %scan3A_227 = arith.constant 1 : i32
    %scan3A_228 = scf.for %scan3A_258 = %scan3A_224 to %scan3A_226 step %scan3A_227 iter_args(%scan3A_259 = %scan3A_223) -> (i32)  : i32 {
      %mul3A_260 = arith.constant 16 : i32
      %mul3A_261 = arith.muli %scan3A_258, %mul3A_260 : i32
      %add3A_262 = arith.constant 384 : i32
      %add3A_263 = arith.addi %add3A_262, %mul3A_261 : i32
      %get3A = arith.index_cast %add3A_263 : i32 to index
      %get3A_264 = tpu.vector_load %arg17[%get3A] {strides = array<i32>} : memref<512xi32, #tpu.memory_space<vmem>>, vector<16xi32>,
      %slice3A = vector.extract_strided_slice %get3A_264 {offsets = [0], sizes = [1], strides = [1]} : vector<16xi32> to vector<1xi32>
      %squeeze3A = vector.extract %slice3A[0] : i32 from vector<1xi32>
      %mul3A_265 = arith.constant 16 : i32
      %mul3A_266 = arith.muli %scan3A_258, %mul3A_265 : i32
      %add3A_267 = arith.constant 0 : i32
      %add3A_268 = arith.addi %mul3A_266, %add3A_267 : i32
      %dma_start3A_269 = arith.constant 0 : i32
      %dma_start3A_270 = tpu.memref_slice %arg24[%add3A_268, %dma_start3A_269] : memref<128x32xf32, #tpu.memory_space<vmem>> -> memref<1x32xf32, #tpu.memory_space<vmem>>
      %dma_start3A_271 = tpu.memref_squeeze %dma_start3A_270 : memref<1x32xf32, #tpu.memory_space<vmem>> -> memref<32xf32, #tpu.memory_space<vmem>>
      %dma_start3A_272 = arith.constant 0 : i32
      %dma_start3A_273 = tpu.memref_slice %arg6[%squeeze3A, %dma_start3A_272] : memref<100000x32xf32, #tpu.memory_space<hbm>> -> memref<1x32xf32, #tpu.memory_space<hbm>>
      %dma_start3A_274 = tpu.memref_squeeze %dma_start3A_273 : memref<1x32xf32, #tpu.memory_space<hbm>> -> memref<32xf32, #tpu.memory_space<hbm>>
      %dma_start3A_275 = arith.constant 0 : i32
      %dma_start3A_276 = tpu.memref_slice %arg24[%add3A_268, %dma_start3A_275] : memref<128x32xf32, #tpu.memory_space<vmem>> -> memref<1x32xf32, #tpu.memory_space<vmem>>
      %dma_start3A_277 = tpu.memref_squeeze %dma_start3A_276 : memref<1x32xf32, #tpu.memory_space<vmem>> -> memref<32xf32, #tpu.memory_space<vmem>>
      %dma_start3A_278 = arith.constant 0 : i32
      %dma_start3A_279 = tpu.memref_slice %arg6[%squeeze3A, %dma_start3A_278] : memref<100000x32xf32, #tpu.memory_space<hbm>> -> memref<1x32xf32, #tpu.memory_space<hbm>>
      %dma_start3A_280 = tpu.memref_squeeze %dma_start3A_279 : memref<1x32xf32, #tpu.memory_space<hbm>> -> memref<32xf32, #tpu.memory_space<hbm>>
      tpu.enqueue_dma source(%dma_start3A_280 : memref<32xf32, #tpu.memory_space<hbm>>) target(%dma_start3A_277 : memref<32xf32, #tpu.memory_space<vmem>>) target_semaphore(%arg35 : memref<!tpu.dma_semaphore, #tpu.memory_space<semaphore_mem>>)
      %slice3A_281 = vector.extract_strided_slice %get3A_264 {offsets = [1], sizes = [1], strides = [1]} : vector<16xi32> to vector<1xi32>
      %squeeze3A_282 = vector.extract %slice3A_281[0] : i32 from vector<1xi32>
      %mul3A_283 = arith.constant 16 : i32
      %mul3A_284 = arith.muli %scan3A_258, %mul3A_283 : i32
      %add3A_285 = arith.constant 1 : i32
      %add3A_286 = arith.addi %mul3A_284, %add3A_285 : i32
      %dma_start3A_287 = arith.constant 0 : i32
      %dma_start3A_288 = tpu.memref_slice %arg24[%add3A_286, %dma_start3A_287] : memref<128x32xf32, #tpu.memory_space<vmem>> -> memref<1x32xf32, #tpu.memory_space<vmem>>
      %dma_start3A_289 = tpu.memref_squeeze %dma_start3A_288 : memref<1x32xf32, #tpu.memory_space<vmem>> -> memref<32xf32, #tpu.memory_space<vmem>>
      %dma_start3A_290 = arith.constant 0 : i32
      %dma_start3A_291 = tpu.memref_slice %arg6[%squeeze3A_282, %dma_start3A_290] : memref<100000x32xf32, #tpu.memory_space<hbm>> -> memref<1x32xf32, #tpu.memory_space<hbm>>
      %dma_start3A_292 = tpu.memref_squeeze %dma_start3A_291 : memref<1x32xf32, #tpu.memory_space<hbm>> -> memref<32xf32, #tpu.memory_space<hbm>>
      %dma_start3A_293 = arith.constant 0 : i32
      %dma_start3A_294 = tpu.memref_slice %arg24[%add3A_286, %dma_start3A_293] : memref<128x32xf32, #tpu.memory_space<vmem>> -> memref<1x32xf32, #tpu.memory_space<vmem>>
      %dma_start3A_295 = tpu.memref_squeeze %dma_start3A_294 : memref<1x32xf32, #tpu.memory_space<vmem>> -> memref<32xf32, #tpu.memory_space<vmem>>
      %dma_start3A_296 = arith.constant 0 : i32
      %dma_start3A_297 = tpu.memref_slice %arg6[%squeeze3A_282, %dma_start3A_296] : memref<100000x32xf32, #tpu.memory_space<hbm>> -> memref<1x32xf32, #tpu.memory_space<hbm>>
      %dma_start3A_298 = tpu.memref_squeeze %dma_start3A_297 : memref<1x32xf32, #tpu.memory_space<hbm>> -> memref<32xf32, #tpu.memory_space<hbm>>
      tpu.enqueue_dma source(%dma_start3A_298 : memref<32xf32, #tpu.memory_space<hbm>>) target(%dma_start3A_295 : memref<32xf32, #tpu.memory_space<vmem>>) target_semaphore(%arg35 : memref<!tpu.dma_semaphore, #tpu.memory_space<semaphore_mem>>)
      %slice3A_299 = vector.extract_strided_slice %get3A_264 {offsets = [2], sizes = [1], strides = [1]} : vector<16xi32> to vector<1xi32>
      %squeeze3A_300 = vector.extract %slice3A_299[0] : i32 from vector<1xi32>
      %mul3A_301 = arith.constant 16 : i32
      %mul3A_302 = arith.muli %scan3A_258, %mul3A_301 : i32
      %add3A_303 = arith.constant 2 : i32
      %add3A_304 = arith.addi %mul3A_302, %add3A_303 : i32
      %dma_start3A_305 = arith.constant 0 : i32
      %dma_start3A_306 = tpu.memref_slice %arg24[%add3A_304, %dma_start3A_305] : memref<128x32xf32, #tpu.memory_space<vmem>> -> memref<1x32xf32, #tpu.memory_space<vmem>>
      %dma_start3A_307 = tpu.memref_squeeze %dma_start3A_306 : memref<1x32xf32, #tpu.memory_space<vmem>> -> memref<32xf32, #tpu.memory_space<vmem>>
      %dma_start3A_308 = arith.constant 0 : i32
      %dma_start3A_309 = tpu.memref_slice %arg6[%squeeze3A_300, %dma_start3A_308] : memref<100000x32xf32, #tpu.memory_space<hbm>> -> memref<1x32xf32, #tpu.memory_space<hbm>>
      %dma_start3A_310 = tpu.memref_squeeze %dma_start3A_309 : memref<1x32xf32, #tpu.memory_space<hbm>> -> memref<32xf32, #tpu.memory_space<hbm>>
      %dma_start3A_311 = arith.constant 0 : i32
      %dma_start3A_312 = tpu.memref_slice %arg24[%add3A_304, %dma_start3A_311] : memref<128x32xf32, #tpu.memory_space<vmem>> -> memref<1x32xf32, #tpu.memory_space<vmem>>
      %dma_start3A_313 = tpu.memref_squeeze %dma_start3A_312 : memref<1x32xf32, #tpu.memory_space<vmem>> -> memref<32xf32, #tpu.memory_space<vmem>>
      %dma_start3A_314 = arith.constant 0 : i32
      %dma_start3A_315 = tpu.memref_slice %arg6[%squeeze3A_300, %dma_start3A_314] : memref<100000x32xf32, #tpu.memory_space<hbm>> -> memref<1x32xf32, #tpu.memory_space<hbm>>
      %dma_start3A_316 = tpu.memref_squeeze %dma_start3A_315 : memref<1x32xf32, #tpu.memory_space<hbm>> -> memref<32xf32, #tpu.memory_space<hbm>>
      tpu.enqueue_dma source(%dma_start3A_316 : memref<32xf32, #tpu.memory_space<hbm>>) target(%dma_start3A_313 : memref<32xf32, #tpu.memory_space<vmem>>) target_semaphore(%arg35 : memref<!tpu.dma_semaphore, #tpu.memory_space<semaphore_mem>>)
      %slice3A_317 = vector.extract_strided_slice %get3A_264 {offsets = [3], sizes = [1], strides = [1]} : vector<16xi32> to vector<1xi32>
      %squeeze3A_318 = vector.extract %slice3A_317[0] : i32 from vector<1xi32>
      %mul3A_319 = arith.constant 16 : i32
      %mul3A_320 = arith.muli %scan3A_258, %mul3A_319 : i32
      %add3A_321 = arith.constant 3 : i32
      %add3A_322 = arith.addi %mul3A_320, %add3A_321 : i32
      %dma_start3A_323 = arith.constant 0 : i32
      %dma_start3A_324 = tpu.memref_slice %arg24[%add3A_322, %dma_start3A_323] : memref<128x32xf32, #tpu.memory_space<vmem>> -> memref<1x32xf32, #tpu.memory_space<vmem>>
      %dma_start3A_325 = tpu.memref_squeeze %dma_start3A_324 : memref<1x32xf32, #tpu.memory_space<vmem>> -> memref<32xf32, #tpu.memory_space<vmem>>
      %dma_start3A_326 = arith.constant 0 : i32
      %dma_start3A_327 = tpu.memref_slice %arg6[%squeeze3A_318, %dma_start3A_326] : memref<100000x32xf32, #tpu.memory_space<hbm>> -> memref<1x32xf32, #tpu.memory_space<hbm>>
      %dma_start3A_328 = tpu.memref_squeeze %dma_start3A_327 : memref<1x32xf32, #tpu.memory_space<hbm>> -> memref<32xf32, #tpu.memory_space<hbm>>
      %dma_start3A_329 = arith.constant 0 : i32
      %dma_start3A_330 = tpu.memref_slice %arg24[%add3A_322, %dma_start3A_329] : memref<128x32xf32, #tpu.memory_space<vmem>> -> memref<1x32xf32, #tpu.memory_space<vmem>>
      %dma_start3A_331 = tpu.memref_squeeze %dma_start3A_330 : memref<1x32xf32, #tpu.memory_space<vmem>> -> memref<32xf32, #tpu.memory_space<vmem>>
      %dma_start3A_332 = arith.constant 0 : i32
      %dma_start3A_333 = tpu.memref_slice %arg6[%squeeze3A_318, %dma_start3A_332] : memref<100000x32xf32, #tpu.memory_space<hbm>> -> memref<1x32xf32, #tpu.memory_space<hbm>>
      %dma_start3A_334 = tpu.memref_squeeze %dma_start3A_333 : memref<1x32xf32, #tpu.memory_space<hbm>> -> memref<32xf32, #tpu.memory_space<hbm>>
      tpu.enqueue_dma source(%dma_start3A_334 : memref<32xf32, #tpu.memory_space<hbm>>) target(%dma_start3A_331 : memref<32xf32, #tpu.memory_space<vmem>>) target_semaphore(%arg35 : memref<!tpu.dma_semaphore, #tpu.memory_space<semaphore_mem>>)
      %slice3A_335 = vector.extract_strided_slice %get3A_264 {offsets = [4], sizes = [1], strides = [1]} : vector<16xi32> to vector<1xi32>
      %squeeze3A_336 = vector.extract %slice3A_335[0] : i32 from vector<1xi32>
      %mul3A_337 = arith.constant 16 : i32
      %mul3A_338 = arith.muli %scan3A_258, %mul3A_337 : i32
      %add3A_339 = arith.constant 4 : i32
      %add3A_340 = arith.addi %mul3A_338, %add3A_339 : i32
      %dma_start3A_341 = arith.constant 0 : i32
      %dma_start3A_342 = tpu.memref_slice %arg24[%add3A_340, %dma_start3A_341] : memref<128x32xf32, #tpu.memory_space<vmem>> -> memref<1x32xf32, #tpu.memory_space<vmem>>
      %dma_start3A_343 = tpu.memref_squeeze %dma_start3A_342 : memref<1x32xf32, #tpu.memory_space<vmem>> -> memref<32xf32, #tpu.memory_space<vmem>>
      %dma_start3A_344 = arith.constant 0 : i32
      %dma_start3A_345 = tpu.memref_slice %arg6[%squeeze3A_336, %dma_start3A_344] : memref<100000x32xf32, #tpu.memory_space<hbm>> -> memref<1x32xf32, #tpu.memory_space<hbm>>
      %dma_start3A_346 = tpu.memref_squeeze %dma_start3A_345 : memref<1x32xf32, #tpu.memory_space<hbm>> -> memref<32xf32, #tpu.memory_space<hbm>>
      %dma_start3A_347 = arith.constant 0 : i32
      %dma_start3A_348 = tpu.memref_slice %arg24[%add3A_340, %dma_start3A_347] : memref<128x32xf32, #tpu.memory_space<vmem>> -> memref<1x32xf32, #tpu.memory_space<vmem>>
      %dma_start3A_349 = tpu.memref_squeeze %dma_start3A_348 : memref<1x32xf32, #tpu.memory_space<vmem>> -> memref<32xf32, #tpu.memory_space<vmem>>
      %dma_start3A_350 = arith.constant 0 : i32
      %dma_start3A_351 = tpu.memref_slice %arg6[%squeeze3A_336, %dma_start3A_350] : memref<100000x32xf32, #tpu.memory_space<hbm>> -> memref<1x32xf32, #tpu.memory_space<hbm>>
      %dma_start3A_352 = tpu.memref_squeeze %dma_start3A_351 : memref<1x32xf32, #tpu.memory_space<hbm>> -> memref<32xf32, #tpu.memory_space<hbm>>
      tpu.enqueue_dma source(%dma_start3A_352 : memref<32xf32, #tpu.memory_space<hbm>>) target(%dma_start3A_349 : memref<32xf32, #tpu.memory_space<vmem>>) target_semaphore(%arg35 : memref<!tpu.dma_semaphore, #tpu.memory_space<semaphore_mem>>)
      %slice3A_353 = vector.extract_strided_slice %get3A_264 {offsets = [5], sizes = [1], strides = [1]} : vector<16xi32> to vector<1xi32>
      %squeeze3A_354 = vector.extract %slice3A_353[0] : i32 from vector<1xi32>
      %mul3A_355 = arith.constant 16 : i32
      %mul3A_356 = arith.muli %scan3A_258, %mul3A_355 : i32
      %add3A_357 = arith.constant 5 : i32
      %add3A_358 = arith.addi %mul3A_356, %add3A_357 : i32
      %dma_start3A_359 = arith.constant 0 : i32
      %dma_start3A_360 = tpu.memref_slice %arg24[%add3A_358, %dma_start3A_359] : memref<128x32xf32, #tpu.memory_space<vmem>> -> memref<1x32xf32, #tpu.memory_space<vmem>>
      %dma_start3A_361 = tpu.memref_squeeze %dma_start3A_360 : memref<1x32xf32, #tpu.memory_space<vmem>> -> memref<32xf32, #tpu.memory_space<vmem>>
      %dma_start3A_362 = arith.constant 0 : i32
      %dma_start3A_363 = tpu.memref_slice %arg6[%squeeze3A_354, %dma_start3A_362] : memref<100000x32xf32, #tpu.memory_space<hbm>> -> memref<1x32xf32, #tpu.memory_space<hbm>>
      %dma_start3A_364 = tpu.memref_squeeze %dma_start3A_363 : memref<1x32xf32, #tpu.memory_space<hbm>> -> memref<32xf32, #tpu.memory_space<hbm>>
      %dma_start3A_365 = arith.constant 0 : i32
      %dma_start3A_366 = tpu.memref_slice %arg24[%add3A_358, %dma_start3A_365] : memref<128x32xf32, #tpu.memory_space<vmem>> -> memref<1x32xf32, #tpu.memory_space<vmem>>
      %dma_start3A_367 = tpu.memref_squeeze %dma_start3A_366 : memref<1x32xf32, #tpu.memory_space<vmem>> -> memref<32xf32, #tpu.memory_space<vmem>>
      %dma_start3A_368 = arith.constant 0 : i32
      %dma_start3A_369 = tpu.memref_slice %arg6[%squeeze3A_354, %dma_start3A_368] : memref<100000x32xf32, #tpu.memory_space<hbm>> -> memref<1x32xf32, #tpu.memory_space<hbm>>
      %dma_start3A_370 = tpu.memref_squeeze %dma_start3A_369 : memref<1x32xf32, #tpu.memory_space<hbm>> -> memref<32xf32, #tpu.memory_space<hbm>>
      tpu.enqueue_dma source(%dma_start3A_370 : memref<32xf32, #tpu.memory_space<hbm>>) target(%dma_start3A_367 : memref<32xf32, #tpu.memory_space<vmem>>) target_semaphore(%arg35 : memref<!tpu.dma_semaphore, #tpu.memory_space<semaphore_mem>>)
      %slice3A_371 = vector.extract_strided_slice %get3A_264 {offsets = [6], sizes = [1], strides = [1]} : vector<16xi32> to vector<1xi32>
      %squeeze3A_372 = vector.extract %slice3A_371[0] : i32 from vector<1xi32>
      %mul3A_373 = arith.constant 16 : i32
      %mul3A_374 = arith.muli %scan3A_258, %mul3A_373 : i32
      %add3A_375 = arith.constant 6 : i32
      %add3A_376 = arith.addi %mul3A_374, %add3A_375 : i32
      %dma_start3A_377 = arith.constant 0 : i32
      %dma_start3A_378 = tpu.memref_slice %arg24[%add3A_376, %dma_start3A_377] : memref<128x32xf32, #tpu.memory_space<vmem>> -> memref<1x32xf32, #tpu.memory_space<vmem>>
      %dma_start3A_379 = tpu.memref_squeeze %dma_start3A_378 : memref<1x32xf32, #tpu.memory_space<vmem>> -> memref<32xf32, #tpu.memory_space<vmem>>
      %dma_start3A_380 = arith.constant 0 : i32
      %dma_start3A_381 = tpu.memref_slice %arg6[%squeeze3A_372, %dma_start3A_380] : memref<100000x32xf32, #tpu.memory_space<hbm>> -> memref<1x32xf32, #tpu.memory_space<hbm>>
      %dma_start3A_382 = tpu.memref_squeeze %dma_start3A_381 : memref<1x32xf32, #tpu.memory_space<hbm>> -> memref<32xf32, #tpu.memory_space<hbm>>
      %dma_start3A_383 = arith.constant 0 : i32
      %dma_start3A_384 = tpu.memref_slice %arg24[%add3A_376, %dma_start3A_383] : memref<128x32xf32, #tpu.memory_space<vmem>> -> memref<1x32xf32, #tpu.memory_space<vmem>>
      %dma_start3A_385 = tpu.memref_squeeze %dma_start3A_384 : memref<1x32xf32, #tpu.memory_space<vmem>> -> memref<32xf32, #tpu.memory_space<vmem>>
      %dma_start3A_386 = arith.constant 0 : i32
      %dma_start3A_387 = tpu.memref_slice %arg6[%squeeze3A_372, %dma_start3A_386] : memref<100000x32xf32, #tpu.memory_space<hbm>> -> memref<1x32xf32, #tpu.memory_space<hbm>>
      %dma_start3A_388 = tpu.memref_squeeze %dma_start3A_387 : memref<1x32xf32, #tpu.memory_space<hbm>> -> memref<32xf32, #tpu.memory_space<hbm>>
      tpu.enqueue_dma source(%dma_start3A_388 : memref<32xf32, #tpu.memory_space<hbm>>) target(%dma_start3A_385 : memref<32xf32, #tpu.memory_space<vmem>>) target_semaphore(%arg35 : memref<!tpu.dma_semaphore, #tpu.memory_space<semaphore_mem>>)
      %slice3A_389 = vector.extract_strided_slice %get3A_264 {offsets = [7], sizes = [1], strides = [1]} : vector<16xi32> to vector<1xi32>
      %squeeze3A_390 = vector.extract %slice3A_389[0] : i32 from vector<1xi32>
      %mul3A_391 = arith.constant 16 : i32
      %mul3A_392 = arith.muli %scan3A_258, %mul3A_391 : i32
      %add3A_393 = arith.constant 7 : i32
      %add3A_394 = arith.addi %mul3A_392, %add3A_393 : i32
      %dma_start3A_395 = arith.constant 0 : i32
      %dma_start3A_396 = tpu.memref_slice %arg24[%add3A_394, %dma_start3A_395] : memref<128x32xf32, #tpu.memory_space<vmem>> -> memref<1x32xf32, #tpu.memory_space<vmem>>
      %dma_start3A_397 = tpu.memref_squeeze %dma_start3A_396 : memref<1x32xf32, #tpu.memory_space<vmem>> -> memref<32xf32, #tpu.memory_space<vmem>>
      %dma_start3A_398 = arith.constant 0 : i32
      %dma_start3A_399 = tpu.memref_slice %arg6[%squeeze3A_390, %dma_start3A_398] : memref<100000x32xf32, #tpu.memory_space<hbm>> -> memref<1x32xf32, #tpu.memory_space<hbm>>
      %dma_start3A_400 = tpu.memref_squeeze %dma_start3A_399 : memref<1x32xf32, #tpu.memory_space<hbm>> -> memref<32xf32, #tpu.memory_space<hbm>>
      %dma_start3A_401 = arith.constant 0 : i32
      %dma_start3A_402 = tpu.memref_slice %arg24[%add3A_394, %dma_start3A_401] : memref<128x32xf32, #tpu.memory_space<vmem>> -> memref<1x32xf32, #tpu.memory_space<vmem>>
      %dma_start3A_403 = tpu.memref_squeeze %dma_start3A_402 : memref<1x32xf32, #tpu.memory_space<vmem>> -> memref<32xf32, #tpu.memory_space<vmem>>
      %dma_start3A_404 = arith.constant 0 : i32
      %dma_start3A_405 = tpu.memref_slice %arg6[%squeeze3A_390, %dma_start3A_404] : memref<100000x32xf32, #tpu.memory_space<hbm>> -> memref<1x32xf32, #tpu.memory_space<hbm>>
      %dma_start3A_406 = tpu.memref_squeeze %dma_start3A_405 : memref<1x32xf32, #tpu.memory_space<hbm>> -> memref<32xf32, #tpu.memory_space<hbm>>
      tpu.enqueue_dma source(%dma_start3A_406 : memref<32xf32, #tpu.memory_space<hbm>>) target(%dma_start3A_403 : memref<32xf32, #tpu.memory_space<vmem>>) target_semaphore(%arg35 : memref<!tpu.dma_semaphore, #tpu.memory_space<semaphore_mem>>)
      %slice3A_407 = vector.extract_strided_slice %get3A_264 {offsets = [8], sizes = [1], strides = [1]} : vector<16xi32> to vector<1xi32>
      %squeeze3A_408 = vector.extract %slice3A_407[0] : i32 from vector<1xi32>
      %mul3A_409 = arith.constant 16 : i32
      %mul3A_410 = arith.muli %scan3A_258, %mul3A_409 : i32
      %add3A_411 = arith.constant 8 : i32
      %add3A_412 = arith.addi %mul3A_410, %add3A_411 : i32
      %dma_start3A_413 = arith.constant 0 : i32
      %dma_start3A_414 = tpu.memref_slice %arg24[%add3A_412, %dma_start3A_413] : memref<128x32xf32, #tpu.memory_space<vmem>> -> memref<1x32xf32, #tpu.memory_space<vmem>>
      %dma_start3A_415 = tpu.memref_squeeze %dma_start3A_414 : memref<1x32xf32, #tpu.memory_space<vmem>> -> memref<32xf32, #tpu.memory_space<vmem>>
      %dma_start3A_416 = arith.constant 0 : i32
      %dma_start3A_417 = tpu.memref_slice %arg6[%squeeze3A_408, %dma_start3A_416] : memref<100000x32xf32, #tpu.memory_space<hbm>> -> memref<1x32xf32, #tpu.memory_space<hbm>>
      %dma_start3A_418 = tpu.memref_squeeze %dma_start3A_417 : memref<1x32xf32, #tpu.memory_space<hbm>> -> memref<32xf32, #tpu.memory_space<hbm>>
      %dma_start3A_419 = arith.constant 0 : i32
      %dma_start3A_420 = tpu.memref_slice %arg24[%add3A_412, %dma_start3A_419] : memref<128x32xf32, #tpu.memory_space<vmem>> -> memref<1x32xf32, #tpu.memory_space<vmem>>
      %dma_start3A_421 = tpu.memref_squeeze %dma_start3A_420 : memref<1x32xf32, #tpu.memory_space<vmem>> -> memref<32xf32, #tpu.memory_space<vmem>>
      %dma_start3A_422 = arith.constant 0 : i32
      %dma_start3A_423 = tpu.memref_slice %arg6[%squeeze3A_408, %dma_start3A_422] : memref<100000x32xf32, #tpu.memory_space<hbm>> -> memref<1x32xf32, #tpu.memory_space<hbm>>
      %dma_start3A_424 = tpu.memref_squeeze %dma_start3A_423 : memref<1x32xf32, #tpu.memory_space<hbm>> -> memref<32xf32, #tpu.memory_space<hbm>>
      tpu.enqueue_dma source(%dma_start3A_424 : memref<32xf32, #tpu.memory_space<hbm>>) target(%dma_start3A_421 : memref<32xf32, #tpu.memory_space<vmem>>) target_semaphore(%arg35 : memref<!tpu.dma_semaphore, #tpu.memory_space<semaphore_mem>>)
      %slice3A_425 = vector.extract_strided_slice %get3A_264 {offsets = [9], sizes = [1], strides = [1]} : vector<16xi32> to vector<1xi32>
      %squeeze3A_426 = vector.extract %slice3A_425[0] : i32 from vector<1xi32>
      %mul3A_427 = arith.constant 16 : i32
      %mul3A_428 = arith.muli %scan3A_258, %mul3A_427 : i32
      %add3A_429 = arith.constant 9 : i32
      %add3A_430 = arith.addi %mul3A_428, %add3A_429 : i32
      %dma_start3A_431 = arith.constant 0 : i32
      %dma_start3A_432 = tpu.memref_slice %arg24[%add3A_430, %dma_start3A_431] : memref<128x32xf32, #tpu.memory_space<vmem>> -> memref<1x32xf32, #tpu.memory_space<vmem>>
      %dma_start3A_433 = tpu.memref_squeeze %dma_start3A_432 : memref<1x32xf32, #tpu.memory_space<vmem>> -> memref<32xf32, #tpu.memory_space<vmem>>
      %dma_start3A_434 = arith.constant 0 : i32
      %dma_start3A_435 = tpu.memref_slice %arg6[%squeeze3A_426, %dma_start3A_434] : memref<100000x32xf32, #tpu.memory_space<hbm>> -> memref<1x32xf32, #tpu.memory_space<hbm>>
      %dma_start3A_436 = tpu.memref_squeeze %dma_start3A_435 : memref<1x32xf32, #tpu.memory_space<hbm>> -> memref<32xf32, #tpu.memory_space<hbm>>
      %dma_start3A_437 = arith.constant 0 : i32
      %dma_start3A_438 = tpu.memref_slice %arg24[%add3A_430, %dma_start3A_437] : memref<128x32xf32, #tpu.memory_space<vmem>> -> memref<1x32xf32, #tpu.memory_space<vmem>>
      %dma_start3A_439 = tpu.memref_squeeze %dma_start3A_438 : memref<1x32xf32, #tpu.memory_space<vmem>> -> memref<32xf32, #tpu.memory_space<vmem>>
      %dma_start3A_440 = arith.constant 0 : i32
      %dma_start3A_441 = tpu.memref_slice %arg6[%squeeze3A_426, %dma_start3A_440] : memref<100000x32xf32, #tpu.memory_space<hbm>> -> memref<1x32xf32, #tpu.memory_space<hbm>>
      %dma_start3A_442 = tpu.memref_squeeze %dma_start3A_441 : memref<1x32xf32, #tpu.memory_space<hbm>> -> memref<32xf32, #tpu.memory_space<hbm>>
      tpu.enqueue_dma source(%dma_start3A_442 : memref<32xf32, #tpu.memory_space<hbm>>) target(%dma_start3A_439 : memref<32xf32, #tpu.memory_space<vmem>>) target_semaphore(%arg35 : memref<!tpu.dma_semaphore, #tpu.memory_space<semaphore_mem>>)
      %slice3A_443 = vector.extract_strided_slice %get3A_264 {offsets = [10], sizes = [1], strides = [1]} : vector<16xi32> to vector<1xi32>
      %squeeze3A_444 = vector.extract %slice3A_443[0] : i32 from vector<1xi32>
      %mul3A_445 = arith.constant 16 : i32
      %mul3A_446 = arith.muli %scan3A_258, %mul3A_445 : i32
      %add3A_447 = arith.constant 10 : i32
      %add3A_448 = arith.addi %mul3A_446, %add3A_447 : i32
      %dma_start3A_449 = arith.constant 0 : i32
      %dma_start3A_450 = tpu.memref_slice %arg24[%add3A_448, %dma_start3A_449] : memref<128x32xf32, #tpu.memory_space<vmem>> -> memref<1x32xf32, #tpu.memory_space<vmem>>
      %dma_start3A_451 = tpu.memref_squeeze %dma_start3A_450 : memref<1x32xf32, #tpu.memory_space<vmem>> -> memref<32xf32, #tpu.memory_space<vmem>>
      %dma_start3A_452 = arith.constant 0 : i32
      %dma_start3A_453 = tpu.memref_slice %arg6[%squeeze3A_444, %dma_start3A_452] : memref<100000x32xf32, #tpu.memory_space<hbm>> -> memref<1x32xf32, #tpu.memory_space<hbm>>
      %dma_start3A_454 = tpu.memref_squeeze %dma_start3A_453 : memref<1x32xf32, #tpu.memory_space<hbm>> -> memref<32xf32, #tpu.memory_space<hbm>>
      %dma_start3A_455 = arith.constant 0 : i32
      %dma_start3A_456 = tpu.memref_slice %arg24[%add3A_448, %dma_start3A_455] : memref<128x32xf32, #tpu.memory_space<vmem>> -> memref<1x32xf32, #tpu.memory_space<vmem>>
      %dma_start3A_457 = tpu.memref_squeeze %dma_start3A_456 : memref<1x32xf32, #tpu.memory_space<vmem>> -> memref<32xf32, #tpu.memory_space<vmem>>
      %dma_start3A_458 = arith.constant 0 : i32
      %dma_start3A_459 = tpu.memref_slice %arg6[%squeeze3A_444, %dma_start3A_458] : memref<100000x32xf32, #tpu.memory_space<hbm>> -> memref<1x32xf32, #tpu.memory_space<hbm>>
      %dma_start3A_460 = tpu.memref_squeeze %dma_start3A_459 : memref<1x32xf32, #tpu.memory_space<hbm>> -> memref<32xf32, #tpu.memory_space<hbm>>
      tpu.enqueue_dma source(%dma_start3A_460 : memref<32xf32, #tpu.memory_space<hbm>>) target(%dma_start3A_457 : memref<32xf32, #tpu.memory_space<vmem>>) target_semaphore(%arg35 : memref<!tpu.dma_semaphore, #tpu.memory_space<semaphore_mem>>)
      %slice3A_461 = vector.extract_strided_slice %get3A_264 {offsets = [11], sizes = [1], strides = [1]} : vector<16xi32> to vector<1xi32>
      %squeeze3A_462 = vector.extract %slice3A_461[0] : i32 from vector<1xi32>
      %mul3A_463 = arith.constant 16 : i32
      %mul3A_464 = arith.muli %scan3A_258, %mul3A_463 : i32
      %add3A_465 = arith.constant 11 : i32
      %add3A_466 = arith.addi %mul3A_464, %add3A_465 : i32
      %dma_start3A_467 = arith.constant 0 : i32
      %dma_start3A_468 = tpu.memref_slice %arg24[%add3A_466, %dma_start3A_467] : memref<128x32xf32, #tpu.memory_space<vmem>> -> memref<1x32xf32, #tpu.memory_space<vmem>>
      %dma_start3A_469 = tpu.memref_squeeze %dma_start3A_468 : memref<1x32xf32, #tpu.memory_space<vmem>> -> memref<32xf32, #tpu.memory_space<vmem>>
      %dma_start3A_470 = arith.constant 0 : i32
      %dma_start3A_471 = tpu.memref_slice %arg6[%squeeze3A_462, %dma_start3A_470] : memref<100000x32xf32, #tpu.memory_space<hbm>> -> memref<1x32xf32, #tpu.memory_space<hbm>>
      %dma_start3A_472 = tpu.memref_squeeze %dma_start3A_471 : memref<1x32xf32, #tpu.memory_space<hbm>> -> memref<32xf32, #tpu.memory_space<hbm>>
      %dma_start3A_473 = arith.constant 0 : i32
      %dma_start3A_474 = tpu.memref_slice %arg24[%add3A_466, %dma_start3A_473] : memref<128x32xf32, #tpu.memory_space<vmem>> -> memref<1x32xf32, #tpu.memory_space<vmem>>
      %dma_start3A_475 = tpu.memref_squeeze %dma_start3A_474 : memref<1x32xf32, #tpu.memory_space<vmem>> -> memref<32xf32, #tpu.memory_space<vmem>>
      %dma_start3A_476 = arith.constant 0 : i32
      %dma_start3A_477 = tpu.memref_slice %arg6[%squeeze3A_462, %dma_start3A_476] : memref<100000x32xf32, #tpu.memory_space<hbm>> -> memref<1x32xf32, #tpu.memory_space<hbm>>
      %dma_start3A_478 = tpu.memref_squeeze %dma_start3A_477 : memref<1x32xf32, #tpu.memory_space<hbm>> -> memref<32xf32, #tpu.memory_space<hbm>>
      tpu.enqueue_dma source(%dma_start3A_478 : memref<32xf32, #tpu.memory_space<hbm>>) target(%dma_start3A_475 : memref<32xf32, #tpu.memory_space<vmem>>) target_semaphore(%arg35 : memref<!tpu.dma_semaphore, #tpu.memory_space<semaphore_mem>>)
      %slice3A_479 = vector.extract_strided_slice %get3A_264 {offsets = [12], sizes = [1], strides = [1]} : vector<16xi32> to vector<1xi32>
      %squeeze3A_480 = vector.extract %slice3A_479[0] : i32 from vector<1xi32>
      %mul3A_481 = arith.constant 16 : i32
      %mul3A_482 = arith.muli %scan3A_258, %mul3A_481 : i32
      %add3A_483 = arith.constant 12 : i32
      %add3A_484 = arith.addi %mul3A_482, %add3A_483 : i32
      %dma_start3A_485 = arith.constant 0 : i32
      %dma_start3A_486 = tpu.memref_slice %arg24[%add3A_484, %dma_start3A_485] : memref<128x32xf32, #tpu.memory_space<vmem>> -> memref<1x32xf32, #tpu.memory_space<vmem>>
      %dma_start3A_487 = tpu.memref_squeeze %dma_start3A_486 : memref<1x32xf32, #tpu.memory_space<vmem>> -> memref<32xf32, #tpu.memory_space<vmem>>
      %dma_start3A_488 = arith.constant 0 : i32
      %dma_start3A_489 = tpu.memref_slice %arg6[%squeeze3A_480, %dma_start3A_488] : memref<100000x32xf32, #tpu.memory_space<hbm>> -> memref<1x32xf32, #tpu.memory_space<hbm>>
      %dma_start3A_490 = tpu.memref_squeeze %dma_start3A_489 : memref<1x32xf32, #tpu.memory_space<hbm>> -> memref<32xf32, #tpu.memory_space<hbm>>
      %dma_start3A_491 = arith.constant 0 : i32
      %dma_start3A_492 = tpu.memref_slice %arg24[%add3A_484, %dma_start3A_491] : memref<128x32xf32, #tpu.memory_space<vmem>> -> memref<1x32xf32, #tpu.memory_space<vmem>>
      %dma_start3A_493 = tpu.memref_squeeze %dma_start3A_492 : memref<1x32xf32, #tpu.memory_space<vmem>> -> memref<32xf32, #tpu.memory_space<vmem>>
      %dma_start3A_494 = arith.constant 0 : i32
      %dma_start3A_495 = tpu.memref_slice %arg6[%squeeze3A_480, %dma_start3A_494] : memref<100000x32xf32, #tpu.memory_space<hbm>> -> memref<1x32xf32, #tpu.memory_space<hbm>>
      %dma_start3A_496 = tpu.memref_squeeze %dma_start3A_495 : memref<1x32xf32, #tpu.memory_space<hbm>> -> memref<32xf32, #tpu.memory_space<hbm>>
      tpu.enqueue_dma source(%dma_start3A_496 : memref<32xf32, #tpu.memory_space<hbm>>) target(%dma_start3A_493 : memref<32xf32, #tpu.memory_space<vmem>>) target_semaphore(%arg35 : memref<!tpu.dma_semaphore, #tpu.memory_space<semaphore_mem>>)
      %slice3A_497 = vector.extract_strided_slice %get3A_264 {offsets = [13], sizes = [1], strides = [1]} : vector<16xi32> to vector<1xi32>
      %squeeze3A_498 = vector.extract %slice3A_497[0] : i32 from vector<1xi32>
      %mul3A_499 = arith.constant 16 : i32
      %mul3A_500 = arith.muli %scan3A_258, %mul3A_499 : i32
      %add3A_501 = arith.constant 13 : i32
      %add3A_502 = arith.addi %mul3A_500, %add3A_501 : i32
      %dma_start3A_503 = arith.constant 0 : i32
      %dma_start3A_504 = tpu.memref_slice %arg24[%add3A_502, %dma_start3A_503] : memref<128x32xf32, #tpu.memory_space<vmem>> -> memref<1x32xf32, #tpu.memory_space<vmem>>
      %dma_start3A_505 = tpu.memref_squeeze %dma_start3A_504 : memref<1x32xf32, #tpu.memory_space<vmem>> -> memref<32xf32, #tpu.memory_space<vmem>>
      %dma_start3A_506 = arith.constant 0 : i32
      %dma_start3A_507 = tpu.memref_slice %arg6[%squeeze3A_498, %dma_start3A_506] : memref<100000x32xf32, #tpu.memory_space<hbm>> -> memref<1x32xf32, #tpu.memory_space<hbm>>
      %dma_start3A_508 = tpu.memref_squeeze %dma_start3A_507 : memref<1x32xf32, #tpu.memory_space<hbm>> -> memref<32xf32, #tpu.memory_space<hbm>>
      %dma_start3A_509 = arith.constant 0 : i32
      %dma_start3A_510 = tpu.memref_slice %arg24[%add3A_502, %dma_start3A_509] : memref<128x32xf32, #tpu.memory_space<vmem>> -> memref<1x32xf32, #tpu.memory_space<vmem>>
      %dma_start3A_511 = tpu.memref_squeeze %dma_start3A_510 : memref<1x32xf32, #tpu.memory_space<vmem>> -> memref<32xf32, #tpu.memory_space<vmem>>
      %dma_start3A_512 = arith.constant 0 : i32
      %dma_start3A_513 = tpu.memref_slice %arg6[%squeeze3A_498, %dma_start3A_512] : memref<100000x32xf32, #tpu.memory_space<hbm>> -> memref<1x32xf32, #tpu.memory_space<hbm>>
      %dma_start3A_514 = tpu.memref_squeeze %dma_start3A_513 : memref<1x32xf32, #tpu.memory_space<hbm>> -> memref<32xf32, #tpu.memory_space<hbm>>
      tpu.enqueue_dma source(%dma_start3A_514 : memref<32xf32, #tpu.memory_space<hbm>>) target(%dma_start3A_511 : memref<32xf32, #tpu.memory_space<vmem>>) target_semaphore(%arg35 : memref<!tpu.dma_semaphore, #tpu.memory_space<semaphore_mem>>)
      %slice3A_515 = vector.extract_strided_slice %get3A_264 {offsets = [14], sizes = [1], strides = [1]} : vector<16xi32> to vector<1xi32>
      %squeeze3A_516 = vector.extract %slice3A_515[0] : i32 from vector<1xi32>
      %mul3A_517 = arith.constant 16 : i32
      %mul3A_518 = arith.muli %scan3A_258, %mul3A_517 : i32
      %add3A_519 = arith.constant 14 : i32
      %add3A_520 = arith.addi %mul3A_518, %add3A_519 : i32
      %dma_start3A_521 = arith.constant 0 : i32
      %dma_start3A_522 = tpu.memref_slice %arg24[%add3A_520, %dma_start3A_521] : memref<128x32xf32, #tpu.memory_space<vmem>> -> memref<1x32xf32, #tpu.memory_space<vmem>>
      %dma_start3A_523 = tpu.memref_squeeze %dma_start3A_522 : memref<1x32xf32, #tpu.memory_space<vmem>> -> memref<32xf32, #tpu.memory_space<vmem>>
      %dma_start3A_524 = arith.constant 0 : i32
      %dma_start3A_525 = tpu.memref_slice %arg6[%squeeze3A_516, %dma_start3A_524] : memref<100000x32xf32, #tpu.memory_space<hbm>> -> memref<1x32xf32, #tpu.memory_space<hbm>>
      %dma_start3A_526 = tpu.memref_squeeze %dma_start3A_525 : memref<1x32xf32, #tpu.memory_space<hbm>> -> memref<32xf32, #tpu.memory_space<hbm>>
      %dma_start3A_527 = arith.constant 0 : i32
      %dma_start3A_528 = tpu.memref_slice %arg24[%add3A_520, %dma_start3A_527] : memref<128x32xf32, #tpu.memory_space<vmem>> -> memref<1x32xf32, #tpu.memory_space<vmem>>
      %dma_start3A_529 = tpu.memref_squeeze %dma_start3A_528 : memref<1x32xf32, #tpu.memory_space<vmem>> -> memref<32xf32, #tpu.memory_space<vmem>>
      %dma_start3A_530 = arith.constant 0 : i32
      %dma_start3A_531 = tpu.memref_slice %arg6[%squeeze3A_516, %dma_start3A_530] : memref<100000x32xf32, #tpu.memory_space<hbm>> -> memref<1x32xf32, #tpu.memory_space<hbm>>
      %dma_start3A_532 = tpu.memref_squeeze %dma_start3A_531 : memref<1x32xf32, #tpu.memory_space<hbm>> -> memref<32xf32, #tpu.memory_space<hbm>>
      tpu.enqueue_dma source(%dma_start3A_532 : memref<32xf32, #tpu.memory_space<hbm>>) target(%dma_start3A_529 : memref<32xf32, #tpu.memory_space<vmem>>) target_semaphore(%arg35 : memref<!tpu.dma_semaphore, #tpu.memory_space<semaphore_mem>>)
      %slice3A_533 = vector.extract_strided_slice %get3A_264 {offsets = [15], sizes = [1], strides = [1]} : vector<16xi32> to vector<1xi32>
      %squeeze3A_534 = vector.extract %slice3A_533[0] : i32 from vector<1xi32>
      %mul3A_535 = arith.constant 16 : i32
      %mul3A_536 = arith.muli %scan3A_258, %mul3A_535 : i32
      %add3A_537 = arith.constant 15 : i32
      %add3A_538 = arith.addi %mul3A_536, %add3A_537 : i32
      %dma_start3A_539 = arith.constant 0 : i32
      %dma_start3A_540 = tpu.memref_slice %arg24[%add3A_538, %dma_start3A_539] : memref<128x32xf32, #tpu.memory_space<vmem>> -> memref<1x32xf32, #tpu.memory_space<vmem>>
      %dma_start3A_541 = tpu.memref_squeeze %dma_start3A_540 : memref<1x32xf32, #tpu.memory_space<vmem>> -> memref<32xf32, #tpu.memory_space<vmem>>
      %dma_start3A_542 = arith.constant 0 : i32
      %dma_start3A_543 = tpu.memref_slice %arg6[%squeeze3A_534, %dma_start3A_542] : memref<100000x32xf32, #tpu.memory_space<hbm>> -> memref<1x32xf32, #tpu.memory_space<hbm>>
      %dma_start3A_544 = tpu.memref_squeeze %dma_start3A_543 : memref<1x32xf32, #tpu.memory_space<hbm>> -> memref<32xf32, #tpu.memory_space<hbm>>
      %dma_start3A_545 = arith.constant 0 : i32
      %dma_start3A_546 = tpu.memref_slice %arg24[%add3A_538, %dma_start3A_545] : memref<128x32xf32, #tpu.memory_space<vmem>> -> memref<1x32xf32, #tpu.memory_space<vmem>>
      %dma_start3A_547 = tpu.memref_squeeze %dma_start3A_546 : memref<1x32xf32, #tpu.memory_space<vmem>> -> memref<32xf32, #tpu.memory_space<vmem>>
      %dma_start3A_548 = arith.constant 0 : i32
      %dma_start3A_549 = tpu.memref_slice %arg6[%squeeze3A_534, %dma_start3A_548] : memref<100000x32xf32, #tpu.memory_space<hbm>> -> memref<1x32xf32, #tpu.memory_space<hbm>>
      %dma_start3A_550 = tpu.memref_squeeze %dma_start3A_549 : memref<1x32xf32, #tpu.memory_space<hbm>> -> memref<32xf32, #tpu.memory_space<hbm>>
      tpu.enqueue_dma source(%dma_start3A_550 : memref<32xf32, #tpu.memory_space<hbm>>) target(%dma_start3A_547 : memref<32xf32, #tpu.memory_space<vmem>>) target_semaphore(%arg35 : memref<!tpu.dma_semaphore, #tpu.memory_space<semaphore_mem>>)
      %scan3A_551 = arith.constant 0 : i32
      scf.yield %scan3A_551 : i32
    }
    %scan3A_229 = arith.constant 8 : i32
    %parallel_loop3A_230 = arith.constant 0 : i32
    %parallel_loop3A_231 = arith.constant 128 : i32
    %parallel_loop3A_232 = arith.constant 1 : i32
    scf.for %parallel_loop3A_258 = %parallel_loop3A_230 to %parallel_loop3A_231 step %parallel_loop3A_232  : i32 {
      %parallel_loop3A_259 = arith.index_cast %parallel_loop3A_258 : i32 to index
      %parallel_loop3A_260 = arith.constant 0 : index
      %parallel_loop3A_261 = tpu.vector_load %arg19[%parallel_loop3A_259, %parallel_loop3A_260] {strides = array<i32>} : memref<128x128xf32, #tpu.memory_space<vmem>>, vector<16xf32>,
      %parallel_loop3A_262 = arith.index_cast %parallel_loop3A_258 : i32 to index
      %parallel_loop3A_263 = arith.constant 16 : index
      %parallel_loop3A_264 = tpu.vector_load %arg19[%parallel_loop3A_262, %parallel_loop3A_263] {strides = array<i32>} : memref<128x128xf32, #tpu.memory_space<vmem>>, vector<16xf32>,
      %parallel_loop3A_265 = arith.index_cast %parallel_loop3A_258 : i32 to index
      %parallel_loop3A_266 = arith.constant 32 : index
      %parallel_loop3A_267 = tpu.vector_load %arg19[%parallel_loop3A_265, %parallel_loop3A_266] {strides = array<i32>} : memref<128x128xf32, #tpu.memory_space<vmem>>, vector<16xf32>,
      %parallel_loop3A_268 = arith.index_cast %parallel_loop3A_258 : i32 to index
      %parallel_loop3A_269 = arith.constant 48 : index
      %parallel_loop3A_270 = tpu.vector_load %arg19[%parallel_loop3A_268, %parallel_loop3A_269] {strides = array<i32>} : memref<128x128xf32, #tpu.memory_space<vmem>>, vector<16xf32>,
      %parallel_loop3A_271 = arith.index_cast %parallel_loop3A_258 : i32 to index
      %parallel_loop3A_272 = arith.constant 64 : index
      %parallel_loop3A_273 = tpu.vector_load %arg19[%parallel_loop3A_271, %parallel_loop3A_272] {strides = array<i32>} : memref<128x128xf32, #tpu.memory_space<vmem>>, vector<16xf32>,
      %parallel_loop3A_274 = arith.index_cast %parallel_loop3A_258 : i32 to index
      %parallel_loop3A_275 = arith.constant 80 : index
      %parallel_loop3A_276 = tpu.vector_load %arg19[%parallel_loop3A_274, %parallel_loop3A_275] {strides = array<i32>} : memref<128x128xf32, #tpu.memory_space<vmem>>, vector<16xf32>,
      %parallel_loop3A_277 = arith.index_cast %parallel_loop3A_258 : i32 to index
      %parallel_loop3A_278 = arith.constant 96 : index
      %parallel_loop3A_279 = tpu.vector_load %arg19[%parallel_loop3A_277, %parallel_loop3A_278] {strides = array<i32>} : memref<128x128xf32, #tpu.memory_space<vmem>>, vector<16xf32>,
      %parallel_loop3A_280 = arith.index_cast %parallel_loop3A_258 : i32 to index
      %parallel_loop3A_281 = arith.constant 112 : index
      %parallel_loop3A_282 = tpu.vector_load %arg19[%parallel_loop3A_280, %parallel_loop3A_281] {strides = array<i32>} : memref<128x128xf32, #tpu.memory_space<vmem>>, vector<16xf32>,
      %parallel_loop3A_283 = arith.index_cast %parallel_loop3A_258 : i32 to index
      %parallel_loop3A_284 = arith.constant 0 : index
      %parallel_loop3A_285 = tpu.vector_load %arg21[%parallel_loop3A_283, %parallel_loop3A_284] {strides = array<i32>} : memref<128x128xf32, #tpu.memory_space<vmem>>, vector<16xf32>,
      %parallel_loop3A_286 = arith.index_cast %parallel_loop3A_258 : i32 to index
      %parallel_loop3A_287 = arith.constant 16 : index
      %parallel_loop3A_288 = tpu.vector_load %arg21[%parallel_loop3A_286, %parallel_loop3A_287] {strides = array<i32>} : memref<128x128xf32, #tpu.memory_space<vmem>>, vector<16xf32>,
      %parallel_loop3A_289 = arith.index_cast %parallel_loop3A_258 : i32 to index
      %parallel_loop3A_290 = arith.constant 32 : index
      %parallel_loop3A_291 = tpu.vector_load %arg21[%parallel_loop3A_289, %parallel_loop3A_290] {strides = array<i32>} : memref<128x128xf32, #tpu.memory_space<vmem>>, vector<16xf32>,
      %parallel_loop3A_292 = arith.index_cast %parallel_loop3A_258 : i32 to index
      %parallel_loop3A_293 = arith.constant 48 : index
      %parallel_loop3A_294 = tpu.vector_load %arg21[%parallel_loop3A_292, %parallel_loop3A_293] {strides = array<i32>} : memref<128x128xf32, #tpu.memory_space<vmem>>, vector<16xf32>,
      %parallel_loop3A_295 = arith.index_cast %parallel_loop3A_258 : i32 to index
      %parallel_loop3A_296 = arith.constant 64 : index
      %parallel_loop3A_297 = tpu.vector_load %arg21[%parallel_loop3A_295, %parallel_loop3A_296] {strides = array<i32>} : memref<128x128xf32, #tpu.memory_space<vmem>>, vector<16xf32>,
      %parallel_loop3A_298 = arith.index_cast %parallel_loop3A_258 : i32 to index
      %parallel_loop3A_299 = arith.constant 80 : index
      %parallel_loop3A_300 = tpu.vector_load %arg21[%parallel_loop3A_298, %parallel_loop3A_299] {strides = array<i32>} : memref<128x128xf32, #tpu.memory_space<vmem>>, vector<16xf32>,
      %parallel_loop3A_301 = arith.index_cast %parallel_loop3A_258 : i32 to index
      %parallel_loop3A_302 = arith.constant 96 : index
      %parallel_loop3A_303 = tpu.vector_load %arg21[%parallel_loop3A_301, %parallel_loop3A_302] {strides = array<i32>} : memref<128x128xf32, #tpu.memory_space<vmem>>, vector<16xf32>,
      %parallel_loop3A_304 = arith.index_cast %parallel_loop3A_258 : i32 to index
      %parallel_loop3A_305 = arith.constant 112 : index
      %parallel_loop3A_306 = tpu.vector_load %arg21[%parallel_loop3A_304, %parallel_loop3A_305] {strides = array<i32>} : memref<128x128xf32, #tpu.memory_space<vmem>>, vector<16xf32>,
      %parallel_loop3A_307 = arith.index_cast %parallel_loop3A_258 : i32 to index
      %parallel_loop3A_308 = arith.constant 0 : index
      %parallel_loop3A_309 = tpu.vector_load %arg23[%parallel_loop3A_307, %parallel_loop3A_308] {strides = array<i32>} : memref<128x32xf32, #tpu.memory_space<vmem>>, vector<16xf32>,
      %parallel_loop3A_310 = arith.index_cast %parallel_loop3A_258 : i32 to index
      %parallel_loop3A_311 = arith.constant 16 : index
      %parallel_loop3A_312 = tpu.vector_load %arg23[%parallel_loop3A_310, %parallel_loop3A_311] {strides = array<i32>} : memref<128x32xf32, #tpu.memory_space<vmem>>, vector<16xf32>,
      %parallel_loop3A_313 = arith.subf %parallel_loop3A_261, %parallel_loop3A_285 : vector<16xf32>
      %parallel_loop3A_314 = arith.subf %parallel_loop3A_264, %parallel_loop3A_288 : vector<16xf32>
      %parallel_loop3A_315 = arith.subf %parallel_loop3A_267, %parallel_loop3A_291 : vector<16xf32>
      %parallel_loop3A_316 = arith.subf %parallel_loop3A_270, %parallel_loop3A_294 : vector<16xf32>
      %parallel_loop3A_317 = arith.subf %parallel_loop3A_273, %parallel_loop3A_297 : vector<16xf32>
      %parallel_loop3A_318 = arith.subf %parallel_loop3A_276, %parallel_loop3A_300 : vector<16xf32>
      %parallel_loop3A_319 = arith.subf %parallel_loop3A_279, %parallel_loop3A_303 : vector<16xf32>
      %parallel_loop3A_320 = arith.subf %parallel_loop3A_282, %parallel_loop3A_306 : vector<16xf32>
      %parallel_loop3A_321 = arith.mulf %parallel_loop3A_309, %gather3A_18 : vector<16xf32>
      %parallel_loop3A_322 = arith.mulf %parallel_loop3A_312, %gather3A_24 : vector<16xf32>
      %parallel_loop3A_323 = arith.addf %parallel_loop3A_321, %parallel_loop3A_322 : vector<16xf32>
      %parallel_loop3A_324 = arith.constant true
      %parallel_loop3A_325 = vector.broadcast %parallel_loop3A_324 : i1 to vector<16xi1>
      %parallel_loop3A_326 = tpu.scan <sum>, %parallel_loop3A_323 masked %parallel_loop3A_325 : vector<16xf32>, vector<16xi1> -> vector<16xf32>
      %parallel_loop3A_327 = vector.extract %parallel_loop3A_326[15] : f32 from vector<16xf32>
      %parallel_loop3A_328 = vector.broadcast %parallel_loop3A_327 : f32 to vector<16xf32>
      %parallel_loop3A_329 = arith.addf %parallel_loop3A_328, %gather3A_39 : vector<16xf32>
      %parallel_loop3A_330 = arith.mulf %parallel_loop3A_261, %gather3A : vector<16xf32>
      %parallel_loop3A_331 = arith.mulf %parallel_loop3A_264, %gather3A_12 : vector<16xf32>
      %parallel_loop3A_332 = arith.addf %parallel_loop3A_330, %parallel_loop3A_331 : vector<16xf32>
      %parallel_loop3A_333 = arith.mulf %parallel_loop3A_285, %gather3A_30 : vector<16xf32>
      %parallel_loop3A_334 = arith.addf %parallel_loop3A_332, %parallel_loop3A_333 : vector<16xf32>
      %parallel_loop3A_335 = arith.mulf %parallel_loop3A_288, %gather3A_36 : vector<16xf32>
      %parallel_loop3A_336 = arith.addf %parallel_loop3A_334, %parallel_loop3A_335 : vector<16xf32>
      %parallel_loop3A_337 = arith.constant true
      %parallel_loop3A_338 = vector.broadcast %parallel_loop3A_337 : i1 to vector<16xi1>
      %parallel_loop3A_339 = tpu.scan <sum>, %parallel_loop3A_336 masked %parallel_loop3A_338 : vector<16xf32>, vector<16xi1> -> vector<16xf32>
      %parallel_loop3A_340 = vector.extract %parallel_loop3A_339[15] : f32 from vector<16xf32>
      %parallel_loop3A_341 = vector.broadcast %parallel_loop3A_340 : f32 to vector<16xf32>
      %parallel_loop3A_342 = arith.addf %broadcast_in_dim3A_41, %parallel_loop3A_341 : vector<16xf32>
      %parallel_loop3A_343 = arith.addf %parallel_loop3A_342, %parallel_loop3A_329 : vector<16xf32>
      %parallel_loop3A_344 = arith.constant 0.000000e+00 : f32
      %parallel_loop3A_345 = vector.broadcast %parallel_loop3A_344 : f32 to vector<16xf32>
      %parallel_loop3A_346 = arith.maximumf %parallel_loop3A_343, %parallel_loop3A_345 : vector<16xf32>
      %parallel_loop3A_347 = arith.mulf %parallel_loop3A_267, %gather3A : vector<16xf32>
      %parallel_loop3A_348 = arith.mulf %parallel_loop3A_270, %gather3A_12 : vector<16xf32>
      %parallel_loop3A_349 = arith.addf %parallel_loop3A_347, %parallel_loop3A_348 : vector<16xf32>
      %parallel_loop3A_350 = arith.mulf %parallel_loop3A_291, %gather3A_30 : vector<16xf32>
      %parallel_loop3A_351 = arith.addf %parallel_loop3A_349, %parallel_loop3A_350 : vector<16xf32>
      %parallel_loop3A_352 = arith.mulf %parallel_loop3A_294, %gather3A_36 : vector<16xf32>
      %parallel_loop3A_353 = arith.addf %parallel_loop3A_351, %parallel_loop3A_352 : vector<16xf32>
      %parallel_loop3A_354 = arith.constant true
      %parallel_loop3A_355 = vector.broadcast %parallel_loop3A_354 : i1 to vector<16xi1>
      %parallel_loop3A_356 = tpu.scan <sum>, %parallel_loop3A_353 masked %parallel_loop3A_355 : vector<16xf32>, vector<16xi1> -> vector<16xf32>
      %parallel_loop3A_357 = vector.extract %parallel_loop3A_356[15] : f32 from vector<16xf32>
      %parallel_loop3A_358 = vector.broadcast %parallel_loop3A_357 : f32 to vector<16xf32>
      %parallel_loop3A_359 = arith.addf %broadcast_in_dim3A_41, %parallel_loop3A_358 : vector<16xf32>
      %parallel_loop3A_360 = arith.addf %parallel_loop3A_359, %parallel_loop3A_329 : vector<16xf32>
      %parallel_loop3A_361 = arith.constant 0.000000e+00 : f32
      %parallel_loop3A_362 = vector.broadcast %parallel_loop3A_361 : f32 to vector<16xf32>
      %parallel_loop3A_363 = arith.maximumf %parallel_loop3A_360, %parallel_loop3A_362 : vector<16xf32>
      %parallel_loop3A_364 = arith.mulf %parallel_loop3A_273, %gather3A : vector<16xf32>
      %parallel_loop3A_365 = arith.mulf %parallel_loop3A_276, %gather3A_12 : vector<16xf32>
      %parallel_loop3A_366 = arith.addf %parallel_loop3A_364, %parallel_loop3A_365 : vector<16xf32>
      %parallel_loop3A_367 = arith.mulf %parallel_loop3A_297, %gather3A_30 : vector<16xf32>
      %parallel_loop3A_368 = arith.addf %parallel_loop3A_366, %parallel_loop3A_367 : vector<16xf32>
      %parallel_loop3A_369 = arith.mulf %parallel_loop3A_300, %gather3A_36 : vector<16xf32>
      %parallel_loop3A_370 = arith.addf %parallel_loop3A_368, %parallel_loop3A_369 : vector<16xf32>
      %parallel_loop3A_371 = arith.constant true
      %parallel_loop3A_372 = vector.broadcast %parallel_loop3A_371 : i1 to vector<16xi1>
      %parallel_loop3A_373 = tpu.scan <sum>, %parallel_loop3A_370 masked %parallel_loop3A_372 : vector<16xf32>, vector<16xi1> -> vector<16xf32>
      %parallel_loop3A_374 = vector.extract %parallel_loop3A_373[15] : f32 from vector<16xf32>
      %parallel_loop3A_375 = vector.broadcast %parallel_loop3A_374 : f32 to vector<16xf32>
      %parallel_loop3A_376 = arith.addf %broadcast_in_dim3A_41, %parallel_loop3A_375 : vector<16xf32>
      %parallel_loop3A_377 = arith.addf %parallel_loop3A_376, %parallel_loop3A_329 : vector<16xf32>
      %parallel_loop3A_378 = arith.constant 0.000000e+00 : f32
      %parallel_loop3A_379 = vector.broadcast %parallel_loop3A_378 : f32 to vector<16xf32>
      %parallel_loop3A_380 = arith.maximumf %parallel_loop3A_377, %parallel_loop3A_379 : vector<16xf32>
      %parallel_loop3A_381 = arith.mulf %parallel_loop3A_279, %gather3A : vector<16xf32>
      %parallel_loop3A_382 = arith.mulf %parallel_loop3A_282, %gather3A_12 : vector<16xf32>
      %parallel_loop3A_383 = arith.addf %parallel_loop3A_381, %parallel_loop3A_382 : vector<16xf32>
      %parallel_loop3A_384 = arith.mulf %parallel_loop3A_303, %gather3A_30 : vector<16xf32>
      %parallel_loop3A_385 = arith.addf %parallel_loop3A_383, %parallel_loop3A_384 : vector<16xf32>
      %parallel_loop3A_386 = arith.mulf %parallel_loop3A_306, %gather3A_36 : vector<16xf32>
      %parallel_loop3A_387 = arith.addf %parallel_loop3A_385, %parallel_loop3A_386 : vector<16xf32>
      %parallel_loop3A_388 = arith.constant true
      %parallel_loop3A_389 = vector.broadcast %parallel_loop3A_388 : i1 to vector<16xi1>
      %parallel_loop3A_390 = tpu.scan <sum>, %parallel_loop3A_387 masked %parallel_loop3A_389 : vector<16xf32>, vector<16xi1> -> vector<16xf32>
      %parallel_loop3A_391 = vector.extract %parallel_loop3A_390[15] : f32 from vector<16xf32>
      %parallel_loop3A_392 = vector.broadcast %parallel_loop3A_391 : f32 to vector<16xf32>
      %parallel_loop3A_393 = arith.addf %broadcast_in_dim3A_41, %parallel_loop3A_392 : vector<16xf32>
      %parallel_loop3A_394 = arith.addf %parallel_loop3A_393, %parallel_loop3A_329 : vector<16xf32>
      %parallel_loop3A_395 = arith.constant 0.000000e+00 : f32
      %parallel_loop3A_396 = vector.broadcast %parallel_loop3A_395 : f32 to vector<16xf32>
      %parallel_loop3A_397 = arith.maximumf %parallel_loop3A_394, %parallel_loop3A_396 : vector<16xf32>
      %parallel_loop3A_398 = arith.maximumf %parallel_loop3A_346, %parallel_loop3A_363 : vector<16xf32>
      %parallel_loop3A_399 = arith.maximumf %parallel_loop3A_380, %parallel_loop3A_397 : vector<16xf32>
      %parallel_loop3A_400 = arith.maximumf %parallel_loop3A_398, %parallel_loop3A_399 : vector<16xf32>
      %parallel_loop3A_401 = arith.subf %parallel_loop3A_346, %parallel_loop3A_400 : vector<16xf32>
      %parallel_loop3A_402 = math.exp %parallel_loop3A_401 : vector<16xf32>
      %parallel_loop3A_403 = arith.subf %parallel_loop3A_363, %parallel_loop3A_400 : vector<16xf32>
      %parallel_loop3A_404 = math.exp %parallel_loop3A_403 : vector<16xf32>
      %parallel_loop3A_405 = arith.subf %parallel_loop3A_380, %parallel_loop3A_400 : vector<16xf32>
      %parallel_loop3A_406 = math.exp %parallel_loop3A_405 : vector<16xf32>
      %parallel_loop3A_407 = arith.subf %parallel_loop3A_397, %parallel_loop3A_400 : vector<16xf32>
      %parallel_loop3A_408 = math.exp %parallel_loop3A_407 : vector<16xf32>
      %parallel_loop3A_409 = arith.addf %parallel_loop3A_402, %parallel_loop3A_404 : vector<16xf32>
      %parallel_loop3A_410 = arith.addf %parallel_loop3A_409, %parallel_loop3A_406 : vector<16xf32>
      %parallel_loop3A_411 = arith.addf %parallel_loop3A_410, %parallel_loop3A_408 : vector<16xf32>
      %parallel_loop3A_412 = arith.constant 1.000000e+00 : f32
      %parallel_loop3A_413 = vector.broadcast %parallel_loop3A_412 : f32 to vector<16xf32>
      %parallel_loop3A_414 = arith.divf %parallel_loop3A_413, %parallel_loop3A_411 : vector<16xf32>
      %parallel_loop3A_415 = arith.mulf %parallel_loop3A_402, %parallel_loop3A_414 : vector<16xf32>
      %parallel_loop3A_416 = arith.mulf %parallel_loop3A_404, %parallel_loop3A_414 : vector<16xf32>
      %parallel_loop3A_417 = arith.mulf %parallel_loop3A_406, %parallel_loop3A_414 : vector<16xf32>
      %parallel_loop3A_418 = arith.mulf %parallel_loop3A_408, %parallel_loop3A_414 : vector<16xf32>
      %parallel_loop3A_419 = arith.mulf %parallel_loop3A_415, %parallel_loop3A_313 : vector<16xf32>
      %parallel_loop3A_420 = arith.addf %parallel_loop3A_309, %parallel_loop3A_419 : vector<16xf32>
      %parallel_loop3A_421 = arith.mulf %parallel_loop3A_416, %parallel_loop3A_315 : vector<16xf32>
      %parallel_loop3A_422 = arith.addf %parallel_loop3A_420, %parallel_loop3A_421 : vector<16xf32>
      %parallel_loop3A_423 = arith.mulf %parallel_loop3A_417, %parallel_loop3A_317 : vector<16xf32>
      %parallel_loop3A_424 = arith.addf %parallel_loop3A_422, %parallel_loop3A_423 : vector<16xf32>
      %parallel_loop3A_425 = arith.mulf %parallel_loop3A_418, %parallel_loop3A_319 : vector<16xf32>
      %parallel_loop3A_426 = arith.addf %parallel_loop3A_424, %parallel_loop3A_425 : vector<16xf32>
      %parallel_loop3A_427 = arith.mulf %parallel_loop3A_415, %parallel_loop3A_314 : vector<16xf32>
      %parallel_loop3A_428 = arith.addf %parallel_loop3A_312, %parallel_loop3A_427 : vector<16xf32>
      %parallel_loop3A_429 = arith.mulf %parallel_loop3A_416, %parallel_loop3A_316 : vector<16xf32>
      %parallel_loop3A_430 = arith.addf %parallel_loop3A_428, %parallel_loop3A_429 : vector<16xf32>
      %parallel_loop3A_431 = arith.mulf %parallel_loop3A_417, %parallel_loop3A_318 : vector<16xf32>
      %parallel_loop3A_432 = arith.addf %parallel_loop3A_430, %parallel_loop3A_431 : vector<16xf32>
      %parallel_loop3A_433 = arith.mulf %parallel_loop3A_418, %parallel_loop3A_320 : vector<16xf32>
      %parallel_loop3A_434 = arith.addf %parallel_loop3A_432, %parallel_loop3A_433 : vector<16xf32>
      %parallel_loop3A_435 = math.absf %parallel_loop3A_426 : vector<16xf32>
      %parallel_loop3A_436 = math.absf %parallel_loop3A_434 : vector<16xf32>
      %parallel_loop3A_437 = arith.addf %parallel_loop3A_435, %parallel_loop3A_436 : vector<16xf32>
      %parallel_loop3A_438 = arith.constant true
      %parallel_loop3A_439 = vector.broadcast %parallel_loop3A_438 : i1 to vector<16xi1>
      %parallel_loop3A_440 = tpu.scan <sum>, %parallel_loop3A_437 masked %parallel_loop3A_439 : vector<16xf32>, vector<16xi1> -> vector<16xf32>
      %parallel_loop3A_441 = arith.constant 256 : i32
      %parallel_loop3A_442 = arith.addi %parallel_loop3A_441, %parallel_loop3A_258 : i32
      %parallel_loop3A_443 = vector.broadcast %parallel_loop3A_442 : i32 to vector<16xi32>
      tpu.vector_store_idx %arg25[%parallel_loop3A_443], %parallel_loop3A_440 masked %eq3A_43 : memref<512xf32, #tpu.memory_space<vmem>>[vector<16xi32>], vector<16xf32>, vector<16xi1>
      %parallel_loop3A_444 = arith.constant 0 : i32
      %parallel_loop3A_445 = arith.addi %parallel_loop3A_444, %parallel_loop3A_442 : i32
      %parallel_loop3A_446 = vector.broadcast %parallel_loop3A_445 : i32 to vector<16xi32>
      tpu.vector_store_idx %arg26[%parallel_loop3A_446], %parallel_loop3A_415 masked %eq3A_46 : memref<2048xf32, #tpu.memory_space<vmem>>[vector<16xi32>], vector<16xf32>, vector<16xi1>
      %parallel_loop3A_447 = arith.constant 512 : i32
      %parallel_loop3A_448 = arith.addi %parallel_loop3A_447, %parallel_loop3A_442 : i32
      %parallel_loop3A_449 = vector.broadcast %parallel_loop3A_448 : i32 to vector<16xi32>
      tpu.vector_store_idx %arg26[%parallel_loop3A_449], %parallel_loop3A_416 masked %eq3A_46 : memref<2048xf32, #tpu.memory_space<vmem>>[vector<16xi32>], vector<16xf32>, vector<16xi1>
      %parallel_loop3A_450 = arith.constant 1024 : i32
      %parallel_loop3A_451 = arith.addi %parallel_loop3A_450, %parallel_loop3A_442 : i32
      %parallel_loop3A_452 = vector.broadcast %parallel_loop3A_451 : i32 to vector<16xi32>
      tpu.vector_store_idx %arg26[%parallel_loop3A_452], %parallel_loop3A_417 masked %eq3A_46 : memref<2048xf32, #tpu.memory_space<vmem>>[vector<16xi32>], vector<16xf32>, vector<16xi1>
      %parallel_loop3A_453 = arith.constant 1536 : i32
      %parallel_loop3A_454 = arith.addi %parallel_loop3A_453, %parallel_loop3A_442 : i32
      %parallel_loop3A_455 = vector.broadcast %parallel_loop3A_454 : i32 to vector<16xi32>
      tpu.vector_store_idx %arg26[%parallel_loop3A_455], %parallel_loop3A_418 masked %eq3A_46 : memref<2048xf32, #tpu.memory_space<vmem>>[vector<16xi32>], vector<16xf32>, vector<16xi1>
    } {sc.loop_unroll_factor = 2 : i64, sc.parallel_access}
    %dma_wait3A_233 = arith.constant 384 : i32
    %dma_wait3A_234 = tpu.memref_slice %arg16[%dma_wait3A_233] : memref<512xi32, #tpu.memory_space<vmem>> -> memref<128xi32, #tpu.memory_space<vmem>>
    %dma_wait3A_235 = arith.constant 0 : i32
    %dma_wait3A_236 = arith.constant 0 : i32
    %dma_wait3A_237 = tpu.memref_slice %arg5[%dma_wait3A_235, %dma_wait3A_236] : memref<100000x128xf32, #tpu.memory_space<hbm>> -> memref<100000x128xf32, #tpu.memory_space<hbm>>
    tpu.wait_indirect_dma semaphore(%arg31 : memref<!tpu.dma_semaphore, #tpu.memory_space<semaphore_mem>>) src(%dma_wait3A_237 : memref<100000x128xf32, #tpu.memory_space<hbm>>) dst(%arg20 : memref<128x128xf32, #tpu.memory_space<vmem>>)
    %dma_wait3A_238 = arith.constant 384 : i32
    %dma_wait3A_239 = tpu.memref_slice %arg18[%dma_wait3A_238] : memref<512xi32, #tpu.memory_space<vmem>> -> memref<128xi32, #tpu.memory_space<vmem>>
    %dma_wait3A_240 = arith.constant 0 : i32
    %dma_wait3A_241 = arith.constant 0 : i32
    %dma_wait3A_242 = tpu.memref_slice %arg5[%dma_wait3A_240, %dma_wait3A_241] : memref<100000x128xf32, #tpu.memory_space<hbm>> -> memref<100000x128xf32, #tpu.memory_space<hbm>>
    tpu.wait_indirect_dma semaphore(%arg33 : memref<!tpu.dma_semaphore, #tpu.memory_space<semaphore_mem>>) src(%dma_wait3A_242 : memref<100000x128xf32, #tpu.memory_space<hbm>>) dst(%arg22 : memref<128x128xf32, #tpu.memory_space<vmem>>)
    %dma_wait3A_243 = arith.constant 0 : i32
    %dma_wait3A_244 = arith.constant 0 : i32
    %dma_wait3A_245 = tpu.memref_slice %arg6[%dma_wait3A_243, %dma_wait3A_244] : memref<100000x32xf32, #tpu.memory_space<hbm>> -> memref<128x32xf32, #tpu.memory_space<hbm>>
    %dma_wait3A_246 = arith.constant 0 : i32
    %dma_wait3A_247 = arith.constant 0 : i32
    %dma_wait3A_248 = tpu.memref_slice %arg6[%dma_wait3A_246, %dma_wait3A_247] : memref<100000x32xf32, #tpu.memory_space<hbm>> -> memref<128x32xf32, #tpu.memory_space<hbm>>
    tpu.wait_dma2 semaphore(%arg35 : memref<!tpu.dma_semaphore, #tpu.memory_space<semaphore_mem>>) src(%dma_wait3A_248 : memref<128x32xf32, #tpu.memory_space<hbm>>) dst(%arg24 : memref<128x32xf32, #tpu.memory_space<vmem>>)
    %parallel_loop3A_249 = arith.constant 0 : i32
    %parallel_loop3A_250 = arith.constant 128 : i32
    %parallel_loop3A_251 = arith.constant 1 : i32
    scf.for %parallel_loop3A_258 = %parallel_loop3A_249 to %parallel_loop3A_250 step %parallel_loop3A_251  : i32 {
      %parallel_loop3A_259 = arith.index_cast %parallel_loop3A_258 : i32 to index
      %parallel_loop3A_260 = arith.constant 0 : index
      %parallel_loop3A_261 = tpu.vector_load %arg20[%parallel_loop3A_259, %parallel_loop3A_260] {strides = array<i32>} : memref<128x128xf32, #tpu.memory_space<vmem>>, vector<16xf32>,
      %parallel_loop3A_262 = arith.index_cast %parallel_loop3A_258 : i32 to index
      %parallel_loop3A_263 = arith.constant 16 : index
      %parallel_loop3A_264 = tpu.vector_load %arg20[%parallel_loop3A_262, %parallel_loop3A_263] {strides = array<i32>} : memref<128x128xf32, #tpu.memory_space<vmem>>, vector<16xf32>,
      %parallel_loop3A_265 = arith.index_cast %parallel_loop3A_258 : i32 to index
      %parallel_loop3A_266 = arith.constant 32 : index
      %parallel_loop3A_267 = tpu.vector_load %arg20[%parallel_loop3A_265, %parallel_loop3A_266] {strides = array<i32>} : memref<128x128xf32, #tpu.memory_space<vmem>>, vector<16xf32>,
      %parallel_loop3A_268 = arith.index_cast %parallel_loop3A_258 : i32 to index
      %parallel_loop3A_269 = arith.constant 48 : index
      %parallel_loop3A_270 = tpu.vector_load %arg20[%parallel_loop3A_268, %parallel_loop3A_269] {strides = array<i32>} : memref<128x128xf32, #tpu.memory_space<vmem>>, vector<16xf32>,
      %parallel_loop3A_271 = arith.index_cast %parallel_loop3A_258 : i32 to index
      %parallel_loop3A_272 = arith.constant 64 : index
      %parallel_loop3A_273 = tpu.vector_load %arg20[%parallel_loop3A_271, %parallel_loop3A_272] {strides = array<i32>} : memref<128x128xf32, #tpu.memory_space<vmem>>, vector<16xf32>,
      %parallel_loop3A_274 = arith.index_cast %parallel_loop3A_258 : i32 to index
      %parallel_loop3A_275 = arith.constant 80 : index
      %parallel_loop3A_276 = tpu.vector_load %arg20[%parallel_loop3A_274, %parallel_loop3A_275] {strides = array<i32>} : memref<128x128xf32, #tpu.memory_space<vmem>>, vector<16xf32>,
      %parallel_loop3A_277 = arith.index_cast %parallel_loop3A_258 : i32 to index
      %parallel_loop3A_278 = arith.constant 96 : index
      %parallel_loop3A_279 = tpu.vector_load %arg20[%parallel_loop3A_277, %parallel_loop3A_278] {strides = array<i32>} : memref<128x128xf32, #tpu.memory_space<vmem>>, vector<16xf32>,
      %parallel_loop3A_280 = arith.index_cast %parallel_loop3A_258 : i32 to index
      %parallel_loop3A_281 = arith.constant 112 : index
      %parallel_loop3A_282 = tpu.vector_load %arg20[%parallel_loop3A_280, %parallel_loop3A_281] {strides = array<i32>} : memref<128x128xf32, #tpu.memory_space<vmem>>, vector<16xf32>,
      %parallel_loop3A_283 = arith.index_cast %parallel_loop3A_258 : i32 to index
      %parallel_loop3A_284 = arith.constant 0 : index
      %parallel_loop3A_285 = tpu.vector_load %arg22[%parallel_loop3A_283, %parallel_loop3A_284] {strides = array<i32>} : memref<128x128xf32, #tpu.memory_space<vmem>>, vector<16xf32>,
      %parallel_loop3A_286 = arith.index_cast %parallel_loop3A_258 : i32 to index
      %parallel_loop3A_287 = arith.constant 16 : index
      %parallel_loop3A_288 = tpu.vector_load %arg22[%parallel_loop3A_286, %parallel_loop3A_287] {strides = array<i32>} : memref<128x128xf32, #tpu.memory_space<vmem>>, vector<16xf32>,
      %parallel_loop3A_289 = arith.index_cast %parallel_loop3A_258 : i32 to index
      %parallel_loop3A_290 = arith.constant 32 : index
      %parallel_loop3A_291 = tpu.vector_load %arg22[%parallel_loop3A_289, %parallel_loop3A_290] {strides = array<i32>} : memref<128x128xf32, #tpu.memory_space<vmem>>, vector<16xf32>,
      %parallel_loop3A_292 = arith.index_cast %parallel_loop3A_258 : i32 to index
      %parallel_loop3A_293 = arith.constant 48 : index
      %parallel_loop3A_294 = tpu.vector_load %arg22[%parallel_loop3A_292, %parallel_loop3A_293] {strides = array<i32>} : memref<128x128xf32, #tpu.memory_space<vmem>>, vector<16xf32>,
      %parallel_loop3A_295 = arith.index_cast %parallel_loop3A_258 : i32 to index
      %parallel_loop3A_296 = arith.constant 64 : index
      %parallel_loop3A_297 = tpu.vector_load %arg22[%parallel_loop3A_295, %parallel_loop3A_296] {strides = array<i32>} : memref<128x128xf32, #tpu.memory_space<vmem>>, vector<16xf32>,
      %parallel_loop3A_298 = arith.index_cast %parallel_loop3A_258 : i32 to index
      %parallel_loop3A_299 = arith.constant 80 : index
      %parallel_loop3A_300 = tpu.vector_load %arg22[%parallel_loop3A_298, %parallel_loop3A_299] {strides = array<i32>} : memref<128x128xf32, #tpu.memory_space<vmem>>, vector<16xf32>,
      %parallel_loop3A_301 = arith.index_cast %parallel_loop3A_258 : i32 to index
      %parallel_loop3A_302 = arith.constant 96 : index
      %parallel_loop3A_303 = tpu.vector_load %arg22[%parallel_loop3A_301, %parallel_loop3A_302] {strides = array<i32>} : memref<128x128xf32, #tpu.memory_space<vmem>>, vector<16xf32>,
      %parallel_loop3A_304 = arith.index_cast %parallel_loop3A_258 : i32 to index
      %parallel_loop3A_305 = arith.constant 112 : index
      %parallel_loop3A_306 = tpu.vector_load %arg22[%parallel_loop3A_304, %parallel_loop3A_305] {strides = array<i32>} : memref<128x128xf32, #tpu.memory_space<vmem>>, vector<16xf32>,
      %parallel_loop3A_307 = arith.index_cast %parallel_loop3A_258 : i32 to index
      %parallel_loop3A_308 = arith.constant 0 : index
      %parallel_loop3A_309 = tpu.vector_load %arg24[%parallel_loop3A_307, %parallel_loop3A_308] {strides = array<i32>} : memref<128x32xf32, #tpu.memory_space<vmem>>, vector<16xf32>,
      %parallel_loop3A_310 = arith.index_cast %parallel_loop3A_258 : i32 to index
      %parallel_loop3A_311 = arith.constant 16 : index
      %parallel_loop3A_312 = tpu.vector_load %arg24[%parallel_loop3A_310, %parallel_loop3A_311] {strides = array<i32>} : memref<128x32xf32, #tpu.memory_space<vmem>>, vector<16xf32>,
      %parallel_loop3A_313 = arith.subf %parallel_loop3A_261, %parallel_loop3A_285 : vector<16xf32>
      %parallel_loop3A_314 = arith.subf %parallel_loop3A_264, %parallel_loop3A_288 : vector<16xf32>
      %parallel_loop3A_315 = arith.subf %parallel_loop3A_267, %parallel_loop3A_291 : vector<16xf32>
      %parallel_loop3A_316 = arith.subf %parallel_loop3A_270, %parallel_loop3A_294 : vector<16xf32>
      %parallel_loop3A_317 = arith.subf %parallel_loop3A_273, %parallel_loop3A_297 : vector<16xf32>
      %parallel_loop3A_318 = arith.subf %parallel_loop3A_276, %parallel_loop3A_300 : vector<16xf32>
      %parallel_loop3A_319 = arith.subf %parallel_loop3A_279, %parallel_loop3A_303 : vector<16xf32>
      %parallel_loop3A_320 = arith.subf %parallel_loop3A_282, %parallel_loop3A_306 : vector<16xf32>
      %parallel_loop3A_321 = arith.mulf %parallel_loop3A_309, %gather3A_18 : vector<16xf32>
      %parallel_loop3A_322 = arith.mulf %parallel_loop3A_312, %gather3A_24 : vector<16xf32>
      %parallel_loop3A_323 = arith.addf %parallel_loop3A_321, %parallel_loop3A_322 : vector<16xf32>
      %parallel_loop3A_324 = arith.constant true
      %parallel_loop3A_325 = vector.broadcast %parallel_loop3A_324 : i1 to vector<16xi1>
      %parallel_loop3A_326 = tpu.scan <sum>, %parallel_loop3A_323 masked %parallel_loop3A_325 : vector<16xf32>, vector<16xi1> -> vector<16xf32>
      %parallel_loop3A_327 = vector.extract %parallel_loop3A_326[15] : f32 from vector<16xf32>
      %parallel_loop3A_328 = vector.broadcast %parallel_loop3A_327 : f32 to vector<16xf32>
      %parallel_loop3A_329 = arith.addf %parallel_loop3A_328, %gather3A_39 : vector<16xf32>
      %parallel_loop3A_330 = arith.mulf %parallel_loop3A_261, %gather3A : vector<16xf32>
      %parallel_loop3A_331 = arith.mulf %parallel_loop3A_264, %gather3A_12 : vector<16xf32>
      %parallel_loop3A_332 = arith.addf %parallel_loop3A_330, %parallel_loop3A_331 : vector<16xf32>
      %parallel_loop3A_333 = arith.mulf %parallel_loop3A_285, %gather3A_30 : vector<16xf32>
      %parallel_loop3A_334 = arith.addf %parallel_loop3A_332, %parallel_loop3A_333 : vector<16xf32>
      %parallel_loop3A_335 = arith.mulf %parallel_loop3A_288, %gather3A_36 : vector<16xf32>
      %parallel_loop3A_336 = arith.addf %parallel_loop3A_334, %parallel_loop3A_335 : vector<16xf32>
      %parallel_loop3A_337 = arith.constant true
      %parallel_loop3A_338 = vector.broadcast %parallel_loop3A_337 : i1 to vector<16xi1>
      %parallel_loop3A_339 = tpu.scan <sum>, %parallel_loop3A_336 masked %parallel_loop3A_338 : vector<16xf32>, vector<16xi1> -> vector<16xf32>
      %parallel_loop3A_340 = vector.extract %parallel_loop3A_339[15] : f32 from vector<16xf32>
      %parallel_loop3A_341 = vector.broadcast %parallel_loop3A_340 : f32 to vector<16xf32>
      %parallel_loop3A_342 = arith.addf %broadcast_in_dim3A_41, %parallel_loop3A_341 : vector<16xf32>
      %parallel_loop3A_343 = arith.addf %parallel_loop3A_342, %parallel_loop3A_329 : vector<16xf32>
      %parallel_loop3A_344 = arith.constant 0.000000e+00 : f32
      %parallel_loop3A_345 = vector.broadcast %parallel_loop3A_344 : f32 to vector<16xf32>
      %parallel_loop3A_346 = arith.maximumf %parallel_loop3A_343, %parallel_loop3A_345 : vector<16xf32>
      %parallel_loop3A_347 = arith.mulf %parallel_loop3A_267, %gather3A : vector<16xf32>
      %parallel_loop3A_348 = arith.mulf %parallel_loop3A_270, %gather3A_12 : vector<16xf32>
      %parallel_loop3A_349 = arith.addf %parallel_loop3A_347, %parallel_loop3A_348 : vector<16xf32>
      %parallel_loop3A_350 = arith.mulf %parallel_loop3A_291, %gather3A_30 : vector<16xf32>
      %parallel_loop3A_351 = arith.addf %parallel_loop3A_349, %parallel_loop3A_350 : vector<16xf32>
      %parallel_loop3A_352 = arith.mulf %parallel_loop3A_294, %gather3A_36 : vector<16xf32>
      %parallel_loop3A_353 = arith.addf %parallel_loop3A_351, %parallel_loop3A_352 : vector<16xf32>
      %parallel_loop3A_354 = arith.constant true
      %parallel_loop3A_355 = vector.broadcast %parallel_loop3A_354 : i1 to vector<16xi1>
      %parallel_loop3A_356 = tpu.scan <sum>, %parallel_loop3A_353 masked %parallel_loop3A_355 : vector<16xf32>, vector<16xi1> -> vector<16xf32>
      %parallel_loop3A_357 = vector.extract %parallel_loop3A_356[15] : f32 from vector<16xf32>
      %parallel_loop3A_358 = vector.broadcast %parallel_loop3A_357 : f32 to vector<16xf32>
      %parallel_loop3A_359 = arith.addf %broadcast_in_dim3A_41, %parallel_loop3A_358 : vector<16xf32>
      %parallel_loop3A_360 = arith.addf %parallel_loop3A_359, %parallel_loop3A_329 : vector<16xf32>
      %parallel_loop3A_361 = arith.constant 0.000000e+00 : f32
      %parallel_loop3A_362 = vector.broadcast %parallel_loop3A_361 : f32 to vector<16xf32>
      %parallel_loop3A_363 = arith.maximumf %parallel_loop3A_360, %parallel_loop3A_362 : vector<16xf32>
      %parallel_loop3A_364 = arith.mulf %parallel_loop3A_273, %gather3A : vector<16xf32>
      %parallel_loop3A_365 = arith.mulf %parallel_loop3A_276, %gather3A_12 : vector<16xf32>
      %parallel_loop3A_366 = arith.addf %parallel_loop3A_364, %parallel_loop3A_365 : vector<16xf32>
      %parallel_loop3A_367 = arith.mulf %parallel_loop3A_297, %gather3A_30 : vector<16xf32>
      %parallel_loop3A_368 = arith.addf %parallel_loop3A_366, %parallel_loop3A_367 : vector<16xf32>
      %parallel_loop3A_369 = arith.mulf %parallel_loop3A_300, %gather3A_36 : vector<16xf32>
      %parallel_loop3A_370 = arith.addf %parallel_loop3A_368, %parallel_loop3A_369 : vector<16xf32>
      %parallel_loop3A_371 = arith.constant true
      %parallel_loop3A_372 = vector.broadcast %parallel_loop3A_371 : i1 to vector<16xi1>
      %parallel_loop3A_373 = tpu.scan <sum>, %parallel_loop3A_370 masked %parallel_loop3A_372 : vector<16xf32>, vector<16xi1> -> vector<16xf32>
      %parallel_loop3A_374 = vector.extract %parallel_loop3A_373[15] : f32 from vector<16xf32>
      %parallel_loop3A_375 = vector.broadcast %parallel_loop3A_374 : f32 to vector<16xf32>
      %parallel_loop3A_376 = arith.addf %broadcast_in_dim3A_41, %parallel_loop3A_375 : vector<16xf32>
      %parallel_loop3A_377 = arith.addf %parallel_loop3A_376, %parallel_loop3A_329 : vector<16xf32>
      %parallel_loop3A_378 = arith.constant 0.000000e+00 : f32
      %parallel_loop3A_379 = vector.broadcast %parallel_loop3A_378 : f32 to vector<16xf32>
      %parallel_loop3A_380 = arith.maximumf %parallel_loop3A_377, %parallel_loop3A_379 : vector<16xf32>
      %parallel_loop3A_381 = arith.mulf %parallel_loop3A_279, %gather3A : vector<16xf32>
      %parallel_loop3A_382 = arith.mulf %parallel_loop3A_282, %gather3A_12 : vector<16xf32>
      %parallel_loop3A_383 = arith.addf %parallel_loop3A_381, %parallel_loop3A_382 : vector<16xf32>
      %parallel_loop3A_384 = arith.mulf %parallel_loop3A_303, %gather3A_30 : vector<16xf32>
      %parallel_loop3A_385 = arith.addf %parallel_loop3A_383, %parallel_loop3A_384 : vector<16xf32>
      %parallel_loop3A_386 = arith.mulf %parallel_loop3A_306, %gather3A_36 : vector<16xf32>
      %parallel_loop3A_387 = arith.addf %parallel_loop3A_385, %parallel_loop3A_386 : vector<16xf32>
      %parallel_loop3A_388 = arith.constant true
      %parallel_loop3A_389 = vector.broadcast %parallel_loop3A_388 : i1 to vector<16xi1>
      %parallel_loop3A_390 = tpu.scan <sum>, %parallel_loop3A_387 masked %parallel_loop3A_389 : vector<16xf32>, vector<16xi1> -> vector<16xf32>
      %parallel_loop3A_391 = vector.extract %parallel_loop3A_390[15] : f32 from vector<16xf32>
      %parallel_loop3A_392 = vector.broadcast %parallel_loop3A_391 : f32 to vector<16xf32>
      %parallel_loop3A_393 = arith.addf %broadcast_in_dim3A_41, %parallel_loop3A_392 : vector<16xf32>
      %parallel_loop3A_394 = arith.addf %parallel_loop3A_393, %parallel_loop3A_329 : vector<16xf32>
      %parallel_loop3A_395 = arith.constant 0.000000e+00 : f32
      %parallel_loop3A_396 = vector.broadcast %parallel_loop3A_395 : f32 to vector<16xf32>
      %parallel_loop3A_397 = arith.maximumf %parallel_loop3A_394, %parallel_loop3A_396 : vector<16xf32>
      %parallel_loop3A_398 = arith.maximumf %parallel_loop3A_346, %parallel_loop3A_363 : vector<16xf32>
      %parallel_loop3A_399 = arith.maximumf %parallel_loop3A_380, %parallel_loop3A_397 : vector<16xf32>
      %parallel_loop3A_400 = arith.maximumf %parallel_loop3A_398, %parallel_loop3A_399 : vector<16xf32>
      %parallel_loop3A_401 = arith.subf %parallel_loop3A_346, %parallel_loop3A_400 : vector<16xf32>
      %parallel_loop3A_402 = math.exp %parallel_loop3A_401 : vector<16xf32>
      %parallel_loop3A_403 = arith.subf %parallel_loop3A_363, %parallel_loop3A_400 : vector<16xf32>
      %parallel_loop3A_404 = math.exp %parallel_loop3A_403 : vector<16xf32>
      %parallel_loop3A_405 = arith.subf %parallel_loop3A_380, %parallel_loop3A_400 : vector<16xf32>
      %parallel_loop3A_406 = math.exp %parallel_loop3A_405 : vector<16xf32>
      %parallel_loop3A_407 = arith.subf %parallel_loop3A_397, %parallel_loop3A_400 : vector<16xf32>
      %parallel_loop3A_408 = math.exp %parallel_loop3A_407 : vector<16xf32>
      %parallel_loop3A_409 = arith.addf %parallel_loop3A_402, %parallel_loop3A_404 : vector<16xf32>
      %parallel_loop3A_410 = arith.addf %parallel_loop3A_409, %parallel_loop3A_406 : vector<16xf32>
      %parallel_loop3A_411 = arith.addf %parallel_loop3A_410, %parallel_loop3A_408 : vector<16xf32>
      %parallel_loop3A_412 = arith.constant 1.000000e+00 : f32
      %parallel_loop3A_413 = vector.broadcast %parallel_loop3A_412 : f32 to vector<16xf32>
      %parallel_loop3A_414 = arith.divf %parallel_loop3A_413, %parallel_loop3A_411 : vector<16xf32>
      %parallel_loop3A_415 = arith.mulf %parallel_loop3A_402, %parallel_loop3A_414 : vector<16xf32>
      %parallel_loop3A_416 = arith.mulf %parallel_loop3A_404, %parallel_loop3A_414 : vector<16xf32>
      %parallel_loop3A_417 = arith.mulf %parallel_loop3A_406, %parallel_loop3A_414 : vector<16xf32>
      %parallel_loop3A_418 = arith.mulf %parallel_loop3A_408, %parallel_loop3A_414 : vector<16xf32>
      %parallel_loop3A_419 = arith.mulf %parallel_loop3A_415, %parallel_loop3A_313 : vector<16xf32>
      %parallel_loop3A_420 = arith.addf %parallel_loop3A_309, %parallel_loop3A_419 : vector<16xf32>
      %parallel_loop3A_421 = arith.mulf %parallel_loop3A_416, %parallel_loop3A_315 : vector<16xf32>
      %parallel_loop3A_422 = arith.addf %parallel_loop3A_420, %parallel_loop3A_421 : vector<16xf32>
      %parallel_loop3A_423 = arith.mulf %parallel_loop3A_417, %parallel_loop3A_317 : vector<16xf32>
      %parallel_loop3A_424 = arith.addf %parallel_loop3A_422, %parallel_loop3A_423 : vector<16xf32>
      %parallel_loop3A_425 = arith.mulf %parallel_loop3A_418, %parallel_loop3A_319 : vector<16xf32>
      %parallel_loop3A_426 = arith.addf %parallel_loop3A_424, %parallel_loop3A_425 : vector<16xf32>
      %parallel_loop3A_427 = arith.mulf %parallel_loop3A_415, %parallel_loop3A_314 : vector<16xf32>
      %parallel_loop3A_428 = arith.addf %parallel_loop3A_312, %parallel_loop3A_427 : vector<16xf32>
      %parallel_loop3A_429 = arith.mulf %parallel_loop3A_416, %parallel_loop3A_316 : vector<16xf32>
      %parallel_loop3A_430 = arith.addf %parallel_loop3A_428, %parallel_loop3A_429 : vector<16xf32>
      %parallel_loop3A_431 = arith.mulf %parallel_loop3A_417, %parallel_loop3A_318 : vector<16xf32>
      %parallel_loop3A_432 = arith.addf %parallel_loop3A_430, %parallel_loop3A_431 : vector<16xf32>
      %parallel_loop3A_433 = arith.mulf %parallel_loop3A_418, %parallel_loop3A_320 : vector<16xf32>
      %parallel_loop3A_434 = arith.addf %parallel_loop3A_432, %parallel_loop3A_433 : vector<16xf32>
      %parallel_loop3A_435 = math.absf %parallel_loop3A_426 : vector<16xf32>
      %parallel_loop3A_436 = math.absf %parallel_loop3A_434 : vector<16xf32>
      %parallel_loop3A_437 = arith.addf %parallel_loop3A_435, %parallel_loop3A_436 : vector<16xf32>
      %parallel_loop3A_438 = arith.constant true
      %parallel_loop3A_439 = vector.broadcast %parallel_loop3A_438 : i1 to vector<16xi1>
      %parallel_loop3A_440 = tpu.scan <sum>, %parallel_loop3A_437 masked %parallel_loop3A_439 : vector<16xf32>, vector<16xi1> -> vector<16xf32>
      %parallel_loop3A_441 = arith.constant 384 : i32
      %parallel_loop3A_442 = arith.addi %parallel_loop3A_441, %parallel_loop3A_258 : i32
      %parallel_loop3A_443 = vector.broadcast %parallel_loop3A_442 : i32 to vector<16xi32>
      tpu.vector_store_idx %arg25[%parallel_loop3A_443], %parallel_loop3A_440 masked %eq3A_43 : memref<512xf32, #tpu.memory_space<vmem>>[vector<16xi32>], vector<16xf32>, vector<16xi1>
      %parallel_loop3A_444 = arith.constant 0 : i32
      %parallel_loop3A_445 = arith.addi %parallel_loop3A_444, %parallel_loop3A_442 : i32
      %parallel_loop3A_446 = vector.broadcast %parallel_loop3A_445 : i32 to vector<16xi32>
      tpu.vector_store_idx %arg26[%parallel_loop3A_446], %parallel_loop3A_415 masked %eq3A_46 : memref<2048xf32, #tpu.memory_space<vmem>>[vector<16xi32>], vector<16xf32>, vector<16xi1>
      %parallel_loop3A_447 = arith.constant 512 : i32
      %parallel_loop3A_448 = arith.addi %parallel_loop3A_447, %parallel_loop3A_442 : i32
      %parallel_loop3A_449 = vector.broadcast %parallel_loop3A_448 : i32 to vector<16xi32>
      tpu.vector_store_idx %arg26[%parallel_loop3A_449], %parallel_loop3A_416 masked %eq3A_46 : memref<2048xf32, #tpu.memory_space<vmem>>[vector<16xi32>], vector<16xf32>, vector<16xi1>
      %parallel_loop3A_450 = arith.constant 1024 : i32
      %parallel_loop3A_451 = arith.addi %parallel_loop3A_450, %parallel_loop3A_442 : i32
      %parallel_loop3A_452 = vector.broadcast %parallel_loop3A_451 : i32 to vector<16xi32>
      tpu.vector_store_idx %arg26[%parallel_loop3A_452], %parallel_loop3A_417 masked %eq3A_46 : memref<2048xf32, #tpu.memory_space<vmem>>[vector<16xi32>], vector<16xf32>, vector<16xi1>
      %parallel_loop3A_453 = arith.constant 1536 : i32
      %parallel_loop3A_454 = arith.addi %parallel_loop3A_453, %parallel_loop3A_442 : i32
      %parallel_loop3A_455 = vector.broadcast %parallel_loop3A_454 : i32 to vector<16xi32>
      tpu.vector_store_idx %arg26[%parallel_loop3A_455], %parallel_loop3A_418 masked %eq3A_46 : memref<2048xf32, #tpu.memory_space<vmem>>[vector<16xi32>], vector<16xf32>, vector<16xi1>
    } {sc.loop_unroll_factor = 2 : i64, sc.parallel_access}
    "tpu.region"() ({
      %run_scoped3A = tpu.sem_alloc : memref<!tpu.dma_semaphore, #tpu.memory_space<semaphore_mem>>
      %dma_start3A_258 = arith.constant 0 : i32
      %dma_start3A_259 = tpu.memref_slice %arg26[%dma_start3A_258] : memref<2048xf32, #tpu.memory_space<vmem>> -> memref<512xf32, #tpu.memory_space<vmem>>
      %dma_start3A_260 = tpu.memref_slice %arg12[%mul3A_2] : memref<16384xf32, #tpu.memory_space<hbm>> -> memref<512xf32, #tpu.memory_space<hbm>>
      %dma_start3A_261 = tpu.memref_slice %arg12[%mul3A_2] : memref<16384xf32, #tpu.memory_space<hbm>> -> memref<512xf32, #tpu.memory_space<hbm>>
      %dma_start3A_262 = arith.constant 0 : i32
      %dma_start3A_263 = tpu.memref_slice %arg26[%dma_start3A_262] : memref<2048xf32, #tpu.memory_space<vmem>> -> memref<512xf32, #tpu.memory_space<vmem>>
      tpu.enqueue_dma source(%dma_start3A_263 : memref<512xf32, #tpu.memory_space<vmem>>) target(%dma_start3A_261 : memref<512xf32, #tpu.memory_space<hbm>>) target_semaphore(%run_scoped3A : memref<!tpu.dma_semaphore, #tpu.memory_space<semaphore_mem>>)
      %dma_wait3A_264 = arith.constant 0 : i32
      %dma_wait3A_265 = tpu.memref_slice %arg26[%dma_wait3A_264] : memref<2048xf32, #tpu.memory_space<vmem>> -> memref<512xf32, #tpu.memory_space<vmem>>
      %dma_wait3A_266 = tpu.memref_slice %arg12[%mul3A_2] : memref<16384xf32, #tpu.memory_space<hbm>> -> memref<512xf32, #tpu.memory_space<hbm>>
      %dma_wait3A_267 = tpu.memref_slice %arg12[%mul3A_2] : memref<16384xf32, #tpu.memory_space<hbm>> -> memref<512xf32, #tpu.memory_space<hbm>>
      %dma_wait3A_268 = arith.constant 0 : i32
      %dma_wait3A_269 = tpu.memref_slice %arg26[%dma_wait3A_268] : memref<2048xf32, #tpu.memory_space<vmem>> -> memref<512xf32, #tpu.memory_space<vmem>>
      tpu.wait_dma2 semaphore(%run_scoped3A : memref<!tpu.dma_semaphore, #tpu.memory_space<semaphore_mem>>) src(%dma_wait3A_269 : memref<512xf32, #tpu.memory_space<vmem>>) dst(%dma_wait3A_267 : memref<512xf32, #tpu.memory_space<hbm>>)
      tpu.yield
    }) : () -> ()
    "tpu.region"() ({
      %run_scoped3A = tpu.sem_alloc : memref<!tpu.dma_semaphore, #tpu.memory_space<semaphore_mem>>
      %dma_start3A_258 = arith.constant 512 : i32
      %dma_start3A_259 = tpu.memref_slice %arg26[%dma_start3A_258] : memref<2048xf32, #tpu.memory_space<vmem>> -> memref<512xf32, #tpu.memory_space<vmem>>
      %dma_start3A_260 = tpu.memref_slice %arg13[%mul3A_2] : memref<16384xf32, #tpu.memory_space<hbm>> -> memref<512xf32, #tpu.memory_space<hbm>>
      %dma_start3A_261 = tpu.memref_slice %arg13[%mul3A_2] : memref<16384xf32, #tpu.memory_space<hbm>> -> memref<512xf32, #tpu.memory_space<hbm>>
      %dma_start3A_262 = arith.constant 512 : i32
      %dma_start3A_263 = tpu.memref_slice %arg26[%dma_start3A_262] : memref<2048xf32, #tpu.memory_space<vmem>> -> memref<512xf32, #tpu.memory_space<vmem>>
      tpu.enqueue_dma source(%dma_start3A_263 : memref<512xf32, #tpu.memory_space<vmem>>) target(%dma_start3A_261 : memref<512xf32, #tpu.memory_space<hbm>>) target_semaphore(%run_scoped3A : memref<!tpu.dma_semaphore, #tpu.memory_space<semaphore_mem>>)
      %dma_wait3A_264 = arith.constant 512 : i32
      %dma_wait3A_265 = tpu.memref_slice %arg26[%dma_wait3A_264] : memref<2048xf32, #tpu.memory_space<vmem>> -> memref<512xf32, #tpu.memory_space<vmem>>
      %dma_wait3A_266 = tpu.memref_slice %arg13[%mul3A_2] : memref<16384xf32, #tpu.memory_space<hbm>> -> memref<512xf32, #tpu.memory_space<hbm>>
      %dma_wait3A_267 = tpu.memref_slice %arg13[%mul3A_2] : memref<16384xf32, #tpu.memory_space<hbm>> -> memref<512xf32, #tpu.memory_space<hbm>>
      %dma_wait3A_268 = arith.constant 512 : i32
      %dma_wait3A_269 = tpu.memref_slice %arg26[%dma_wait3A_268] : memref<2048xf32, #tpu.memory_space<vmem>> -> memref<512xf32, #tpu.memory_space<vmem>>
      tpu.wait_dma2 semaphore(%run_scoped3A : memref<!tpu.dma_semaphore, #tpu.memory_space<semaphore_mem>>) src(%dma_wait3A_269 : memref<512xf32, #tpu.memory_space<vmem>>) dst(%dma_wait3A_267 : memref<512xf32, #tpu.memory_space<hbm>>)
      tpu.yield
    }) : () -> ()
    "tpu.region"() ({
      %run_scoped3A = tpu.sem_alloc : memref<!tpu.dma_semaphore, #tpu.memory_space<semaphore_mem>>
      %dma_start3A_258 = arith.constant 1024 : i32
      %dma_start3A_259 = tpu.memref_slice %arg26[%dma_start3A_258] : memref<2048xf32, #tpu.memory_space<vmem>> -> memref<512xf32, #tpu.memory_space<vmem>>
      %dma_start3A_260 = tpu.memref_slice %arg14[%mul3A_2] : memref<16384xf32, #tpu.memory_space<hbm>> -> memref<512xf32, #tpu.memory_space<hbm>>
      %dma_start3A_261 = tpu.memref_slice %arg14[%mul3A_2] : memref<16384xf32, #tpu.memory_space<hbm>> -> memref<512xf32, #tpu.memory_space<hbm>>
      %dma_start3A_262 = arith.constant 1024 : i32
      %dma_start3A_263 = tpu.memref_slice %arg26[%dma_start3A_262] : memref<2048xf32, #tpu.memory_space<vmem>> -> memref<512xf32, #tpu.memory_space<vmem>>
      tpu.enqueue_dma source(%dma_start3A_263 : memref<512xf32, #tpu.memory_space<vmem>>) target(%dma_start3A_261 : memref<512xf32, #tpu.memory_space<hbm>>) target_semaphore(%run_scoped3A : memref<!tpu.dma_semaphore, #tpu.memory_space<semaphore_mem>>)
      %dma_wait3A_264 = arith.constant 1024 : i32
      %dma_wait3A_265 = tpu.memref_slice %arg26[%dma_wait3A_264] : memref<2048xf32, #tpu.memory_space<vmem>> -> memref<512xf32, #tpu.memory_space<vmem>>
      %dma_wait3A_266 = tpu.memref_slice %arg14[%mul3A_2] : memref<16384xf32, #tpu.memory_space<hbm>> -> memref<512xf32, #tpu.memory_space<hbm>>
      %dma_wait3A_267 = tpu.memref_slice %arg14[%mul3A_2] : memref<16384xf32, #tpu.memory_space<hbm>> -> memref<512xf32, #tpu.memory_space<hbm>>
      %dma_wait3A_268 = arith.constant 1024 : i32
      %dma_wait3A_269 = tpu.memref_slice %arg26[%dma_wait3A_268] : memref<2048xf32, #tpu.memory_space<vmem>> -> memref<512xf32, #tpu.memory_space<vmem>>
      tpu.wait_dma2 semaphore(%run_scoped3A : memref<!tpu.dma_semaphore, #tpu.memory_space<semaphore_mem>>) src(%dma_wait3A_269 : memref<512xf32, #tpu.memory_space<vmem>>) dst(%dma_wait3A_267 : memref<512xf32, #tpu.memory_space<hbm>>)
      tpu.yield
    }) : () -> ()
    "tpu.region"() ({
      %run_scoped3A = tpu.sem_alloc : memref<!tpu.dma_semaphore, #tpu.memory_space<semaphore_mem>>
      %dma_start3A_258 = arith.constant 1536 : i32
      %dma_start3A_259 = tpu.memref_slice %arg26[%dma_start3A_258] : memref<2048xf32, #tpu.memory_space<vmem>> -> memref<512xf32, #tpu.memory_space<vmem>>
      %dma_start3A_260 = tpu.memref_slice %arg15[%mul3A_2] : memref<16384xf32, #tpu.memory_space<hbm>> -> memref<512xf32, #tpu.memory_space<hbm>>
      %dma_start3A_261 = tpu.memref_slice %arg15[%mul3A_2] : memref<16384xf32, #tpu.memory_space<hbm>> -> memref<512xf32, #tpu.memory_space<hbm>>
      %dma_start3A_262 = arith.constant 1536 : i32
      %dma_start3A_263 = tpu.memref_slice %arg26[%dma_start3A_262] : memref<2048xf32, #tpu.memory_space<vmem>> -> memref<512xf32, #tpu.memory_space<vmem>>
      tpu.enqueue_dma source(%dma_start3A_263 : memref<512xf32, #tpu.memory_space<vmem>>) target(%dma_start3A_261 : memref<512xf32, #tpu.memory_space<hbm>>) target_semaphore(%run_scoped3A : memref<!tpu.dma_semaphore, #tpu.memory_space<semaphore_mem>>)
      %dma_wait3A_264 = arith.constant 1536 : i32
      %dma_wait3A_265 = tpu.memref_slice %arg26[%dma_wait3A_264] : memref<2048xf32, #tpu.memory_space<vmem>> -> memref<512xf32, #tpu.memory_space<vmem>>
      %dma_wait3A_266 = tpu.memref_slice %arg15[%mul3A_2] : memref<16384xf32, #tpu.memory_space<hbm>> -> memref<512xf32, #tpu.memory_space<hbm>>
      %dma_wait3A_267 = tpu.memref_slice %arg15[%mul3A_2] : memref<16384xf32, #tpu.memory_space<hbm>> -> memref<512xf32, #tpu.memory_space<hbm>>
      %dma_wait3A_268 = arith.constant 1536 : i32
      %dma_wait3A_269 = tpu.memref_slice %arg26[%dma_wait3A_268] : memref<2048xf32, #tpu.memory_space<vmem>> -> memref<512xf32, #tpu.memory_space<vmem>>
      tpu.wait_dma2 semaphore(%run_scoped3A : memref<!tpu.dma_semaphore, #tpu.memory_space<semaphore_mem>>) src(%dma_wait3A_269 : memref<512xf32, #tpu.memory_space<vmem>>) dst(%dma_wait3A_267 : memref<512xf32, #tpu.memory_space<hbm>>)
      tpu.yield
    }) : () -> ()
    %lt3A = arith.constant 4096 : i32
    %lt3A_252 = arith.cmpi slt, %mul3A_2, %lt3A : i32
    %convert_element_type3A = arith.extui %lt3A_252 : i1 to i32
    %cond3A = arith.constant 0 : i32
    %cond3A_253 = arith.cmpi ne, %convert_element_type3A, %cond3A : i32
    scf.if %cond3A_253 {
      %add3A_258 = arith.constant 0 : i32
      %add3A_259 = arith.addi %mul3A_2, %add3A_258 : i32
      "tpu.region"() ({
        %run_scoped3A = tpu.sem_alloc : memref<!tpu.dma_semaphore, #tpu.memory_space<semaphore_mem>>
        %dma_start3A_264 = tpu.memref_slice %arg9[%add3A_259] : memref<12288xf32, #tpu.memory_space<hbm>> -> memref<512xf32, #tpu.memory_space<hbm>>
        %dma_start3A_265 = tpu.memref_slice %arg9[%add3A_259] : memref<12288xf32, #tpu.memory_space<hbm>> -> memref<512xf32, #tpu.memory_space<hbm>>
        tpu.enqueue_dma source(%arg25 : memref<512xf32, #tpu.memory_space<vmem>>) target(%dma_start3A_265 : memref<512xf32, #tpu.memory_space<hbm>>) target_semaphore(%run_scoped3A : memref<!tpu.dma_semaphore, #tpu.memory_space<semaphore_mem>>)
        %dma_wait3A_266 = tpu.memref_slice %arg9[%add3A_259] : memref<12288xf32, #tpu.memory_space<hbm>> -> memref<512xf32, #tpu.memory_space<hbm>>
        %dma_wait3A_267 = tpu.memref_slice %arg9[%add3A_259] : memref<12288xf32, #tpu.memory_space<hbm>> -> memref<512xf32, #tpu.memory_space<hbm>>
        tpu.wait_dma2 semaphore(%run_scoped3A : memref<!tpu.dma_semaphore, #tpu.memory_space<semaphore_mem>>) src(%arg25 : memref<512xf32, #tpu.memory_space<vmem>>) dst(%dma_wait3A_267 : memref<512xf32, #tpu.memory_space<hbm>>)
        tpu.yield
      }) : () -> ()
      %add3A_260 = arith.constant 4096 : i32
      %add3A_261 = arith.addi %mul3A_2, %add3A_260 : i32
      "tpu.region"() ({
        %run_scoped3A = tpu.sem_alloc : memref<!tpu.dma_semaphore, #tpu.memory_space<semaphore_mem>>
        %dma_start3A_264 = tpu.memref_slice %arg9[%add3A_261] : memref<12288xf32, #tpu.memory_space<hbm>> -> memref<512xf32, #tpu.memory_space<hbm>>
        %dma_start3A_265 = tpu.memref_slice %arg9[%add3A_261] : memref<12288xf32, #tpu.memory_space<hbm>> -> memref<512xf32, #tpu.memory_space<hbm>>
        tpu.enqueue_dma source(%arg25 : memref<512xf32, #tpu.memory_space<vmem>>) target(%dma_start3A_265 : memref<512xf32, #tpu.memory_space<hbm>>) target_semaphore(%run_scoped3A : memref<!tpu.dma_semaphore, #tpu.memory_space<semaphore_mem>>)
        %dma_wait3A_266 = tpu.memref_slice %arg9[%add3A_261] : memref<12288xf32, #tpu.memory_space<hbm>> -> memref<512xf32, #tpu.memory_space<hbm>>
        %dma_wait3A_267 = tpu.memref_slice %arg9[%add3A_261] : memref<12288xf32, #tpu.memory_space<hbm>> -> memref<512xf32, #tpu.memory_space<hbm>>
        tpu.wait_dma2 semaphore(%run_scoped3A : memref<!tpu.dma_semaphore, #tpu.memory_space<semaphore_mem>>) src(%arg25 : memref<512xf32, #tpu.memory_space<vmem>>) dst(%dma_wait3A_267 : memref<512xf32, #tpu.memory_space<hbm>>)
        tpu.yield
      }) : () -> ()
      %add3A_262 = arith.constant 8192 : i32
      %add3A_263 = arith.addi %mul3A_2, %add3A_262 : i32
      "tpu.region"() ({
        %run_scoped3A = tpu.sem_alloc : memref<!tpu.dma_semaphore, #tpu.memory_space<semaphore_mem>>
        %dma_start3A_264 = tpu.memref_slice %arg9[%add3A_263] : memref<12288xf32, #tpu.memory_space<hbm>> -> memref<512xf32, #tpu.memory_space<hbm>>
        %dma_start3A_265 = tpu.memref_slice %arg9[%add3A_263] : memref<12288xf32, #tpu.memory_space<hbm>> -> memref<512xf32, #tpu.memory_space<hbm>>
        tpu.enqueue_dma source(%arg25 : memref<512xf32, #tpu.memory_space<vmem>>) target(%dma_start3A_265 : memref<512xf32, #tpu.memory_space<hbm>>) target_semaphore(%run_scoped3A : memref<!tpu.dma_semaphore, #tpu.memory_space<semaphore_mem>>)
        %dma_wait3A_266 = tpu.memref_slice %arg9[%add3A_263] : memref<12288xf32, #tpu.memory_space<hbm>> -> memref<512xf32, #tpu.memory_space<hbm>>
        %dma_wait3A_267 = tpu.memref_slice %arg9[%add3A_263] : memref<12288xf32, #tpu.memory_space<hbm>> -> memref<512xf32, #tpu.memory_space<hbm>>
        tpu.wait_dma2 semaphore(%run_scoped3A : memref<!tpu.dma_semaphore, #tpu.memory_space<semaphore_mem>>) src(%arg25 : memref<512xf32, #tpu.memory_space<vmem>>) dst(%dma_wait3A_267 : memref<512xf32, #tpu.memory_space<hbm>>)
        tpu.yield
      }) : () -> ()
    } else {
    }
    %ge3A = arith.constant 4096 : i32
    %ge3A_254 = arith.cmpi sge, %mul3A_2, %ge3A : i32
    %convert_element_type3A_255 = arith.extui %ge3A_254 : i1 to i32
    %cond3A_256 = arith.constant 0 : i32
    %cond3A_257 = arith.cmpi ne, %convert_element_type3A_255, %cond3A_256 : i32
    scf.if %cond3A_257 {
      %sub3A = arith.constant 4096 : i32
      %sub3A_258 = arith.subi %mul3A_2, %sub3A : i32
      "tpu.region"() ({
        %run_scoped3A = tpu.sem_alloc : memref<!tpu.dma_semaphore, #tpu.memory_space<semaphore_mem>>
        %dma_start3A_261 = tpu.memref_slice %arg10[%sub3A_258] : memref<12288xf32, #tpu.memory_space<hbm>> -> memref<512xf32, #tpu.memory_space<hbm>>
        %dma_start3A_262 = tpu.memref_slice %arg10[%sub3A_258] : memref<12288xf32, #tpu.memory_space<hbm>> -> memref<512xf32, #tpu.memory_space<hbm>>
        tpu.enqueue_dma source(%arg25 : memref<512xf32, #tpu.memory_space<vmem>>) target(%dma_start3A_262 : memref<512xf32, #tpu.memory_space<hbm>>) target_semaphore(%run_scoped3A : memref<!tpu.dma_semaphore, #tpu.memory_space<semaphore_mem>>)
        %dma_wait3A_263 = tpu.memref_slice %arg10[%sub3A_258] : memref<12288xf32, #tpu.memory_space<hbm>> -> memref<512xf32, #tpu.memory_space<hbm>>
        %dma_wait3A_264 = tpu.memref_slice %arg10[%sub3A_258] : memref<12288xf32, #tpu.memory_space<hbm>> -> memref<512xf32, #tpu.memory_space<hbm>>
        tpu.wait_dma2 semaphore(%run_scoped3A : memref<!tpu.dma_semaphore, #tpu.memory_space<semaphore_mem>>) src(%arg25 : memref<512xf32, #tpu.memory_space<vmem>>) dst(%dma_wait3A_264 : memref<512xf32, #tpu.memory_space<hbm>>)
        tpu.yield
      }) : () -> ()
      %sub3A_259 = arith.constant 4096 : i32
      %sub3A_260 = arith.subi %mul3A_2, %sub3A_259 : i32
      "tpu.region"() ({
        %run_scoped3A = tpu.sem_alloc : memref<!tpu.dma_semaphore, #tpu.memory_space<semaphore_mem>>
        %dma_start3A_261 = tpu.memref_slice %arg11[%sub3A_260] : memref<12288xf32, #tpu.memory_space<hbm>> -> memref<512xf32, #tpu.memory_space<hbm>>
        %dma_start3A_262 = tpu.memref_slice %arg11[%sub3A_260] : memref<12288xf32, #tpu.memory_space<hbm>> -> memref<512xf32, #tpu.memory_space<hbm>>
        tpu.enqueue_dma source(%arg27 : memref<512xf32, #tpu.memory_space<vmem>>) target(%dma_start3A_262 : memref<512xf32, #tpu.memory_space<hbm>>) target_semaphore(%run_scoped3A : memref<!tpu.dma_semaphore, #tpu.memory_space<semaphore_mem>>)
        %dma_wait3A_263 = tpu.memref_slice %arg11[%sub3A_260] : memref<12288xf32, #tpu.memory_space<hbm>> -> memref<512xf32, #tpu.memory_space<hbm>>
        %dma_wait3A_264 = tpu.memref_slice %arg11[%sub3A_260] : memref<12288xf32, #tpu.memory_space<hbm>> -> memref<512xf32, #tpu.memory_space<hbm>>
        tpu.wait_dma2 semaphore(%run_scoped3A : memref<!tpu.dma_semaphore, #tpu.memory_space<semaphore_mem>>) src(%arg27 : memref<512xf32, #tpu.memory_space<vmem>>) dst(%dma_wait3A_264 : memref<512xf32, #tpu.memory_space<hbm>>)
        tpu.yield
      }) : () -> ()
    } else {
    }
    return
  }
}

</mosaic_0001>

<sc_bundles>
// kernel: kernel.3.cloned.1.call-start
scs
__scs_entry_jumppad:
0x0: {  	(pc) =	sbr.rel $0x88, $3  }
0x1: {  	(tag) =	ssettag $0x0;
	lr =	simm.s32 $0x1  }
0x2: {  	[smem:$0x3F9C] =	sst lr;
	_ =	strace $0xD0000000  }
0x3: {  	_ = 	snop  }
0x4: {  	_ = 	snop  }
0x5: {  	_ = 	snop  }
0x6: {  	_ = 	snop  }
0x7: {  	_ = 	snop  }
__scs_overlays_trampoline_lowered:
0x8: {  	[smem:$0x3FAB] =	sst s0  }
0x9: {  	[smem:$0x3FAC] =	sst s1  }
0xa: {  	[smem:$0x3FAD] =	sst s2  }
0xb: {  	[smem:$0x3FAE] =	sst s3  }
0xc: {  	[smem:$0x3FAF] =	sst s4  }
0xd: {  	[smem:$0x3FB0] =	sst s5  }
0xe: {  	[smem:$0x3FB1] =	sst s6  }
0xf: {  	[smem:$0x3FB2] =	sst s7  }
0x10: {  	[smem:$0x3FB3] =	sst s8  }
0x11: {  	[smem:$0x3FB4] =	sst s9;
	s0 =	simm.s32 @!p0 $0x0  }
0x12: {  	s1 =	sld [smem:$0x3F9A];
	s0 =	simm.s32 @p0 $0x1  }
0x13: {  	[smem:$0x3FB5] =	sst s0;
	s0 =	simm.s32 @!p1 $0x0  }
0x14: {  	s2 =	sld [smem:$0x3F99];
	s0 =	simm.s32 @p1 $0x1  }
0x15: {  	[smem:$0x3FB6] =	sst s0;
	s0 =	simm.s32 @!p2 $0x0  }
0x16: {  	s3 =	sld [smem:$0x3FDB];
	s0 =	simm.s32 @p2 $0x1  }
0x17: {  	s4 =	simm.s32 $0x1BF5;
	[smem:$0x3FB8] =	sst s0  }
0x18: {  	s0 =	sld [smem:$0x3F9B];
	_ =	swait.ge [sflag:s4], $0x0  }
0x19: {  	s7 =	sld [smem:$0x3F9C]  }
0x1a: {  	s8 =	sadd.s32 $0xFFFFE003, lr  }
0x1b: {  	s9 =	sadd.s32 $0xFFFFFEF7, lr;
	s5 =	simm.s32 $0xFFFFFFFF;
	p2 =	slt.u32 s8, $0xFFFFF086  }
0x1c: {  	p1 =	slt.u32 s9, $0xF7A;
	s5 =	simm.s32 @!p2 $0x0  }
0x1d: {  	s5 =	simm.s32 @p1 $0x1;
	p0 =	seq.s32 s7, s2  }
0x1e: {  	s7 =	smul.u32 @!p0 $0xF7A, s2;
	p2 =	seq.s32 @!p0 s5, $0x0  }
0x1f: {  	s9 =	smul.u32 $0xF7A, s1;
	s8 =	simm.s32 @!p0 $0x1BF5;
	p2 =	por !p2, p0  }
0x20: {  	[sflag:s8] =	ssyncset.s32 @!p0 $0xFFFFF086;
	s6 =	sadd.s32 @!p0 s3, s7;
	s7 =	simm.s32 @!p0 $0x108  }
0x21: {  	s3 =	sadd.s32 s3, s9;
	s6 =	sadd.s32 @!p0 $0x88, s6;
	s7 =	simm.s32 @p2 $0x1082  }
0x22: {  	[simem:s7], [sflag:s8] =	dma.local @!p0 [hbm:s6], $0xF7A  }
0x23: {  	s9 =	sor.u32 $0xD0000000, s2;
	s6 =	simm.s32 $0x108;
	_ =	swait.ge @!p0 [sflag:s8], $0x0  }
0x24: {  	s3 =	sadd.s32 $0x88, s3;
	s6 =	simm.s32 @!p1 $0x1082;
	[sflag:s4] =	ssyncset.s32 $0xFFFFF086  }
0x25: {  	[simem:s6], [sflag:s4] =	dma.local [hbm:s3], $0xF7A  }
0x26: {  	[smem:$0x3F9C] =	sst s1;
	(tag) =	ssettag s2;
	_ =	strace s9  }
0x27: {  	s1 =	sld [smem:$0x3FAC]  }
0x28: {  	s2 =	sld [smem:$0x3FAD]  }
0x29: {  	s4 =	sld [smem:$0x3FAF]  }
0x2a: {  	p0 =	seq.s32 s5, $0x0;
	s5 =	sld [smem:$0x3FB0]  }
0x2b: {  	s6 =	sld [smem:$0x3FB1]  }
0x2c: {  	s7 =	sld [smem:$0x3FB2]  }
0x2d: {  	s3 =	simm.s32 $0x108;
	s8 =	sld [smem:$0x3FB3]  }
0x2e: {  	s3 =	simm.s32 @!p0 $0x1082;
	s9 =	sld [smem:$0x3FB4]  }
0x2f: {  	lr =	sadd.s32 s0, s3;
	s0 =	sld [smem:$0x3FAB]  }
0x30: {  	s3 =	sld [smem:$0x3FAE]  }
0x31: {  	[smem:$0x3FB7] =	sst s10  }
0x32: {  	s10 =	sld [smem:$0x3FB5];
	_ =	sdelay $0x3  }
0x33: {  	p0 =	seq.s32 s10, $0x1;
	s10 =	sld [smem:$0x3FB7];
	_ =	sdelay $0x3  }
0x34: {  	[smem:$0x3FB7] =	sst s10  }
0x35: {  	s10 =	sld [smem:$0x3FB6];
	_ =	sdelay $0x3  }
0x36: {  	p1 =	seq.s32 s10, $0x1;
	s10 =	sld [smem:$0x3FB7];
	_ =	sdelay $0x3  }
0x37: {  	[smem:$0x3FB7] =	sst s10  }
0x38: {  	s10 =	sld [smem:$0x3FB8]  }
0x39: {  	_ = 	snop;
	(pc) =	sbr.ind lr, $3  }
0x3a: {  	_ = 	snop  }
0x3b: {  	_ = 	snop  }
0x3c: {  	p2 =	seq.s32 s10, $0x1;
	s10 =	sld [smem:$0x3FB7]  }
0x3d: {  	_ =	shalt  }
0x3e: {  	_ =	shalt  }
0x3f: {  	_ =	shalt  }
0x40: {  	_ =	shalt  }
0x41: {  	_ =	shalt  }
0x42: {  	_ =	shalt  }
0x43: {  	_ =	shalt  }
0x44: {  	_ =	shalt  }
0x45: {  	_ =	shalt  }
0x46: {  	_ =	shalt  }
0x47: {  	_ =	shalt  }
0x48: {  	_ =	shalt  }
0x49: {  	_ =	shalt  }
0x4a: {  	_ =	shalt  }
0x4b: {  	_ =	shalt  }
0x4c: {  	_ =	shalt  }
0x4d: {  	_ =	shalt  }
0x4e: {  	_ =	shalt  }
0x4f: {  	_ =	shalt  }
0x50: {  	_ =	shalt  }
0x51: {  	_ =	shalt  }
0x52: {  	_ =	shalt  }
0x53: {  	_ =	shalt  }
0x54: {  	_ =	shalt  }
0x55: {  	_ =	shalt  }
0x56: {  	_ =	shalt  }
0x57: {  	_ =	shalt  }
0x58: {  	_ =	shalt  }
0x59: {  	_ =	shalt  }
0x5a: {  	_ =	shalt  }
0x5b: {  	_ =	shalt  }
0x5c: {  	_ =	shalt  }
0x5d: {  	_ =	shalt  }
0x5e: {  	_ =	shalt  }
0x5f: {  	_ =	shalt  }
0x60: {  	_ =	shalt  }
0x61: {  	_ =	shalt  }
0x62: {  	_ =	shalt  }
0x63: {  	_ =	shalt  }
0x64: {  	_ =	shalt  }
0x65: {  	_ =	shalt  }
0x66: {  	_ =	shalt  }
0x67: {  	_ =	shalt  }
0x68: {  	_ =	shalt  }
0x69: {  	_ =	shalt  }
0x6a: {  	_ =	shalt  }
0x6b: {  	_ =	shalt  }
0x6c: {  	_ =	shalt  }
0x6d: {  	_ =	shalt  }
0x6e: {  	_ =	shalt  }
0x6f: {  	_ =	shalt  }
0x70: {  	_ =	shalt  }
0x71: {  	_ =	shalt  }
0x72: {  	_ =	shalt  }
0x73: {  	_ =	shalt  }
0x74: {  	_ =	shalt  }
0x75: {  	_ =	shalt  }
0x76: {  	_ =	shalt  }
0x77: {  	_ =	shalt  }
0x78: {  	_ =	shalt  }
0x79: {  	_ =	shalt  }
0x7a: {  	_ =	shalt  }
0x7b: {  	_ =	shalt  }
0x7c: {  	_ =	shalt  }
0x7d: {  	_ =	shalt  }
0x7e: {  	_ =	shalt  }
0x7f: {  	_ =	shalt  }
0x80: {  	_ =	shalt  }
0x81: {  	_ =	shalt  }
0x82: {  	_ =	shalt  }
0x83: {  	_ =	shalt  }
0x84: {  	_ =	shalt  }
0x85: {  	_ =	shalt  }
0x86: {  	_ =	shalt  }
0x87: {  	_ =	shalt  }
.Lfunc_end0:
.L_simem_size_0:
called_computation_lowered:
.L_overlay_start_0:
0x88: {  	s2 =	sld [smem:$0x3FD9]  }
0x89: {  	s3 =	sld [smem:$0x3FFE];
	_ =	sdelay $0x1  }
0x8a: {  	s1 =	srdreg.scid  }
0x8b: {  	s0 =	sand.u32 $0x1, s1  }
0x8c: {  	s14 =	sshll.u32 s0, $0xA;
	s2 =	sadd.s32 s3, s2  }
0x8d: {  	s2 =	sadd.s32 s2, s14  }
0x8e: {  	[smem:$0x3FC3] =	sst s2  }
0x8f: {  	_ = 	snop  }
0x90: {  	s2 =	sld [smem:$0x3FD0]  }
0x91: {  	s15 =	sld [smem:$0x3FC8]  }
0x92: {  	s4 =	sld [smem:$0x3FC6]  }
0x93: {  	s6 =	simm.s32 $0xA;
	s7 =	simm.s32 $0x10;
	s5 =	sld [smem:$0x3FC5]  }
0x94: {  	[smem:s7], [sflag:s6] =	dma.local [hbm:s2], $0x1  }
0x95: {  	_ =	swait.eq [sflag:s6], $0x1  }
0x96: {  	s16 =	sld [smem:$0x10]  }
0x97: {  	s17 =	sld [smem:$0x11];
	[sflag:s6] =	ssyncset.done $0x0  }
0x98: {  	s8 =	sld [smem:$0x12];
	[sflag:s6] =	ssyncadd.s32 $0xFFFFFFFF  }
0x99: {  	s18 =	sld [smem:$0x13];
	(tm) =	ssettm $0x1  }
0x9a: {  	s9 =	sld [smem:$0x3FFB];
	_ =	sdelay $0x3  }
0x9b: {  	_ =	strace s9  }
0x9c: {  	s9 =	sld [smem:$0x3FFC];
	_ =	sdelay $0x3  }
0x9d: {  	_ =	strace s9  }
0x9e: {  	s9 =	sld [smem:$0x3FFD];
	_ =	sdelay $0x3  }
0x9f: {  	_ =	strace s9  }
0xa0: {  	_ =	strace $0x8FFFFFFF  }
0xa1: {  	s19 =	sld [smem:$0x3FDB];
	_ =	sdelay $0x1  }
0xa2: {  	s10 =	simm.s32 $_scs_section_size  }
0xa3: {  	s11 =	simm.s32 $_size__tile_overlayer_lowered;
	s12 =	simm.s32 $_tile_overlayer_lowered  }
0xa4: {  	s22 =	simm.s32 $0x1BFF;
	s21 =	sshll.u32 s12, $0x1;
	s9 =	sadd.s32 s10, s19  }
0xa5: {  	s13 =	simm.s32 $0x0;
	s20 =	sshll.u32 s11, $0x1;
	s11 =	sadd.s32 s21, s9  }
0xa6: {  	[timem:s13], [sflag:s22] =	dma.local [hbm:s11], s20  }
0xa7: {  	_ =	swait.ge [sflag:s22], s20  }
0xa8: {  	s10 =	ssub.s32 $0x0, s20;
	[sflag:s22] =	ssyncset.done $0x0  }
0xa9: {  	[sflag:s22] =	ssyncadd.s32 s10;
	_ =	sdelay $0x1  }
0xaa: {  	s23 =	simm.s32 $0x1B8B  }
0xab: {  	_ =	swait.ge [sflag:s23], $0x1  }
0xac: {  	[sflag:s23] =	ssyncset.done $0x0  }
0xad: {  	s25 =	simm.s32 $0x1B8E;
	s24 =	sld [smem:$0x3FFE];
	[sflag:s23] =	ssyncadd.s32 $0xFFFFFFFF  }
0xae: {  	s26 =	simm.s32 $execute0_lowered;
	[smem:$0x3FD2] =	sst s25  }
0xaf: {  	s11 =	sshll.u32 s26, $0x1;
	_ =	strace $0x80000046;
	[dreg:$0x1] =	wrdreg $0xFFFFFFFF  }
0xb0: {  	s28 =	simm.s32 $_size_execute0_lowered;
	s9 =	sadd.s32 s9, s11;
	[dreg:$0x0] =	wrdreg $0x0  }
0xb1: {  	s11 =	sshll.u32 s28, $0x1;
	[dreg:$0x2] =	wrdreg s9  }
0xb2: {  	[dreg:$0x3] =	wrdreg s11  }
0xb3: {  	[dreg:$0x4] =	wrdreg $0xC0  }
0xb4: {  	_ =	task [dreg:s13], $0x5FFFF  }
0xb5: {  	[dreg:$0x1] =	wrdreg $0xFFFFFFFF  }
0xb6: {  	[dreg:$0x0] =	wrdreg $0x60  }
0xb7: {  	[dreg:$0x2] =	wrdreg s24  }
0xb8: {  	[dreg:$0x3] =	wrdreg s18  }
0xb9: {  	[dreg:$0x4] =	wrdreg s15  }
0xba: {  	[dreg:$0x5] =	wrdreg s4  }
0xbb: {  	[dreg:$0x6] =	wrdreg s5  }
0xbc: {  	[dreg:$0x7] =	wrdreg s16  }
0xbd: {  	[dreg:$0x8] =	wrdreg s17  }
0xbe: {  	[dreg:$0x9] =	wrdreg s8  }
0xbf: {  	[dreg:$0xa] =	wrdreg $0x9  }
0xc0: {  	_ =	task.clear_ibuf [dreg:s13], $0xBFFFF;
	_ =	strace $0x90000046  }
0xc1: {  	s29 =	simm.s32 $0x9;
	_ =	strace $0x80000048  }
0xc2: {  	_ =	swait.ge [sflag:s29], $0x1  }
0xc3: {  	[sflag:s29] =	ssyncadd.s32 $0xFFFFFFFF  }
0xc4: {  	_ =	strace $0x90000048  }
0xc5: {  	_ =	sfence  }
0xc6: {  	s30 =	sld [smem:$0x0];
	_ =	sdelay $0x2  }
0xc7: {  	s31 =	sshll.u32 s1, $0xD;
	s1 =	sshrl.u32 s1, $0x2  }
0xc8: {  	s3 =	sand.u32 $0x4000, s31;
	s1 =	sadd.s32 s1, s30  }
0xc9: {  	s0 =	sor.u32 s3, s0;
	s1 =	sshll.u32 s1, $0x11  }
0xca: {  	s0 =	sor.u32 s1, s0  }
0xcb: {  	s0 =	sadd.s32 $0x8F2B, s0  }
0xcc: {  	[sflag:s0] =	ssyncadd.remote.s32 $0x1  }
0xcd: {  	_ =	sfence.sel $0xFFFF  }
0xce: {  	[dreg:$0x0] =	wrdreg $0xFFFFFFFF;
	(pc) =	sbr.abs _section_cstart, $3  }
0xcf: {  	[dreg:$0x1] =	wrdreg $0xFFFFFFFF  }
0xd0: {  	_ =	task.clear_ibuf [dreg:s13], $0x2FFFF;
	_ =	strace $0x9FFFFFFF  }
0xd1: {  	(tm) =	ssettm $0x7FFFFFFF  }
tec
execute0_lowered:
.L_overlay_start_1:
0x0: {  	(tag) =	ssettag $0x1  }
0x1: {  	s1 =	rddreg [dreg:$0x0]  }
0x2: {  	s2 =	rddreg [dreg:$0x1]  }
0x3: {  	s0 =	rddreg [dreg:$0x2]  }
0x4: {  	s3 =	rddreg [dreg:$0x5]  }
0x5: {  	s4 =	rddreg [dreg:$0x6];
	s5 =	srdreg.scid  }
0x6: {  	s7 =	rddreg [dreg:$0x7];
	s12 =	stileid.u32;
	s6 =	sand.u32 $0x1, s5  }
0x7: {  	s5 =	simm.s32 $0x0;
	s8 =	sshll.u32 s12, $0xA;
	s9 =	sshll.u32 s6, $0x9  }
0x8: {  	s18 =	simm.s32 $0x19200;
	[smem:$0x7FF] =	sst s5;
	s8 =	sor.u32 s9, s8  }
0x9: {  	s10 =	ssub.s32 $0x2, s6;
	s6 =	sadd.s32 $0x1A00, s1;
	s9 =	sshrl.u32 s8, $0x3  }
0xa: {  	_ =	strace $0x80000047;
	s11 =	sshrl.u32 s10, $0x1;
	s2 =	sadd.s32 s2, s9  }
0xb: {  	s10 =	ssub.s32 s10, s11;
	s3 =	sadd.s32 s3, s9;
	[dreg:$0xb] =	wrdreg s2  }
0xc: {  	s1 =	sadd.s32 s9, s1;
	s31 =	smax.u32 s10, $0x1;
	[dreg:$0x10] =	wrdreg s3  }
0xd: {  	s19 =	simm.s32 $0x7;
	s23 =	sadd.s32 $0x1200, s1;
	[dreg:$0x13] =	wrdreg s31  }
0xe: {  	s22 =	simm.s32 $0x80;
	s24 =	sadd.s32 $0xA00, s1;
	[dreg:$0x9] =	wrdreg s23  }
0xf: {  	s30 =	simm.s32 $0x6;
	s25 =	sadd.s32 $0x188400, s1;
	[dreg:$0xa] =	wrdreg s24  }
0x10: {  	v0 =	vlaneseq.u32;
	p0 =	sgt.u32 s12, $0x3;
	s28 =	sadd.s32 $0x188C00, s1;
	[dreg:$0xc] =	wrdreg s25  }
0x11: {  	v1 =	vor.u32 $0x10, v0;
	s26 =	sadd.s32 $0xFFFFF000, s8;
	s29 =	sadd.s32 $0x189400, s1;
	[dreg:$0xd] =	wrdreg s28  }
0x12: {  	v61 =	vor.u32 $0x20, v0;
	[tilespmem:$0x1FFB0] =	vst v1;
	s2 =	sshrl.u32 s26, $0x3;
	s1 =	sadd.s32 $0x189C00, s1;
	[dreg:$0xe] =	wrdreg s29  }
0x13: {  	v62 =	vor.u32 $0x30, v0;
	[tilespmem:$0x1FFC0] =	vst v61;
	[dreg:$0xf] =	wrdreg s1;
	s1 =	sadd.s32 s4, s2;
	s4 =	sadd.s32 $0x200, s3  }
0x14: {  	v63 =	vor.u32 $0x40, v0;
	[tilespmem:$0x1FFD0] =	vst v62;
	s2 =	sadd.s32 s7, s2;
	s3 =	sadd.s32 $0x400, s3;
	s4 =	smov.u32 @p0 s1  }
0x15: {  	s20 =	simm.s32 $0x0;
	v0 =	vor.u32 $0x50, v0;
	[tilespmem:$0x1FFE0] =	vst v63;
	s3 =	smov.u32 @p0 s2;
	[dreg:$0x11] =	wrdreg s4  }
0x16: {  	vm0 =	vcmask $0x3F3C;
	[tilespmem:$0x1FFF0] =	vst v0;
	s1 =	simm.s32 $0x18600;
	[dreg:$0x12] =	wrdreg s3;
	s4 =	simm.s32 $0x18800  }
.LBB2_1:
0x17: {  	s2 =	rddreg [dreg:$0x3]  }
0x18: {  	[tilespmem:s18], [sflag:$0x7] =	stream.linear.gather [hbm4b:s2+s5], $0x80, $0x38;
	[tilespmem:$0x19300] =	vst v63  }
0x19: {  	_ =	swait.ge [sflag:s19], $0x80  }
0x1a: {  	[sflag:s19] =	ssyncset.done $0x0  }
0x1b: {  	[sflag:s19] =	ssyncadd.s32 $0xFFFFFF80  }
0x1c: {  	s3 =	simm.s32 $0x19280;
	s24 =	rddreg [dreg:$0x4]  }
0x1d: {  	[tilespmem:s3], [sflag:$0x7] =	stream.linear.gather [hbm4b:s24+s5], $0x80, $0x38;
	[tilespmem:$0x19300] =	vst v63  }
0x1e: {  	_ =	swait.ge [sflag:s19], $0x80  }
0x1f: {  	[sflag:s19] =	ssyncset.done $0x0  }
0x20: {  	s25 =	rddreg [dreg:$0x9];
	[sflag:s19] =	ssyncadd.s32 $0xFFFFFF80  }
0x21: {  	[tilespmem:s5], [sflag:$0x7] =	stream.linear.gather [hbm4b:s25+s5], $0x200, $0x38;
	[tilespmem:$0x19300] =	vst v63  }
0x22: {  	_ =	swait.ge [sflag:s19], $0x200  }
0x23: {  	[sflag:s19] =	ssyncset.done $0x0  }
0x24: {  	s21 =	simm.s32 $0x200;
	s26 =	rddreg [dreg:$0xa];
	[sflag:s19] =	ssyncadd.s32 $0xFFFFFE00  }
0x25: {  	[tilespmem:s21], [sflag:$0x7] =	stream.linear.gather [hbm4b:s26+s5], $0x200, $0x38;
	[tilespmem:$0x19300] =	vst v63  }
0x26: {  	_ =	swait.ge [sflag:s19], $0x200  }
0x27: {  	[sflag:s19] =	ssyncset.done $0x0  }
0x28: {  	s7 =	simm.s32 $0x400;
	v0 =	vlaneseq.u32;
	s28 =	rddreg [dreg:$0xb];
	[sflag:s19] =	ssyncadd.s32 $0xFFFFFE00  }
0x29: {  	[tilespmem:s7], [sflag:$0x7] =	stream.linear.gather [hbm4b:s28+s5], $0x200, $0x38;
	[tilespmem:$0x19300] =	vst v63  }
0x2a: {  	_ =	swait.ge [sflag:s19], $0x200  }
0x2b: {  	[sflag:s19] =	ssyncset.done $0x0  }
0x2c: {  	[sflag:s19] =	ssyncadd.s32 $0xFFFFFE00  }
0x2d: {  	v8 =	vld.idx.msk [tilespmem:v0+s18+$0x0], $0xffff  }
0x2e: {  	v0 =	vld [tilespmem:$0x1FFB0];
	_ =	sdelay $0x7  }
0x2f: {  	v11 =	vld.idx.msk [tilespmem:v0+s18+$0x0], $0xffff  }
0x30: {  	v0 =	vld [tilespmem:$0x1FFC0];
	_ =	sdelay $0x7  }
0x31: {  	v5 =	vld.idx.msk [tilespmem:v0+s18+$0x0], $0xffff  }
0x32: {  	v0 =	vld [tilespmem:$0x1FFD0];
	_ =	sdelay $0x7  }
0x33: {  	v12 =	vld.idx.msk [tilespmem:v0+s18+$0x0], $0xffff  }
0x34: {  	v0 =	vld [tilespmem:$0x1FFE0];
	_ =	sdelay $0x7  }
0x35: {  	v6 =	vld.idx.msk [tilespmem:v0+s18+$0x0], $0xffff  }
0x36: {  	v0 =	vld [tilespmem:$0x1FFF0];
	_ =	sdelay $0x7  }
0x37: {  	v3 =	vld.idx.msk [tilespmem:v0+s18+$0x0], $0xffff;
	v0 =	vimm.f32 $-1.000000000e+00  }
0x38: {  	v1 =	vld.msk [tilespmem:s3+$0x0], $0xffff;
	[tilespmem:$0x19000] =	vst v0  }
0x39: {  	[tilespmem:$0x19010] =	vst v0  }
0x3a: {  	[tilespmem:$0x19020] =	vst v0  }
0x3b: {  	[tilespmem:$0x19030] =	vst v0  }
0x3c: {  	[tilespmem:$0x19040] =	vst v0  }
0x3d: {  	[tilespmem:$0x19050] =	vst v0  }
0x3e: {  	[tilespmem:$0x19060] =	vst v0  }
0x3f: {  	[tilespmem:$0x19070] =	vst v0  }
0x40: {  	[tilespmem:$0x19080] =	vst v0  }
0x41: {  	[tilespmem:$0x19090] =	vst v0  }
0x42: {  	[tilespmem:$0x190A0] =	vst v0  }
0x43: {  	[tilespmem:$0x190B0] =	vst v0  }
0x44: {  	[tilespmem:$0x190C0] =	vst v0  }
0x45: {  	[tilespmem:$0x190D0] =	vst v0  }
0x46: {  	[tilespmem:$0x190E0] =	vst v0  }
0x47: {  	[tilespmem:$0x190F0] =	vst v0  }
0x48: {  	[tilespmem:$0x19100] =	vst v0  }
0x49: {  	[tilespmem:$0x19110] =	vst v0  }
0x4a: {  	[tilespmem:$0x19120] =	vst v0  }
0x4b: {  	[tilespmem:$0x19130] =	vst v0  }
0x4c: {  	[tilespmem:$0x19140] =	vst v0  }
0x4d: {  	[tilespmem:$0x19150] =	vst v0  }
0x4e: {  	[tilespmem:$0x19160] =	vst v0  }
0x4f: {  	[tilespmem:$0x19170] =	vst v0  }
0x50: {  	[tilespmem:$0x19180] =	vst v0  }
0x51: {  	[tilespmem:$0x19190] =	vst v0  }
0x52: {  	[tilespmem:$0x191A0] =	vst v0  }
0x53: {  	[tilespmem:$0x191B0] =	vst v0  }
0x54: {  	[tilespmem:$0x191C0] =	vst v0  }
0x55: {  	[tilespmem:$0x191D0] =	vst v0  }
0x56: {  	[tilespmem:$0x191E0] =	vst v0  }
0x57: {  	s29 =	simm.s32 $0x600;
	[tilespmem:$0x191F0] =	vst v0  }
0x58: {  	[tilespmem:s29], [sflag:$0x1] =	stream.indirect.gather [hbm4b:s0+s22], $0x80, s5, s22, $0xb8;
	[tilespmem:$0x19300] =	vst v63  }
0x59: {  	s31 =	simm.s32 $0x8600  }
0x5a: {  	[tilespmem:s31], [sflag:$0x3] =	stream.indirect.gather [hbm4b:s0+s22], $0x80, s7, s22, $0xb8;
	[tilespmem:$0x19300] =	vst v63  }
0x5b: {  	v0 =	vld [tilespmem:s21+$0x0];
	_ =	sdelay $0x4  }
0x5c: {  	v0 =	vshll.u32 v0, $0x4  }
0x5d: {  	(v2sf) =	vpush v0, $0x0  }
0x5e: {  	(v2sf) =	vpush v0, $0x1  }
0x5f: {  	(v2sf) =	vpush v0, $0x2;
	_ =	sdelay $0x1  }
0x60: {  	(v2sf) =	vpush v0, $0x4;
	_ =	sdelay $0x1  }
0x61: {  	(v2sf) =	vpush v0, $0x3  }
0x62: {  	(v2sf) =	vpush v0, $0x5  }
0x63: {  	s23 =	simm.s32 $0x2000;
	s7 =	simm.s32 $0x0;
	(v2sf) =	vpush v0, $0x6  }
.LBB2_2:
0x64: {  	p1 =	sne.s32 s23, $0xE000  }
0x65: {  	s17 =	sadd.s32 $0x10680, s7;
	s8 =	sadd.s32 $0x10B80, s7;
	s24 =	smov.u32 s23  }
0x66: {  	s23 =	sadd.s32 $0x2000, s23;
	s11 =	sadd.s32 $0x10980, s7;
	s29 =	sadd.s32 $0x10C00, s7;
	(v2sf) =	vpush v0, $0x7  }
0x67: {  	s13 =	sadd.s32 $0x10880, s7;
	s10 =	sadd.s32 $0x10A00, s7;
	s31 =	sadd.s32 $0x10C80, s7  }
0x68: {  	s14 =	sadd.s32 $0x10600, s7;
	s15 =	sadd.s32 $0x10800, s7;
	(v2sf) =	vpush v0, $0x8  }
0x69: {  	s16 =	sadd.s32 $0x10900, s7;
	s21 =	sadd.s32 $0x10, s21  }
0x6a: {  	s25 =	sadd.s32 $0x10700, s7;
	s9 =	sadd.s32 $0x10B00, s7;
	s12 =	spop (v2sf);
	(v2sf) =	vpush v0, $0x9  }
0x6b: {  	s26 =	sand.u32 $0x1FFFFFF0, s12;
	s12 =	sadd.s32 $0x10A80, s7;
	s28 =	spop (v2sf)  }
0x6c: {  	s26 =	sadd.s32 s6, s26;
	s28 =	sand.u32 $0x1FFFFFF0, s28;
	s2 =	spop (v2sf);
	(v2sf) =	vpush v0, $0xA  }
0x6d: {  	[tilespmem:s14], [sflag:$0x5] =	stream.linear.gather [hbm4b:s26+s5], $0x80, $0x38;
	[tilespmem:$0x19300] =	vst v63  }
0x6e: {  	s14 =	sadd.s32 s6, s28;
	s26 =	sadd.s32 $0x10780, s7;
	s28 =	spop (v2sf);
	(v2sf) =	vpush v0, $0xB  }
0x6f: {  	[tilespmem:s17], [sflag:$0x5] =	stream.linear.gather [hbm4b:s14+s5], $0x80, $0x38;
	[tilespmem:$0x19300] =	vst v63  }
0x70: {  	s2 =	sand.u32 $0x1FFFFFF0, s2;
	s14 =	sand.u32 $0x1FFFFFF0, s28;
	s17 =	spop (v2sf);
	(v2sf) =	vpush v0, $0xC  }
0x71: {  	s2 =	sadd.s32 s6, s2;
	s17 =	sand.u32 $0x1FFFFFF0, s17;
	s28 =	spop (v2sf)  }
0x72: {  	[tilespmem:s25], [sflag:$0x5] =	stream.linear.gather [hbm4b:s2+s5], $0x80, $0x38;
	(v2sf) =	vpush v0, $0xD;
	[tilespmem:$0x19300] =	vst v63  }
0x73: {  	s2 =	sadd.s32 s6, s17;
	s17 =	sand.u32 $0x1FFFFFF0, s28;
	s25 =	spop (v2sf)  }
0x74: {  	[tilespmem:s26], [sflag:$0x5] =	stream.linear.gather [hbm4b:s2+s5], $0x80, $0x38;
	(v2sf) =	vpush v0, $0xE;
	[tilespmem:$0x19300] =	vst v63  }
0x75: {  	s2 =	sadd.s32 s6, s14;
	s14 =	sand.u32 $0x1FFFFFF0, s25;
	s25 =	spop (v2sf)  }
0x76: {  	[tilespmem:s15], [sflag:$0x5] =	stream.linear.gather [hbm4b:s2+s5], $0x80, $0x38;
	(v2sf) =	vpush v0, $0xF;
	[tilespmem:$0x19300] =	vst v63  }
0x77: {  	s2 =	sadd.s32 s6, s17;
	s15 =	sand.u32 $0x1FFFFFF0, s25;
	s17 =	spop (v2sf)  }
0x78: {  	[tilespmem:s13], [sflag:$0x5] =	stream.linear.gather [hbm4b:s2+s5], $0x80, $0x38;
	[tilespmem:$0x19300] =	vst v63  }
0x79: {  	s2 =	sadd.s32 s6, s14;
	s13 =	sand.u32 $0x1FFFFFF0, s17;
	s14 =	spop (v2sf)  }
0x7a: {  	[tilespmem:s16], [sflag:$0x5] =	stream.linear.gather [hbm4b:s2+s5], $0x80, $0x38;
	[tilespmem:$0x19300] =	vst v63  }
0x7b: {  	s2 =	sadd.s32 s6, s15;
	s14 =	sand.u32 $0x1FFFFFF0, s14;
	s15 =	spop (v2sf)  }
0x7c: {  	[tilespmem:s11], [sflag:$0x5] =	stream.linear.gather [hbm4b:s2+s5], $0x80, $0x38;
	[tilespmem:$0x19300] =	vst v63  }
0x7d: {  	s2 =	sadd.s32 s6, s13;
	s11 =	sand.u32 $0x1FFFFFF0, s15;
	s13 =	spop (v2sf)  }
0x7e: {  	[tilespmem:s10], [sflag:$0x5] =	stream.linear.gather [hbm4b:s2+s5], $0x80, $0x38;
	[tilespmem:$0x19300] =	vst v63  }
0x7f: {  	s2 =	sadd.s32 s6, s14;
	s10 =	sand.u32 $0x1FFFFFF0, s13;
	s13 =	spop (v2sf)  }
0x80: {  	[tilespmem:s12], [sflag:$0x5] =	stream.linear.gather [hbm4b:s2+s5], $0x80, $0x38;
	[tilespmem:$0x19300] =	vst v63  }
0x81: {  	s2 =	sadd.s32 s6, s11;
	s11 =	sand.u32 $0x1FFFFFF0, s13;
	s12 =	spop (v2sf)  }
0x82: {  	[tilespmem:s9], [sflag:$0x5] =	stream.linear.gather [hbm4b:s2+s5], $0x80, $0x38;
	[tilespmem:$0x19300] =	vst v63  }
0x83: {  	s2 =	sadd.s32 s6, s10;
	s9 =	sand.u32 $0x1FFFFFF0, s12;
	s10 =	spop (v2sf)  }
0x84: {  	[tilespmem:s8], [sflag:$0x5] =	stream.linear.gather [hbm4b:s2+s5], $0x80, $0x38;
	[tilespmem:$0x19300] =	vst v63  }
0x85: {  	s2 =	sadd.s32 s6, s11;
	s8 =	sand.u32 $0x1FFFFFF0, s10;
	s10 =	spop (v2sf)  }
0x86: {  	[tilespmem:s29], [sflag:$0x5] =	stream.linear.gather [hbm4b:s2+s5], $0x80, $0x38;
	[tilespmem:$0x19300] =	vst v63  }
0x87: {  	s2 =	sadd.s32 s6, s9;
	s9 =	sand.u32 $0x1FFFFFF0, s10  }
0x88: {  	[tilespmem:s31], [sflag:$0x5] =	stream.linear.gather [hbm4b:s2+s5], $0x80, $0x38;
	[tilespmem:$0x19300] =	vst v63  }
0x89: {  	s8 =	sadd.s32 s6, s8;
	s2 =	sadd.s32 $0x10D00, s7  }
0x8a: {  	[tilespmem:s2], [sflag:$0x5] =	stream.linear.gather [hbm4b:s8+s5], $0x80, $0x38;
	[tilespmem:$0x19300] =	vst v63  }
0x8b: {  	s2 =	sadd.s32 $0x10D80, s7;
	s7 =	sadd.s32 s6, s9  }
0x8c: {  	[tilespmem:s2], [sflag:$0x5] =	stream.linear.gather [hbm4b:s7+s5], $0x80, $0x38;
	[tilespmem:$0x19300] =	vst v63  }
0x8d: {  	v0 =	vld [tilespmem:s21+$0x0];
	_ =	sdelay $0x4  }
0x8e: {  	v0 =	vshll.u32 v0, $0x4  }
0x8f: {  	(v2sf) =	vpush v0, $0x0  }
0x90: {  	(v2sf) =	vpush v0, $0x1  }
0x91: {  	(v2sf) =	vpush v0, $0x2;
	_ =	sdelay $0x1  }
0x92: {  	(v2sf) =	vpush v0, $0x4  }
.Ltmp0:
0x93: {  	(pc) =	sbr.rel @p1 .LBB2_2-.Ltmp0, $3  }
0x94: {  	(v2sf) =	vpush v0, $0x3  }
0x95: {  	(v2sf) =	vpush v0, $0x5;
	_ =	sdelay $0x1  }
0x96: {  	s7 =	sshra.s32 s24, $0x2;
	(v2sf) =	vpush v0, $0x6  }
0x97: {  	_ =	sdelay $0x4  }
0x98: {  	s9 =	sadd.s32 $0x10600, s7;
	s2 =	spop (v2sf)  }
0x99: {  	s24 =	sadd.s32 $0x10680, s7;
	s2 =	sand.u32 $0x1FFFFFF0, s2;
	s8 =	spop (v2sf)  }
0x9a: {  	(v2sf) =	vpush v0, $0x7;
	s2 =	sadd.s32 s6, s2;
	s8 =	sand.u32 $0x1FFFFFF0, s8;
	s25 =	spop (v2sf)  }
0x9b: {  	(v2sf) =	vpush v0, $0x8;
	[tilespmem:s9], [sflag:$0x5] =	stream.linear.gather [hbm4b:s2+s5], $0x80, $0x38;
	[tilespmem:$0x19300] =	vst v63  }
0x9c: {  	s8 =	sadd.s32 s6, s8;
	s26 =	sand.u32 $0x1FFFFFF0, s25;
	s29 =	spop (v2sf)  }
0x9d: {  	[tilespmem:s24], [sflag:$0x5] =	stream.linear.gather [hbm4b:s8+s5], $0x80, $0x38;
	[tilespmem:$0x19300] =	vst v63  }
0x9e: {  	s28 =	sadd.s32 $0x10700, s7;
	s2 =	sadd.s32 s6, s26;
	(v2sf) =	vpush v0, $0x9;
	s31 =	spop (v2sf)  }
0x9f: {  	[tilespmem:s28], [sflag:$0x5] =	stream.linear.gather [hbm4b:s2+s5], $0x80, $0x38;
	[tilespmem:$0x19300] =	vst v63  }
0xa0: {  	s3 =	sadd.s32 $0x10780, s7;
	s11 =	sadd.s32 $0x10800, s7;
	(v2sf) =	vpush v0, $0xA;
	s2 =	sand.u32 $0x1FFFFFF0, s31  }
0xa1: {  	s9 =	sand.u32 $0x1FFFFFF0, s29;
	(v2sf) =	vpush v0, $0xB;
	s10 =	spop (v2sf);
	s2 =	sadd.s32 s6, s2  }
0xa2: {  	[tilespmem:s3], [sflag:$0x5] =	stream.linear.gather [hbm4b:s2+s5], $0x80, $0x38;
	[tilespmem:$0x19300] =	vst v63  }
0xa3: {  	s8 =	sand.u32 $0x1FFFFFF0, s10;
	(v2sf) =	vpush v0, $0xC;
	s2 =	sadd.s32 s6, s9;
	s13 =	spop (v2sf)  }
0xa4: {  	[tilespmem:s11], [sflag:$0x5] =	stream.linear.gather [hbm4b:s2+s5], $0x80, $0x38;
	[tilespmem:$0x19300] =	vst v63  }
0xa5: {  	s12 =	sadd.s32 $0x10880, s7;
	s8 =	sadd.s32 s6, s8;
	(v2sf) =	vpush v0, $0xD;
	s14 =	sand.u32 $0x1FFFFFF0, s13  }
0xa6: {  	[tilespmem:s12], [sflag:$0x5] =	stream.linear.gather [hbm4b:s8+s5], $0x80, $0x38;
	[tilespmem:$0x19300] =	vst v63  }
0xa7: {  	s16 =	sadd.s32 $0x10900, s7;
	s2 =	sadd.s32 s6, s14  }
0xa8: {  	[tilespmem:s16], [sflag:$0x5] =	stream.linear.gather [hbm4b:s2+s5], $0x80, $0x38;
	[tilespmem:$0x19300] =	vst v63  }
0xa9: {  	s17 =	sadd.s32 $0x10980, s7;
	s15 =	spop (v2sf);
	(v2sf) =	vpush v0, $0xE  }
0xaa: {  	s25 =	sadd.s32 $0x10A00, s7;
	s8 =	sand.u32 $0x1FFFFFF0, s15;
	s21 =	spop (v2sf)  }
0xab: {  	s26 =	sadd.s32 $0x10A80, s7;
	(v2sf) =	vpush v0, $0xF;
	s8 =	sadd.s32 s6, s8;
	s23 =	sand.u32 $0x1FFFFFF0, s21  }
0xac: {  	[tilespmem:s17], [sflag:$0x5] =	stream.linear.gather [hbm4b:s8+s5], $0x80, $0x38;
	[tilespmem:$0x19300] =	vst v63  }
0xad: {  	s3 =	sadd.s32 $0x10B00, s7;
	s24 =	spop (v2sf);
	s2 =	sadd.s32 s6, s23  }
0xae: {  	[tilespmem:s25], [sflag:$0x5] =	stream.linear.gather [hbm4b:s2+s5], $0x80, $0x38;
	[tilespmem:$0x19300] =	vst v63  }
0xaf: {  	s9 =	sadd.s32 $0x10B80, s7;
	s8 =	sand.u32 $0x1FFFFFF0, s24;
	s28 =	spop (v2sf)  }
0xb0: {  	s8 =	sadd.s32 s6, s8;
	s29 =	sand.u32 $0x1FFFFFF0, s28;
	s31 =	spop (v2sf)  }
0xb1: {  	[tilespmem:s26], [sflag:$0x5] =	stream.linear.gather [hbm4b:s8+s5], $0x80, $0x38;
	[tilespmem:$0x19300] =	vst v63  }
0xb2: {  	s8 =	sand.u32 $0x1FFFFFF0, s31;
	s2 =	sadd.s32 s6, s29;
	s10 =	spop (v2sf)  }
0xb3: {  	[tilespmem:s3], [sflag:$0x5] =	stream.linear.gather [hbm4b:s2+s5], $0x80, $0x38;
	[tilespmem:$0x19300] =	vst v63  }
0xb4: {  	s8 =	sadd.s32 s6, s8;
	s11 =	sand.u32 $0x1FFFFFF0, s10;
	s12 =	spop (v2sf)  }
0xb5: {  	[tilespmem:s9], [sflag:$0x5] =	stream.linear.gather [hbm4b:s8+s5], $0x80, $0x38;
	[tilespmem:$0x19300] =	vst v63  }
0xb6: {  	s13 =	sadd.s32 $0x10C00, s7;
	s2 =	sadd.s32 s6, s11;
	s8 =	sand.u32 $0x1FFFFFF0, s12  }
0xb7: {  	[tilespmem:s13], [sflag:$0x5] =	stream.linear.gather [hbm4b:s2+s5], $0x80, $0x38;
	[tilespmem:$0x19300] =	vst v63  }
0xb8: {  	s14 =	sadd.s32 $0x10C80, s7;
	s8 =	sadd.s32 s6, s8;
	s15 =	spop (v2sf)  }
0xb9: {  	[tilespmem:s14], [sflag:$0x5] =	stream.linear.gather [hbm4b:s8+s5], $0x80, $0x38;
	[tilespmem:$0x19300] =	vst v63  }
0xba: {  	s16 =	sand.u32 $0x1FFFFFF0, s15;
	s17 =	spop (v2sf)  }
0xbb: {  	s21 =	sadd.s32 $0x10D00, s7;
	s8 =	sand.u32 $0x1FFFFFF0, s17;
	s2 =	sadd.s32 s6, s16  }
0xbc: {  	[tilespmem:s21], [sflag:$0x5] =	stream.linear.gather [hbm4b:s2+s5], $0x80, $0x38;
	[tilespmem:$0x19300] =	vst v63  }
0xbd: {  	[tilespmem:$0x1FFA0] =	vst v1;
	s23 =	sadd.s32 $0x10D80, s7;
	s25 =	simm.s32 $0x1;
	s24 =	sadd.s32 s6, s8  }
0xbe: {  	[tilespmem:s23], [sflag:$0x5] =	stream.linear.gather [hbm4b:s24+s5], $0x80, $0x38;
	[tilespmem:$0x19300] =	vst v63  }
0xbf: {  	_ =	swait.ge [sflag:s25], $0x4000  }
0xc0: {  	[sflag:s25] =	ssyncset.done $0x0  }
0xc1: {  	s26 =	simm.s32 $0x3;
	[sflag:s25] =	ssyncadd.s32 $0xFFFFC000  }
0xc2: {  	_ =	swait.ge [sflag:s26], $0x4000  }
0xc3: {  	[sflag:s26] =	ssyncset.done $0x0  }
0xc4: {  	s28 =	simm.s32 $0x5;
	[sflag:s26] =	ssyncadd.s32 $0xFFFFC000  }
0xc5: {  	_ =	swait.ge [sflag:s28], $0x4000  }
0xc6: {  	[sflag:s28] =	ssyncset.done $0x0  }
0xc7: {  	s29 =	simm.s32 $0x4600;
	[sflag:s28] =	ssyncadd.s32 $0xFFFFC000  }
0xc8: {  	[tilespmem:s29], [sflag:$0x2] =	stream.indirect.gather [hbm4b:s0+s22], $0x80, s22, s22, $0xb8;
	[tilespmem:$0x19300] =	vst v63  }
0xc9: {  	s31 =	simm.s32 $0x480;
	s3 =	simm.s32 $0xC600;
	s23 =	simm.s32 $0x280  }
0xca: {  	[tilespmem:s3], [sflag:$0x4] =	stream.indirect.gather [hbm4b:s0+s22], $0x80, s31, s22, $0xb8;
	[tilespmem:$0x19300] =	vst v63  }
0xcb: {  	v0 =	vld [tilespmem:s23+$0x0];
	_ =	sdelay $0x4  }
0xcc: {  	v0 =	vshll.u32 v0, $0x4  }
0xcd: {  	(v2sf) =	vpush v0, $0x0  }
0xce: {  	(v2sf) =	vpush v0, $0x1  }
0xcf: {  	(v2sf) =	vpush v0, $0x2;
	_ =	sdelay $0x1  }
0xd0: {  	(v2sf) =	vpush v0, $0x4;
	_ =	sdelay $0x1  }
0xd1: {  	(v2sf) =	vpush v0, $0x3  }
0xd2: {  	(v2sf) =	vpush v0, $0x5  }
0xd3: {  	s7 =	simm.s32 $0x0;
	s21 =	simm.s32 $0x0;
	s24 =	simm.s32 $0x2000;
	(v2sf) =	vpush v0, $0x6  }
.LBB2_4:
0xd4: {  	p1 =	sne.s32 s24, $0xE000  }
0xd5: {  	s2 =	sadd.s32 $0x14680, s7;
	s9 =	sadd.s32 $0x14B80, s7;
	s29 =	smov.u32 s24  }
0xd6: {  	s24 =	sadd.s32 $0x2000, s24;
	s12 =	sadd.s32 $0x14980, s7;
	s31 =	sadd.s32 $0x14C00, s7;
	(v2sf) =	vpush v0, $0x7  }
0xd7: {  	s17 =	sadd.s32 $0x14880, s7;
	s11 =	sadd.s32 $0x14A00, s7;
	s8 =	sadd.s32 $0x14C80, s7  }
0xd8: {  	s14 =	sadd.s32 $0x14600, s7;
	s15 =	sadd.s32 $0x14800, s7;
	(v2sf) =	vpush v0, $0x8  }
0xd9: {  	s16 =	sadd.s32 $0x14900, s7;
	s23 =	sadd.s32 $0x10, s23  }
0xda: {  	s25 =	sadd.s32 $0x14700, s7;
	s10 =	sadd.s32 $0x14B00, s7;
	s13 =	spop (v2sf);
	(v2sf) =	vpush v0, $0x9  }
0xdb: {  	s26 =	sand.u32 $0x1FFFFFF0, s13;
	s13 =	sadd.s32 $0x14A80, s7;
	s28 =	spop (v2sf)  }
0xdc: {  	s26 =	sadd.s32 s6, s26;
	s28 =	sand.u32 $0x1FFFFFF0, s28;
	s3 =	spop (v2sf);
	(v2sf) =	vpush v0, $0xA  }
0xdd: {  	[tilespmem:s14], [sflag:$0x6] =	stream.linear.gather [hbm4b:s26+s21], $0x80, $0x38;
	[tilespmem:$0x19300] =	vst v63  }
0xde: {  	s14 =	sadd.s32 s6, s28;
	s26 =	sadd.s32 $0x14780, s7;
	s28 =	spop (v2sf);
	(v2sf) =	vpush v0, $0xB  }
0xdf: {  	[tilespmem:s2], [sflag:$0x6] =	stream.linear.gather [hbm4b:s14+s21], $0x80, $0x38;
	[tilespmem:$0x19300] =	vst v63  }
0xe0: {  	s2 =	sand.u32 $0x1FFFFFF0, s3;
	s3 =	sand.u32 $0x1FFFFFF0, s28;
	s14 =	spop (v2sf);
	(v2sf) =	vpush v0, $0xC  }
0xe1: {  	s2 =	sadd.s32 s6, s2;
	s14 =	sand.u32 $0x1FFFFFF0, s14;
	s28 =	spop (v2sf)  }
0xe2: {  	[tilespmem:s25], [sflag:$0x6] =	stream.linear.gather [hbm4b:s2+s21], $0x80, $0x38;
	(v2sf) =	vpush v0, $0xD;
	[tilespmem:$0x19300] =	vst v63  }
0xe3: {  	s2 =	sadd.s32 s6, s14;
	s14 =	sand.u32 $0x1FFFFFF0, s28;
	s25 =	spop (v2sf)  }
0xe4: {  	[tilespmem:s26], [sflag:$0x6] =	stream.linear.gather [hbm4b:s2+s21], $0x80, $0x38;
	(v2sf) =	vpush v0, $0xE;
	[tilespmem:$0x19300] =	vst v63  }
0xe5: {  	s2 =	sadd.s32 s6, s3;
	s3 =	sand.u32 $0x1FFFFFF0, s25;
	s25 =	spop (v2sf)  }
0xe6: {  	[tilespmem:s15], [sflag:$0x6] =	stream.linear.gather [hbm4b:s2+s21], $0x80, $0x38;
	(v2sf) =	vpush v0, $0xF;
	[tilespmem:$0x19300] =	vst v63  }
0xe7: {  	s2 =	sadd.s32 s6, s14;
	s14 =	sand.u32 $0x1FFFFFF0, s25;
	s15 =	spop (v2sf)  }
0xe8: {  	[tilespmem:s17], [sflag:$0x6] =	stream.linear.gather [hbm4b:s2+s21], $0x80, $0x38;
	[tilespmem:$0x19300] =	vst v63  }
0xe9: {  	s2 =	sadd.s32 s6, s3;
	s3 =	sand.u32 $0x1FFFFFF0, s15;
	s15 =	spop (v2sf)  }
0xea: {  	[tilespmem:s16], [sflag:$0x6] =	stream.linear.gather [hbm4b:s2+s21], $0x80, $0x38;
	[tilespmem:$0x19300] =	vst v63  }
0xeb: {  	s2 =	sadd.s32 s6, s14;
	s14 =	sand.u32 $0x1FFFFFF0, s15;
	s15 =	spop (v2sf)  }
0xec: {  	[tilespmem:s12], [sflag:$0x6] =	stream.linear.gather [hbm4b:s2+s21], $0x80, $0x38;
	[tilespmem:$0x19300] =	vst v63  }
0xed: {  	s2 =	sadd.s32 s6, s3;
	s3 =	sand.u32 $0x1FFFFFF0, s15;
	s12 =	spop (v2sf)  }
0xee: {  	[tilespmem:s11], [sflag:$0x6] =	stream.linear.gather [hbm4b:s2+s21], $0x80, $0x38;
	[tilespmem:$0x19300] =	vst v63  }
0xef: {  	s2 =	sadd.s32 s6, s14;
	s11 =	sand.u32 $0x1FFFFFF0, s12;
	s12 =	spop (v2sf)  }
0xf0: {  	[tilespmem:s13], [sflag:$0x6] =	stream.linear.gather [hbm4b:s2+s21], $0x80, $0x38;
	[tilespmem:$0x19300] =	vst v63  }
0xf1: {  	s2 =	sadd.s32 s6, s3;
	s3 =	sand.u32 $0x1FFFFFF0, s12;
	s12 =	spop (v2sf)  }
0xf2: {  	[tilespmem:s10], [sflag:$0x6] =	stream.linear.gather [hbm4b:s2+s21], $0x80, $0x38;
	[tilespmem:$0x19300] =	vst v63  }
0xf3: {  	s2 =	sadd.s32 s6, s11;
	s10 =	sand.u32 $0x1FFFFFF0, s12;
	s11 =	spop (v2sf)  }
0xf4: {  	[tilespmem:s9], [sflag:$0x6] =	stream.linear.gather [hbm4b:s2+s21], $0x80, $0x38;
	[tilespmem:$0x19300] =	vst v63  }
0xf5: {  	s2 =	sadd.s32 s6, s3;
	s3 =	sand.u32 $0x1FFFFFF0, s11;
	s9 =	spop (v2sf)  }
0xf6: {  	[tilespmem:s31], [sflag:$0x6] =	stream.linear.gather [hbm4b:s2+s21], $0x80, $0x38;
	[tilespmem:$0x19300] =	vst v63  }
0xf7: {  	s2 =	sadd.s32 s6, s10;
	s9 =	sand.u32 $0x1FFFFFF0, s9  }
0xf8: {  	[tilespmem:s8], [sflag:$0x6] =	stream.linear.gather [hbm4b:s2+s21], $0x80, $0x38;
	[tilespmem:$0x19300] =	vst v63  }
0xf9: {  	s3 =	sadd.s32 s6, s3;
	s2 =	sadd.s32 $0x14D00, s7  }
0xfa: {  	[tilespmem:s2], [sflag:$0x6] =	stream.linear.gather [hbm4b:s3+s21], $0x80, $0x38;
	[tilespmem:$0x19300] =	vst v63  }
0xfb: {  	s2 =	sadd.s32 $0x14D80, s7;
	s3 =	sadd.s32 s6, s9  }
0xfc: {  	[tilespmem:s2], [sflag:$0x6] =	stream.linear.gather [hbm4b:s3+s21], $0x80, $0x38;
	[tilespmem:$0x19300] =	vst v63  }
0xfd: {  	v0 =	vld [tilespmem:s23+$0x0];
	_ =	sdelay $0x4  }
0xfe: {  	v0 =	vshll.u32 v0, $0x4  }
0xff: {  	(v2sf) =	vpush v0, $0x0  }
0x100: {  	(v2sf) =	vpush v0, $0x1  }
0x101: {  	(v2sf) =	vpush v0, $0x2;
	_ =	sdelay $0x1  }
0x102: {  	(v2sf) =	vpush v0, $0x4  }
.Ltmp1:
0x103: {  	(pc) =	sbr.rel @p1 .LBB2_4-.Ltmp1, $3  }
0x104: {  	(v2sf) =	vpush v0, $0x3  }
0x105: {  	(v2sf) =	vpush v0, $0x5;
	_ =	sdelay $0x1  }
0x106: {  	s7 =	sshra.s32 s29, $0x2;
	(v2sf) =	vpush v0, $0x6  }
0x107: {  	_ =	sdelay $0x1  }
0x108: {  	s2 =	sadd.s32 $0x14680, s7;
	s10 =	sadd.s32 $0x14B80, s7  }
0x109: {  	s3 =	sadd.s32 $0x14980, s7;
	s8 =	sadd.s32 $0x14C00, s7;
	(v2sf) =	vpush v0, $0x7;
	s11 =	sadd.s32 $0x14880, s7  }
0x10a: {  	s12 =	sadd.s32 $0x14A00, s7;
	s9 =	sadd.s32 $0x14C80, s7;
	s13 =	sadd.s32 $0x14600, s7  }
0x10b: {  	s14 =	sadd.s32 $0x14800, s7;
	s15 =	sadd.s32 $0x14900, s7;
	(v2sf) =	vpush v0, $0x8;
	s16 =	spop (v2sf)  }
0x10c: {  	s17 =	sadd.s32 $0x14700, s7;
	s16 =	sand.u32 $0x1FFFFFF0, s16;
	s23 =	spop (v2sf)  }
0x10d: {  	(v2sf) =	vpush v0, $0x9;
	s16 =	sadd.s32 s6, s16;
	s23 =	sand.u32 $0x1FFFFFF0, s23;
	s24 =	spop (v2sf)  }
0x10e: {  	[tilespmem:s13], [sflag:$0x6] =	stream.linear.gather [hbm4b:s16+s21], $0x80, $0x38;
	[tilespmem:$0x19300] =	vst v63  }
0x10f: {  	(v2sf) =	vpush v0, $0xA;
	s25 =	sadd.s32 s6, s23;
	s26 =	sand.u32 $0x1FFFFFF0, s24;
	s23 =	spop (v2sf)  }
0x110: {  	[tilespmem:s2], [sflag:$0x6] =	stream.linear.gather [hbm4b:s25+s21], $0x80, $0x38;
	[tilespmem:$0x19300] =	vst v63  }
0x111: {  	s13 =	sadd.s32 $0x14B00, s7;
	(v2sf) =	vpush v0, $0xB;
	s16 =	sadd.s32 s6, s26;
	s28 =	spop (v2sf)  }
0x112: {  	s2 =	sadd.s32 $0x14A80, s7;
	s25 =	sadd.s32 $0x14780, s7;
	s24 =	sand.u32 $0x1FFFFFF0, s28  }
0x113: {  	(v2sf) =	vpush v0, $0xC;
	[tilespmem:s17], [sflag:$0x6] =	stream.linear.gather [hbm4b:s16+s21], $0x80, $0x38;
	[tilespmem:$0x19300] =	vst v63  }
0x114: {  	s16 =	sand.u32 $0x1FFFFFF0, s23;
	s26 =	spop (v2sf);
	s28 =	sadd.s32 s6, s24  }
0x115: {  	(v2sf) =	vpush v0, $0xD;
	[tilespmem:s25], [sflag:$0x6] =	stream.linear.gather [hbm4b:s28+s21], $0x80, $0x38;
	[tilespmem:$0x19300] =	vst v63  }
0x116: {  	s17 =	sand.u32 $0x1FFFFFF0, s26;
	s16 =	sadd.s32 s6, s16;
	s24 =	spop (v2sf)  }
0x117: {  	(v2sf) =	vpush v0, $0xE;
	[tilespmem:s14], [sflag:$0x6] =	stream.linear.gather [hbm4b:s16+s21], $0x80, $0x38;
	[tilespmem:$0x19300] =	vst v63  }
0x118: {  	s17 =	sadd.s32 s6, s17;
	s25 =	sand.u32 $0x1FFFFFF0, s24;
	s26 =	spop (v2sf)  }
0x119: {  	(v2sf) =	vpush v0, $0xF;
	[tilespmem:s11], [sflag:$0x6] =	stream.linear.gather [hbm4b:s17+s21], $0x80, $0x38;
	[tilespmem:$0x19300] =	vst v63  }
0x11a: {  	s28 =	sand.u32 $0x1FFFFFF0, s26;
	s14 =	sadd.s32 s6, s25;
	s17 =	spop (v2sf)  }
0x11b: {  	[tilespmem:s15], [sflag:$0x6] =	stream.linear.gather [hbm4b:s14+s21], $0x80, $0x38;
	[tilespmem:$0x19300] =	vst v63  }
0x11c: {  	s11 =	sadd.s32 s6, s28;
	s23 =	sand.u32 $0x1FFFFFF0, s17;
	s24 =	spop (v2sf)  }
0x11d: {  	[tilespmem:s3], [sflag:$0x6] =	stream.linear.gather [hbm4b:s11+s21], $0x80, $0x38;
	[tilespmem:$0x19300] =	vst v63  }
0x11e: {  	s14 =	sadd.s32 s6, s23;
	s25 =	sand.u32 $0x1FFFFFF0, s24;
	s26 =	spop (v2sf)  }
0x11f: {  	[tilespmem:s12], [sflag:$0x6] =	stream.linear.gather [hbm4b:s14+s21], $0x80, $0x38;
	[tilespmem:$0x19300] =	vst v63  }
0x120: {  	s11 =	sand.u32 $0x1FFFFFF0, s26;
	s3 =	sadd.s32 s6, s25;
	s28 =	spop (v2sf)  }
0x121: {  	[tilespmem:s2], [sflag:$0x6] =	stream.linear.gather [hbm4b:s3+s21], $0x80, $0x38;
	[tilespmem:$0x19300] =	vst v63  }
0x122: {  	s11 =	sadd.s32 s6, s11;
	s14 =	sand.u32 $0x1FFFFFF0, s28;
	s15 =	spop (v2sf)  }
0x123: {  	[tilespmem:s13], [sflag:$0x6] =	stream.linear.gather [hbm4b:s11+s21], $0x80, $0x38;
	[tilespmem:$0x19300] =	vst v63  }
0x124: {  	s2 =	sadd.s32 s6, s14;
	s3 =	sand.u32 $0x1FFFFFF0, s15;
	s16 =	spop (v2sf)  }
0x125: {  	[tilespmem:s10], [sflag:$0x6] =	stream.linear.gather [hbm4b:s2+s21], $0x80, $0x38;
	[tilespmem:$0x19300] =	vst v63  }
0x126: {  	s17 =	sand.u32 $0x1FFFFFF0, s16;
	s3 =	sadd.s32 s6, s3;
	s23 =	spop (v2sf)  }
0x127: {  	[tilespmem:s8], [sflag:$0x6] =	stream.linear.gather [hbm4b:s3+s21], $0x80, $0x38;
	[tilespmem:$0x19300] =	vst v63  }
0x128: {  	s24 =	sand.u32 $0x1FFFFFF0, s23;
	s25 =	spop (v2sf);
	s2 =	sadd.s32 s6, s17  }
0x129: {  	[tilespmem:s9], [sflag:$0x6] =	stream.linear.gather [hbm4b:s2+s21], $0x80, $0x38;
	[tilespmem:$0x19300] =	vst v63  }
0x12a: {  	s28 =	sadd.s32 $0x14D00, s7;
	s26 =	sand.u32 $0x1FFFFFF0, s25;
	s3 =	sadd.s32 s6, s24  }
0x12b: {  	[tilespmem:s28], [sflag:$0x6] =	stream.linear.gather [hbm4b:s3+s21], $0x80, $0x38;
	[tilespmem:$0x19300] =	vst v63  }
0x12c: {  	s10 =	simm.s32 $0x8680;
	s9 =	sadd.s32 $0x14D80, s7;
	s2 =	sadd.s32 s6, s26  }
0x12d: {  	[tilespmem:s9], [sflag:$0x6] =	stream.linear.gather [hbm4b:s2+s21], $0x80, $0x38;
	[tilespmem:$0x19300] =	vst v63  }
0x12e: {  	v16 =	vld [tilespmem:s10+$0x10]  }
0x12f: {  	s11 =	simm.s32 $0x10690;
	v19 =	vld [tilespmem:s10+$0x30]  }
0x130: {  	v15 =	vld [tilespmem:s11+$0xFFFFFFF0]  }
0x131: {  	v14 =	vld [tilespmem:s11+$0x0]  }
0x132: {  	v17 =	vld [tilespmem:s10+$0x0]  }
0x133: {  	s12 =	simm.s32 $0x680;
	v21 =	vld [tilespmem:s10+$0x20]  }
0x134: {  	v20 =	vld [tilespmem:s12+$0x0]  }
0x135: {  	v18 =	vld [tilespmem:s12+$0x10]  }
0x136: {  	v23 =	vld [tilespmem:s12+$0x20]  }
0x137: {  	v22 =	vld [tilespmem:s12+$0x30]  }
0x138: {  	v30 =	vld [tilespmem:s12+$0xFFFFFF90]  }
0x139: {  	v28 =	vld [tilespmem:s12+$0xFFFFFFA0]  }
0x13a: {  	v29 =	vld [tilespmem:s12+$0xFFFFFFB0]  }
0x13b: {  	v2 =	vld [tilespmem:s12+$0xFFFFFFC0]  }
0x13c: {  	v4 =	vld [tilespmem:s12+$0x40]  }
0x13d: {  	v24 =	vld [tilespmem:s12+$0x50]  }
0x13e: {  	v25 =	vld [tilespmem:s12+$0x60]  }
0x13f: {  	v27 =	vld [tilespmem:s10+$0x40];
	v0 =	vmul.f32 v15, v5;
	v1 =	vmul.f32 v14, v12  }
0x140: {  	v52 =	vmov v5;
	v5 =	vld [tilespmem:s12+$0x70];
	[tilespmem:$0x1FEF0] =	vst v6  }
0x141: {  	v33 =	vmul.f32 v23, v8;
	v7 =	vld [tilespmem:$0x1FEF0];
	v1 =	vadd.f32 v1, v0;
	v0 =	vmul.f32 v22, v11  }
0x142: {  	v26 =	vmul.f32 v20, v8;
	v32 =	vmul.f32 v18, v11  }
0x143: {  	v10 =	vmul.f32 v17, v6;
	v13 =	vmul.f32 v21, v6;
	v6 =	vld [tilespmem:s10+$0x60];
	v0 =	vadd.f32 v0, v33  }
0x144: {  	v51 =	vmov v12;
	v12 =	vmov v3;
	v31 =	vld [tilespmem:s10+$0x50];
	v26 =	vadd.f32 v32, v26  }
0x145: {  	v9 =	vmul.f32 v19, v12;
	v35 =	vld [tilespmem:s10+$0x70];
	v13 =	vadd.f32 v13, v0  }
0x146: {  	v10 =	vadd.f32 v10, v26;
	v26 =	vmul.f32 v27, v7;
	v7 =	vld [tilespmem:$0x1FEF0]  }
0x147: {  	(xrf2) =	vadd.scan.msk.f32 $0xffff, v1;
	v1 =	vadd.f32 v9, v13;
	v13 =	vld [tilespmem:s10+$0xFFFFFF80]  }
0x148: {  	v36 =	vld [tilespmem:s12+$0xFFFFFFE0]  }
0x149: {  	v0 =	vld [tilespmem:$0x1FEF0]  }
0x14a: {  	v3 =	vmul.f32 v16, v3;
	v34 =	vmul.f32 v4, v8;
	v38 =	vld [tilespmem:s12+$0xFFFFFFF0]  }
0x14b: {  	v37 =	vmul.f32 v24, v11;
	v50 =	vmul.f32 v25, v8;
	v9 =	vld [tilespmem:s10+$0xFFFFFFA0]  }
0x14c: {  	v39 =	vmul.f32 v5, v11;
	v44 =	vmul.f32 v13, v7;
	v7 =	vld [tilespmem:$0x1FEF0]  }
0x14d: {  	v41 =	vld [tilespmem:s10+$0xFFFFFFC0];
	v34 =	vadd.f32 v37, v34;
	v3 =	vadd.f32 v3, v10  }
0x14e: {  	v45 =	vld [tilespmem:s10+$0xFFFFFFB0];
	v33 =	vadd.f32 v39, v50;
	v53 =	vmul.f32 v6, v0  }
0x14f: {  	v32 =	vld [tilespmem:s12+$0xFFFFFFD0];
	v10 =	vadd.f32 v26, v34;
	v26 =	vmul.f32 v31, v12;
	(xrf2) =	vadd.scan.msk.f32 $0xffff, v3  }
0x150: {  	v54 =	vmul.f32 v35, v12;
	(xrf2) =	vadd.scan.msk.f32 $0xffff, v1;
	v0 =	vld [tilespmem:s12+$0xFFFFFF80];
	v33 =	vadd.f32 v53, v33  }
0x151: {  	v3 =	vadd.f32 v26, v10;
	v58 =	vmul.f32 v9, v7;
	v7 =	vld [tilespmem:$0x1FEF0]  }
0x152: {  	v42 =	vld [tilespmem:s10+$0xFFFFFFF0];
	v1 =	vadd.f32 v54, v33  }
0x153: {  	v55 =	vmul.f32 v29, v11;
	v39 =	vld [tilespmem:s10+$0xFFFFFFE0];
	(xrf2) =	vadd.scan.msk.f32 $0xffff, v3  }
0x154: {  	v43 =	vmul.f32 v36, v8;
	v57 =	vmul.f32 v38, v11;
	v53 =	vld [tilespmem:s11+$0xFFFFFF70];
	(xrf2) =	vadd.scan.msk.f32 $0xffff, v1  }
0x155: {  	v40 =	vmul.f32 v32, v11;
	v34 =	vld [tilespmem:s10+$0xFFFFFF90];
	v26 =	vmul.f32 v30, v11  }
0x156: {  	v56 =	vmul.f32 v0, v8;
	v59 =	vmul.f32 v41, v7;
	v7 =	vld [tilespmem:$0x1FEF0]  }
0x157: {  	v10 =	vld [tilespmem:s10+$0xFFFFFFD0];
	v3 =	vmul.f32 v28, v8;
	v1 =	vmul.f32 v2, v8  }
0x158: {  	v48 =	vmul.f32 v45, v12;
	v37 =	vadd.f32 v57, v43;
	v61, _, _ =	vpop (xrf2);
	v26 =	vadd.f32 v26, v56  }
0x159: {  	v63 =	vmul.f32 v42, v12;
	v3 =	vadd.f32 v55, v3;
	[tilespmem:$0x1FED0] =	vst v53;
	v62, _, _ =	vpop (xrf2);
	v1 =	vadd.f32 v40, v1  }
0x15a: {  	v47 =	vmul.f32 v34, v12;
	v33 =	vadd.f32 $0.0e+00, v62;
	v60 =	vadd.f32 v44, v26;
	v50, _, _ =	vpop (xrf2);
	v26 =	vld [tilespmem:s11+$0xFFFFFF80]  }
0x15b: {  	v3 =	vadd.f32 v58, v3;
	v58 =	vadd.f32 $0.0e+00, v50;
	v46 =	vmul.f32 v39, v7;
	v7 =	vld [tilespmem:$0x1FFA0]  }
0x15c: {  	v49 =	vmul.f32 v10, v12;
	v43 =	vadd.f32 v47, v60;
	v40 =	vadd.f32 v59, v1  }
0x15d: {  	v44 =	vbroadcast v61, $0xF;
	v3 =	vadd.f32 v48, v3;
	v57, _, _ =	vpop (xrf2);
	v37 =	vadd.f32 v46, v37  }
0x15e: {  	v60 =	vmul.f32 v53, v52;
	v47 =	vadd.f32 $0.0e+00, v57;
	v40 =	vadd.f32 v49, v40;
	v59, _, _ =	vpop (xrf2)  }
0x15f: {  	v49 =	vadd.f32 $0.0e+00, v59;
	v37 =	vadd.f32 v63, v37;
	v63 =	vmul.f32 v26, v51  }
0x160: {  	v33 =	vbroadcast v33, $0xF;
	v48 =	vbroadcast v58, $0xF;
	(xrf2) =	vadd.scan.msk.f32 $0xffff, v43;
	v44 =	vadd.f32 v44, v7  }
0x161: {  	v61 =	vbroadcast v47, $0xF;
	(xrf2) =	vadd.scan.msk.f32 $0xffff, v3;
	v62 =	vbroadcast v49, $0xF;
	v43 =	vadd.f32 v63, v60  }
0x162: {  	(xrf2) =	vadd.scan.msk.f32 $0xffff, v40;
	v33 =	vadd.f32 v44, v33;
	v48 =	vadd.f32 v44, v48  }
0x163: {  	(xrf2) =	vadd.scan.msk.f32 $0xffff, v37;
	v3 =	vadd.f32 v44, v61;
	v44 =	vadd.f32 v44, v62  }
0x164: {  	(xrf2) =	vadd.scan.msk.f32 $0xffff, v43;
	v33 =	vmax.f32 v33, $0.0e+00  }
0x165: {  	v1 =	vmovc v51;
	v50 =	vmax.f32 v48, $0.0e+00;
	v3 =	vmax.f32 v3, $0.0e+00;
	v51 =	vmax.f32 v44, $0.0e+00  }
0x166: {  	v54 =	vmov v52;
	v52 =	vmax.f32 v33, v50;
	v44 =	vmax.f32 v3, v51  }
0x167: {  	v43 =	vmax.f32 v52, v44  }
0x168: {  	v33 =	vsub.f32 v33, v43  }
0x169: {  	v37 =	vsub.f32 v50, v43  }
0x16a: {  	v53, _, _ =	vpop (xrf2);
	v33 =	vmul.f32 $1.442695020e+00, v33  }
0x16b: {  	v55, _, _ =	vpop (xrf2);
	v3 =	vsub.f32 v3, v43;
	v37 =	vmul.f32 $1.442695020e+00, v37  }
0x16c: {  	v56, _, _ =	vpop (xrf2);
	v40 =	vsub.f32 v51, v43;
	(erf) = vpow2.f32 v33  }
0x16d: {  	v3 =	vmul.f32 $1.442695020e+00, v3;
	v57, _, _ =	vpop (xrf2);
	(erf) = vpow2.f32 v37  }
0x16e: {  	v40 =	vmul.f32 $1.442695020e+00, v40;
	v33 =	vadd.f32 $0.0e+00, v55;
	v58, _, _ =	vpop (xrf2)  }
0x16f: {  	v59 =	vadd.f32 $0.0e+00, v57;
	(erf) = vpow2.f32 v3;
	v44 =	vbroadcast v58, $0xF  }
0x170: {  	v37 =	vadd.f32 $0.0e+00, v56;
	v3 =	vadd.f32 $0.0e+00, v53  }
0x171: {  	(erf) = vpow2.f32 v40;
	v40 =	vbroadcast v59, $0xF;
	v60 =	vadd.f32 v44, v7  }
0x172: {  	v0 =	vsub.f32 v0, v13;
	v3 =	vbroadcast v3, $0xF  }
0x173: {  	v33 =	vbroadcast v33, $0xF;
	v37 =	vbroadcast v37, $0xF;
	v40 =	vadd.f32 v60, v40  }
0x174: {  	s13 =	simm.s32 $0x8780;
	v3 =	vadd.f32 v60, v3  }
0x175: {  	s14 =	simm.s32 $0x10790;
	v33 =	vadd.f32 v60, v33;
	v37 =	vadd.f32 v60, v37;
	v47 =	vpop (erf);
	v63 =	vmax.f32 v40, $0.0e+00;
	v40 =	vld [tilespmem:s13+$0x10];
	[tilespmem:$0x1FEC0] =	vst v0  }
0x176: {  	v61 =	vmax.f32 v3, $0.0e+00;
	v51 =	vpop (erf);
	v0 =	vld [tilespmem:s14+$0xFFFFFFF0]  }
0x177: {  	v33 =	vmax.f32 v33, $0.0e+00;
	v62 =	vmax.f32 v37, $0.0e+00;
	v3 =	vadd.f32 v51, v47  }
0x178: {  	v55 =	vmax.f32 v61, v33;
	v56 =	vmax.f32 v62, v63;
	v52 =	vpop (erf)  }
0x179: {  	v13 =	vmax.f32 v55, v56;
	v57 =	vadd.f32 v3, v52  }
0x17a: {  	v34 =	vsub.f32 v30, v34;
	v53 =	vpop (erf);
	v44 =	vsub.f32 v61, v13  }
0x17b: {  	v43 =	vld [tilespmem:s13+$0x30];
	v30 =	vsub.f32 v33, v13;
	v49 =	vadd.f32 v57, v53;
	[tilespmem:$0x1FF80] =	vst v0  }
0x17c: {  	v28 =	vsub.f32 v28, v9;
	v46 =	vsub.f32 v62, v13;
	v58 =	vmul.f32 $1.442695020e+00, v44;
	v3 =	vld [tilespmem:s14+$0x0]  }
0x17d: {  	v13 =	vsub.f32 v63, v13;
	v9 =	vmul.f32 $1.442695020e+00, v30;
	(erf) = vrcp.f32 v49  }
0x17e: {  	v59 =	vmul.f32 $1.442695020e+00, v46;
	(erf) = vpow2.f32 v58  }
0x17f: {  	v13 =	vmul.f32 $1.442695020e+00, v13;
	(erf) = vpow2.f32 v9  }
0x180: {  	(erf) = vpow2.f32 v59  }
0x181: {  	[tilespmem:$0x1FF90] =	vst v3;
	(erf) = vpow2.f32 v13;
	v13 =	vsub.f32 v4, v27;
	v4 =	vmul.f32 v0, v54;
	v0 =	vld [tilespmem:$0x1FEF0]  }
0x182: {  	v44 =	vld [tilespmem:s13+$0x0]  }
0x183: {  	s15 =	simm.s32 $0x780;
	v30 =	vsub.f32 v2, v41;
	v2 =	vsub.f32 v36, v39;
	v48 =	vld [tilespmem:s13+$0x20]  }
0x184: {  	v33 =	vsub.f32 v29, v45;
	v45 =	vld [tilespmem:s15+$0x0]  }
0x185: {  	v46 =	vld [tilespmem:s15+$0x10];
	[tilespmem:$0x1FEE0] =	vst v2;
	v2 =	vsub.f32 v38, v42;
	_ =	sdelay $0x1  }
0x186: {  	v17 =	vsub.f32 v20, v17;
	v49 =	vld [tilespmem:s15+$0x20];
	[tilespmem:$0x1FF00] =	vst v2  }
0x187: {  	v16 =	vsub.f32 v18, v16;
	v19 =	vsub.f32 v22, v19;
	v50 =	vld [tilespmem:s15+$0x30]  }
0x188: {  	v32 =	vsub.f32 v32, v10;
	v10 =	vsub.f32 v25, v6;
	v61 =	vmul.f32 v44, v0;
	v0 =	vld [tilespmem:$0x1FEF0]  }
0x189: {  	v25 =	vsub.f32 v5, v35;
	v55 =	vmul.f32 v40, v12;
	v27 =	vmul.f32 v3, v1;
	v62 =	vpop (erf)  }
0x18a: {  	v42 =	vsub.f32 v24, v31;
	v22 =	vmul.f32 v45, v8;
	v31 =	vmul.f32 v62, v47  }
0x18b: {  	v60 =	vsub.f32 v23, v21;
	v9 =	vld [tilespmem:s15+$0xFFFFFF90];
	v63 =	vmul.f32 v46, v11;
	v35 =	vmul.f32 v62, v51  }
0x18c: {  	v27 =	vadd.f32 v27, v4;
	v41 =	vld [tilespmem:s13+$0x40];
	v20 =	vmul.f32 v49, v8;
	v17 =	vmul.f32 v31, v17  }
0x18d: {  	v22 =	vadd.f32 v63, v22;
	v39 =	vmul.f32 v50, v11;
	v56 =	vmul.f32 v48, v0;
	v0 =	vld [tilespmem:$0x1FEF0]  }
0x18e: {  	v36 =	vmul.f32 v62, v52;
	v51 =	vld [tilespmem:s15+$0x50];
	v16 =	vmul.f32 v31, v16;
	v15 =	vadd.f32 v17, v15  }
0x18f: {  	v17 =	vadd.f32 v61, v22;
	v18 =	vadd.f32 v39, v20;
	v39 =	vld [tilespmem:s15+$0x40];
	v20 =	vmul.f32 v35, v60  }
0x190: {  	v24 =	vld [tilespmem:s15+$0xFFFFFFA0];
	v38 =	vmul.f32 v62, v53;
	v14 =	vadd.f32 v16, v14;
	v16 =	vmul.f32 v35, v19  }
0x191: {  	v13 =	vmul.f32 v36, v13;
	v17 =	vadd.f32 v55, v17;
	v55 =	vld [tilespmem:s13+$0x60];
	v15 =	vadd.f32 v15, v20  }
0x192: {  	v14 =	vadd.f32 v14, v16;
	v16 =	vmul.f32 v36, v42;
	v22 =	vmul.f32 v41, v0;
	v0 =	vld [tilespmem:$0x1FEF0]  }
0x193: {  	v52 =	vld [tilespmem:s13+$0x50];
	v10 =	vmul.f32 v38, v10;
	v20 =	vmul.f32 v51, v11;
	v13 =	vadd.f32 v15, v13  }
0x194: {  	v37 =	vmovc v54;
	v54 =	vld [tilespmem:s15+$0x60];
	v14 =	vadd.f32 v14, v16;
	v15 =	vmul.f32 v38, v25;
	v47 =	vmul.f32 v39, v8  }
0x195: {  	v57 =	vmul.f32 v43, v12;
	v53 =	vld [tilespmem:s15+$0x70];
	v18 =	vadd.f32 v56, v18;
	v10 =	vadd.f32 v13, v10  }
0x196: {  	v25 =	vld [tilespmem:s13+$0xFFFFFF80];
	v14 =	vadd.f32 v14, v15;
	v19 =	vadd.f32 v20, v47  }
0x197: {  	v18 =	vadd.f32 v57, v18;
	v10 =	vand.u32 $0x7FFFFFFF, v10;
	v61 =	vmul.f32 v55, v0;
	v0 =	vld [tilespmem:$0x1FEF0]  }
0x198: {  	v21 =	vld [tilespmem:s15+$0xFFFFFFC0];
	(xrf2) =	vadd.scan.msk.f32 $0xffff, v27;
	v14 =	vand.u32 $0x7FFFFFFF, v14;
	v19 =	vadd.f32 v22, v19;
	v22 =	vmul.f32 v52, v12  }
0x199: {  	v6 =	vld [tilespmem:s15+$0xFFFFFFD0];
	(xrf2) =	vadd.scan.msk.f32 $0xffff, v17;
	v10 =	vadd.f32 v14, v10  }
0x19a: {  	v56 =	vld [tilespmem:s13+$0x70];
	(xrf2) =	vadd.scan.msk.f32 $0xffff, v18;
	v19 =	vadd.f32 v22, v19  }
0x19b: {  	v27 =	vmul.f32 v54, v8;
	v60 =	vmul.f32 v53, v11;
	v20 =	vld [tilespmem:s13+$0xFFFFFFA0];
	(xrf2) =	vadd.scan.msk.f32 $0xffff, v10  }
0x19c: {  	(xrf2) =	vadd.scan.msk.f32 $0xffff, v19;
	v19 =	vmul.f32 v25, v0;
	v0 =	vld [tilespmem:$0x1FEF0]  }
0x19d: {  	v23 =	vld [tilespmem:s15+$0xFFFFFFB0];
	v27 =	vadd.f32 v60, v27  }
0x19e: {  	v5 =	vld [tilespmem:s15+$0xFFFFFFE0];
	v59 =	vmul.f32 v6, v11  }
0x19f: {  	v57 =	vmul.f32 v21, v8;
	v13 =	vld [tilespmem:s15+$0xFFFFFF80];
	v42 =	vmul.f32 v56, v12;
	v27 =	vadd.f32 v61, v27  }
0x1a0: {  	v14 =	vld [tilespmem:s13+$0xFFFFFFC0]  }
0x1a1: {  	v63 =	vadd.f32 v42, v27;
	v42 =	vadd.f32 v59, v57;
	v57 =	vmul.f32 v20, v0;
	v0 =	vld [tilespmem:$0x1FEF0]  }
0x1a2: {  	v4 =	vld [tilespmem:s15+$0xFFFFFFF0]  }
0x1a3: {  	v58 =	vld [tilespmem:s13+$0xFFFFFFE0]  }
0x1a4: {  	v17 =	vmul.f32 v23, v11;
	v15 =	vmul.f32 v24, v8;
	v47 =	vld [tilespmem:s13+$0xFFFFFF90]  }
0x1a5: {  	v60 =	vld [tilespmem:s13+$0xFFFFFFD0];
	v16 =	vmul.f32 v9, v11;
	v62 =	vmul.f32 v13, v8  }
0x1a6: {  	v15 =	vadd.f32 v17, v15;
	v59 =	vmul.f32 v14, v0;
	v0 =	vld [tilespmem:$0x1FEF0]  }
0x1a7: {  	v17 =	vmul.f32 v4, v11;
	v22 =	vld [tilespmem:s13+$0xFFFFFFB0];
	v10 =	vmul.f32 v5, v8;
	v16 =	vadd.f32 v16, v62  }
0x1a8: {  	v27 =	vld [tilespmem:s13+$0xFFFFFFF0]  }
0x1a9: {  	v10 =	vadd.f32 v17, v10;
	v17 =	vmul.f32 v47, v12;
	v61, _, _ =	vpop (xrf2);
	v16 =	vadd.f32 v19, v16  }
0x1aa: {  	v29 =	vmov v1;
	v2 =	vld [tilespmem:s14+$0xFFFFFF70];
	v1, _, _ =	vpop (xrf2)  }
0x1ab: {  	(xrf2) =	vadd.scan.msk.f32 $0xffff, v63;
	v1 =	vadd.f32 $0.0e+00, v1;
	v16 =	vadd.f32 v17, v16;
	v18 =	vmul.f32 v58, v0  }
0x1ac: {  	v62 =	vpop (erf);
	v15 =	vadd.f32 v57, v15;
	v19 =	vadd.f32 v59, v42;
	v42 =	vmul.f32 v22, v12  }
0x1ad: {  	v17 =	vmul.f32 v60, v12;
	v59 =	vpop (erf);
	v10 =	vadd.f32 v18, v10;
	v18 =	vmul.f32 v27, v12  }
0x1ae: {  	v3 =	vld [tilespmem:s14+$0xFFFFFF80];
	v15 =	vadd.f32 v42, v15;
	v57 =	vadd.f32 v59, v62  }
0x1af: {  	[tilespmem:$0x1FE20] =	vst v2;
	(xrf2) =	vadd.scan.msk.f32 $0xffff, v16;
	v19 =	vadd.f32 v17, v19;
	v63 =	vpop (erf);
	v17 =	vadd.f32 v18, v10  }
0x1b0: {  	(xrf2) =	vadd.scan.msk.f32 $0xffff, v15;
	v18 =	vadd.f32 v57, v63;
	v57 =	vmul.f32 v2, v37;
	v2 =	vsub.f32 v13, v25  }
0x1b1: {  	s16 =	simm.s32 $0x1;
	v1 =	vbroadcast v1, $0xF;
	v0, _, _ =	vpop (xrf2)  }
0x1b2: {  	v42 =	vmov s16;
	v16 =	vpop (erf);
	(xrf2) =	vadd.scan.msk.f32 $0xffff, v19;
	[tilespmem:$0x1FE30] =	vst v2;
	v2 =	vsub.f32 v9, v47  }
0x1b3: {  	[tilespmem:$0x1FE40] =	vst v3;
	v0 =	vadd.f32 $0.0e+00, v0;
	v13 =	vmul.f32 v3, v29;
	v3 =	vsub.f32 v6, v60;
	v10, _, _ =	vpop (xrf2)  }
0x1b4: {  	v9 =	vadd.f32 v18, v16;
	v15, _, _ =	vpop (xrf2);
	[tilespmem:$0x1FE50] =	vst v2;
	v2 =	vsub.f32 v24, v20;
	v20 =	vbroadcast v61, $0xF  }
0x1b5: {  	v0 =	vbroadcast v0, $0xF;
	[tilespmem:$0x1FE90] =	vst v3;
	v3 =	vsub.f32 v5, v58;
	v24, _, _ =	vpop (xrf2);
	v15 =	vadd.f32 $0.0e+00, v15  }
0x1b6: {  	(erf) = vrcp.f32 v9;
	v24 =	vadd.f32 $0.0e+00, v24;
	v20 =	vadd.f32 v20, v7  }
0x1b7: {  	v13 =	vadd.f32 v13, v57;
	[tilespmem:$0x1FEA0] =	vst v3;
	v3 =	vsub.f32 v4, v27;
	v15 =	vbroadcast v15, $0xF  }
0x1b8: {  	s17 =	simm.s32 $0x201;
	[tilespmem:$0x1FE60] =	vst v2;
	v2 =	vsub.f32 v23, v22;
	v22 =	vbroadcast v24, $0xF;
	v1 =	vadd.f32 v20, v1  }
0x1b9: {  	v47 =	vmov s17;
	v23, _, _ =	vpop (xrf2);
	(xrf2) =	vadd.scan.msk.f32 $0xffff, v17;
	v0 =	vadd.f32 v20, v0;
	v15 =	vadd.f32 v20, v15  }
0x1ba: {  	v24 =	vmov s21;
	v6, _, _ =	vpop (xrf2);
	[tilespmem:$0x1FE70] =	vst v2;
	v2 =	vsub.f32 v21, v14;
	v20 =	vadd.f32 v20, v22  }
0x1bb: {  	(xrf2) =	vadd.scan.msk.f32 $0xffff, v13;
	v21 =	vand.u32 $0xFFFFFFFE, v24;
	v6 =	vadd.f32 $0.0e+00, v6;
	v1 =	vmax.f32 v1, $0.0e+00  }
0x1bc: {  	v4, _, _ =	vpop (xrf2);
	v0 =	vmax.f32 v0, $0.0e+00;
	v14 =	vmax.f32 v15, $0.0e+00;
	v15 =	vmax.f32 v20, $0.0e+00  }
0x1bd: {  	[tilespmem:$0x1FEB0] =	vst v3;
	v3 =	vld [tilespmem:$0x1FEC0];
	v4 =	vadd.f32 $0.0e+00, v4;
	v13 =	vmax.f32 v1, v0;
	v20 =	vmax.f32 v14, v15  }
0x1be: {  	v24 =	vbroadcast v21, $0x0;
	[tilespmem:$0x1FE80] =	vst v2;
	v2 =	vadd.f32 $0.0e+00, v23;
	v13 =	vmax.f32 v13, v20  }
0x1bf: {  	v6 =	vbroadcast v6, $0xF;
	v4 =	vbroadcast v4, $0xF;
	v5 =	vpop (erf);
	v1 =	vsub.f32 v1, v13  }
0x1c0: {  	v2 =	vbroadcast v2, $0xF;
	v0 =	vsub.f32 v0, v13;
	v27 =	vmul.f32 v5, v62  }
0x1c1: {  	s24 =	simm.s32 $0x601;
	v25 =	vmul.f32 v5, v59;
	v14 =	vsub.f32 v14, v13;
	v1 =	vmul.f32 $1.442695020e+00, v1  }
0x1c2: {  	v57 =	vmov s24;
	v0 =	vmul.f32 $1.442695020e+00, v0;
	v19 =	vmul.f32 v27, v3  }
0x1c3: {  	s25 =	simm.s32 $0x200;
	v13 =	vsub.f32 v15, v13;
	v14 =	vmul.f32 $1.442695020e+00, v14;
	(erf) = vpow2.f32 v1  }
0x1c4: {  	s23 =	simm.s32 $0x401;
	v18 =	vmov s25;
	v15, _, _ =	vpop (xrf2);
	v3 =	vld [tilespmem:$0x1FED0];
	v34 =	vmul.f32 v27, v34;
	(erf) = vpow2.f32 v0  }
0x1c5: {  	v61 =	vmov s23;
	v13 =	vmul.f32 $1.442695020e+00, v13;
	v33 =	vmul.f32 v25, v33;
	v62, _, _ =	vpop (xrf2)  }
0x1c6: {  	s26 =	simm.s32 $0x400;
	v59 =	vand.u32 $0xFFFFFFFE, v18;
	v58 =	vbroadcast v62, $0xF;
	(erf) = vpow2.f32 v14  }
0x1c7: {  	v1 =	vmov s26;
	v34 =	vadd.f32 v34, v26;
	v0 =	vadd.f32 $0.0e+00, v15  }
0x1c8: {  	v58 =	vadd.f32 v58, v7;
	(erf) = vpow2.f32 v13;
	v13 =	vmul.f32 v25, v28  }
0x1c9: {  	v21 =	vld [tilespmem:$0x1FEF0];
	v26 =	vmul.f32 v5, v16;
	v1 =	vand.u32 $0xFFFFFFFE, v1;
	v15 =	vadd.f32 v19, v3  }
0x1ca: {  	v16 =	vld [tilespmem:$0x1FF00];
	v0 =	vbroadcast v0, $0xF;
	v28 =	vmul.f32 v5, v63;
	v2 =	vadd.f32 v58, v2  }
0x1cb: {  	v7 =	vld [tilespmem:$0x1FEE0];
	[tilespmem:v42+s1+$0x0] =	vst.idx.msk vm0, v10;
	v1 =	vbroadcast v1, $0x0;
	v5 =	vadd.f32 v58, v6;
	v4 =	vadd.f32 v58, v4  }
0x1cc: {  	v3 =	vadd.f32 v15, v13;
	v6 =	vmul.f32 v28, v30;
	v0 =	vadd.f32 v58, v0;
	v13 =	vpop (erf)  }
0x1cd: {  	[tilespmem:v42+s4+$0x0] =	vst.idx.msk $0x1, v31;
	v15 =	vmul.f32 v28, v32;
	v2 =	vmax.f32 v2, $0.0e+00;
	v5 =	vmax.f32 v5, $0.0e+00;
	v58 =	vpop (erf)  }
0x1ce: {  	s29 =	simm.s32 $0x8880;
	[tilespmem:v47+s4+$0x0] =	vst.idx.msk $0x1, v35;
	v4 =	vmax.f32 v4, $0.0e+00;
	v0 =	vmax.f32 v0, $0.0e+00;
	v32 =	vadd.f32 v58, v13  }
0x1cf: {  	v17 =	vld [tilespmem:s29+$0x10];
	v30 =	vadd.f32 v34, v33;
	v18 =	vmax.f32 v2, v5;
	v19 =	vmax.f32 v4, v0;
	v63 =	vpop (erf)  }
0x1d0: {  	s31 =	simm.s32 $0x880;
	v31 =	vld [tilespmem:s29+$0x20];
	v3 =	vadd.f32 v3, v6;
	v6 =	vmax.f32 v18, v19;
	v32 =	vadd.f32 v32, v63  }
0x1d1: {  	s24 =	simm.s32 $0x10890;
	v35 =	vld [tilespmem:s31+$0x0];
	v15 =	vadd.f32 v30, v15;
	v34 =	vmul.f32 v26, v7;
	v2 =	vsub.f32 v2, v6;
	v9 =	vpop (erf)  }
0x1d2: {  	v62 =	vmul.f32 v26, v16;
	v16 =	vld [tilespmem:s24+$0xFFFFFFF0];
	v5 =	vsub.f32 v5, v6;
	v33 =	vadd.f32 v32, v9  }
0x1d3: {  	[tilespmem:v61+s4+$0x0] =	vst.idx.msk $0x1, v36;
	v36 =	vld [tilespmem:s31+$0x10];
	v3 =	vadd.f32 v3, v34;
	v4 =	vsub.f32 v4, v6;
	v2 =	vmul.f32 $1.442695020e+00, v2  }
0x1d4: {  	[tilespmem:v57+s4+$0x0] =	vst.idx.msk $0x1, v38;
	v38 =	vld [tilespmem:s31+$0x20];
	v0 =	vsub.f32 v0, v6;
	v5 =	vmul.f32 $1.442695020e+00, v5;
	(erf) = vrcp.f32 v33  }
0x1d5: {  	v7 =	vld [tilespmem:s29+$0x30];
	v4 =	vmul.f32 $1.442695020e+00, v4;
	(erf) = vpow2.f32 v2;
	v2 =	vadd.f32 v15, v62  }
0x1d6: {  	v6 =	vld [tilespmem:s24+$0x0];
	v0 =	vmul.f32 $1.442695020e+00, v0;
	(erf) = vpow2.f32 v5  }
0x1d7: {  	v34 =	vld [tilespmem:s29+$0x0];
	[tilespmem:$0x1FF10] =	vst v1;
	v3 =	vand.u32 $0x7FFFFFFF, v3;
	(erf) = vpow2.f32 v4;
	v2 =	vand.u32 $0x7FFFFFFF, v2  }
0x1d8: {  	(erf) = vpow2.f32 v0;
	v0 =	vadd.f32 v2, v3;
	v2 =	vsub.f32 v39, v41;
	v39 =	vld [tilespmem:s31+$0x30];
	[tilespmem:$0x1FF20] =	vst v37  }
0x1d9: {  	[tilespmem:$0x1FF30] =	vst v16  }
0x1da: {  	[tilespmem:$0x1FF40] =	vst v29  }
0x1db: {  	s28 =	simm.s32 $0x600;
	v1 =	vmul.f32 v16, v37;
	v5 =	vmul.f32 v6, v29;
	[tilespmem:$0x1FF50] =	vst v6  }
0x1dc: {  	v14 =	vmov s28;
	v61 =	vld [tilespmem:s31+$0xFFFFFF90]  }
0x1dd: {  	v42 =	vand.u32 $0xFFFFFFFE, v14;
	v14 =	vmul.f32 v7, v12;
	[tilespmem:$0x1FF70] =	vst v7;
	v7 =	vadd.f32 v5, v1;
	v1 =	vld [tilespmem:$0x1FF80];
	v33 =	vpop (erf)  }
0x1de: {  	v44 =	vsub.f32 v45, v44;
	v6 =	vsub.f32 v51, v52;
	v52 =	vmul.f32 v33, v13  }
0x1df: {  	v37 =	vmul.f32 v38, v8;
	[tilespmem:$0x1FF60] =	vst v17;
	v5 =	vmul.f32 v39, v11  }
0x1e0: {  	v15 =	vsub.f32 v49, v48;
	v62 =	vld [tilespmem:s31+$0xFFFFFFA0];
	v51 =	vmul.f32 v33, v58;
	v44 =	vmul.f32 v52, v44  }
0x1e1: {  	v40 =	vsub.f32 v46, v40;
	v10 =	vmul.f32 v17, v12;
	v47 =	vbroadcast v59, $0x0;
	v60 =	vld [tilespmem:s31+$0xFFFFFFB0]  }
0x1e2: {  	(xrf2) =	vadd.scan.msk.f32 $0xffff, v0;
	v0 =	vadd.f32 v5, v37;
	v5 =	vmul.f32 v51, v15;
	v15 =	vadd.f32 v44, v1;
	v1 =	vld [tilespmem:$0x1FF90]  }
0x1e3: {  	v43 =	vsub.f32 v50, v43;
	v19 =	vmul.f32 v35, v8;
	v32 =	vmul.f32 v36, v11;
	v59 =	vld [tilespmem:s31+$0xFFFFFFC0]  }
0x1e4: {  	v18 =	vmul.f32 v31, v21;
	v48 =	vmul.f32 v34, v21;
	v3 =	vsub.f32 v53, v56;
	v57 =	vld [tilespmem:s31+$0xFFFFFFD0]  }
0x1e5: {  	v13 =	vadd.f32 v32, v19;
	v53 =	vmul.f32 v33, v63;
	v37 =	vld [tilespmem:s31+$0x50];
	v46 =	vmul.f32 v52, v40  }
0x1e6: {  	v4 =	vsub.f32 v54, v55;
	v55 =	vmul.f32 v33, v9;
	v40 =	vld [tilespmem:s31+$0x40];
	v63 =	vmul.f32 v51, v43  }
0x1e7: {  	v56 =	vld [tilespmem:s31+$0xFFFFFFE0];
	v13 =	vadd.f32 v48, v13;
	v2 =	vmul.f32 v53, v2;
	v58 =	vadd.f32 v46, v1  }
0x1e8: {  	v49 =	vld [tilespmem:s31+$0xFFFFFFF0];
	v6 =	vmul.f32 v53, v6;
	v0 =	vadd.f32 v18, v0;
	v5 =	vadd.f32 v15, v5  }
0x1e9: {  	v43 =	vld [tilespmem:s29+$0x40];
	v4 =	vmul.f32 v55, v4;
	v10 =	vadd.f32 v10, v13;
	v9 =	vadd.f32 v58, v63  }
0x1ea: {  	v3 =	vmul.f32 v55, v3;
	v16 =	vadd.f32 v14, v0;
	v2 =	vadd.f32 v5, v2;
	v46 =	vld [tilespmem:s31+$0x60]  }
0x1eb: {  	v44 =	vld [tilespmem:s31+$0x70];
	v15 =	vmul.f32 v37, v11;
	v14 =	vmul.f32 v40, v8;
	v5 =	vadd.f32 v9, v6  }
0x1ec: {  	v45 =	vld [tilespmem:s29+$0x50];
	(xrf2) =	vadd.scan.msk.f32 $0xffff, v7;
	v1 =	vadd.f32 v2, v4;
	v63 =	vpop (erf)  }
0x1ed: {  	v50 =	vld [tilespmem:s29+$0x70];
	(xrf2) =	vadd.scan.msk.f32 $0xffff, v10;
	v10 =	vadd.f32 v15, v14;
	v0 =	vpop (erf);
	v3 =	vadd.f32 v5, v3  }
0x1ee: {  	v48 =	vld [tilespmem:s29+$0x60];
	v15 =	vand.u32 $0x7FFFFFFF, v1;
	v6 =	vmul.f32 v61, v11;
	v58 =	vpop (erf);
	v9 =	vmul.f32 v43, v21  }
0x1ef: {  	v2 =	vld [tilespmem:s31+$0xFFFFFF80];
	v4 =	vadd.f32 v0, v63;
	v54 =	vpop (erf);
	v14 =	vmul.f32 v46, v8;
	v13 =	vand.u32 $0x7FFFFFFF, v3  }
0x1f0: {  	s7 =	simm.s32 $0x6;
	s23 =	simm.s32 $0x2;
	s21 =	simm.s32 $0x4;
	v1, _, _ =	vpop (xrf2);
	(xrf2) =	vadd.scan.msk.f32 $0xffff, v16;
	v5 =	vmul.f32 v62, v8;
	v3 =	vld [tilespmem:s29+$0xFFFFFF80];
	v13 =	vadd.f32 v13, v15;
	v15 =	vmul.f32 v44, v11  }
.LBB2_6:
0x1f1: {  	_ =	sdelay $0x3  }
0x1f2: {  	(xrf2) =	vadd.scan.msk.f32 $0xffff, v13;
	v13 =	vmul.f32 v2, v8;
	_ =	sdelay $0x1  }
0x1f3: {  	v13 =	vadd.f32 v6, v13;
	v6 =	vld [tilespmem:$0x1FEF0];
	_ =	sdelay $0x3  }
0x1f4: {  	v16 =	vld [tilespmem:s29+$0xFFFFFFA0]  }
0x1f5: {  	v17 =	vmul.f32 v60, v11;
	v32 =	vmul.f32 v3, v6;
	v6 =	vld [tilespmem:$0x1FEF0]  }
0x1f6: {  	v10 =	vadd.f32 v9, v10;
	v7 =	vmul.f32 v45, v12  }
0x1f7: {  	v19 =	vld [tilespmem:s29+$0xFFFFFFC0];
	v23 =	vmul.f32 v56, v8;
	v17 =	vadd.f32 v17, v5;
	v5 =	vmul.f32 v49, v11  }
0x1f8: {  	v14 =	vadd.f32 v15, v14;
	v9 =	vld [tilespmem:s29+$0xFFFFFFE0];
	v15 =	vmul.f32 v48, v21  }
0x1f9: {  	v10 =	vadd.f32 v7, v10;
	v23 =	vadd.f32 v5, v23;
	v5 =	vld [tilespmem:$0x1FEF0]  }
0x1fa: {  	v14 =	vadd.f32 v15, v14;
	v7 =	vmul.f32 v50, v12;
	v41 =	vmul.f32 v16, v6;
	v6 =	vld [tilespmem:$0x1FEF0]  }
0x1fb: {  	v22 =	vld [tilespmem:s29+$0xFFFFFF90]  }
0x1fc: {  	v14 =	vadd.f32 v7, v14  }
0x1fd: {  	s2 =	sadd.s32 $0x1, s23;
	v18, _, _ =	vpop (xrf2);
	(xrf2) =	vadd.scan.msk.f32 $0xffff, v10  }
0x1fe: {  	v30 =	vld [tilespmem:s29+$0xFFFFFFD0];
	v20 =	vmul.f32 v59, v8;
	v21 =	vmul.f32 v57, v11;
	v15, _, _ =	vpop (xrf2);
	(xrf2) =	vadd.scan.msk.f32 $0xffff, v14;
	v14 =	vmov s2  }
0x1ff: {  	v10 =	vld [tilespmem:s29+$0xFFFFFFF0];
	v13 =	vadd.f32 v32, v13;
	v32 =	vmul.f32 v9, v5;
	v33 =	vmul.f32 v19, v6  }
0x200: {  	v29 =	vld [tilespmem:s29+$0xFFFFFFB0];
	s15 =	sadd.s32 $0x201, s23;
	v7 =	vmul.f32 v22, v12  }
0x201: {  	s16 =	sadd.s32 $0x401, s23;
	v20 =	vadd.f32 v21, v20;
	v5 =	vld [tilespmem:s24+$0xFFFFFF80];
	v23 =	vadd.f32 v32, v23;
	v32 =	vmov s15  }
0x202: {  	v21, _, _ =	vpop (xrf2);
	v6 =	vld [tilespmem:s24+$0xFFFFFF70];
	[tilespmem:v24+s1+$0x0] =	vst.idx.msk vm0, v1;
	v1 =	vadd.f32 v7, v13;
	v13 =	vmov s16  }
0x203: {  	[tilespmem:v24+s4+$0x0] =	vst.idx.msk $0x1, v27;
	v20 =	vadd.f32 v33, v20;
	v33, _, _ =	vpop (xrf2)  }
0x204: {  	v7 =	vmul.f32 v30, v12;
	v24 =	vmul.f32 v10, v12;
	[tilespmem:v14+s1+$0x0] =	vst.idx.msk vm0, v33  }
0x205: {  	[tilespmem:v14+s4+$0x0] =	vst.idx.msk $0x1, v52  }
0x206: {  	v7 =	vadd.f32 v7, v20;
	v20 =	vadd.f32 v24, v23;
	v23 =	vmov s23;
	[tilespmem:v32+s4+$0x0] =	vst.idx.msk $0x1, v51  }
0x207: {  	[tilespmem:v13+s4+$0x0] =	vst.idx.msk $0x1, v53;
	v13 =	vsub.f32 v62, v16;
	v16 =	vand.u32 $0xFFFFFFFE, v23;
	v23 =	vld [tilespmem:$0x1FF10];
	_ =	sdelay $0x2  }
0x208: {  	v17 =	vadd.f32 v41, v17;
	v41 =	vmul.f32 v29, v12;
	_ =	sdelay $0x2  }
0x209: {  	v4 =	vadd.f32 v4, v58;
	v17 =	vadd.f32 v41, v17;
	(xrf2) =	vadd.scan.msk.f32 $0xffff, v1  }
0x20a: {  	v41 =	vmovc v36;
	v36 =	vmov v34;
	v34 =	vmov v11;
	v11 =	vmov v8;
	v8 =	vld [tilespmem:$0x1FF20];
	[tilespmem:v47+s4+$0x0] =	vst.idx.msk $0x1, v25  }
0x20b: {  	v4 =	vadd.f32 v4, v54;
	[tilespmem:v23+s4+$0x0] =	vst.idx.msk $0x1, v28;
	v28 =	vld [tilespmem:$0x1FFA0]  }
0x20c: {  	v2 =	vsub.f32 v2, v3;
	v3, _, _ =	vpop (xrf2);
	(xrf2) =	vadd.scan.msk.f32 $0xffff, v17  }
0x20d: {  	(erf) = vrcp.f32 v4;
	v33 =	vld [tilespmem:$0x1FF40]  }
0x20e: {  	v15 =	vadd.f32 $0.0e+00, v15;
	v17 =	vbroadcast v18, $0xF;
	v32 =	vadd.f32 $0.0e+00, v21;
	v21, _, _ =	vpop (xrf2)  }
0x20f: {  	v25 =	vmul.f32 v6, v8;
	v3 =	vadd.f32 $0.0e+00, v3;
	v21 =	vadd.f32 $0.0e+00, v21  }
0x210: {  	(xrf2) =	vadd.scan.msk.f32 $0xffff, v7;
	v7 =	vbroadcast v15, $0xF;
	v15 =	vbroadcast v32, $0xF;
	v4 =	vadd.f32 v17, v28  }
0x211: {  	v3 =	vbroadcast v3, $0xF;
	v21 =	vbroadcast v21, $0xF  }
0x212: {  	v1 =	vmul.f32 v5, v33;
	v7 =	vadd.f32 v4, v7;
	v15 =	vadd.f32 v4, v15  }
0x213: {  	v17, _, _ =	vpop (xrf2);
	v3 =	vadd.f32 v4, v3;
	v4 =	vadd.f32 v4, v21  }
0x214: {  	v1 =	vadd.f32 v1, v25;
	v17 =	vadd.f32 $0.0e+00, v17;
	v7 =	vmax.f32 v7, $0.0e+00  }
0x215: {  	(xrf2) =	vadd.scan.msk.f32 $0xffff, v20;
	v15 =	vmax.f32 v15, $0.0e+00;
	v3 =	vmax.f32 v3, $0.0e+00;
	v4 =	vmax.f32 v4, $0.0e+00  }
0x216: {  	s17 =	sadd.s32 $0x601, s23;
	(xrf2) =	vadd.scan.msk.f32 $0xffff, v1;
	v23, _, _ =	vpop (xrf2);
	v1 =	vbroadcast v17, $0xF;
	v17 =	vmax.f32 v7, v15;
	v21 =	vmax.f32 v3, v4  }
0x217: {  	v27 =	vmov s17;
	v25 =	vadd.f32 $0.0e+00, v23;
	v17 =	vmax.f32 v17, v21  }
0x218: {  	v24 =	vbroadcast v16, $0x0;
	v16 =	vpop (erf);
	v7 =	vsub.f32 v7, v17;
	v15 =	vsub.f32 v15, v17  }
0x219: {  	v21 =	vbroadcast v25, $0xF;
	v25 =	vmul.f32 v16, v0  }
0x21a: {  	v7 =	vmul.f32 $1.442695020e+00, v7;
	v0 =	vmul.f32 $1.442695020e+00, v15;
	v15 =	vld [tilespmem:$0x1FE30];
	_ =	sdelay $0x1  }
0x21b: {  	(erf) = vpow2.f32 v7;
	v7 =	vld [tilespmem:$0x1FE20]  }
0x21c: {  	[tilespmem:v27+s4+$0x0] =	vst.idx.msk $0x1, v55;
	v27 =	vmul.f32 v16, v63  }
0x21d: {  	v14 =	vbroadcast v42, $0x0  }
0x21e: {  	v15 =	vmul.f32 v27, v15  }
0x21f: {  	v22 =	vsub.f32 v61, v22  }
0x220: {  	v7 =	vadd.f32 v15, v7;
	v15 =	vld [tilespmem:$0x1FE50]  }
0x221: {  	v3 =	vsub.f32 v3, v17;
	v4 =	vsub.f32 v4, v17;
	v17 =	vmov v22  }
0x222: {  	[tilespmem:$0x1FE50] =	vst v17;
	v17 =	vld [tilespmem:$0x1FE40]  }
0x223: {  	[tilespmem:v14+s4+$0x0] =	vst.idx.msk $0x1, v26;
	v14 =	vsub.f32 v60, v29  }
0x224: {  	v29 =	vsub.f32 v57, v30;
	v23, _, _ =	vpop (xrf2);
	v3 =	vmul.f32 $1.442695020e+00, v3;
	v4 =	vmul.f32 $1.442695020e+00, v4  }
0x225: {  	v30 =	vadd.f32 $0.0e+00, v23;
	v23, _, _ =	vpop (xrf2);
	(erf) = vpow2.f32 v0;
	v15 =	vmul.f32 v27, v15  }
0x226: {  	v0 =	vadd.f32 $0.0e+00, v23;
	v23 =	vmov v6;
	v6, _, _ =	vpop (xrf2);
	(erf) = vpow2.f32 v3  }
0x227: {  	v6 =	vbroadcast v6, $0xF;
	(erf) = vpow2.f32 v4;
	v4 =	vld [tilespmem:$0x1FE60];
	v15 =	vadd.f32 v15, v17;
	v17 =	vmovc v5  }
0x228: {  	v26 =	vmov v2  }
0x229: {  	[tilespmem:$0x1FE30] =	vst v26;
	v26 =	vmul.f32 v16, v54;
	v22 =	vadd.f32 v6, v28;
	v28 =	vmul.f32 v16, v58;
	v16 =	vld [tilespmem:$0x1FE80]  }
0x22a: {  	v19 =	vsub.f32 v59, v19;
	v2 =	vsub.f32 v49, v10;
	v10 =	vbroadcast v30, $0xF;
	[tilespmem:$0x1FE40] =	vst v17;
	v17 =	vmovc v13;
	v13 =	vld [tilespmem:$0x1FE70]  }
0x22b: {  	s26 =	sadd.s32 $0x400, s23;
	v47 =	vmovc v14;
	v0 =	vbroadcast v0, $0xF;
	v1 =	vadd.f32 v22, v1;
	v14 =	vadd.f32 v22, v21  }
0x22c: {  	v20 =	vmov s26;
	v10 =	vadd.f32 v22, v10;
	v4 =	vmul.f32 v25, v4  }
0x22d: {  	[tilespmem:$0x1FE20] =	vst v23;
	v0 =	vadd.f32 v22, v0;
	v1 =	vmax.f32 v1, $0.0e+00;
	v14 =	vmax.f32 v14, $0.0e+00  }
0x22e: {  	v23 =	vld [tilespmem:$0x1FEB0];
	v10 =	vmax.f32 v10, $0.0e+00;
	v16 =	vmul.f32 v28, v16;
	v4 =	vadd.f32 v7, v4;
	[tilespmem:$0x1FE60] =	vst v17;
	v17 =	vmovc v19  }
0x22f: {  	v0 =	vmax.f32 v0, $0.0e+00;
	v6 =	vpop (erf);
	v22 =	vmax.f32 v1, v14;
	[tilespmem:$0x1FE80] =	vst v17;
	v17 =	vld [tilespmem:$0x1FE90];
	v13 =	vmul.f32 v25, v13  }
0x230: {  	v7 =	vand.u32 $0xFFFFFFFE, v20;
	v49 =	vpop (erf);
	v20 =	vmax.f32 v10, v0;
	v4 =	vadd.f32 v4, v16  }
0x231: {  	v16 =	vmax.f32 v22, v20;
	v20 =	vld [tilespmem:$0x1FEA0];
	v13 =	vadd.f32 v15, v13;
	v15 =	vadd.f32 v49, v6  }
0x232: {  	v21 =	vpop (erf)  }
0x233: {  	v1 =	vsub.f32 v1, v16;
	v15 =	vadd.f32 v15, v21  }
0x234: {  	v23 =	vmul.f32 v26, v23;
	v14 =	vsub.f32 v14, v16;
	v19 =	vpop (erf);
	v17 =	vmul.f32 v28, v17  }
0x235: {  	v10 =	vsub.f32 v10, v16;
	v1 =	vmul.f32 $1.442695020e+00, v1;
	v15 =	vadd.f32 v15, v19  }
0x236: {  	v14 =	vmul.f32 $1.442695020e+00, v14;
	v20 =	vmul.f32 v26, v20;
	v13 =	vadd.f32 v13, v17  }
0x237: {  	v0 =	vsub.f32 v0, v16;
	v10 =	vmul.f32 $1.442695020e+00, v10;
	(erf) = vrcp.f32 v15  }
0x238: {  	v4 =	vadd.f32 v4, v20;
	(erf) = vpow2.f32 v1;
	v1 =	vadd.f32 v13, v23  }
0x239: {  	v0 =	vmul.f32 $1.442695020e+00, v0;
	(erf) = vpow2.f32 v14  }
0x23a: {  	s29 =	sadd.s32 $0x100, s29;
	v4 =	vand.u32 $0x7FFFFFFF, v4;
	(erf) = vpow2.f32 v10;
	v1 =	vand.u32 $0x7FFFFFFF, v1  }
0x23b: {  	v15 =	vld [tilespmem:s29+$0x0];
	(erf) = vpow2.f32 v0;
	v0 =	vadd.f32 v1, v4  }
0x23c: {  	v13 =	vld [tilespmem:s29+$0x20]  }
0x23d: {  	(xrf2) =	vadd.scan.msk.f32 $0xffff, v0;
	v0 =	vld [tilespmem:$0x1FEF0];
	_ =	sdelay $0x2  }
0x23e: {  	s24 =	sadd.s32 $0x100, s24  }
0x23f: {  	v16 =	vmov v2;
	v2 =	vld [tilespmem:s24+$0x0]  }
0x240: {  	s25 =	sadd.s32 $0x200, s23;
	s31 =	sadd.s32 $0x100, s31;
	v32 =	vsub.f32 v38, v31;
	v31 =	vmov v13;
	v13 =	vmul.f32 v15, v0;
	v0 =	vld [tilespmem:$0x1FEF0]  }
0x241: {  	v42 =	vmov s25;
	v61 =	vld [tilespmem:s31+$0xFFFFFF90]  }
0x242: {  	v9 =	vsub.f32 v56, v9;
	v62 =	vld [tilespmem:s31+$0xFFFFFFA0]  }
0x243: {  	v22 =	vld [tilespmem:s29+$0x30]  }
0x244: {  	v7 =	vbroadcast v7, $0x0;
	v5 =	vand.u32 $0xFFFFFFFE, v42;
	v42 =	vmovc v29;
	v29 =	vmov v9;
	v9 =	vld [tilespmem:s24+$0xFFFFFFF0]  }
0x245: {  	v20 =	vmul.f32 v2, v33;
	v33 =	vmul.f32 v31, v0;
	v0 =	vld [tilespmem:$0x1FF70]  }
0x246: {  	s28 =	sadd.s32 $0x600, s23;
	[tilespmem:$0x1FF10] =	vst v7;
	v7 =	vld [tilespmem:s31+$0x30]  }
0x247: {  	v3 =	vmov s28;
	v14 =	vld [tilespmem:s31+$0x20]  }
0x248: {  	[tilespmem:$0x1FE90] =	vst v42;
	v42 =	vand.u32 $0xFFFFFFFE, v3;
	v3 =	vld [tilespmem:s31+$0x0]  }
0x249: {  	[tilespmem:$0x1FE70] =	vst v47;
	v17 =	vld [tilespmem:s29+$0x10]  }
0x24a: {  	[tilespmem:$0x1FEB0] =	vst v16;
	v23 =	vsub.f32 v37, v45;
	v10 =	vld [tilespmem:s31+$0x10];
	v37 =	vsub.f32 v39, v0;
	v0 =	vmov v22  }
0x24b: {  	v47 =	vbroadcast v5, $0x0;
	v5 =	vsub.f32 v46, v48;
	v16 =	vmul.f32 v9, v8;
	v8 =	vmovc v11;
	[tilespmem:$0x1FF70] =	vst v0;
	v0 =	vld [tilespmem:$0x1FF60]  }
0x24c: {  	v60 =	vld [tilespmem:s31+$0xFFFFFFB0];
	v11 =	vmov v34;
	v45 =	vsub.f32 v35, v36;
	v46 =	vmul.f32 v14, v8;
	v35 =	vpop (erf)  }
0x24d: {  	v59 =	vld [tilespmem:s31+$0xFFFFFFC0];
	v52 =	vmul.f32 v35, v6;
	v6 =	vadd.f32 v20, v16;
	v16 =	vmul.f32 v7, v11  }
0x24e: {  	[tilespmem:$0x1FEA0] =	vst v29;
	v48 =	vld [tilespmem:$0x1FF50];
	v30 =	vmul.f32 v22, v12;
	v29 =	vmul.f32 v17, v12;
	v1 =	vsub.f32 v40, v43  }
0x24f: {  	v4 =	vsub.f32 v44, v50;
	v44 =	vmul.f32 v10, v34;
	v16 =	vadd.f32 v16, v46;
	v46 =	vld [tilespmem:$0x1FF30]  }
0x250: {  	v57 =	vld [tilespmem:s31+$0xFFFFFFD0];
	v51 =	vmul.f32 v35, v49;
	v22 =	vmul.f32 v3, v8;
	v43 =	vsub.f32 v41, v0  }
0x251: {  	v56 =	vld [tilespmem:s31+$0xFFFFFFE0];
	v53 =	vmul.f32 v35, v21;
	v55 =	vmul.f32 v35, v19  }
0x252: {  	v40 =	vld [tilespmem:s31+$0x40];
	v38 =	vmovc v14;
	v20 =	vmul.f32 v52, v45;
	v44 =	vadd.f32 v44, v22;
	v22 =	vmul.f32 v52, v43  }
0x253: {  	v34 =	vmovc v15;
	v36 =	vmovc v10;
	v49 =	vld [tilespmem:s31+$0xFFFFFFF0];
	v21 =	vmul.f32 v51, v32;
	v45 =	vmov v17;
	v17 =	vmul.f32 v53, v1  }
0x254: {  	v20 =	vadd.f32 v20, v46;
	v46 =	vmovc v9;
	v50 =	vmul.f32 v51, v37;
	v37 =	vld [tilespmem:s31+$0x50];
	v22 =	vadd.f32 v22, v48  }
0x255: {  	v5 =	vmul.f32 v55, v5;
	[tilespmem:$0x1FF30] =	vst v46;
	v46 =	vld [tilespmem:s31+$0x60];
	v16 =	vadd.f32 v33, v16;
	v13 =	vadd.f32 v13, v44  }
0x256: {  	(xrf2) =	vadd.scan.msk.f32 $0xffff, v6;
	v6 =	vadd.f32 v20, v21;
	v44 =	vld [tilespmem:s31+$0x70];
	v48 =	vmul.f32 v53, v23;
	v9 =	vadd.f32 v22, v50  }
0x257: {  	v35 =	vmovc v3;
	v4 =	vmul.f32 v55, v4;
	v21 =	vld [tilespmem:$0x1FEF0];
	v15 =	vadd.f32 v30, v16;
	v13 =	vadd.f32 v29, v13  }
0x258: {  	p1 =	slt.u32 s7, $0x7E;
	v1, _, _ =	vpop (xrf2);
	v43 =	vld [tilespmem:s29+$0x40];
	v50 =	vmov v2;
	v2 =	vadd.f32 v6, v17;
	v9 =	vadd.f32 v9, v48  }
.Ltmp2:
0x259: {  	v16 =	vmul.f32 v40, v8;
	v3 =	vld [tilespmem:s29+$0xFFFFFF80];
	v39 =	vmovc v7;
	[tilespmem:$0x1FF60] =	vst v45;
	(xrf2) =	vadd.scan.msk.f32 $0xffff, v13;
	v13 =	vmul.f32 v37, v11;
	(pc) =	sbr.rel @p1 .LBB2_6-.Ltmp2, $4  }
0x25a: {  	v63 =	vpop (erf);
	v45 =	vld [tilespmem:s29+$0x50];
	v14 =	vmul.f32 v46, v8;
	(xrf2) =	vadd.scan.msk.f32 $0xffff, v15;
	v17 =	vadd.f32 v2, v5;
	v18 =	vadd.f32 v9, v4  }
0x25b: {  	v0 =	vpop (erf);
	v15 =	vmul.f32 v44, v11;
	v10 =	vadd.f32 v13, v16;
	v6 =	vmul.f32 v61, v11;
	[tilespmem:$0x1FF50] =	vst v50;
	v50 =	vld [tilespmem:s29+$0x70]  }
0x25c: {  	v58 =	vpop (erf);
	v48 =	vld [tilespmem:s29+$0x60];
	v5 =	vmul.f32 v62, v8;
	v13 =	vand.u32 $0x7FFFFFFF, v17;
	v16 =	vand.u32 $0x7FFFFFFF, v18  }
0x25d: {  	s23 =	smov.u32 s21;
	s21 =	smov.u32 s7;
	s7 =	sadd.s32 $0x2, s7;
	v54 =	vpop (erf);
	v2 =	vld [tilespmem:s31+$0xFFFFFF80];
	v9 =	vmul.f32 v43, v21;
	v4 =	vadd.f32 v0, v63;
	v13 =	vadd.f32 v16, v13  }
0x25e: {  	_ =	sdelay $0x2  }
0x25f: {  	v7 =	vadd.f32 v15, v14;
	v23 =	vmul.f32 v48, v21  }
0x260: {  	v9 =	vadd.f32 v9, v10;
	v10 =	vmul.f32 v45, v12  }
0x261: {  	v30 =	vmul.f32 v50, v12;
	v7 =	vadd.f32 v23, v7  }
0x262: {  	v29 =	vld [tilespmem:s29+$0xFFFFFFA0];
	v10 =	vadd.f32 v10, v9  }
0x263: {  	v33 =	vld [tilespmem:s29+$0xFFFFFFE0];
	(xrf2) =	vadd.scan.msk.f32 $0xffff, v13;
	v7 =	vadd.f32 v30, v7  }
0x264: {  	v9 =	vld [tilespmem:s29+$0xFFFFFF90];
	(xrf2) =	vadd.scan.msk.f32 $0xffff, v10  }
0x265: {  	v14 =	vmul.f32 v59, v8;
	v23 =	vld [tilespmem:s29+$0xFFFFFFC0];
	(xrf2) =	vadd.scan.msk.f32 $0xffff, v7;
	v7 =	vmul.f32 v2, v8  }
0x266: {  	v41 =	vmul.f32 v57, v11;
	v22 =	vld [tilespmem:s29+$0xFFFFFFF0];
	v13 =	vmul.f32 v60, v11  }
0x267: {  	v16 =	vmul.f32 v56, v8;
	v20 =	vld [tilespmem:s24+$0xFFFFFF70];
	v6 =	vadd.f32 v6, v7;
	v7 =	vmul.f32 v49, v11  }
0x268: {  	v17 =	vmul.f32 v3, v21;
	v5 =	vadd.f32 v13, v5;
	v10 =	vld [tilespmem:s29+$0xFFFFFFB0];
	v32 =	vmul.f32 v29, v21  }
0x269: {  	v13 =	vadd.f32 v41, v14;
	v30 =	vld [tilespmem:s29+$0xFFFFFFD0];
	v7 =	vadd.f32 v7, v16;
	v16 =	vmul.f32 v33, v21  }
0x26a: {  	v41 =	vmul.f32 v23, v21;
	v6 =	vadd.f32 v17, v6;
	v21 =	vmul.f32 v9, v12  }
0x26b: {  	v14, _, _ =	vpop (xrf2)  }
0x26c: {  	v5 =	vadd.f32 v32, v5;
	v32, _, _ =	vpop (xrf2);
	v6 =	vadd.f32 v21, v6;
	v21 =	vmul.f32 v22, v12  }
0x26d: {  	[tilespmem:$0x1FE00] =	vst v20;
	v18 =	vmul.f32 v10, v12;
	v7 =	vadd.f32 v16, v7;
	v16, _, _ =	vpop (xrf2)  }
0x26e: {  	v13 =	vadd.f32 v41, v13;
	v41 =	vld [tilespmem:s24+$0xFFFFFF80];
	v19 =	vmul.f32 v30, v12;
	[tilespmem:$0x1FDF0] =	vst v12;
	v12 =	vmov v22;
	v22, _, _ =	vpop (xrf2)  }
0x26f: {  	v15 =	vadd.f32 $0.0e+00, v32;
	[tilespmem:$0x1FE10] =	vst v22;
	v32, _, _ =	vpop (xrf2);
	v22 =	vld [tilespmem:$0x1FF20]  }
0x270: {  	v7 =	vadd.f32 v21, v7;
	v17 =	vadd.f32 $0.0e+00, v32;
	v21, _, _ =	vpop (xrf2);
	v32 =	vld [tilespmem:$0x1FF40]  }
0x271: {  	v5 =	vadd.f32 v18, v5;
	v18 =	vadd.f32 $0.0e+00, v21;
	v21 =	vld [tilespmem:$0x1FFA0];
	_ =	sdelay $0x2  }
0x272: {  	v14 =	vbroadcast v14, $0xF;
	v16 =	vadd.f32 $0.0e+00, v16  }
0x273: {  	v13 =	vadd.f32 v19, v13;
	v19 =	vmul.f32 v20, v22;
	v20 =	vmul.f32 v41, v32  }
0x274: {  	v15 =	vbroadcast v15, $0xF;
	v16 =	vbroadcast v16, $0xF;
	v14 =	vadd.f32 v14, v21  }
0x275: {  	(xrf2) =	vadd.scan.msk.f32 $0xffff, v6;
	v17 =	vbroadcast v17, $0xF;
	v18 =	vbroadcast v18, $0xF;
	v6 =	vadd.f32 v20, v19  }
0x276: {  	(xrf2) =	vadd.scan.msk.f32 $0xffff, v5;
	v22 =	vadd.f32 v14, v15;
	v32 =	vadd.f32 v14, v16  }
0x277: {  	(xrf2) =	vadd.scan.msk.f32 $0xffff, v13;
	v17 =	vadd.f32 v14, v17;
	v14 =	vadd.f32 v14, v18  }
0x278: {  	(xrf2) =	vadd.scan.msk.f32 $0xffff, v7;
	v5 =	vmax.f32 v22, $0.0e+00  }
0x279: {  	(xrf2) =	vadd.scan.msk.f32 $0xffff, v6;
	v6 =	vmax.f32 v32, $0.0e+00;
	v7 =	vmax.f32 v17, $0.0e+00;
	v19 =	vmax.f32 v14, $0.0e+00  }
0x27a: {  	v20 =	vmax.f32 v5, v6;
	v22 =	vmax.f32 v7, v19  }
0x27b: {  	v14 =	vmax.f32 v20, v22  }
0x27c: {  	v6 =	vsub.f32 v6, v14  }
0x27d: {  	v4 =	vadd.f32 v4, v58  }
0x27e: {  	v5 =	vsub.f32 v5, v14;
	v32 =	vmul.f32 $1.442695020e+00, v6;
	v6 =	vsub.f32 v7, v14  }
0x27f: {  	v4 =	vadd.f32 v4, v54  }
0x280: {  	v5 =	vmul.f32 $1.442695020e+00, v5;
	v7, _, _ =	vpop (xrf2)  }
0x281: {  	(erf) = vrcp.f32 v4;
	v16, _, _ =	vpop (xrf2)  }
0x282: {  	v13 =	vsub.f32 v19, v14;
	(erf) = vpow2.f32 v5;
	v17 =	vmul.f32 $1.442695020e+00, v6;
	v6, _, _ =	vpop (xrf2)  }
0x283: {  	(erf) = vpow2.f32 v32;
	v18, _, _ =	vpop (xrf2)  }
0x284: {  	v19 =	vmul.f32 $1.442695020e+00, v13;
	v20, _, _ =	vpop (xrf2)  }
0x285: {  	v7 =	vadd.f32 $0.0e+00, v7;
	(erf) = vpow2.f32 v17;
	v13 =	vbroadcast v20, $0xF  }
0x286: {  	v5 =	vadd.f32 $0.0e+00, v16;
	v22 =	vadd.f32 $0.0e+00, v6  }
0x287: {  	(erf) = vpow2.f32 v19;
	v6 =	vadd.f32 $0.0e+00, v18;
	v13 =	vadd.f32 v13, v21  }
0x288: {  	v7 =	vbroadcast v7, $0xF;
	v5 =	vbroadcast v5, $0xF  }
0x289: {  	v4 =	vbroadcast v22, $0xF;
	v6 =	vbroadcast v6, $0xF  }
0x28a: {  	v14 =	vpop (erf);
	v7 =	vadd.f32 v13, v7;
	v5 =	vadd.f32 v13, v5  }
0x28b: {  	v4 =	vadd.f32 v13, v4;
	v6 =	vadd.f32 v13, v6;
	v13 =	vpop (erf)  }
0x28c: {  	v7 =	vmax.f32 v7, $0.0e+00;
	v5 =	vmax.f32 v5, $0.0e+00;
	v15 =	vpop (erf)  }
0x28d: {  	v4 =	vmax.f32 v4, $0.0e+00;
	v6 =	vmax.f32 v6, $0.0e+00;
	v32 =	vadd.f32 v15, v13  }
0x28e: {  	v21 =	vmax.f32 v7, v5;
	v22 =	vmax.f32 v4, v6;
	v19 =	vpop (erf)  }
0x28f: {  	v17 =	vmax.f32 v21, v22;
	v16 =	vadd.f32 v32, v19  }
0x290: {  	v7 =	vsub.f32 v7, v17;
	v18 =	vpop (erf)  }
0x291: {  	v5 =	vsub.f32 v5, v17;
	v16 =	vadd.f32 v16, v18  }
0x292: {  	v7 =	vmul.f32 $1.442695020e+00, v7  }
0x293: {  	v5 =	vmul.f32 $1.442695020e+00, v5;
	(erf) = vrcp.f32 v16  }
0x294: {  	v4 =	vsub.f32 v4, v17;
	(erf) = vpow2.f32 v7  }
0x295: {  	(erf) = vpow2.f32 v5;
	v5 =	vsub.f32 v2, v3;
	v2 =	vmul.f32 v14, v0;
	v0 =	vld [tilespmem:$0x1FE30]  }
0x296: {  	v4 =	vmul.f32 $1.442695020e+00, v4  }
0x297: {  	v7 =	vsub.f32 v62, v29;
	v62 =	vld [tilespmem:$0x1FE20]  }
0x298: {  	(erf) = vpow2.f32 v4;
	v4 =	vmul.f32 v14, v63;
	_ =	sdelay $0x1  }
0x299: {  	v0 =	vmul.f32 v4, v0;
	_ =	sdelay $0x1  }
0x29a: {  	v6 =	vsub.f32 v6, v17;
	v20 =	vadd.f32 v0, v62;
	v0 =	vld [tilespmem:$0x1FE60];
	_ =	sdelay $0x1  }
0x29b: {  	v10 =	vsub.f32 v60, v10;
	v60 =	vld [tilespmem:$0x1FE70];
	v32 =	vmul.f32 $1.442695020e+00, v6  }
0x29c: {  	v3 =	vld [tilespmem:$0x1FE50]  }
0x29d: {  	(erf) = vpow2.f32 v32;
	v62 =	vld [tilespmem:$0x1FE80]  }
0x29e: {  	v16 =	vsub.f32 v59, v23;
	v59 =	vld [tilespmem:$0x1FE40];
	v63 =	vmul.f32 v2, v0;
	_ =	sdelay $0x1  }
0x29f: {  	v6 =	vsub.f32 v61, v9;
	v9 =	vpop (erf);
	v0 =	vmul.f32 v14, v58;
	v20 =	vadd.f32 v20, v63;
	v63 =	vld [tilespmem:$0x1FE90]  }
0x2a0: {  	v3 =	vmul.f32 v4, v3;
	v17 =	vpop (erf)  }
0x2a1: {  	v22 =	vpop (erf);
	v21 =	vmul.f32 v0, v62  }
0x2a2: {  	v23 =	vmul.f32 v2, v60;
	v3 =	vadd.f32 v3, v59;
	v61 =	vadd.f32 v22, v17  }
0x2a3: {  	v32 =	vpop (erf)  }
0x2a4: {  	v3 =	vadd.f32 v3, v23;
	v29 =	vadd.f32 v61, v32;
	v23 =	vmul.f32 v0, v63  }
0x2a5: {  	v20 =	vadd.f32 v20, v21;
	v21 =	vpop (erf)  }
0x2a6: {  	v23 =	vadd.f32 v3, v23;
	v3 =	vadd.f32 v29, v21;
	_ =	sdelay $0x1  }
0x2a7: {  	(erf) = vrcp.f32 v3;
	v3 =	vmul.f32 v14, v54;
	v54 =	vld [tilespmem:$0x1FF60];
	_ =	sdelay $0x1  }
0x2a8: {  	v30 =	vsub.f32 v57, v30;
	v57 =	vld [tilespmem:$0x1FF70]  }
0x2a9: {  	v40 =	vsub.f32 v40, v43;
	v58 =	vld [tilespmem:$0x1FF30]  }
0x2aa: {  	v34 =	vsub.f32 v35, v34;
	v31 =	vsub.f32 v38, v31;
	v59 =	vld [tilespmem:$0x1FF50];
	v13 =	vmul.f32 v9, v13  }
0x2ab: {  	v33 =	vsub.f32 v56, v33;
	v35 =	vsub.f32 v36, v54  }
0x2ac: {  	v56 =	vsub.f32 v37, v45;
	v15 =	vmul.f32 v9, v15;
	v34 =	vmul.f32 v13, v34;
	v61 =	vld [tilespmem:$0x1FEA0]  }
0x2ad: {  	v37 =	vsub.f32 v39, v57;
	v19 =	vmul.f32 v9, v19;
	v35 =	vmul.f32 v13, v35  }
0x2ae: {  	v50 =	vsub.f32 v44, v50;
	v31 =	vmul.f32 v15, v31;
	v34 =	vadd.f32 v34, v58  }
0x2af: {  	v60 =	vmul.f32 v15, v37;
	v63 =	vld [tilespmem:$0x1FEB0];
	v36 =	vmul.f32 v19, v56;
	v35 =	vadd.f32 v35, v59  }
0x2b0: {  	v48 =	vsub.f32 v46, v48;
	v62 =	vmul.f32 v19, v40;
	v31 =	vadd.f32 v34, v31  }
0x2b1: {  	v9 =	vmul.f32 v9, v18;
	v34 =	vmul.f32 v3, v61;
	v18 =	vadd.f32 v35, v60  }
0x2b2: {  	v37 =	vsub.f32 v49, v12;
	v31 =	vadd.f32 v31, v62  }
0x2b3: {  	s2 =	sadd.s32 $0x1, s23;
	v43 =	vld [tilespmem:$0x1FE00];
	[tilespmem:v24+s1+$0x0] =	vst.idx.msk vm0, v1;
	v20 =	vadd.f32 v20, v34;
	v18 =	vadd.f32 v18, v36;
	v36 =	vpop (erf)  }
0x2b4: {  	v45 =	vmov s2;
	[tilespmem:v24+s4+$0x0] =	vst.idx.msk $0x1, v27;
	v35 =	vmul.f32 v3, v63;
	v17 =	vmul.f32 v36, v17  }
0x2b5: {  	v14 =	vmul.f32 v9, v50;
	[tilespmem:v47+s4+$0x0] =	vst.idx.msk $0x1, v25;
	v38 =	vand.u32 $0x7FFFFFFF, v20;
	v22 =	vmul.f32 v36, v22  }
0x2b6: {  	v23 =	vadd.f32 v23, v35;
	v44 =	vmul.f32 v36, v32;
	v5 =	vmul.f32 v17, v5  }
0x2b7: {  	v56 =	vld [tilespmem:$0x1FE10];
	v1 =	vmul.f32 v36, v21;
	v14 =	vadd.f32 v18, v14;
	v6 =	vmul.f32 v17, v6  }
0x2b8: {  	v39 =	vand.u32 $0x7FFFFFFF, v23;
	v7 =	vmul.f32 v22, v7;
	v5 =	vadd.f32 v5, v43  }
0x2b9: {  	s8 =	sadd.s32 $0x201, s23;
	v18 =	vadd.f32 v39, v38;
	v10 =	vmul.f32 v22, v10;
	v6 =	vadd.f32 v6, v41  }
0x2ba: {  	s9 =	sadd.s32 $0x401, s23;
	v16 =	vmul.f32 v44, v16;
	v5 =	vadd.f32 v5, v7;
	v7 =	vmov s8  }
0x2bb: {  	s10 =	sadd.s32 $0x601, s23;
	v46 =	vmul.f32 v44, v30;
	v6 =	vadd.f32 v6, v10;
	v10 =	vmov s9  }
0x2bc: {  	v29 =	vmul.f32 v9, v48;
	v48 =	vmov s10;
	[tilespmem:v45+s1+$0x0] =	vst.idx.msk vm0, v56;
	v49 =	vmul.f32 v1, v33  }
0x2bd: {  	v54 =	vmul.f32 v1, v37;
	(xrf2) =	vadd.scan.msk.f32 $0xffff, v18;
	v5 =	vadd.f32 v5, v16;
	v6 =	vadd.f32 v6, v46  }
0x2be: {  	v29 =	vadd.f32 v31, v29;
	[tilespmem:v45+s4+$0x0] =	vst.idx.msk $0x1, v52  }
0x2bf: {  	v5 =	vadd.f32 v5, v49;
	v6 =	vadd.f32 v6, v54;
	[tilespmem:v7+s4+$0x0] =	vst.idx.msk $0x1, v51  }
0x2c0: {  	v40 =	vand.u32 $0x7FFFFFFF, v29;
	[tilespmem:v10+s4+$0x0] =	vst.idx.msk $0x1, v53  }
0x2c1: {  	v14 =	vand.u32 $0x7FFFFFFF, v14;
	v5 =	vand.u32 $0x7FFFFFFF, v5;
	v6 =	vand.u32 $0x7FFFFFFF, v6;
	[tilespmem:v48+s4+$0x0] =	vst.idx.msk $0x1, v55  }
0x2c2: {  	v14 =	vadd.f32 v14, v40;
	v5 =	vadd.f32 v6, v5;
	v6 =	vld [tilespmem:$0x1FF10]  }
0x2c3: {  	v50 =	vmov s23  }
0x2c4: {  	s11 =	sadd.s32 $0x200, s23;
	(xrf2) =	vadd.scan.msk.f32 $0xffff, v14;
	v14 =	vand.u32 $0xFFFFFFFE, v50  }
0x2c5: {  	s13 =	sadd.s32 $0x400, s23;
	v58 =	vmov s11;
	v14 =	vbroadcast v14, $0x0  }
0x2c6: {  	v59 =	vmov s13;
	v7 =	vand.u32 $0xFFFFFFFE, v58  }
0x2c7: {  	v7 =	vbroadcast v7, $0x0;
	v10, _, _ =	vpop (xrf2);
	(xrf2) =	vadd.scan.msk.f32 $0xffff, v5;
	v5 =	vand.u32 $0xFFFFFFFE, v59  }
0x2c8: {  	v5 =	vbroadcast v5, $0x0  }
0x2c9: {  	s12 =	sadd.s32 $0x1, s21  }
0x2ca: {  	[tilespmem:v6+s4+$0x0] =	vst.idx.msk $0x1, v28;
	v6 =	vmov s12  }
0x2cb: {  	s7 =	sadd.s32 $0x201, s21;
	[tilespmem:v14+s1+$0x0] =	vst.idx.msk vm0, v10  }
0x2cc: {  	s3 =	sadd.s32 $0x600, s23;
	s14 =	sadd.s32 $0x401, s21;
	v10 =	vmov s7;
	[tilespmem:v14+s4+$0x0] =	vst.idx.msk $0x1, v4  }
0x2cd: {  	s15 =	sadd.s32 $0x601, s21;
	v57 =	vbroadcast v42, $0x0;
	v61 =	vmov s14;
	v60 =	vmov s3;
	[tilespmem:v7+s4+$0x0] =	vst.idx.msk $0x1, v2  }
0x2ce: {  	v62 =	vmov s15;
	v16 =	vand.u32 $0xFFFFFFFE, v60;
	v2, _, _ =	vpop (xrf2);
	v7 =	vmov s21;
	[tilespmem:v5+s4+$0x0] =	vst.idx.msk $0x1, v0  }
0x2cf: {  	s16 =	sadd.s32 $0x200, s21;
	v7 =	vand.u32 $0xFFFFFFFE, v7;
	[tilespmem:v6+s1+$0x0] =	vst.idx.msk vm0, v2;
	v2 =	vbroadcast v16, $0x0  }
0x2d0: {  	s17 =	sadd.s32 $0x400, s21;
	v7 =	vbroadcast v7, $0x0;
	[tilespmem:v6+s4+$0x0] =	vst.idx.msk $0x1, v13;
	v6 =	vmov s16  }
0x2d1: {  	s23 =	sadd.s32 $0x600, s21;
	[tilespmem:v10+s4+$0x0] =	vst.idx.msk $0x1, v15;
	v10 =	vmov s17;
	v6 =	vand.u32 $0xFFFFFFFE, v6  }
0x2d2: {  	v63 =	vmov s23;
	[tilespmem:v61+s4+$0x0] =	vst.idx.msk $0x1, v19;
	v10 =	vand.u32 $0xFFFFFFFE, v10;
	v6 =	vbroadcast v6, $0x0  }
0x2d3: {  	v4 =	vand.u32 $0xFFFFFFFE, v63;
	[tilespmem:v62+s4+$0x0] =	vst.idx.msk $0x1, v9;
	v9 =	vbroadcast v10, $0x0  }
0x2d4: {  	v0 =	vbroadcast v4, $0x0;
	[tilespmem:v57+s4+$0x0] =	vst.idx.msk $0x1, v26  }
0x2d5: {  	[tilespmem:v2+s4+$0x0] =	vst.idx.msk $0x1, v3;
	v2, _, _ =	vpop (xrf2)  }
0x2d6: {  	[tilespmem:v7+s1+$0x0] =	vst.idx.msk vm0, v2  }
0x2d7: {  	[tilespmem:v7+s4+$0x0] =	vst.idx.msk $0x1, v17  }
0x2d8: {  	[tilespmem:v6+s4+$0x0] =	vst.idx.msk $0x1, v22  }
0x2d9: {  	[tilespmem:v9+s4+$0x0] =	vst.idx.msk $0x1, v44  }
0x2da: {  	s24 =	simm.s32 $0x2;
	[tilespmem:v0+s4+$0x0] =	vst.idx.msk $0x1, v1  }
0x2db: {  	_ =	swait.ge [sflag:s24], $0x4000  }
0x2dc: {  	[sflag:s24] =	ssyncset.done $0x0  }
0x2dd: {  	s25 =	simm.s32 $0x4;
	[sflag:s24] =	ssyncadd.s32 $0xFFFFC000  }
0x2de: {  	_ =	swait.ge [sflag:s25], $0x4000  }
0x2df: {  	[sflag:s25] =	ssyncset.done $0x0  }
0x2e0: {  	[sflag:s25] =	ssyncadd.s32 $0xFFFFC000  }
0x2e1: {  	_ =	swait.ge [sflag:s30], $0x4000  }
0x2e2: {  	[sflag:s30] =	ssyncset.done $0x0  }
0x2e3: {  	s26 =	simm.s32 $0x600;
	s28 =	simm.s32 $0x100;
	[sflag:s30] =	ssyncadd.s32 $0xFFFFC000  }
0x2e4: {  	[tilespmem:s26], [sflag:$0x1] =	stream.indirect.gather [hbm4b:s0+s22], $0x80, s28, s22, $0xb8;
	[tilespmem:$0x19300] =	vst v63  }
0x2e5: {  	s31 =	simm.s32 $0x500;
	s29 =	simm.s32 $0x8600;
	s21 =	simm.s32 $0x300  }
0x2e6: {  	[tilespmem:s29], [sflag:$0x3] =	stream.indirect.gather [hbm4b:s0+s22], $0x80, s31, s22, $0xb8;
	[tilespmem:$0x19300] =	vst v63  }
0x2e7: {  	v0 =	vld [tilespmem:s21+$0x0];
	_ =	sdelay $0x4  }
0x2e8: {  	v0 =	vshll.u32 v0, $0x4  }
0x2e9: {  	(v2sf) =	vpush v0, $0x0  }
0x2ea: {  	(v2sf) =	vpush v0, $0x1  }
0x2eb: {  	(v2sf) =	vpush v0, $0x2;
	_ =	sdelay $0x1  }
0x2ec: {  	(v2sf) =	vpush v0, $0x4;
	_ =	sdelay $0x1  }
0x2ed: {  	(v2sf) =	vpush v0, $0x3  }
0x2ee: {  	(v2sf) =	vpush v0, $0x5  }
0x2ef: {  	s23 =	simm.s32 $0x2000;
	s7 =	simm.s32 $0x0;
	(v2sf) =	vpush v0, $0x6  }
.LBB2_8:
0x2f0: {  	p1 =	sne.s32 s23, $0xE000  }
0x2f1: {  	s2 =	sadd.s32 $0x10680, s7;
	s9 =	sadd.s32 $0x10B80, s7;
	s24 =	smov.u32 s23  }
0x2f2: {  	s23 =	sadd.s32 $0x2000, s23;
	s12 =	sadd.s32 $0x10980, s7;
	s8 =	sadd.s32 $0x10C00, s7;
	(v2sf) =	vpush v0, $0x7  }
0x2f3: {  	s17 =	sadd.s32 $0x10880, s7;
	s11 =	sadd.s32 $0x10A00, s7;
	s29 =	sadd.s32 $0x10C80, s7  }
0x2f4: {  	s3 =	sadd.s32 $0x10600, s7;
	s14 =	sadd.s32 $0x10800, s7;
	(v2sf) =	vpush v0, $0x8  }
0x2f5: {  	s15 =	sadd.s32 $0x10900, s7;
	s21 =	sadd.s32 $0x10, s21  }
0x2f6: {  	s16 =	sadd.s32 $0x10700, s7;
	s10 =	sadd.s32 $0x10B00, s7;
	s13 =	spop (v2sf);
	(v2sf) =	vpush v0, $0x9  }
0x2f7: {  	s25 =	sand.u32 $0x1FFFFFF0, s13;
	s13 =	sadd.s32 $0x10A80, s7;
	s26 =	spop (v2sf)  }
0x2f8: {  	s25 =	sadd.s32 s6, s25;
	s26 =	sand.u32 $0x1FFFFFF0, s26;
	s28 =	spop (v2sf);
	(v2sf) =	vpush v0, $0xA  }
0x2f9: {  	[tilespmem:s3], [sflag:$0x5] =	stream.linear.gather [hbm4b:s25+s5], $0x80, $0x38;
	[tilespmem:$0x19300] =	vst v63  }
0x2fa: {  	s3 =	sadd.s32 s6, s26;
	s25 =	sadd.s32 $0x10780, s7;
	s26 =	spop (v2sf);
	(v2sf) =	vpush v0, $0xB  }
0x2fb: {  	[tilespmem:s2], [sflag:$0x5] =	stream.linear.gather [hbm4b:s3+s5], $0x80, $0x38;
	[tilespmem:$0x19300] =	vst v63  }
0x2fc: {  	s2 =	sand.u32 $0x1FFFFFF0, s28;
	s3 =	sand.u32 $0x1FFFFFF0, s26;
	s26 =	spop (v2sf);
	(v2sf) =	vpush v0, $0xC  }
0x2fd: {  	s2 =	sadd.s32 s6, s2;
	s26 =	sand.u32 $0x1FFFFFF0, s26;
	s28 =	spop (v2sf)  }
0x2fe: {  	[tilespmem:s16], [sflag:$0x5] =	stream.linear.gather [hbm4b:s2+s5], $0x80, $0x38;
	(v2sf) =	vpush v0, $0xD;
	[tilespmem:$0x19300] =	vst v63  }
0x2ff: {  	s2 =	sadd.s32 s6, s26;
	s16 =	sand.u32 $0x1FFFFFF0, s28;
	s26 =	spop (v2sf)  }
0x300: {  	[tilespmem:s25], [sflag:$0x5] =	stream.linear.gather [hbm4b:s2+s5], $0x80, $0x38;
	(v2sf) =	vpush v0, $0xE;
	[tilespmem:$0x19300] =	vst v63  }
0x301: {  	s2 =	sadd.s32 s6, s3;
	s3 =	sand.u32 $0x1FFFFFF0, s26;
	s25 =	spop (v2sf)  }
0x302: {  	[tilespmem:s14], [sflag:$0x5] =	stream.linear.gather [hbm4b:s2+s5], $0x80, $0x38;
	(v2sf) =	vpush v0, $0xF;
	[tilespmem:$0x19300] =	vst v63  }
0x303: {  	s2 =	sadd.s32 s6, s16;
	s14 =	sand.u32 $0x1FFFFFF0, s25;
	s16 =	spop (v2sf)  }
0x304: {  	[tilespmem:s17], [sflag:$0x5] =	stream.linear.gather [hbm4b:s2+s5], $0x80, $0x38;
	[tilespmem:$0x19300] =	vst v63  }
0x305: {  	s2 =	sadd.s32 s6, s3;
	s3 =	sand.u32 $0x1FFFFFF0, s16;
	s16 =	spop (v2sf)  }
0x306: {  	[tilespmem:s15], [sflag:$0x5] =	stream.linear.gather [hbm4b:s2+s5], $0x80, $0x38;
	[tilespmem:$0x19300] =	vst v63  }
0x307: {  	s2 =	sadd.s32 s6, s14;
	s14 =	sand.u32 $0x1FFFFFF0, s16;
	s15 =	spop (v2sf)  }
0x308: {  	[tilespmem:s12], [sflag:$0x5] =	stream.linear.gather [hbm4b:s2+s5], $0x80, $0x38;
	[tilespmem:$0x19300] =	vst v63  }
0x309: {  	s2 =	sadd.s32 s6, s3;
	s3 =	sand.u32 $0x1FFFFFF0, s15;
	s12 =	spop (v2sf)  }
0x30a: {  	[tilespmem:s11], [sflag:$0x5] =	stream.linear.gather [hbm4b:s2+s5], $0x80, $0x38;
	[tilespmem:$0x19300] =	vst v63  }
0x30b: {  	s2 =	sadd.s32 s6, s14;
	s11 =	sand.u32 $0x1FFFFFF0, s12;
	s12 =	spop (v2sf)  }
0x30c: {  	[tilespmem:s13], [sflag:$0x5] =	stream.linear.gather [hbm4b:s2+s5], $0x80, $0x38;
	[tilespmem:$0x19300] =	vst v63  }
0x30d: {  	s2 =	sadd.s32 s6, s3;
	s3 =	sand.u32 $0x1FFFFFF0, s12;
	s12 =	spop (v2sf)  }
0x30e: {  	[tilespmem:s10], [sflag:$0x5] =	stream.linear.gather [hbm4b:s2+s5], $0x80, $0x38;
	[tilespmem:$0x19300] =	vst v63  }
0x30f: {  	s2 =	sadd.s32 s6, s11;
	s10 =	sand.u32 $0x1FFFFFF0, s12;
	s11 =	spop (v2sf)  }
0x310: {  	[tilespmem:s9], [sflag:$0x5] =	stream.linear.gather [hbm4b:s2+s5], $0x80, $0x38;
	[tilespmem:$0x19300] =	vst v63  }
0x311: {  	s2 =	sadd.s32 s6, s3;
	s3 =	sand.u32 $0x1FFFFFF0, s11;
	s9 =	spop (v2sf)  }
0x312: {  	[tilespmem:s8], [sflag:$0x5] =	stream.linear.gather [hbm4b:s2+s5], $0x80, $0x38;
	[tilespmem:$0x19300] =	vst v63  }
0x313: {  	s2 =	sadd.s32 s6, s10;
	s8 =	sand.u32 $0x1FFFFFF0, s9  }
0x314: {  	[tilespmem:s29], [sflag:$0x5] =	stream.linear.gather [hbm4b:s2+s5], $0x80, $0x38;
	[tilespmem:$0x19300] =	vst v63  }
0x315: {  	s3 =	sadd.s32 s6, s3;
	s2 =	sadd.s32 $0x10D00, s7  }
0x316: {  	[tilespmem:s2], [sflag:$0x5] =	stream.linear.gather [hbm4b:s3+s5], $0x80, $0x38;
	[tilespmem:$0x19300] =	vst v63  }
0x317: {  	s2 =	sadd.s32 $0x10D80, s7;
	s3 =	sadd.s32 s6, s8  }
0x318: {  	[tilespmem:s2], [sflag:$0x5] =	stream.linear.gather [hbm4b:s3+s5], $0x80, $0x38;
	[tilespmem:$0x19300] =	vst v63  }
0x319: {  	v0 =	vld [tilespmem:s21+$0x0];
	_ =	sdelay $0x4  }
0x31a: {  	v0 =	vshll.u32 v0, $0x4  }
0x31b: {  	(v2sf) =	vpush v0, $0x0  }
0x31c: {  	(v2sf) =	vpush v0, $0x1  }
0x31d: {  	(v2sf) =	vpush v0, $0x2;
	_ =	sdelay $0x1  }
0x31e: {  	(v2sf) =	vpush v0, $0x4  }
.Ltmp3:
0x31f: {  	(pc) =	sbr.rel @p1 .LBB2_8-.Ltmp3, $3  }
0x320: {  	(v2sf) =	vpush v0, $0x3  }
0x321: {  	(v2sf) =	vpush v0, $0x5;
	_ =	sdelay $0x1  }
0x322: {  	s7 =	sshra.s32 s24, $0x2;
	(v2sf) =	vpush v0, $0x6  }
0x323: {  	_ =	sdelay $0x1  }
0x324: {  	s2 =	sadd.s32 $0x10680, s7;
	s10 =	sadd.s32 $0x10B80, s7  }
0x325: {  	s3 =	sadd.s32 $0x10980, s7;
	s8 =	sadd.s32 $0x10C00, s7;
	(v2sf) =	vpush v0, $0x7;
	s11 =	sadd.s32 $0x10880, s7  }
0x326: {  	s12 =	sadd.s32 $0x10A00, s7;
	s9 =	sadd.s32 $0x10C80, s7;
	s13 =	sadd.s32 $0x10600, s7  }
0x327: {  	s14 =	sadd.s32 $0x10800, s7;
	s15 =	sadd.s32 $0x10900, s7;
	(v2sf) =	vpush v0, $0x8;
	s16 =	spop (v2sf)  }
0x328: {  	s17 =	sadd.s32 $0x10700, s7;
	s16 =	sand.u32 $0x1FFFFFF0, s16;
	s21 =	spop (v2sf)  }
0x329: {  	(v2sf) =	vpush v0, $0x9;
	s16 =	sadd.s32 s6, s16;
	s21 =	sand.u32 $0x1FFFFFF0, s21;
	s23 =	spop (v2sf)  }
0x32a: {  	[tilespmem:s13], [sflag:$0x5] =	stream.linear.gather [hbm4b:s16+s5], $0x80, $0x38;
	[tilespmem:$0x19300] =	vst v63  }
0x32b: {  	s24 =	sadd.s32 $0x10780, s7;
	(v2sf) =	vpush v0, $0xA;
	s26 =	sadd.s32 s6, s21;
	s28 =	spop (v2sf)  }
0x32c: {  	[tilespmem:s2], [sflag:$0x5] =	stream.linear.gather [hbm4b:s26+s5], $0x80, $0x38;
	[tilespmem:$0x19300] =	vst v63  }
0x32d: {  	s13 =	sadd.s32 $0x10B00, s7;
	s23 =	sand.u32 $0x1FFFFFF0, s23;
	(v2sf) =	vpush v0, $0xB;
	s25 =	spop (v2sf)  }
0x32e: {  	s16 =	sadd.s32 s6, s23;
	s2 =	sadd.s32 $0x10A80, s7;
	s23 =	sand.u32 $0x1FFFFFF0, s25  }
0x32f: {  	(v2sf) =	vpush v0, $0xC;
	[tilespmem:s17], [sflag:$0x5] =	stream.linear.gather [hbm4b:s16+s5], $0x80, $0x38;
	[tilespmem:$0x19300] =	vst v63  }
0x330: {  	s26 =	sand.u32 $0x1FFFFFF0, s28;
	s28 =	spop (v2sf);
	s23 =	sadd.s32 s6, s23  }
0x331: {  	(v2sf) =	vpush v0, $0xD;
	[tilespmem:s24], [sflag:$0x5] =	stream.linear.gather [hbm4b:s23+s5], $0x80, $0x38;
	[tilespmem:$0x19300] =	vst v63  }
0x332: {  	s16 =	sadd.s32 s6, s26;
	s17 =	sand.u32 $0x1FFFFFF0, s28;
	s25 =	spop (v2sf)  }
0x333: {  	(v2sf) =	vpush v0, $0xE;
	[tilespmem:s14], [sflag:$0x5] =	stream.linear.gather [hbm4b:s16+s5], $0x80, $0x38;
	[tilespmem:$0x19300] =	vst v63  }
0x334: {  	s17 =	sadd.s32 s6, s17;
	s26 =	sand.u32 $0x1FFFFFF0, s25;
	s28 =	spop (v2sf)  }
0x335: {  	(v2sf) =	vpush v0, $0xF;
	[tilespmem:s11], [sflag:$0x5] =	stream.linear.gather [hbm4b:s17+s5], $0x80, $0x38;
	[tilespmem:$0x19300] =	vst v63  }
0x336: {  	s21 =	sand.u32 $0x1FFFFFF0, s28;
	s23 =	spop (v2sf);
	s14 =	sadd.s32 s6, s26  }
0x337: {  	[tilespmem:s15], [sflag:$0x5] =	stream.linear.gather [hbm4b:s14+s5], $0x80, $0x38;
	[tilespmem:$0x19300] =	vst v63  }
0x338: {  	s24 =	sand.u32 $0x1FFFFFF0, s23;
	s11 =	sadd.s32 s6, s21;
	s25 =	spop (v2sf)  }
0x339: {  	[tilespmem:s3], [sflag:$0x5] =	stream.linear.gather [hbm4b:s11+s5], $0x80, $0x38;
	[tilespmem:$0x19300] =	vst v63  }
0x33a: {  	s14 =	sadd.s32 s6, s24;
	s26 =	sand.u32 $0x1FFFFFF0, s25;
	s28 =	spop (v2sf)  }
0x33b: {  	[tilespmem:s12], [sflag:$0x5] =	stream.linear.gather [hbm4b:s14+s5], $0x80, $0x38;
	[tilespmem:$0x19300] =	vst v63  }
0x33c: {  	s11 =	sand.u32 $0x1FFFFFF0, s28;
	s3 =	sadd.s32 s6, s26;
	s14 =	spop (v2sf)  }
0x33d: {  	[tilespmem:s2], [sflag:$0x5] =	stream.linear.gather [hbm4b:s3+s5], $0x80, $0x38;
	[tilespmem:$0x19300] =	vst v63  }
0x33e: {  	s11 =	sadd.s32 s6, s11;
	s15 =	sand.u32 $0x1FFFFFF0, s14;
	s16 =	spop (v2sf)  }
0x33f: {  	[tilespmem:s13], [sflag:$0x5] =	stream.linear.gather [hbm4b:s11+s5], $0x80, $0x38;
	[tilespmem:$0x19300] =	vst v63  }
0x340: {  	s2 =	sadd.s32 s6, s15;
	s3 =	sand.u32 $0x1FFFFFF0, s16;
	s17 =	spop (v2sf)  }
0x341: {  	[tilespmem:s10], [sflag:$0x5] =	stream.linear.gather [hbm4b:s2+s5], $0x80, $0x38;
	[tilespmem:$0x19300] =	vst v63  }
0x342: {  	s21 =	sand.u32 $0x1FFFFFF0, s17;
	s3 =	sadd.s32 s6, s3;
	s23 =	spop (v2sf)  }
0x343: {  	[tilespmem:s8], [sflag:$0x5] =	stream.linear.gather [hbm4b:s3+s5], $0x80, $0x38;
	[tilespmem:$0x19300] =	vst v63  }
0x344: {  	s24 =	sand.u32 $0x1FFFFFF0, s23;
	s25 =	spop (v2sf);
	s2 =	sadd.s32 s6, s21  }
0x345: {  	[tilespmem:s9], [sflag:$0x5] =	stream.linear.gather [hbm4b:s2+s5], $0x80, $0x38;
	[tilespmem:$0x19300] =	vst v63  }
0x346: {  	v31 =	vld [tilespmem:$0x1FF20];
	s28 =	sadd.s32 $0x10D00, s7;
	s26 =	sand.u32 $0x1FFFFFF0, s25;
	s3 =	sadd.s32 s6, s24  }
0x347: {  	v30 =	vld [tilespmem:$0x1FF40];
	[tilespmem:s28], [sflag:$0x5] =	stream.linear.gather [hbm4b:s3+s5], $0x80, $0x38  }
0x348: {  	v35 =	vld [tilespmem:$0x1FDF0];
	s10 =	simm.s32 $0xC680;
	s9 =	sadd.s32 $0x10D80, s7;
	s2 =	sadd.s32 s6, s26  }
0x349: {  	v34 =	vld [tilespmem:$0x1FEF0];
	[tilespmem:s9], [sflag:$0x5] =	stream.linear.gather [hbm4b:s2+s5], $0x80, $0x38  }
0x34a: {  	v22 =	vld [tilespmem:s10+$0x10]  }
0x34b: {  	s11 =	simm.s32 $0x14690;
	v33 =	vld [tilespmem:s10+$0x30]  }
0x34c: {  	v28 =	vld [tilespmem:s11+$0xFFFFFFF0]  }
0x34d: {  	v29 =	vld [tilespmem:s11+$0x0]  }
0x34e: {  	v23 =	vld [tilespmem:s10+$0x0]  }
0x34f: {  	s12 =	simm.s32 $0x4680;
	v38 =	vld [tilespmem:s10+$0x20]  }
0x350: {  	v36 =	vld [tilespmem:s12+$0x0]  }
0x351: {  	v32 =	vld [tilespmem:s12+$0x10]  }
0x352: {  	v40 =	vld [tilespmem:s12+$0x20]  }
0x353: {  	v39 =	vld [tilespmem:s12+$0x30]  }
0x354: {  	v16 =	vld [tilespmem:s12+$0xFFFFFF90]  }
0x355: {  	v20 =	vld [tilespmem:s12+$0xFFFFFFA0]  }
0x356: {  	v3 =	vld [tilespmem:s12+$0xFFFFFFB0]  }
0x357: {  	v26 =	vld [tilespmem:s12+$0xFFFFFFC0]  }
0x358: {  	v5 =	vld [tilespmem:s12+$0x40]  }
0x359: {  	v4 =	vld [tilespmem:s12+$0x50]  }
0x35a: {  	v24 =	vld [tilespmem:s12+$0x60]  }
0x35b: {  	v25 =	vld [tilespmem:s12+$0x70];
	v0 =	vmul.f32 v28, v31;
	v1 =	vmul.f32 v29, v30  }
0x35c: {  	v6 =	vld [tilespmem:s10+$0x40];
	v7 =	vmul.f32 v22, v35;
	v9 =	vmul.f32 v33, v35  }
0x35d: {  	v42 =	vld [tilespmem:s10+$0x60];
	v2 =	vmul.f32 v23, v34;
	v10 =	vmul.f32 v38, v34  }
0x35e: {  	v41 =	vld [tilespmem:s10+$0x50];
	v13 =	vmul.f32 v36, v8;
	v14 =	vmul.f32 v32, v11  }
0x35f: {  	v46 =	vld [tilespmem:s10+$0x70];
	v15 =	vmul.f32 v40, v8;
	v0 =	vadd.f32 v1, v0;
	v1 =	vmul.f32 v39, v11  }
0x360: {  	v57 =	vld [tilespmem:s12+$0xFFFFFFD0];
	v17 =	vmul.f32 v4, v11;
	v13 =	vadd.f32 v14, v13;
	v14 =	vmul.f32 v5, v8  }
0x361: {  	v27 =	vld [tilespmem:s12+$0xFFFFFFE0];
	v18 =	vmul.f32 v25, v11;
	v1 =	vadd.f32 v1, v15;
	v15 =	vmul.f32 v24, v8  }
0x362: {  	v12 =	vld [tilespmem:s10+$0xFFFFFFC0];
	v21 =	vmul.f32 v6, v34;
	v13 =	vadd.f32 v2, v13;
	v14 =	vadd.f32 v17, v14  }
0x363: {  	v19 =	vld [tilespmem:s12+$0xFFFFFF80];
	v1 =	vadd.f32 v10, v1;
	v10 =	vadd.f32 v18, v15;
	v15 =	vmul.f32 v42, v34  }
0x364: {  	v43 =	vld [tilespmem:s10+$0xFFFFFF90];
	v7 =	vadd.f32 v7, v13;
	v13 =	vadd.f32 v21, v14;
	v14 =	vmul.f32 v41, v35  }
0x365: {  	v59 =	vld [tilespmem:s10+$0xFFFFFFD0];
	(xrf2) =	vadd.scan.msk.f32 $0xffff, v0;
	v0 =	vadd.f32 v9, v1;
	v1 =	vadd.f32 v15, v10;
	v10 =	vmul.f32 v46, v35  }
0x366: {  	v2 =	vld [tilespmem:s12+$0xFFFFFFF0];
	(xrf2) =	vadd.scan.msk.f32 $0xffff, v7;
	v7 =	vadd.f32 v14, v13  }
0x367: {  	v44 =	vmul.f32 v12, v34;
	v21 =	vld [tilespmem:s10+$0xFFFFFFA0];
	(xrf2) =	vadd.scan.msk.f32 $0xffff, v0;
	v0 =	vadd.f32 v10, v1  }
0x368: {  	v9 =	vld [tilespmem:s10+$0xFFFFFF80];
	v13 =	vmul.f32 v3, v11;
	v14 =	vmul.f32 v19, v8;
	(xrf2) =	vadd.scan.msk.f32 $0xffff, v7  }
0x369: {  	v37 =	vld [tilespmem:s11+$0xFFFFFF70];
	v15 =	vmul.f32 v57, v11;
	v1 =	vmul.f32 v16, v11;
	(xrf2) =	vadd.scan.msk.f32 $0xffff, v0  }
0x36a: {  	v58 =	vld [tilespmem:s10+$0xFFFFFFE0];
	v7 =	vmul.f32 v20, v8;
	v0 =	vmul.f32 v26, v8  }
0x36b: {  	v17 =	vmul.f32 v27, v8;
	v10 =	vld [tilespmem:s10+$0xFFFFFFB0];
	v1 =	vadd.f32 v1, v14;
	v14 =	vmul.f32 v2, v11  }
0x36c: {  	v7 =	vadd.f32 v13, v7;
	v13 =	vadd.f32 v15, v0;
	v15 =	vmul.f32 v21, v34  }
0x36d: {  	v45 =	vmul.f32 v43, v35;
	v18 =	vmul.f32 v9, v34  }
0x36e: {  	v47 =	vmul.f32 v59, v35;
	v49 =	vmul.f32 v37, v31;
	v14 =	vadd.f32 v14, v17  }
0x36f: {  	v0 =	vld [tilespmem:s10+$0xFFFFFFF0];
	v17, _, _ =	vpop (xrf2);
	[tilespmem:$0x1FDB0] =	vst v37;
	v37 =	vmov v31;
	v1 =	vadd.f32 v18, v1;
	v18 =	vmul.f32 v58, v34  }
0x370: {  	v31 =	vld [tilespmem:$0x1FFA0];
	v63 =	vmul.f32 v10, v35;
	v7 =	vadd.f32 v15, v7;
	v13 =	vadd.f32 v44, v13;
	v15, _, _ =	vpop (xrf2)  }
0x371: {  	v14 =	vadd.f32 v18, v14;
	v18 =	vadd.f32 v45, v1;
	v48, _, _ =	vpop (xrf2)  }
0x372: {  	v1 =	vld [tilespmem:s11+$0xFFFFFF80];
	v7 =	vadd.f32 v63, v7;
	v13 =	vadd.f32 v47, v13;
	v53, _, _ =	vpop (xrf2)  }
0x373: {  	v17 =	vbroadcast v17, $0xF;
	v15 =	vadd.f32 $0.0e+00, v15;
	v54 =	vadd.f32 $0.0e+00, v48;
	v55, _, _ =	vpop (xrf2)  }
0x374: {  	v52 =	vmul.f32 v0, v35;
	v45 =	vadd.f32 $0.0e+00, v53;
	v48 =	vadd.f32 $0.0e+00, v55  }
0x375: {  	v17 =	vadd.f32 v17, v31;
	v15 =	vbroadcast v15, $0xF;
	v47 =	vbroadcast v54, $0xF  }
0x376: {  	v14 =	vadd.f32 v52, v14;
	v56 =	vbroadcast v45, $0xF;
	v60 =	vbroadcast v48, $0xF  }
0x377: {  	(xrf2) =	vadd.scan.msk.f32 $0xffff, v18;
	v18 =	vmul.f32 v1, v30;
	v15 =	vadd.f32 v17, v15;
	v47 =	vadd.f32 v17, v47  }
0x378: {  	(xrf2) =	vadd.scan.msk.f32 $0xffff, v7;
	v7 =	vadd.f32 v17, v56;
	v17 =	vadd.f32 v17, v60  }
0x379: {  	(xrf2) =	vadd.scan.msk.f32 $0xffff, v13;
	v18 =	vadd.f32 v18, v49;
	v13 =	vmax.f32 v15, $0.0e+00  }
0x37a: {  	(xrf2) =	vadd.scan.msk.f32 $0xffff, v14;
	v14 =	vmax.f32 v47, $0.0e+00;
	v7 =	vmax.f32 v7, $0.0e+00;
	v15 =	vmax.f32 v17, $0.0e+00  }
0x37b: {  	(xrf2) =	vadd.scan.msk.f32 $0xffff, v18;
	v17 =	vmax.f32 v13, v14;
	v18 =	vmax.f32 v7, v15  }
0x37c: {  	v17 =	vmax.f32 v17, v18  }
0x37d: {  	v13 =	vsub.f32 v13, v17  }
0x37e: {  	v14 =	vsub.f32 v14, v17  }
0x37f: {  	v13 =	vmul.f32 $1.442695020e+00, v13  }
0x380: {  	v14 =	vmul.f32 $1.442695020e+00, v14;
	_ =	sdelay $0x1  }
0x381: {  	v7 =	vsub.f32 v7, v17;
	v18, _, _ =	vpop (xrf2);
	(erf) = vpow2.f32 v13  }
0x382: {  	(erf) = vpow2.f32 v14;
	v13, _, _ =	vpop (xrf2)  }
0x383: {  	v15 =	vsub.f32 v15, v17;
	v7 =	vmul.f32 $1.442695020e+00, v7;
	v14, _, _ =	vpop (xrf2)  }
0x384: {  	v17, _, _ =	vpop (xrf2)  }
0x385: {  	v15 =	vmul.f32 $1.442695020e+00, v15;
	(erf) = vpow2.f32 v7;
	v7 =	vadd.f32 $0.0e+00, v18;
	v18, _, _ =	vpop (xrf2)  }
0x386: {  	v13 =	vadd.f32 $0.0e+00, v13;
	v18 =	vbroadcast v18, $0xF  }
0x387: {  	(erf) = vpow2.f32 v15;
	v14 =	vadd.f32 $0.0e+00, v14;
	v15 =	vadd.f32 $0.0e+00, v17  }
0x388: {  	v7 =	vbroadcast v7, $0xF;
	v13 =	vbroadcast v13, $0xF;
	v17 =	vadd.f32 v18, v31  }
0x389: {  	v14 =	vbroadcast v14, $0xF;
	v15 =	vbroadcast v15, $0xF  }
0x38a: {  	v47 =	vpop (erf);
	v7 =	vadd.f32 v17, v7;
	v13 =	vadd.f32 v17, v13  }
0x38b: {  	v14 =	vadd.f32 v17, v14;
	v15 =	vadd.f32 v17, v15;
	v48 =	vpop (erf)  }
0x38c: {  	s13 =	simm.s32 $0xC780;
	[tilespmem:$0x1FDC0] =	vst v1;
	v17 =	vadd.f32 v48, v47;
	v7 =	vmax.f32 v7, $0.0e+00  }
0x38d: {  	v1 =	vld [tilespmem:s13+$0x30];
	v13 =	vmax.f32 v13, $0.0e+00;
	v61 =	vmax.f32 v14, $0.0e+00;
	v62 =	vmax.f32 v15, $0.0e+00  }
0x38e: {  	v51 =	vpop (erf);
	v14 =	vmax.f32 v7, v13;
	v15 =	vmax.f32 v61, v62  }
0x38f: {  	s21 =	simm.s32 $0x14790;
	v9 =	vsub.f32 v19, v9;
	v54 =	vld [tilespmem:s13+$0x10];
	v17 =	vadd.f32 v17, v51;
	v50 =	vmax.f32 v14, v15  }
0x390: {  	v52 =	vpop (erf);
	v14 =	vld [tilespmem:s21+$0xFFFFFFF0];
	v7 =	vsub.f32 v7, v50  }
0x391: {  	v15 =	vld [tilespmem:s21+$0x0];
	[tilespmem:$0x1FD90] =	vst v9;
	v63 =	vadd.f32 v17, v52  }
0x392: {  	v19 =	vmov v1;
	v1 =	vld [tilespmem:s13+$0x0];
	v7 =	vmul.f32 $1.442695020e+00, v7  }
0x393: {  	v16 =	vsub.f32 v16, v43;
	(erf) = vrcp.f32 v63  }
0x394: {  	v13 =	vsub.f32 v13, v50;
	(erf) = vpow2.f32 v7;
	v7 =	vsub.f32 v20, v21  }
0x395: {  	v3 =	vsub.f32 v3, v10;
	v53 =	vsub.f32 v61, v50;
	[tilespmem:$0x1FDA0] =	vst v16  }
0x396: {  	s23 =	simm.s32 $0x4780;
	v18 =	vld [tilespmem:s13+$0x20];
	v9 =	vmul.f32 $1.442695020e+00, v13;
	[tilespmem:$0x1FDD0] =	vst v7  }
0x397: {  	v13 =	vsub.f32 v62, v50;
	v56 =	vmul.f32 $1.442695020e+00, v53;
	v20 =	vmov v1;
	v1 =	vld [tilespmem:s23+$0x0];
	[tilespmem:$0x1FDE0] =	vst v3  }
0x398: {  	v6 =	vsub.f32 v5, v6;
	v53 =	vmul.f32 v19, v35;
	(erf) = vpow2.f32 v9;
	v3 =	vld [tilespmem:s23+$0x10]  }
0x399: {  	v38 =	vsub.f32 v40, v38;
	v7 =	vmul.f32 $1.442695020e+00, v13;
	(erf) = vpow2.f32 v56;
	v10 =	vld [tilespmem:s23+$0x20]  }
0x39a: {  	v23 =	vsub.f32 v36, v23;
	v13 =	vmul.f32 v15, v30;
	v49 =	vmul.f32 v20, v34;
	v5 =	vld [tilespmem:s23+$0x30];
	[tilespmem:$0x1FD10] =	vst v14  }
0x39b: {  	(erf) = vpow2.f32 v7;
	v7 =	vsub.f32 v25, v46;
	[tilespmem:$0x1FD20] =	vst v15;
	v46 =	vmul.f32 v54, v35  }
0x39c: {  	v21 =	vmov v54;
	v54 =	vmul.f32 v18, v34;
	v45 =	vld [tilespmem:s23+$0xFFFFFF90];
	v61 =	vpop (erf);
	v60 =	vmul.f32 v1, v8  }
0x39d: {  	v22 =	vsub.f32 v32, v22;
	v44 =	vld [tilespmem:s23+$0xFFFFFFA0];
	[tilespmem:$0x1FD30] =	vst v1;
	v50 =	vmul.f32 v61, v47;
	v47 =	vmul.f32 v61, v48  }
0x39e: {  	v48 =	vmul.f32 v61, v51;
	v25 =	vmov v10;
	v10 =	vmul.f32 v14, v37;
	[tilespmem:$0x1FD40] =	vst v3  }
0x39f: {  	v33 =	vsub.f32 v39, v33;
	v55 =	vmul.f32 v3, v11;
	v40 =	vld [tilespmem:s23+$0xFFFFFFB0];
	v56 =	vmul.f32 v25, v8  }
0x3a0: {  	v9 =	vsub.f32 v24, v42;
	v42 =	vld [tilespmem:s23+$0xFFFFFFC0];
	[tilespmem:$0x1FD50] =	vst v5;
	v62 =	vmul.f32 v50, v23;
	v63 =	vmul.f32 v50, v22  }
0x3a1: {  	v41 =	vsub.f32 v4, v41;
	v38 =	vmul.f32 v47, v38;
	v33 =	vmul.f32 v47, v33;
	v23 =	vld [tilespmem:s23+$0x40]  }
0x3a2: {  	v24 =	vmovc v37;
	v10 =	vadd.f32 v13, v10;
	v13 =	vmul.f32 v5, v11;
	v39 =	vadd.f32 v55, v60;
	v37 =	vld [tilespmem:s23+$0x50]  }
0x3a3: {  	v6 =	vmul.f32 v48, v6;
	v32 =	vld [tilespmem:s23+$0x60];
	v43 =	vadd.f32 v62, v28;
	v55 =	vadd.f32 v63, v29  }
0x3a4: {  	v28 =	vld [tilespmem:s23+$0x70];
	v13 =	vadd.f32 v13, v56;
	v39 =	vadd.f32 v49, v39;
	v49 =	vmul.f32 v61, v52  }
0x3a5: {  	v60 =	vmul.f32 v48, v41;
	v29 =	vld [tilespmem:s13+$0x40];
	v56 =	vadd.f32 v43, v38;
	v33 =	vadd.f32 v55, v33  }
0x3a6: {  	v41 =	vld [tilespmem:s13+$0x60];
	v46 =	vadd.f32 v46, v39;
	v13 =	vadd.f32 v54, v13;
	v9 =	vmul.f32 v49, v9  }
0x3a7: {  	v7 =	vmul.f32 v49, v7;
	v6 =	vadd.f32 v56, v6;
	v61 =	vadd.f32 v33, v60;
	v33 =	vld [tilespmem:s13+$0x50]  }
0x3a8: {  	(xrf2) =	vadd.scan.msk.f32 $0xffff, v10;
	v39 =	vld [tilespmem:s13+$0x70];
	v62 =	vmul.f32 v23, v8;
	v63 =	vmul.f32 v37, v11;
	v13 =	vadd.f32 v53, v13  }
0x3a9: {  	v52 =	vld [tilespmem:s23+$0xFFFFFFD0];
	v43 =	vmul.f32 v28, v11;
	v6 =	vadd.f32 v6, v9;
	v9 =	vmul.f32 v32, v8  }
0x3aa: {  	v55 =	vld [tilespmem:s23+$0xFFFFFFF0];
	v10 =	vmul.f32 v29, v34;
	v7 =	vadd.f32 v61, v7;
	v60 =	vadd.f32 v63, v62  }
0x3ab: {  	v54 =	vld [tilespmem:s23+$0xFFFFFFE0];
	(xrf2) =	vadd.scan.msk.f32 $0xffff, v46;
	v61 =	vmul.f32 v41, v34;
	v6 =	vand.u32 $0x7FFFFFFF, v6;
	v9 =	vadd.f32 v43, v9  }
0x3ac: {  	v56 =	vld [tilespmem:s13+$0xFFFFFFE0];
	v7 =	vand.u32 $0x7FFFFFFF, v7;
	v10 =	vadd.f32 v10, v60;
	v62 =	vmul.f32 v33, v35  }
0x3ad: {  	v53 =	vld [tilespmem:s23+$0xFFFFFF80];
	v63 =	vmul.f32 v39, v35;
	v7 =	vadd.f32 v7, v6;
	v9 =	vadd.f32 v61, v9  }
0x3ae: {  	v17 =	vsub.f32 v27, v58;
	v46 =	vld [tilespmem:s13+$0xFFFFFF80];
	(xrf2) =	vadd.scan.msk.f32 $0xffff, v13;
	v10 =	vadd.f32 v62, v10  }
0x3af: {  	v51 =	vsub.f32 v57, v59;
	v27 =	vmul.f32 v44, v8;
	v13 =	vld [tilespmem:s13+$0xFFFFFFA0];
	(xrf2) =	vadd.scan.msk.f32 $0xffff, v7;
	v7 =	vadd.f32 v63, v9  }
0x3b0: {  	v22 =	vsub.f32 v2, v0;
	v15 =	vld [tilespmem:s13+$0xFFFFFF90];
	v36 =	vmul.f32 v40, v11;
	v2 =	vmul.f32 v42, v8;
	(xrf2) =	vadd.scan.msk.f32 $0xffff, v10  }
0x3b1: {  	v43 =	vmul.f32 v52, v11;
	v57 =	vmul.f32 v54, v8;
	v6 =	vsub.f32 v26, v12;
	v12 =	vld [tilespmem:s13+$0xFFFFFFC0];
	(xrf2) =	vadd.scan.msk.f32 $0xffff, v7  }
0x3b2: {  	v58 =	vld [tilespmem:s13+$0xFFFFFFB0];
	v27 =	vadd.f32 v36, v27;
	v26 =	vmul.f32 v45, v11;
	v0 =	vmul.f32 v53, v8;
	v60, _, _ =	vpop (xrf2)  }
0x3b3: {  	v59 =	vmul.f32 v46, v34;
	v2 =	vadd.f32 v43, v2;
	v62 =	vmul.f32 v56, v34;
	v9 =	vpop (erf)  }
0x3b4: {  	v26 =	vadd.f32 v26, v0;
	v0 =	vmul.f32 v55, v11;
	v36 =	vmul.f32 v13, v34;
	v10 =	vpop (erf)  }
0x3b5: {  	v63 =	vmul.f32 v15, v35;
	v60 =	vbroadcast v60, $0xF;
	v1, _, _ =	vpop (xrf2);
	v7 =	vadd.f32 v10, v9  }
0x3b6: {  	v43 =	vmul.f32 v12, v34;
	v3 =	vadd.f32 v0, v57;
	v26 =	vadd.f32 v59, v26;
	v61 =	vpop (erf)  }
0x3b7: {  	v36 =	vadd.f32 v36, v27;
	v34 =	vmul.f32 v58, v35;
	v57 =	vpop (erf);
	v7 =	vadd.f32 v7, v61  }
0x3b8: {  	v59 =	vld [tilespmem:s13+$0xFFFFFFD0];
	v60 =	vadd.f32 v60, v31;
	v14 =	vadd.f32 v62, v3;
	v0, _, _ =	vpop (xrf2)  }
0x3b9: {  	v16 =	vld [tilespmem:s21+$0xFFFFFF70];
	v62 =	vadd.f32 v63, v26;
	v7 =	vadd.f32 v7, v57;
	v63, _, _ =	vpop (xrf2)  }
0x3ba: {  	v5 =	vld [tilespmem:s13+$0xFFFFFFF0];
	v2 =	vadd.f32 v43, v2;
	v1 =	vadd.f32 $0.0e+00, v1;
	v43, _, _ =	vpop (xrf2)  }
0x3bb: {  	v36 =	vadd.f32 v34, v36;
	v26 =	vld [tilespmem:s21+$0xFFFFFF80];
	v0 =	vadd.f32 $0.0e+00, v0;
	(erf) = vrcp.f32 v7;
	v34, _, _ =	vpop (xrf2)  }
0x3bc: {  	v1 =	vbroadcast v1, $0xF;
	v38 =	vadd.f32 $0.0e+00, v43;
	v43 =	vadd.f32 $0.0e+00, v34  }
0x3bd: {  	v13 =	vsub.f32 v44, v13;
	v0 =	vbroadcast v0, $0xF;
	v7 =	vmul.f32 v59, v35  }
0x3be: {  	v3 =	vadd.f32 v60, v1;
	v1 =	vmul.f32 v16, v24;
	v34 =	vbroadcast v43, $0xF  }
0x3bf: {  	v35 =	vmul.f32 v5, v35;
	v4 =	vadd.f32 v7, v2;
	v7 =	vbroadcast v38, $0xF  }
0x3c0: {  	(xrf2) =	vadd.scan.msk.f32 $0xffff, v62;
	v2 =	vadd.f32 v60, v0;
	v0 =	vmul.f32 v26, v30;
	v38 =	vadd.f32 v60, v34  }
0x3c1: {  	(xrf2) =	vadd.scan.msk.f32 $0xffff, v36;
	v14 =	vadd.f32 v35, v14;
	v7 =	vadd.f32 v60, v7  }
0x3c2: {  	v0 =	vadd.f32 v0, v1;
	(xrf2) =	vadd.scan.msk.f32 $0xffff, v4;
	v4 =	vmax.f32 v38, $0.0e+00;
	v38 =	vsub.f32 v42, v12;
	v12 =	vld [tilespmem:$0x1FD90]  }
0x3c3: {  	v1 =	vmax.f32 v3, $0.0e+00;
	v2 =	vmax.f32 v2, $0.0e+00;
	v3 =	vmax.f32 v7, $0.0e+00  }
0x3c4: {  	[tilespmem:$0x1FD80] =	vst v13;
	(xrf2) =	vadd.scan.msk.f32 $0xffff, v14;
	v7 =	vmax.f32 v1, v2;
	v13 =	vpop (erf);
	v14 =	vmax.f32 v3, v4  }
0x3c5: {  	v35 =	vsub.f32 v53, v46;
	(xrf2) =	vadd.scan.msk.f32 $0xffff, v0;
	v42 =	vmul.f32 v13, v9;
	v0 =	vmax.f32 v7, v14  }
0x3c6: {  	v46 =	vsub.f32 v54, v56;
	v1 =	vsub.f32 v1, v0  }
0x3c7: {  	v54 =	vsub.f32 v2, v0;
	v2 =	vsub.f32 v55, v5;
	v55 =	vmul.f32 v42, v12;
	v12 =	vld [tilespmem:$0x1FDA0];
	_ =	sdelay $0x1  }
0x3c8: {  	v1 =	vmul.f32 $1.442695020e+00, v1  }
0x3c9: {  	v5 =	vmul.f32 $1.442695020e+00, v54  }
0x3ca: {  	v3 =	vsub.f32 v3, v0;
	v0 =	vsub.f32 v4, v0  }
0x3cb: {  	v56 =	vmul.f32 v42, v12;
	v12 =	vld [tilespmem:$0x1FDB0]  }
0x3cc: {  	v40 =	vsub.f32 v40, v58;
	v0 =	vmul.f32 $1.442695020e+00, v0;
	(erf) = vpow2.f32 v1;
	v1, _, _ =	vpop (xrf2)  }
0x3cd: {  	s15 =	simm.s32 $0x281;
	v15 =	vsub.f32 v45, v15;
	v3 =	vmul.f32 $1.442695020e+00, v3;
	(erf) = vpow2.f32 v5;
	v5, _, _ =	vpop (xrf2)  }
0x3ce: {  	s14 =	simm.s32 $0x81;
	s16 =	simm.s32 $0x481;
	v34 =	vsub.f32 v52, v59;
	v9 =	vmov s15;
	v44 =	vmul.f32 v13, v10;
	v58, _, _ =	vpop (xrf2)  }
0x3cf: {  	v10 =	vld [tilespmem:$0x1FDC0];
	v7 =	vmov s14;
	v4 =	vmov s16;
	(erf) = vpow2.f32 v3;
	v59, _, _ =	vpop (xrf2)  }
0x3d0: {  	v1 =	vadd.f32 $0.0e+00, v1;
	(erf) = vpow2.f32 v0;
	v0, _, _ =	vpop (xrf2);
	v43 =	vadd.f32 v55, v12;
	v12 =	vld [tilespmem:$0x1FDD0]  }
0x3d1: {  	s17 =	simm.s32 $0x681;
	v5 =	vadd.f32 $0.0e+00, v5;
	v52 =	vadd.f32 $0.0e+00, v58;
	v0 =	vbroadcast v0, $0xF  }
0x3d2: {  	v3 =	vmov s17;
	v1 =	vbroadcast v1, $0xF;
	v45 =	vadd.f32 $0.0e+00, v59  }
0x3d3: {  	v5 =	vbroadcast v5, $0xF;
	v52 =	vbroadcast v52, $0xF;
	v0 =	vadd.f32 v0, v31  }
0x3d4: {  	s24 =	simm.s32 $0x80;
	v10 =	vadd.f32 v56, v10;
	v62 =	vbroadcast v45, $0xF;
	v45 =	vmul.f32 v13, v61  }
0x3d5: {  	v55 =	vmov s24;
	v1 =	vadd.f32 v0, v1;
	v60 =	vmul.f32 v44, v12;
	v12 =	vld [tilespmem:$0x1FDE0]  }
0x3d6: {  	s28 =	simm.s32 $0x680;
	[tilespmem:$0x1FD60] =	vst v16;
	v59 =	vmul.f32 v45, v6;
	v5 =	vadd.f32 v0, v5;
	v56 =	vadd.f32 v0, v52  }
0x3d7: {  	[tilespmem:$0x1FD70] =	vst v15;
	v36 =	vmul.f32 v45, v51;
	v0 =	vadd.f32 v0, v62;
	v62 =	vmov s28  }
0x3d8: {  	[tilespmem:v7+s1+$0x0] =	vst.idx.msk vm0, v63;
	v53 =	vmax.f32 v1, $0.0e+00;
	v52 =	vmax.f32 v5, $0.0e+00;
	v51 =	vmax.f32 v56, $0.0e+00  }
0x3d9: {  	s25 =	simm.s32 $0x280;
	s26 =	simm.s32 $0x480;
	[tilespmem:v7+s4+$0x0] =	vst.idx.msk $0x1, v50;
	v50 =	vand.u32 $0xFFFFFFFE, v55;
	v54 =	vadd.f32 v43, v60;
	v43 =	vmul.f32 v13, v57;
	v1 =	vpop (erf)  }
0x3da: {  	v13 =	vmov s25;
	v57 =	vmov s26;
	[tilespmem:v9+s4+$0x0] =	vst.idx.msk $0x1, v47;
	v6 =	vpop (erf);
	v58 =	vmul.f32 v44, v12  }
0x3db: {  	[tilespmem:v4+s4+$0x0] =	vst.idx.msk $0x1, v48;
	v4 =	vand.u32 $0xFFFFFFFE, v13;
	v5 =	vadd.f32 v54, v59;
	v63 =	vadd.f32 v6, v1  }
0x3dc: {  	v47 =	vpop (erf);
	[tilespmem:v3+s4+$0x0] =	vst.idx.msk $0x1, v49;
	v3 =	vand.u32 $0xFFFFFFFE, v57;
	v7 =	vadd.f32 v10, v58;
	v10 =	vmax.f32 v0, $0.0e+00  }
0x3dd: {  	v13 =	vadd.f32 v63, v47;
	v0 =	vmax.f32 v53, v52;
	v61 =	vmax.f32 v51, v10  }
0x3de: {  	s29 =	simm.s32 $0x2;
	s31 =	simm.s32 $0xC880;
	v30 =	vmovc v8;
	s24 =	simm.s32 $0x0;
	v31 =	vmovc v11;
	v54 =	vmax.f32 v0, v61;
	v9 =	vadd.f32 v7, v36;
	v0 =	vand.u32 $0xFFFFFFFE, v62  }
.LBB2_10:
0x3df: {  	v48 =	vsub.f32 v53, v54;
	v49 =	vsub.f32 v52, v54  }
0x3e0: {  	v57 =	vpop (erf);
	v51 =	vsub.f32 v51, v54  }
0x3e1: {  	[tilespmem:$0x1FC90] =	vst v35;
	v13 =	vadd.f32 v13, v57;
	v35 =	vmul.f32 $1.442695020e+00, v48;
	v36 =	vmul.f32 $1.442695020e+00, v49  }
0x3e2: {  	[tilespmem:$0x1FD00] =	vst v34;
	v63 =	vmul.f32 v43, v17;
	v34 =	vmul.f32 v43, v22  }
0x3e3: {  	v8 =	vmov v2;
	v2 =	vmul.f32 $1.442695020e+00, v51;
	(erf) = vrcp.f32 v13  }
0x3e4: {  	(erf) = vpow2.f32 v35;
	v5 =	vadd.f32 v5, v63;
	v9 =	vadd.f32 v9, v34  }
0x3e5: {  	(erf) = vpow2.f32 v36  }
0x3e6: {  	(erf) = vpow2.f32 v2;
	v5 =	vand.u32 $0x7FFFFFFF, v5;
	v2 =	vand.u32 $0x7FFFFFFF, v9  }
0x3e7: {  	v7 =	vld [tilespmem:s31+$0x10];
	v2 =	vadd.f32 v2, v5  }
0x3e8: {  	v55 =	vld [tilespmem:s31+$0x30]  }
0x3e9: {  	(xrf2) =	vadd.scan.msk.f32 $0xffff, v2;
	v2 =	vld [tilespmem:$0x1FD50]  }
0x3ea: {  	v16 =	vld [tilespmem:$0x1FF40]  }
0x3eb: {  	s21 =	sadd.s32 $0x100, s21;
	v27 =	vld [tilespmem:$0x1FEF0]  }
0x3ec: {  	v58 =	vld [tilespmem:s21+$0xFFFFFFF0]  }
0x3ed: {  	v59 =	vld [tilespmem:s21+$0x0]  }
0x3ee: {  	v11 =	vmovc v46;
	v46 =	vld [tilespmem:s31+$0x20];
	v22 =	vsub.f32 v25, v18;
	v25 =	vsub.f32 v2, v19;
	v2 =	vmov v55  }
0x3ef: {  	[tilespmem:$0x1FCD0] =	vst v2;
	v2 =	vld [tilespmem:$0x1FD30]  }
0x3f0: {  	s23 =	sadd.s32 $0x100, s23;
	v34 =	vld [tilespmem:$0x1FDF0]  }
0x3f1: {  	v60 =	vld [tilespmem:s23+$0x0]  }
0x3f2: {  	v10 =	vsub.f32 v10, v54;
	v61 =	vld [tilespmem:s23+$0x30]  }
0x3f3: {  	[tilespmem:$0x1FCA0] =	vst v8;
	v8 =	vld [tilespmem:$0x1FD10]  }
0x3f4: {  	v10 =	vmul.f32 $1.442695020e+00, v10;
	v13 =	vld [tilespmem:s31+$0x0];
	v19 =	vsub.f32 v2, v20;
	v20 =	vpop (erf)  }
0x3f5: {  	v62 =	vmul.f32 v55, v34;
	v2 =	vld [tilespmem:$0x1FD40];
	v55 =	vmul.f32 v20, v1  }
0x3f6: {  	v54 =	vbroadcast v50, $0x0;
	v35 =	vld [tilespmem:$0x1FF20]  }
0x3f7: {  	v29 =	vsub.f32 v23, v29;
	(erf) = vpow2.f32 v10;
	v10 =	vld [tilespmem:s23+$0x20];
	v19 =	vmul.f32 v55, v19  }
0x3f8: {  	v53 =	vbroadcast v4, $0x0;
	v39 =	vsub.f32 v28, v39;
	v28 =	vsub.f32 v37, v33;
	v9 =	vld [tilespmem:s23+$0x10]  }
0x3f9: {  	v51 =	vbroadcast v3, $0x0;
	v23 =	vmul.f32 v59, v16;
	v36 =	vmovc v46;
	v19 =	vadd.f32 v19, v8;
	v8 =	vld [tilespmem:$0x1FD20]  }
0x3fa: {  	v37 =	vmul.f32 v60, v30;
	v63 =	vmul.f32 v36, v27;
	v18 =	vsub.f32 v2, v21  }
0x3fb: {  	v4 =	vld [tilespmem:s23+$0xFFFFFF90];
	v24 =	vmul.f32 v13, v27;
	v3 =	vmul.f32 v58, v35  }
0x3fc: {  	[tilespmem:$0x1FCF0] =	vst v38;
	v52 =	vld [tilespmem:s23+$0xFFFFFFB0];
	v56 =	vmul.f32 v10, v30;
	v18 =	vmul.f32 v55, v18  }
0x3fd: {  	v41 =	vsub.f32 v32, v41;
	v50 =	vld [tilespmem:s23+$0xFFFFFFC0];
	[tilespmem:$0x1FCB0] =	vst v11;
	v38 =	vmul.f32 v9, v31;
	v6 =	vmul.f32 v20, v6  }
0x3fe: {  	v49 =	vld [tilespmem:s23+$0xFFFFFFE0];
	v21 =	vadd.f32 v23, v3;
	v23 =	vmul.f32 v61, v31;
	v11 =	vadd.f32 v18, v8;
	v8 =	vmovc v7  }
0x3ff: {  	v46 =	vld [tilespmem:s23+$0xFFFFFFD0];
	v33 =	vmul.f32 v7, v34;
	v32 =	vadd.f32 v38, v37;
	v15 =	vmul.f32 v6, v22  }
0x400: {  	v57 =	vmul.f32 v20, v57;
	v14 =	vadd.f32 v23, v56;
	v56 =	vmul.f32 v20, v47;
	v23 =	vld [tilespmem:s23+$0x40]  }
0x401: {  	v5 =	vld [tilespmem:s23+$0xFFFFFFA0];
	v25 =	vmul.f32 v6, v25;
	v2 =	vpop (erf);
	v15 =	vadd.f32 v19, v15;
	[tilespmem:$0x1FCE0] =	vst v8;
	v8 =	vmov v58  }
0x402: {  	v37 =	vld [tilespmem:s23+$0x50];
	v3 =	vpop (erf);
	(xrf2) =	vadd.scan.msk.f32 $0xffff, v21;
	v20 =	vmul.f32 v56, v29;
	v21 =	vmul.f32 v56, v28;
	v14 =	vadd.f32 v63, v14  }
0x403: {  	v63 =	vadd.f32 v3, v2;
	v7 =	vadd.f32 v24, v32;
	v32 =	vld [tilespmem:s23+$0x60];
	v24 =	vmul.f32 v57, v41  }
0x404: {  	v29 =	vld [tilespmem:s31+$0x40];
	v15 =	vadd.f32 v15, v20;
	v19 =	vadd.f32 v11, v25;
	[tilespmem:$0x1FD10] =	vst v8;
	v8 =	vmov v59  }
0x405: {  	v18 =	vld [tilespmem:s31+$0xFFFFFFC0];
	v14 =	vadd.f32 v62, v14;
	v7 =	vadd.f32 v33, v7;
	v25 =	vmul.f32 v23, v30  }
0x406: {  	v17, _, _ =	vpop (xrf2);
	v33 =	vld [tilespmem:s31+$0x50];
	v15 =	vadd.f32 v15, v24;
	v58 =	vmul.f32 v5, v30;
	v20 =	vadd.f32 v19, v21  }
0x407: {  	v28 =	vld [tilespmem:s23+$0x70];
	v21 =	vmul.f32 v57, v39;
	(xrf2) =	vadd.scan.msk.f32 $0xffff, v7;
	v7 =	vmul.f32 v37, v31;
	[tilespmem:$0x1FD20] =	vst v8;
	v8 =	vmovc v13  }
0x408: {  	v11 =	vmovc v9;
	v39 =	vld [tilespmem:s31+$0x70];
	v19 =	vmul.f32 v50, v30;
	v9 =	vand.u32 $0x7FFFFFFF, v15;
	v15 =	vmul.f32 v32, v30  }
0x409: {  	v41 =	vld [tilespmem:s31+$0x60];
	[tilespmem:$0x1FD40] =	vst v11;
	v24 =	vadd.f32 v20, v21;
	v59 =	vmul.f32 v29, v27;
	v7 =	vadd.f32 v7, v25  }
0x40a: {  	v38 =	vmovc v40;
	v62 =	vld [tilespmem:s23+$0xFFFFFF80];
	v11 =	vmul.f32 v46, v31;
	v25 =	vmul.f32 v18, v27;
	[tilespmem:$0x1FCC0] =	vst v8;
	v8 =	vmov v60  }
0x40b: {  	v40 =	vmovc v10;
	v10 =	vld [tilespmem:s31+$0xFFFFFF80];
	(xrf2) =	vadd.scan.msk.f32 $0xffff, v14;
	v14 =	vand.u32 $0x7FFFFFFF, v24;
	v7 =	vadd.f32 v59, v7;
	v59 =	vmul.f32 v33, v34  }
0x40c: {  	v48 =	vld [tilespmem:s23+$0xFFFFFFF0];
	v13 =	vmul.f32 v4, v31;
	v9 =	vadd.f32 v14, v9;
	v60 =	vmul.f32 v28, v31  }
0x40d: {  	v20 =	vld [tilespmem:s31+$0xFFFFFF90];
	v22 =	vmul.f32 v39, v34;
	v7 =	vadd.f32 v59, v7;
	[tilespmem:$0x1FD30] =	vst v8;
	v8 =	vmov v61  }
0x40e: {  	v14 =	vld [tilespmem:s31+$0xFFFFFFA0];
	(xrf2) =	vadd.scan.msk.f32 $0xffff, v9;
	v15 =	vadd.f32 v60, v15;
	[tilespmem:$0x1FD50] =	vst v8;
	v8 =	vmul.f32 v41, v27  }
0x40f: {  	v11 =	vadd.f32 v11, v19;
	v9 =	vmul.f32 v62, v30;
	v60 =	vld [tilespmem:s31+$0xFFFFFFE0];
	v61 =	vmul.f32 v52, v31  }
0x410: {  	v12, _, _ =	vpop (xrf2);
	v24 =	vmul.f32 v10, v27;
	v59 =	vmul.f32 v49, v30;
	(xrf2) =	vadd.scan.msk.f32 $0xffff, v7;
	v7 =	vld [tilespmem:s31+$0xFFFFFFD0];
	v8 =	vadd.f32 v8, v15  }
0x411: {  	v13 =	vadd.f32 v13, v9;
	v9 =	vld [tilespmem:s31+$0xFFFFFFF0];
	v61 =	vadd.f32 v61, v58;
	v58 =	vmul.f32 v48, v31  }
0x412: {  	v21 =	vld [tilespmem:s31+$0xFFFFFFB0];
	v11 =	vadd.f32 v25, v11;
	v8 =	vadd.f32 v22, v8  }
0x413: {  	s2 =	sadd.s32 $0x83, s24;
	v19 =	vmul.f32 v14, v27;
	v13 =	vadd.f32 v24, v13;
	v22 =	vmovc v26;
	v26 =	vadd.f32 v58, v59;
	v59 =	vld [tilespmem:s21+$0xFFFFFF70]  }
0x414: {  	v15, _, _ =	vpop (xrf2);
	v24 =	vmul.f32 v60, v27;
	v27 =	vmul.f32 v20, v34;
	v58 =	vld [tilespmem:s21+$0xFFFFFF80];
	(xrf2) =	vadd.scan.msk.f32 $0xffff, v8;
	v8 =	vmov s2  }
0x415: {  	s14 =	sadd.s32 $0x283, s24;
	v19 =	vadd.f32 v19, v61;
	[tilespmem:v54+s1+$0x0] =	vst.idx.msk vm0, v17;
	v17 =	vmul.f32 v7, v34  }
0x416: {  	v1 =	vpop (erf);
	[tilespmem:v54+s4+$0x0] =	vst.idx.msk $0x1, v42;
	v42 =	vmul.f32 v9, v34;
	v24 =	vadd.f32 v24, v26;
	v26 =	vmov s14  }
0x417: {  	v25, _, _ =	vpop (xrf2);
	v61 =	vmul.f32 v21, v34;
	v13 =	vadd.f32 v27, v13;
	v11 =	vadd.f32 v17, v11  }
0x418: {  	v34, _, _ =	vpop (xrf2);
	[tilespmem:v53+s4+$0x0] =	vst.idx.msk $0x1, v44;
	v17 =	vadd.f32 v42, v24;
	v24 =	vadd.f32 v63, v1  }
0x419: {  	(xrf2) =	vadd.scan.msk.f32 $0xffff, v13;
	v53 =	vmul.f32 v59, v35;
	v13 =	vmul.f32 v58, v16;
	[tilespmem:v8+s1+$0x0] =	vst.idx.msk vm0, v34  }
0x41a: {  	v47 =	vpop (erf);
	[tilespmem:v8+s4+$0x0] =	vst.idx.msk $0x1, v55  }
0x41b: {  	v16 =	vld [tilespmem:$0x1FFA0];
	[tilespmem:v26+s4+$0x0] =	vst.idx.msk $0x1, v6;
	v6 =	vadd.f32 v13, v53;
	v13 =	vadd.f32 v24, v47  }
0x41c: {  	v19 =	vadd.f32 v61, v19  }
0x41d: {  	v4 =	vsub.f32 v4, v20;
	v8 =	vsub.f32 v62, v10;
	v10, _, _ =	vpop (xrf2);
	(erf) = vrcp.f32 v13  }
0x41e: {  	v12 =	vbroadcast v12, $0xF;
	v15 =	vadd.f32 $0.0e+00, v15;
	(xrf2) =	vadd.scan.msk.f32 $0xffff, v19;
	v19 =	vadd.f32 $0.0e+00, v25;
	v20, _, _ =	vpop (xrf2)  }
0x41f: {  	v10 =	vadd.f32 $0.0e+00, v10;
	v20 =	vadd.f32 $0.0e+00, v20  }
0x420: {  	v13 =	vbroadcast v19, $0xF;
	(xrf2) =	vadd.scan.msk.f32 $0xffff, v11;
	v11 =	vadd.f32 v12, v16;
	v12 =	vbroadcast v15, $0xF  }
0x421: {  	v10 =	vbroadcast v10, $0xF;
	v19 =	vbroadcast v20, $0xF  }
0x422: {  	(xrf2) =	vadd.scan.msk.f32 $0xffff, v17;
	v12 =	vadd.f32 v11, v12;
	v13 =	vadd.f32 v11, v13  }
0x423: {  	v15, _, _ =	vpop (xrf2);
	v10 =	vadd.f32 v11, v10;
	v11 =	vadd.f32 v11, v19  }
0x424: {  	v0 =	vbroadcast v0, $0x0;
	v15 =	vadd.f32 $0.0e+00, v15;
	v12 =	vmax.f32 v12, $0.0e+00  }
0x425: {  	v13 =	vmax.f32 v13, $0.0e+00;
	v10 =	vmax.f32 v10, $0.0e+00;
	v11 =	vmax.f32 v11, $0.0e+00  }
0x426: {  	(xrf2) =	vadd.scan.msk.f32 $0xffff, v6;
	v6 =	vbroadcast v15, $0xF;
	v15 =	vmax.f32 v12, v13;
	v24 =	vmax.f32 v10, v11;
	v20 =	vpop (erf)  }
0x427: {  	v15 =	vmax.f32 v15, v24;
	v42 =	vmul.f32 v20, v2;
	v2 =	vld [tilespmem:$0x1FC90]  }
0x428: {  	v12 =	vsub.f32 v12, v15  }
0x429: {  	[tilespmem:v51+s4+$0x0] =	vst.idx.msk $0x1, v45;
	v13 =	vsub.f32 v13, v15  }
0x42a: {  	[tilespmem:v0+s4+$0x0] =	vst.idx.msk $0x1, v43;
	v0 =	vsub.f32 v52, v21;
	v21, _, _ =	vpop (xrf2);
	v12 =	vmul.f32 $1.442695020e+00, v12  }
0x42b: {  	v44 =	vmul.f32 v20, v3;
	v24, _, _ =	vpop (xrf2);
	v3 =	vmul.f32 $1.442695020e+00, v13  }
0x42c: {  	v13 =	vmul.f32 v42, v2;
	v2 =	vsub.f32 v48, v9;
	v9, _, _ =	vpop (xrf2);
	(erf) = vpow2.f32 v12  }
0x42d: {  	(erf) = vpow2.f32 v3;
	v3 =	vadd.f32 $0.0e+00, v9;
	v9 =	vld [tilespmem:$0x1FD60]  }
0x42e: {  	v10 =	vsub.f32 v10, v15;
	_ =	sdelay $0x1  }
0x42f: {  	v10 =	vmul.f32 $1.442695020e+00, v10  }
0x430: {  	v18 =	vsub.f32 v50, v18  }
0x431: {  	v5 =	vsub.f32 v5, v14;
	(erf) = vpow2.f32 v10;
	v9 =	vadd.f32 v13, v9;
	v13, _, _ =	vpop (xrf2)  }
0x432: {  	s25 =	sadd.s32 $0x282, s24;
	v7 =	vsub.f32 v46, v7;
	v10 =	vbroadcast v13, $0xF;
	v13 =	vbroadcast v3, $0xF;
	v3 =	vld [tilespmem:$0x1FD80]  }
0x433: {  	s15 =	sadd.s32 $0x483, s24;
	s16 =	sadd.s32 $0x683, s24;
	v14 =	vmov s25;
	v46 =	vsub.f32 v49, v60;
	v11 =	vsub.f32 v11, v15  }
0x434: {  	v27 =	vmov s15;
	v54 =	vmov s16;
	v24 =	vadd.f32 $0.0e+00, v24  }
0x435: {  	v4 =	vmovc v4;
	v21 =	vadd.f32 $0.0e+00, v21;
	v45 =	vmul.f32 v20, v1;
	v11 =	vmul.f32 $1.442695020e+00, v11;
	v12 =	vld [tilespmem:$0x1FD70]  }
0x436: {  	s17 =	sadd.s32 $0x82, s24;
	v35 =	vmovc v8;
	v8 =	vbroadcast v24, $0xF;
	[tilespmem:$0x1FD70] =	vst v4;
	v4 =	vand.u32 $0xFFFFFFFE, v14;
	v14 =	vmovc v5;
	v5 =	vadd.f32 v10, v16  }
0x437: {  	v63 =	vmov s17;
	v1 =	vld [tilespmem:$0x1FCF0];
	(erf) = vpow2.f32 v11;
	v11 =	vmul.f32 v44, v3  }
0x438: {  	s28 =	sadd.s32 $0x682, s24;
	v50 =	vand.u32 $0xFFFFFFFE, v63;
	v21 =	vbroadcast v21, $0xF;
	v16 =	vadd.f32 v5, v6  }
0x439: {  	v19 =	vmov s28;
	v8 =	vadd.f32 v5, v8;
	v9 =	vadd.f32 v9, v11  }
0x43a: {  	s26 =	sadd.s32 $0x482, s24;
	v34 =	vmovc v7;
	v12 =	vmul.f32 v42, v12;
	v11 =	vadd.f32 v5, v21;
	v5 =	vadd.f32 v5, v13;
	v13 =	vld [tilespmem:$0x1FD00]  }
0x43b: {  	s7 =	smov.u32 s29;
	s29 =	sadd.s32 $0x2, s29;
	v25 =	vmovc v40;
	v40 =	vmovc v0;
	v26 =	vmov v58;
	v17 =	vmov s26;
	v0 =	vand.u32 $0xFFFFFFFE, v19  }
0x43c: {  	p1 =	slt.u32 s29, $0x7E;
	v43 =	vmul.f32 v20, v47;
	v12 =	vadd.f32 v12, v22;
	[tilespmem:$0x1FD80] =	vst v14;
	v14 =	vmul.f32 v45, v1;
	v1 =	vpop (erf)  }
.Ltmp4:
0x43d: {  	[tilespmem:v27+s4+$0x0] =	vst.idx.msk $0x1, v56;
	v19 =	vld [tilespmem:$0x1FCD0];
	v10 =	vmul.f32 v44, v38;
	v6 =	vpop (erf);
	v3 =	vand.u32 $0xFFFFFFFE, v17;
	v53 =	vmax.f32 v16, $0.0e+00;
	(pc) =	sbr.rel @p1 .LBB2_10-.Ltmp4, $4  }
0x43e: {  	[tilespmem:v54+s4+$0x0] =	vst.idx.msk $0x1, v57;
	v20 =	vld [tilespmem:$0x1FCC0];
	v15 =	vmovc v59;
	v51 =	vmax.f32 v8, $0.0e+00;
	v8 =	vadd.f32 v6, v1;
	v52 =	vmax.f32 v11, $0.0e+00  }
0x43f: {  	[tilespmem:$0x1FD60] =	vst v15;
	v22 =	vld [tilespmem:$0x1FCA0];
	v38 =	vmovc v18;
	v11 =	vadd.f32 v12, v10;
	v10 =	vmax.f32 v5, $0.0e+00;
	v15 =	vmul.f32 v45, v13  }
0x440: {  	v17 =	vld [tilespmem:$0x1FCB0];
	v47 =	vpop (erf);
	v5 =	vadd.f32 v9, v14;
	v7 =	vmax.f32 v53, v52;
	v12 =	vmax.f32 v51, v10  }
0x441: {  	s24 =	smov.u32 s7;
	s31 =	sadd.s32 $0x100, s31;
	v18 =	vmovc v36;
	v21 =	vld [tilespmem:$0x1FCE0];
	v54 =	vmax.f32 v7, v12;
	v13 =	vadd.f32 v8, v47;
	v9 =	vadd.f32 v11, v15  }
0x442: {  	v7 =	vsub.f32 v53, v54;
	v8 =	vpop (erf)  }
0x443: {  	v11 =	vsub.f32 v52, v54;
	v12 =	vadd.f32 v13, v8  }
0x444: {  	v7 =	vmul.f32 $1.442695020e+00, v7  }
0x445: {  	v63 =	vsub.f32 v51, v54;
	v11 =	vmul.f32 $1.442695020e+00, v11;
	(erf) = vrcp.f32 v12  }
0x446: {  	(erf) = vpow2.f32 v7  }
0x447: {  	v15 =	vsub.f32 v10, v54;
	v16 =	vmul.f32 $1.442695020e+00, v63;
	(erf) = vpow2.f32 v11;
	_ =	sdelay $0x1  }
0x448: {  	v7 =	vmul.f32 $1.442695020e+00, v15;
	(erf) = vpow2.f32 v16;
	_ =	sdelay $0x1  }
0x449: {  	(erf) = vpow2.f32 v7;
	_ =	sdelay $0x2  }
0x44a: {  	v36 =	vpop (erf)  }
0x44b: {  	v48 =	vpop (erf)  }
0x44c: {  	v11 =	vpop (erf)  }
0x44d: {  	v49 =	vadd.f32 v11, v48  }
0x44e: {  	v51 =	vpop (erf)  }
0x44f: {  	v53 =	vld [tilespmem:$0x1FD30];
	v12 =	vadd.f32 v49, v51  }
0x450: {  	v16 =	vld [tilespmem:$0x1FD40];
	v14 =	vpop (erf)  }
0x451: {  	v12 =	vadd.f32 v12, v14  }
0x452: {  	v54 =	vsub.f32 v32, v41;
	v56 =	vsub.f32 v25, v18;
	v58 =	vld [tilespmem:$0x1FD50]  }
0x453: {  	v57 =	vsub.f32 v23, v29;
	v59 =	vld [tilespmem:$0x1FD10];
	v60 =	vsub.f32 v37, v33;
	(erf) = vrcp.f32 v12  }
0x454: {  	v61 =	vld [tilespmem:$0x1FD20];
	v52 =	vmul.f32 v43, v22;
	v1 =	vmul.f32 v36, v1;
	v12 =	vsub.f32 v53, v20  }
0x455: {  	v63 =	vsub.f32 v28, v39;
	v15 =	vmul.f32 v43, v17;
	v55 =	vsub.f32 v16, v21  }
0x456: {  	v9 =	vadd.f32 v9, v52;
	v6 =	vmul.f32 v36, v6;
	v12 =	vmul.f32 v1, v12  }
0x457: {  	v19 =	vsub.f32 v58, v19;
	v5 =	vadd.f32 v5, v15;
	v17 =	vmul.f32 v1, v55  }
0x458: {  	v16 =	vmul.f32 v6, v56;
	v20 =	vmul.f32 v36, v47;
	v12 =	vadd.f32 v12, v59  }
0x459: {  	v9 =	vand.u32 $0x7FFFFFFF, v9;
	v19 =	vmul.f32 v6, v19;
	v17 =	vadd.f32 v17, v61  }
0x45a: {  	v7 =	vmul.f32 v36, v8;
	v36 =	vld [tilespmem:$0x1FD70];
	v62 =	vmul.f32 v20, v57;
	v12 =	vadd.f32 v12, v16  }
0x45b: {  	v39 =	vld [tilespmem:$0x1FD80];
	v5 =	vand.u32 $0x7FFFFFFF, v5;
	v17 =	vadd.f32 v17, v19;
	v22 =	vmul.f32 v20, v60  }
0x45c: {  	v37 =	vld [tilespmem:$0x1FD60];
	v5 =	vadd.f32 v9, v5;
	v15 =	vmul.f32 v7, v54;
	v8 =	vadd.f32 v12, v62;
	v23 =	vpop (erf)  }
0x45d: {  	v17 =	vadd.f32 v17, v22;
	v16 =	vmul.f32 v7, v63;
	v10 =	vmul.f32 v23, v48  }
0x45e: {  	v8 =	vadd.f32 v8, v15;
	v32 =	vmul.f32 v23, v11;
	v13 =	vmul.f32 v23, v51  }
0x45f: {  	v33 =	vmul.f32 v10, v35;
	v35 =	vadd.f32 v17, v16;
	v16 =	vmul.f32 v10, v36  }
0x460: {  	v8 =	vand.u32 $0x7FFFFFFF, v8;
	v17 =	vmul.f32 v32, v39;
	v41 =	vmul.f32 v32, v40  }
0x461: {  	v11 =	vadd.f32 v33, v37;
	v15 =	vand.u32 $0x7FFFFFFF, v35;
	v16 =	vadd.f32 v16, v26  }
0x462: {  	(xrf2) =	vadd.scan.msk.f32 $0xffff, v5;
	v12 =	vmul.f32 v23, v14;
	v49 =	vmul.f32 v13, v38;
	v47 =	vadd.f32 v15, v8  }
0x463: {  	v51 =	vmul.f32 v13, v34;
	v48 =	vadd.f32 v11, v17;
	v52 =	vadd.f32 v16, v41  }
0x464: {  	v54 =	vmul.f32 v12, v46  }
0x465: {  	v2 =	vmul.f32 v12, v2;
	(xrf2) =	vadd.scan.msk.f32 $0xffff, v47;
	v8 =	vadd.f32 v48, v49;
	v53 =	vadd.f32 v52, v51;
	_ =	sdelay $0x1  }
0x466: {  	v55 =	vbroadcast v50, $0x0;
	v8 =	vadd.f32 v8, v54;
	v2 =	vadd.f32 v53, v2;
	_ =	sdelay $0x1  }
0x467: {  	v4 =	vbroadcast v4, $0x0;
	v56 =	vand.u32 $0x7FFFFFFF, v8;
	v2 =	vand.u32 $0x7FFFFFFF, v2  }
0x468: {  	s2 =	sadd.s32 $0x83, s24;
	v2 =	vadd.f32 v2, v56  }
0x469: {  	v57 =	vmov s2  }
0x46a: {  	s13 =	sadd.s32 $0x283, s24;
	v58, _, _ =	vpop (xrf2);
	(xrf2) =	vadd.scan.msk.f32 $0xffff, v2  }
0x46b: {  	v24 =	vld [tilespmem:$0x1FF20];
	v3 =	vbroadcast v3, $0x0;
	[tilespmem:v55+s1+$0x0] =	vst.idx.msk vm0, v58;
	v2 =	vmov s13  }
0x46c: {  	s3 =	sadd.s32 $0x82, s24;
	v0 =	vbroadcast v0, $0x0;
	[tilespmem:v55+s4+$0x0] =	vst.idx.msk $0x1, v42  }
0x46d: {  	s14 =	sadd.s32 $0x483, s24;
	[tilespmem:v4+s4+$0x0] =	vst.idx.msk $0x1, v44;
	v62 =	vmov s3;
	v60, _, _ =	vpop (xrf2)  }
0x46e: {  	s15 =	sadd.s32 $0x683, s24;
	s16 =	sadd.s32 $0x282, s24;
	v59 =	vmov s14;
	v4 =	vand.u32 $0xFFFFFFFE, v62;
	[tilespmem:v57+s1+$0x0] =	vst.idx.msk vm0, v60  }
0x46f: {  	s17 =	sadd.s32 $0x482, s24;
	v61 =	vmov s15;
	v4 =	vbroadcast v4, $0x0;
	[tilespmem:v57+s4+$0x0] =	vst.idx.msk $0x1, v1;
	v1 =	vmov s16  }
0x470: {  	s21 =	sadd.s32 $0x682, s24;
	[tilespmem:v2+s4+$0x0] =	vst.idx.msk $0x1, v6;
	v2 =	vmov s17;
	v1 =	vand.u32 $0xFFFFFFFE, v1  }
0x471: {  	[tilespmem:v3+s4+$0x0] =	vst.idx.msk $0x1, v45;
	v63 =	vmov s21;
	v2 =	vand.u32 $0xFFFFFFFE, v2;
	v1 =	vbroadcast v1, $0x0  }
0x472: {  	[tilespmem:v0+s4+$0x0] =	vst.idx.msk $0x1, v43;
	v5 =	vand.u32 $0xFFFFFFFE, v63;
	v2 =	vbroadcast v2, $0x0  }
0x473: {  	v3 =	vbroadcast v5, $0x0;
	[tilespmem:v59+s4+$0x0] =	vst.idx.msk $0x1, v20  }
0x474: {  	[tilespmem:v61+s4+$0x0] =	vst.idx.msk $0x1, v7;
	v0, _, _ =	vpop (xrf2)  }
0x475: {  	[tilespmem:v4+s1+$0x0] =	vst.idx.msk vm0, v0  }
0x476: {  	[tilespmem:v4+s4+$0x0] =	vst.idx.msk $0x1, v10  }
0x477: {  	[tilespmem:v1+s4+$0x0] =	vst.idx.msk $0x1, v32  }
0x478: {  	[tilespmem:v2+s4+$0x0] =	vst.idx.msk $0x1, v13  }
0x479: {  	s23 =	simm.s32 $0x1;
	[tilespmem:v3+s4+$0x0] =	vst.idx.msk $0x1, v12  }
0x47a: {  	_ =	swait.ge [sflag:s23], $0x4000  }
0x47b: {  	[sflag:s23] =	ssyncset.done $0x0  }
0x47c: {  	s24 =	simm.s32 $0x3;
	[sflag:s23] =	ssyncadd.s32 $0xFFFFC000  }
0x47d: {  	_ =	swait.ge [sflag:s24], $0x4000  }
0x47e: {  	[sflag:s24] =	ssyncset.done $0x0  }
0x47f: {  	s25 =	simm.s32 $0x5;
	[sflag:s24] =	ssyncadd.s32 $0xFFFFC000  }
0x480: {  	_ =	swait.ge [sflag:s25], $0x4000  }
0x481: {  	[sflag:s25] =	ssyncset.done $0x0  }
0x482: {  	s26 =	simm.s32 $0x4600;
	s28 =	simm.s32 $0x180;
	[sflag:s25] =	ssyncadd.s32 $0xFFFFC000  }
0x483: {  	[tilespmem:s26], [sflag:$0x2] =	stream.indirect.gather [hbm4b:s0+s22], $0x80, s28, s22, $0xb8;
	[tilespmem:$0x19300] =	vst v63  }
0x484: {  	s29 =	simm.s32 $0xC600;
	s31 =	simm.s32 $0x580;
	s21 =	simm.s32 $0x380  }
0x485: {  	[tilespmem:s29], [sflag:$0x4] =	stream.indirect.gather [hbm4b:s0+s22], $0x80, s31, s22, $0xb8;
	[tilespmem:$0x19300] =	vst v63  }
0x486: {  	v0 =	vld [tilespmem:s21+$0x0];
	_ =	sdelay $0x4  }
0x487: {  	v0 =	vshll.u32 v0, $0x4  }
0x488: {  	(v2sf) =	vpush v0, $0x0  }
0x489: {  	(v2sf) =	vpush v0, $0x1  }
0x48a: {  	(v2sf) =	vpush v0, $0x2;
	_ =	sdelay $0x1  }
0x48b: {  	(v2sf) =	vpush v0, $0x4;
	_ =	sdelay $0x1  }
0x48c: {  	(v2sf) =	vpush v0, $0x3  }
0x48d: {  	(v2sf) =	vpush v0, $0x5  }
0x48e: {  	s7 =	simm.s32 $0x0;
	s23 =	simm.s32 $0x2000;
	(v2sf) =	vpush v0, $0x6  }
.LBB2_12:
0x48f: {  	p1 =	sne.s32 s23, $0xE000  }
0x490: {  	s2 =	sadd.s32 $0x14680, s7;
	s9 =	sadd.s32 $0x14B80, s7;
	s24 =	smov.u32 s23  }
0x491: {  	s23 =	sadd.s32 $0x2000, s23;
	s12 =	sadd.s32 $0x14980, s7;
	s8 =	sadd.s32 $0x14C00, s7;
	(v2sf) =	vpush v0, $0x7  }
0x492: {  	s17 =	sadd.s32 $0x14880, s7;
	s11 =	sadd.s32 $0x14A00, s7;
	s29 =	sadd.s32 $0x14C80, s7  }
0x493: {  	s3 =	sadd.s32 $0x14600, s7;
	s14 =	sadd.s32 $0x14800, s7;
	(v2sf) =	vpush v0, $0x8  }
0x494: {  	s15 =	sadd.s32 $0x14900, s7;
	s21 =	sadd.s32 $0x10, s21  }
0x495: {  	s16 =	sadd.s32 $0x14700, s7;
	s10 =	sadd.s32 $0x14B00, s7;
	s13 =	spop (v2sf);
	(v2sf) =	vpush v0, $0x9  }
0x496: {  	s25 =	sand.u32 $0x1FFFFFF0, s13;
	s13 =	sadd.s32 $0x14A80, s7;
	s26 =	spop (v2sf)  }
0x497: {  	s25 =	sadd.s32 s6, s25;
	s26 =	sand.u32 $0x1FFFFFF0, s26;
	s28 =	spop (v2sf);
	(v2sf) =	vpush v0, $0xA  }
0x498: {  	[tilespmem:s3], [sflag:$0x6] =	stream.linear.gather [hbm4b:s25+s5], $0x80, $0x38;
	[tilespmem:$0x19300] =	vst v63  }
0x499: {  	s3 =	sadd.s32 s6, s26;
	s25 =	sadd.s32 $0x14780, s7;
	s26 =	spop (v2sf);
	(v2sf) =	vpush v0, $0xB  }
0x49a: {  	[tilespmem:s2], [sflag:$0x6] =	stream.linear.gather [hbm4b:s3+s5], $0x80, $0x38;
	[tilespmem:$0x19300] =	vst v63  }
0x49b: {  	s2 =	sand.u32 $0x1FFFFFF0, s28;
	s3 =	sand.u32 $0x1FFFFFF0, s26;
	s26 =	spop (v2sf);
	(v2sf) =	vpush v0, $0xC  }
0x49c: {  	s2 =	sadd.s32 s6, s2;
	s26 =	sand.u32 $0x1FFFFFF0, s26;
	s28 =	spop (v2sf)  }
0x49d: {  	[tilespmem:s16], [sflag:$0x6] =	stream.linear.gather [hbm4b:s2+s5], $0x80, $0x38;
	(v2sf) =	vpush v0, $0xD;
	[tilespmem:$0x19300] =	vst v63  }
0x49e: {  	s2 =	sadd.s32 s6, s26;
	s16 =	sand.u32 $0x1FFFFFF0, s28;
	s26 =	spop (v2sf)  }
0x49f: {  	[tilespmem:s25], [sflag:$0x6] =	stream.linear.gather [hbm4b:s2+s5], $0x80, $0x38;
	(v2sf) =	vpush v0, $0xE;
	[tilespmem:$0x19300] =	vst v63  }
0x4a0: {  	s2 =	sadd.s32 s6, s3;
	s3 =	sand.u32 $0x1FFFFFF0, s26;
	s25 =	spop (v2sf)  }
0x4a1: {  	[tilespmem:s14], [sflag:$0x6] =	stream.linear.gather [hbm4b:s2+s5], $0x80, $0x38;
	(v2sf) =	vpush v0, $0xF;
	[tilespmem:$0x19300] =	vst v63  }
0x4a2: {  	s2 =	sadd.s32 s6, s16;
	s14 =	sand.u32 $0x1FFFFFF0, s25;
	s16 =	spop (v2sf)  }
0x4a3: {  	[tilespmem:s17], [sflag:$0x6] =	stream.linear.gather [hbm4b:s2+s5], $0x80, $0x38;
	[tilespmem:$0x19300] =	vst v63  }
0x4a4: {  	s2 =	sadd.s32 s6, s3;
	s3 =	sand.u32 $0x1FFFFFF0, s16;
	s16 =	spop (v2sf)  }
0x4a5: {  	[tilespmem:s15], [sflag:$0x6] =	stream.linear.gather [hbm4b:s2+s5], $0x80, $0x38;
	[tilespmem:$0x19300] =	vst v63  }
0x4a6: {  	s2 =	sadd.s32 s6, s14;
	s14 =	sand.u32 $0x1FFFFFF0, s16;
	s15 =	spop (v2sf)  }
0x4a7: {  	[tilespmem:s12], [sflag:$0x6] =	stream.linear.gather [hbm4b:s2+s5], $0x80, $0x38;
	[tilespmem:$0x19300] =	vst v63  }
0x4a8: {  	s2 =	sadd.s32 s6, s3;
	s3 =	sand.u32 $0x1FFFFFF0, s15;
	s12 =	spop (v2sf)  }
0x4a9: {  	[tilespmem:s11], [sflag:$0x6] =	stream.linear.gather [hbm4b:s2+s5], $0x80, $0x38;
	[tilespmem:$0x19300] =	vst v63  }
0x4aa: {  	s2 =	sadd.s32 s6, s14;
	s11 =	sand.u32 $0x1FFFFFF0, s12;
	s12 =	spop (v2sf)  }
0x4ab: {  	[tilespmem:s13], [sflag:$0x6] =	stream.linear.gather [hbm4b:s2+s5], $0x80, $0x38;
	[tilespmem:$0x19300] =	vst v63  }
0x4ac: {  	s2 =	sadd.s32 s6, s3;
	s3 =	sand.u32 $0x1FFFFFF0, s12;
	s12 =	spop (v2sf)  }
0x4ad: {  	[tilespmem:s10], [sflag:$0x6] =	stream.linear.gather [hbm4b:s2+s5], $0x80, $0x38;
	[tilespmem:$0x19300] =	vst v63  }
0x4ae: {  	s2 =	sadd.s32 s6, s11;
	s10 =	sand.u32 $0x1FFFFFF0, s12;
	s11 =	spop (v2sf)  }
0x4af: {  	[tilespmem:s9], [sflag:$0x6] =	stream.linear.gather [hbm4b:s2+s5], $0x80, $0x38;
	[tilespmem:$0x19300] =	vst v63  }
0x4b0: {  	s2 =	sadd.s32 s6, s3;
	s3 =	sand.u32 $0x1FFFFFF0, s11;
	s9 =	spop (v2sf)  }
0x4b1: {  	[tilespmem:s8], [sflag:$0x6] =	stream.linear.gather [hbm4b:s2+s5], $0x80, $0x38;
	[tilespmem:$0x19300] =	vst v63  }
0x4b2: {  	s2 =	sadd.s32 s6, s10;
	s8 =	sand.u32 $0x1FFFFFF0, s9  }
0x4b3: {  	[tilespmem:s29], [sflag:$0x6] =	stream.linear.gather [hbm4b:s2+s5], $0x80, $0x38;
	[tilespmem:$0x19300] =	vst v63  }
0x4b4: {  	s3 =	sadd.s32 s6, s3;
	s2 =	sadd.s32 $0x14D00, s7  }
0x4b5: {  	[tilespmem:s2], [sflag:$0x6] =	stream.linear.gather [hbm4b:s3+s5], $0x80, $0x38;
	[tilespmem:$0x19300] =	vst v63  }
0x4b6: {  	s2 =	sadd.s32 $0x14D80, s7;
	s3 =	sadd.s32 s6, s8  }
0x4b7: {  	[tilespmem:s2], [sflag:$0x6] =	stream.linear.gather [hbm4b:s3+s5], $0x80, $0x38;
	[tilespmem:$0x19300] =	vst v63  }
0x4b8: {  	v0 =	vld [tilespmem:s21+$0x0];
	_ =	sdelay $0x4  }
0x4b9: {  	v0 =	vshll.u32 v0, $0x4  }
0x4ba: {  	(v2sf) =	vpush v0, $0x0  }
0x4bb: {  	(v2sf) =	vpush v0, $0x1  }
0x4bc: {  	(v2sf) =	vpush v0, $0x2;
	_ =	sdelay $0x1  }
0x4bd: {  	(v2sf) =	vpush v0, $0x4  }
.Ltmp5:
0x4be: {  	(pc) =	sbr.rel @p1 .LBB2_12-.Ltmp5, $3  }
0x4bf: {  	(v2sf) =	vpush v0, $0x3  }
0x4c0: {  	(v2sf) =	vpush v0, $0x5;
	_ =	sdelay $0x1  }
0x4c1: {  	s7 =	sshra.s32 s24, $0x2;
	(v2sf) =	vpush v0, $0x6  }
0x4c2: {  	_ =	sdelay $0x1  }
0x4c3: {  	s2 =	sadd.s32 $0x14680, s7;
	s10 =	sadd.s32 $0x14B80, s7  }
0x4c4: {  	s3 =	sadd.s32 $0x14980, s7;
	s8 =	sadd.s32 $0x14C00, s7;
	(v2sf) =	vpush v0, $0x7;
	s11 =	sadd.s32 $0x14880, s7  }
0x4c5: {  	s12 =	sadd.s32 $0x14A00, s7;
	s9 =	sadd.s32 $0x14C80, s7;
	s13 =	sadd.s32 $0x14600, s7  }
0x4c6: {  	s14 =	sadd.s32 $0x14800, s7;
	s15 =	sadd.s32 $0x14900, s7;
	(v2sf) =	vpush v0, $0x8;
	s16 =	spop (v2sf)  }
0x4c7: {  	s17 =	sadd.s32 $0x14700, s7;
	s16 =	sand.u32 $0x1FFFFFF0, s16;
	s21 =	spop (v2sf)  }
0x4c8: {  	(v2sf) =	vpush v0, $0x9;
	s16 =	sadd.s32 s6, s16;
	s21 =	sand.u32 $0x1FFFFFF0, s21;
	s23 =	spop (v2sf)  }
0x4c9: {  	[tilespmem:s13], [sflag:$0x6] =	stream.linear.gather [hbm4b:s16+s5], $0x80, $0x38;
	[tilespmem:$0x19300] =	vst v63  }
0x4ca: {  	s24 =	sadd.s32 $0x14780, s7;
	(v2sf) =	vpush v0, $0xA;
	s26 =	sadd.s32 s6, s21;
	s28 =	spop (v2sf)  }
0x4cb: {  	[tilespmem:s2], [sflag:$0x6] =	stream.linear.gather [hbm4b:s26+s5], $0x80, $0x38;
	[tilespmem:$0x19300] =	vst v63  }
0x4cc: {  	s13 =	sadd.s32 $0x14B00, s7;
	s23 =	sand.u32 $0x1FFFFFF0, s23;
	(v2sf) =	vpush v0, $0xB;
	s25 =	spop (v2sf)  }
0x4cd: {  	s16 =	sadd.s32 s6, s23;
	s2 =	sadd.s32 $0x14A80, s7;
	s23 =	sand.u32 $0x1FFFFFF0, s25  }
0x4ce: {  	(v2sf) =	vpush v0, $0xC;
	[tilespmem:s17], [sflag:$0x6] =	stream.linear.gather [hbm4b:s16+s5], $0x80, $0x38;
	[tilespmem:$0x19300] =	vst v63  }
0x4cf: {  	s26 =	sand.u32 $0x1FFFFFF0, s28;
	s28 =	spop (v2sf);
	s23 =	sadd.s32 s6, s23  }
0x4d0: {  	(v2sf) =	vpush v0, $0xD;
	[tilespmem:s24], [sflag:$0x6] =	stream.linear.gather [hbm4b:s23+s5], $0x80, $0x38;
	[tilespmem:$0x19300] =	vst v63  }
0x4d1: {  	s16 =	sadd.s32 s6, s26;
	s17 =	sand.u32 $0x1FFFFFF0, s28;
	s25 =	spop (v2sf)  }
0x4d2: {  	(v2sf) =	vpush v0, $0xE;
	[tilespmem:s14], [sflag:$0x6] =	stream.linear.gather [hbm4b:s16+s5], $0x80, $0x38;
	[tilespmem:$0x19300] =	vst v63  }
0x4d3: {  	s17 =	sadd.s32 s6, s17;
	s26 =	sand.u32 $0x1FFFFFF0, s25;
	s28 =	spop (v2sf)  }
0x4d4: {  	(v2sf) =	vpush v0, $0xF;
	[tilespmem:s11], [sflag:$0x6] =	stream.linear.gather [hbm4b:s17+s5], $0x80, $0x38;
	[tilespmem:$0x19300] =	vst v63  }
0x4d5: {  	s21 =	sand.u32 $0x1FFFFFF0, s28;
	s23 =	spop (v2sf);
	s14 =	sadd.s32 s6, s26  }
0x4d6: {  	[tilespmem:s15], [sflag:$0x6] =	stream.linear.gather [hbm4b:s14+s5], $0x80, $0x38;
	[tilespmem:$0x19300] =	vst v63  }
0x4d7: {  	s24 =	sand.u32 $0x1FFFFFF0, s23;
	s11 =	sadd.s32 s6, s21;
	s25 =	spop (v2sf)  }
0x4d8: {  	[tilespmem:s3], [sflag:$0x6] =	stream.linear.gather [hbm4b:s11+s5], $0x80, $0x38;
	[tilespmem:$0x19300] =	vst v63  }
0x4d9: {  	s14 =	sadd.s32 s6, s24;
	s26 =	sand.u32 $0x1FFFFFF0, s25;
	s28 =	spop (v2sf)  }
0x4da: {  	[tilespmem:s12], [sflag:$0x6] =	stream.linear.gather [hbm4b:s14+s5], $0x80, $0x38;
	[tilespmem:$0x19300] =	vst v63  }
0x4db: {  	s11 =	sand.u32 $0x1FFFFFF0, s28;
	s3 =	sadd.s32 s6, s26;
	s14 =	spop (v2sf)  }
0x4dc: {  	[tilespmem:s2], [sflag:$0x6] =	stream.linear.gather [hbm4b:s3+s5], $0x80, $0x38;
	[tilespmem:$0x19300] =	vst v63  }
0x4dd: {  	s11 =	sadd.s32 s6, s11;
	s15 =	sand.u32 $0x1FFFFFF0, s14;
	s16 =	spop (v2sf)  }
0x4de: {  	[tilespmem:s13], [sflag:$0x6] =	stream.linear.gather [hbm4b:s11+s5], $0x80, $0x38;
	[tilespmem:$0x19300] =	vst v63  }
0x4df: {  	s2 =	sadd.s32 s6, s15;
	s3 =	sand.u32 $0x1FFFFFF0, s16;
	s17 =	spop (v2sf)  }
0x4e0: {  	[tilespmem:s10], [sflag:$0x6] =	stream.linear.gather [hbm4b:s2+s5], $0x80, $0x38;
	[tilespmem:$0x19300] =	vst v63  }
0x4e1: {  	s21 =	sand.u32 $0x1FFFFFF0, s17;
	s3 =	sadd.s32 s6, s3;
	s23 =	spop (v2sf)  }
0x4e2: {  	[tilespmem:s8], [sflag:$0x6] =	stream.linear.gather [hbm4b:s3+s5], $0x80, $0x38;
	[tilespmem:$0x19300] =	vst v63  }
0x4e3: {  	s24 =	sand.u32 $0x1FFFFFF0, s23;
	s25 =	spop (v2sf);
	s2 =	sadd.s32 s6, s21  }
0x4e4: {  	[tilespmem:s9], [sflag:$0x6] =	stream.linear.gather [hbm4b:s2+s5], $0x80, $0x38;
	[tilespmem:$0x19300] =	vst v63  }
0x4e5: {  	v25 =	vld [tilespmem:$0x1FF40];
	s28 =	sadd.s32 $0x14D00, s7;
	s26 =	sand.u32 $0x1FFFFFF0, s25;
	s3 =	sadd.s32 s6, s24  }
0x4e6: {  	v37 =	vld [tilespmem:$0x1FDF0];
	[tilespmem:s28], [sflag:$0x6] =	stream.linear.gather [hbm4b:s3+s5], $0x80, $0x38  }
0x4e7: {  	v34 =	vld [tilespmem:$0x1FEF0];
	s10 =	simm.s32 $0x8680;
	s9 =	sadd.s32 $0x14D80, s7;
	s2 =	sadd.s32 s6, s26  }
0x4e8: {  	v20 =	vld [tilespmem:$0x1FFA0];
	[tilespmem:s9], [sflag:$0x6] =	stream.linear.gather [hbm4b:s2+s5], $0x80, $0x38  }
0x4e9: {  	v22 =	vld [tilespmem:s10+$0x10]  }
0x4ea: {  	s11 =	simm.s32 $0x10690;
	v33 =	vld [tilespmem:s10+$0x30]  }
0x4eb: {  	v28 =	vld [tilespmem:s11+$0xFFFFFFF0]  }
0x4ec: {  	v29 =	vld [tilespmem:s11+$0x0]  }
0x4ed: {  	v23 =	vld [tilespmem:s10+$0x0]  }
0x4ee: {  	s12 =	simm.s32 $0x680;
	v38 =	vld [tilespmem:s10+$0x20]  }
0x4ef: {  	v36 =	vld [tilespmem:s12+$0x0]  }
0x4f0: {  	v32 =	vld [tilespmem:s12+$0x10]  }
0x4f1: {  	v40 =	vld [tilespmem:s12+$0x20]  }
0x4f2: {  	v39 =	vld [tilespmem:s12+$0x30]  }
0x4f3: {  	v16 =	vld [tilespmem:s12+$0xFFFFFF90]  }
0x4f4: {  	v53 =	vld [tilespmem:s12+$0xFFFFFFA0]  }
0x4f5: {  	v3 =	vld [tilespmem:s12+$0xFFFFFFB0]  }
0x4f6: {  	v5 =	vld [tilespmem:s12+$0x40]  }
0x4f7: {  	v4 =	vld [tilespmem:s12+$0x50]  }
0x4f8: {  	v50 =	vld [tilespmem:s12+$0x60];
	v0 =	vmul.f32 v28, v24;
	v1 =	vmul.f32 v29, v25  }
0x4f9: {  	v52 =	vld [tilespmem:s12+$0x70];
	v7 =	vmul.f32 v22, v37;
	v8 =	vmul.f32 v33, v37  }
0x4fa: {  	v6 =	vld [tilespmem:s10+$0x40];
	v2 =	vmul.f32 v23, v34;
	v9 =	vmul.f32 v38, v34  }
0x4fb: {  	v42 =	vld [tilespmem:s10+$0x60];
	v10 =	vmul.f32 v36, v30;
	v11 =	vmul.f32 v32, v31  }
0x4fc: {  	v41 =	vld [tilespmem:s10+$0x50];
	v12 =	vmul.f32 v40, v30;
	v0 =	vadd.f32 v1, v0;
	v1 =	vmul.f32 v39, v31  }
0x4fd: {  	v46 =	vld [tilespmem:s10+$0x70];
	v13 =	vmul.f32 v4, v31;
	v10 =	vadd.f32 v11, v10;
	v11 =	vmul.f32 v5, v30  }
0x4fe: {  	v54 =	vld [tilespmem:s12+$0xFFFFFFD0];
	v14 =	vmul.f32 v52, v31;
	v1 =	vadd.f32 v1, v12;
	v12 =	vmul.f32 v50, v30  }
0x4ff: {  	v27 =	vld [tilespmem:s12+$0xFFFFFFE0];
	v15 =	vmul.f32 v6, v34;
	v10 =	vadd.f32 v2, v10;
	v11 =	vadd.f32 v13, v11  }
0x500: {  	v19 =	vld [tilespmem:s12+$0xFFFFFF80];
	v13 =	vmul.f32 v42, v34;
	v1 =	vadd.f32 v9, v1;
	v12 =	vadd.f32 v14, v12  }
0x501: {  	v26 =	vld [tilespmem:s12+$0xFFFFFFC0];
	(xrf2) =	vadd.scan.msk.f32 $0xffff, v0;
	v7 =	vadd.f32 v7, v10;
	v10 =	vadd.f32 v15, v11;
	v11 =	vmul.f32 v41, v37  }
0x502: {  	v21 =	vld [tilespmem:s10+$0xFFFFFFA0];
	v0 =	vadd.f32 v8, v1;
	v1 =	vadd.f32 v13, v12;
	v8 =	vmul.f32 v46, v37  }
0x503: {  	v2 =	vld [tilespmem:s12+$0xFFFFFFF0];
	(xrf2) =	vadd.scan.msk.f32 $0xffff, v7;
	v7 =	vadd.f32 v11, v10  }
0x504: {  	v56 =	vld [tilespmem:s10+$0xFFFFFFC0];
	v14 =	vmul.f32 v27, v30;
	(xrf2) =	vadd.scan.msk.f32 $0xffff, v0;
	v0 =	vadd.f32 v8, v1  }
0x505: {  	v9 =	vld [tilespmem:s10+$0xFFFFFF80];
	v12 =	vmul.f32 v19, v30;
	v13 =	vmul.f32 v54, v31;
	(xrf2) =	vadd.scan.msk.f32 $0xffff, v7  }
0x506: {  	v11 =	vld [tilespmem:s10+$0xFFFFFF90];
	v1 =	vmul.f32 v16, v31;
	v8 =	vmul.f32 v3, v31;
	(xrf2) =	vadd.scan.msk.f32 $0xffff, v0  }
0x507: {  	v55 =	vld [tilespmem:s10+$0xFFFFFFE0];
	v7 =	vmul.f32 v53, v30;
	v0 =	vmul.f32 v26, v30  }
0x508: {  	v10 =	vld [tilespmem:s10+$0xFFFFFFB0];
	v1 =	vadd.f32 v1, v12;
	v12 =	vmul.f32 v2, v31  }
0x509: {  	v7 =	vadd.f32 v8, v7;
	v8 =	vadd.f32 v13, v0;
	v13 =	vmul.f32 v21, v34;
	v0 =	vld [tilespmem:s11+$0xFFFFFF70]  }
0x50a: {  	v57 =	vld [tilespmem:s10+$0xFFFFFFD0];
	v15 =	vmul.f32 v9, v34  }
0x50b: {  	v35 =	vld [tilespmem:s10+$0xFFFFFFF0];
	v17 =	vmul.f32 v56, v34;
	v18 =	vmul.f32 v11, v37;
	v12 =	vadd.f32 v12, v14;
	v14, _, _ =	vpop (xrf2)  }
0x50c: {  	v1 =	vadd.f32 v15, v1;
	v15 =	vmul.f32 v55, v34;
	v14 =	vbroadcast v14, $0xF  }
0x50d: {  	v7 =	vadd.f32 v13, v7;
	v8 =	vadd.f32 v17, v8;
	v17 =	vmul.f32 v10, v37;
	v13, _, _ =	vpop (xrf2)  }
0x50e: {  	v12 =	vadd.f32 v15, v12;
	v15 =	vadd.f32 v18, v1;
	[tilespmem:$0x1FC60] =	vst v0;
	v44, _, _ =	vpop (xrf2)  }
0x50f: {  	v43 =	vmul.f32 v57, v37;
	v14 =	vadd.f32 v14, v20;
	v7 =	vadd.f32 v17, v7;
	v1 =	vld [tilespmem:s11+$0xFFFFFF80];
	v18, _, _ =	vpop (xrf2)  }
0x510: {  	v17 =	vmul.f32 v35, v37;
	v13 =	vadd.f32 $0.0e+00, v13;
	v51 =	vadd.f32 $0.0e+00, v44;
	v58, _, _ =	vpop (xrf2)  }
0x511: {  	v45 =	vmul.f32 v0, v24;
	v18 =	vadd.f32 $0.0e+00, v18;
	v44 =	vadd.f32 $0.0e+00, v58  }
0x512: {  	v8 =	vadd.f32 v43, v8;
	v13 =	vbroadcast v13, $0xF;
	v43 =	vbroadcast v51, $0xF  }
0x513: {  	v12 =	vadd.f32 v17, v12;
	v17 =	vbroadcast v18, $0xF;
	v18 =	vbroadcast v44, $0xF  }
0x514: {  	(xrf2) =	vadd.scan.msk.f32 $0xffff, v15;
	v13 =	vadd.f32 v14, v13;
	v15 =	vmul.f32 v1, v25;
	v43 =	vadd.f32 v14, v43  }
0x515: {  	(xrf2) =	vadd.scan.msk.f32 $0xffff, v7;
	v7 =	vadd.f32 v14, v17;
	v14 =	vadd.f32 v14, v18  }
0x516: {  	(xrf2) =	vadd.scan.msk.f32 $0xffff, v8;
	v8 =	vmax.f32 v13, $0.0e+00;
	v15 =	vadd.f32 v15, v45  }
0x517: {  	(xrf2) =	vadd.scan.msk.f32 $0xffff, v12;
	v12 =	vmax.f32 v43, $0.0e+00;
	v7 =	vmax.f32 v7, $0.0e+00;
	v13 =	vmax.f32 v14, $0.0e+00  }
0x518: {  	(xrf2) =	vadd.scan.msk.f32 $0xffff, v15;
	v14 =	vmax.f32 v8, v12;
	v15 =	vmax.f32 v7, v13  }
0x519: {  	v14 =	vmax.f32 v14, v15  }
0x51a: {  	v8 =	vsub.f32 v8, v14  }
0x51b: {  	v12 =	vsub.f32 v12, v14  }
0x51c: {  	v8 =	vmul.f32 $1.442695020e+00, v8  }
0x51d: {  	v12 =	vmul.f32 $1.442695020e+00, v12  }
0x51e: {  	v7 =	vsub.f32 v7, v14  }
0x51f: {  	v15, _, _ =	vpop (xrf2);
	(erf) = vpow2.f32 v8  }
0x520: {  	v13 =	vsub.f32 v13, v14;
	v7 =	vmul.f32 $1.442695020e+00, v7;
	(erf) = vpow2.f32 v12;
	v8, _, _ =	vpop (xrf2)  }
0x521: {  	v12, _, _ =	vpop (xrf2)  }
0x522: {  	v13 =	vmul.f32 $1.442695020e+00, v13;
	(erf) = vpow2.f32 v7;
	v14, _, _ =	vpop (xrf2)  }
0x523: {  	v7 =	vadd.f32 $0.0e+00, v15;
	v15, _, _ =	vpop (xrf2)  }
0x524: {  	v8 =	vadd.f32 $0.0e+00, v8;
	(erf) = vpow2.f32 v13;
	v15 =	vbroadcast v15, $0xF  }
0x525: {  	v12 =	vadd.f32 $0.0e+00, v12;
	v13 =	vadd.f32 $0.0e+00, v14  }
0x526: {  	v7 =	vbroadcast v7, $0xF;
	v8 =	vbroadcast v8, $0xF;
	v14 =	vadd.f32 v15, v20  }
0x527: {  	v12 =	vbroadcast v12, $0xF;
	v13 =	vbroadcast v13, $0xF  }
0x528: {  	v47 =	vpop (erf);
	v7 =	vadd.f32 v14, v7;
	v8 =	vadd.f32 v14, v8  }
0x529: {  	v12 =	vadd.f32 v14, v12;
	v13 =	vadd.f32 v14, v13;
	v48 =	vpop (erf)  }
0x52a: {  	s13 =	simm.s32 $0x8780;
	[tilespmem:$0x1FC70] =	vst v1;
	v14 =	vadd.f32 v48, v47;
	v7 =	vmax.f32 v7, $0.0e+00  }
0x52b: {  	v0 =	vld [tilespmem:s13+$0x30];
	v49 =	vpop (erf);
	v8 =	vmax.f32 v8, $0.0e+00;
	v12 =	vmax.f32 v12, $0.0e+00;
	v13 =	vmax.f32 v13, $0.0e+00  }
0x52c: {  	v15 =	vmax.f32 v7, v8;
	v17 =	vmax.f32 v12, v13;
	v59 =	vadd.f32 v14, v49  }
0x52d: {  	s21 =	simm.s32 $0x10790;
	v51 =	vpop (erf);
	v60 =	vmax.f32 v15, v17;
	v15 =	vld [tilespmem:s13+$0x10]  }
0x52e: {  	v6 =	vsub.f32 v5, v6;
	v14 =	vld [tilespmem:s21+$0x0];
	v43 =	vadd.f32 v59, v51  }
0x52f: {  	v3 =	vsub.f32 v3, v10;
	v1 =	vld [tilespmem:s21+$0xFFFFFFF0];
	v45 =	vsub.f32 v19, v9  }
0x530: {  	v18 =	vld [tilespmem:s13+$0x20];
	v19 =	vmovc v0;
	v7 =	vsub.f32 v7, v60;
	v8 =	vsub.f32 v8, v60;
	(erf) = vrcp.f32 v43  }
0x531: {  	s23 =	simm.s32 $0x780;
	v0 =	vld [tilespmem:s13+$0x0];
	v12 =	vsub.f32 v12, v60;
	v9 =	vsub.f32 v13, v60;
	v13 =	vmul.f32 v19, v37  }
0x532: {  	v7 =	vmul.f32 $1.442695020e+00, v7;
	v8 =	vmul.f32 $1.442695020e+00, v8;
	v43 =	vsub.f32 v53, v21;
	v21 =	vmovc v15;
	v15 =	vld [tilespmem:s23+$0x0];
	[tilespmem:$0x1FC80] =	vst v3  }
0x533: {  	v44 =	vsub.f32 v16, v11;
	v11 =	vmul.f32 $1.442695020e+00, v12;
	v10 =	vmul.f32 v14, v25;
	v3 =	vld [tilespmem:s23+$0x10]  }
0x534: {  	v38 =	vsub.f32 v40, v38;
	(erf) = vpow2.f32 v7;
	v7 =	vmul.f32 $1.442695020e+00, v9;
	v16 =	vld [tilespmem:s23+$0x20]  }
0x535: {  	v23 =	vsub.f32 v36, v23;
	v9 =	vmul.f32 v1, v24;
	(erf) = vpow2.f32 v8;
	v17 =	vld [tilespmem:s23+$0x30];
	[tilespmem:$0x1FBF0] =	vst v1  }
0x536: {  	v22 =	vsub.f32 v32, v22;
	[tilespmem:$0x1FC00] =	vst v14;
	v12 =	vmul.f32 v21, v37;
	(erf) = vpow2.f32 v11  }
0x537: {  	v11 =	vsub.f32 v4, v41;
	v4 =	vld [tilespmem:s23+$0xFFFFFF90];
	[tilespmem:$0x1FC10] =	vst v0;
	v41 =	vmul.f32 v0, v34;
	(erf) = vpow2.f32 v7  }
0x538: {  	v7 =	vsub.f32 v52, v46;
	v46 =	vmul.f32 v18, v34;
	v5 =	vld [tilespmem:s23+$0xFFFFFFA0];
	[tilespmem:$0x1FC20] =	vst v15;
	v61 =	vmul.f32 v15, v30  }
0x539: {  	v8 =	vsub.f32 v50, v42;
	[tilespmem:$0x1FC30] =	vst v3;
	v62 =	vmul.f32 v3, v31;
	v58 =	vmul.f32 v16, v30;
	v63 =	vpop (erf)  }
0x53a: {  	v9 =	vadd.f32 v10, v9;
	v10 =	vmul.f32 v17, v31;
	v40 =	vld [tilespmem:s23+$0xFFFFFFB0];
	[tilespmem:$0x1FC40] =	vst v16;
	v50 =	vmul.f32 v63, v47  }
0x53b: {  	v33 =	vsub.f32 v39, v33;
	v42 =	vld [tilespmem:s23+$0xFFFFFFC0];
	[tilespmem:$0x1FC50] =	vst v17;
	v47 =	vmul.f32 v63, v48;
	v48 =	vmul.f32 v63, v49  }
0x53c: {  	v39 =	vadd.f32 v62, v61;
	v32 =	vld [tilespmem:s23+$0x60];
	v59 =	vmul.f32 v50, v23;
	v60 =	vmul.f32 v50, v22  }
0x53d: {  	v10 =	vadd.f32 v10, v58;
	v49 =	vmul.f32 v63, v51;
	v23 =	vld [tilespmem:s23+$0x40];
	v0 =	vmul.f32 v47, v38  }
0x53e: {  	v38 =	vld [tilespmem:s23+$0x50];
	v33 =	vmul.f32 v47, v33;
	v61 =	vadd.f32 v59, v28;
	v52 =	vadd.f32 v60, v29  }
0x53f: {  	v17 =	vsub.f32 v27, v55;
	v39 =	vadd.f32 v41, v39;
	v6 =	vmul.f32 v48, v6;
	v28 =	vld [tilespmem:s23+$0x70]  }
0x540: {  	v11 =	vmul.f32 v48, v11;
	v29 =	vld [tilespmem:s13+$0x40];
	v62 =	vadd.f32 v61, v0;
	v33 =	vadd.f32 v52, v33  }
0x541: {  	(xrf2) =	vadd.scan.msk.f32 $0xffff, v9;
	v10 =	vadd.f32 v46, v10;
	v8 =	vmul.f32 v49, v8;
	v41 =	vld [tilespmem:s13+$0x60];
	v12 =	vadd.f32 v12, v39  }
0x542: {  	v7 =	vmul.f32 v49, v7;
	v6 =	vadd.f32 v62, v6;
	v11 =	vadd.f32 v33, v11;
	v33 =	vld [tilespmem:s13+$0x50]  }
0x543: {  	v10 =	vadd.f32 v13, v10;
	v39 =	vld [tilespmem:s13+$0x70];
	v13 =	vmul.f32 v23, v30;
	v63 =	vmul.f32 v38, v31  }
0x544: {  	v16 =	vld [tilespmem:s23+$0xFFFFFF80];
	v0 =	vmul.f32 v28, v31;
	v6 =	vadd.f32 v6, v8;
	v8 =	vmul.f32 v32, v30  }
0x545: {  	v14 =	vld [tilespmem:s13+$0xFFFFFFC0];
	v9 =	vmul.f32 v29, v34;
	v7 =	vadd.f32 v11, v7;
	v11 =	vadd.f32 v63, v13  }
0x546: {  	v46 =	vld [tilespmem:s23+$0xFFFFFFD0];
	(xrf2) =	vadd.scan.msk.f32 $0xffff, v12;
	v53 =	vmul.f32 v41, v34;
	v6 =	vand.u32 $0x7FFFFFFF, v6;
	v8 =	vadd.f32 v0, v8  }
0x547: {  	v52 =	vld [tilespmem:s23+$0xFFFFFFE0];
	v7 =	vand.u32 $0x7FFFFFFF, v7;
	v9 =	vadd.f32 v9, v11;
	v11 =	vmul.f32 v33, v37  }
0x548: {  	v12 =	vld [tilespmem:s13+$0xFFFFFF80];
	(xrf2) =	vadd.scan.msk.f32 $0xffff, v10;
	v58 =	vmul.f32 v39, v37;
	v7 =	vadd.f32 v7, v6;
	v8 =	vadd.f32 v53, v8  }
0x549: {  	v22 =	vsub.f32 v2, v35;
	v13 =	vld [tilespmem:s23+$0xFFFFFFF0];
	v9 =	vadd.f32 v11, v9  }
0x54a: {  	v27 =	vmul.f32 v40, v31;
	v2 =	vmul.f32 v42, v30;
	(xrf2) =	vadd.scan.msk.f32 $0xffff, v7;
	v7 =	vadd.f32 v58, v8  }
0x54b: {  	v51 =	vsub.f32 v54, v57;
	v59 =	vmul.f32 v16, v30;
	v57, _, _ =	vpop (xrf2);
	v60 =	vmul.f32 v46, v31;
	v53 =	vld [tilespmem:s13+$0xFFFFFFE0];
	(xrf2) =	vadd.scan.msk.f32 $0xffff, v9  }
0x54c: {  	v10 =	vld [tilespmem:s13+$0xFFFFFFA0];
	v57 =	vbroadcast v57, $0xF;
	v61 =	vmul.f32 v52, v30;
	(xrf2) =	vadd.scan.msk.f32 $0xffff, v7  }
0x54d: {  	v36 =	vmul.f32 v14, v34;
	v2 =	vadd.f32 v60, v2;
	v11 =	vmul.f32 v4, v31  }
0x54e: {  	v55 =	vld [tilespmem:s13+$0xFFFFFFB0];
	v57 =	vadd.f32 v57, v20;
	v63 =	vmul.f32 v12, v34;
	v62 =	vmul.f32 v13, v31;
	v8 =	vpop (erf)  }
0x54f: {  	v15 =	vld [tilespmem:s13+$0xFFFFFF90];
	v6 =	vsub.f32 v26, v56;
	v26 =	vmul.f32 v5, v30;
	v11 =	vadd.f32 v11, v59;
	v9 =	vpop (erf)  }
0x550: {  	v35 =	vadd.f32 v62, v61;
	v61, _, _ =	vpop (xrf2);
	v59 =	vmul.f32 v53, v34;
	v7 =	vadd.f32 v9, v8  }
0x551: {  	v2 =	vadd.f32 v36, v2;
	v56 =	vld [tilespmem:s13+$0xFFFFFFD0];
	v26 =	vadd.f32 v27, v26;
	v27 =	vmul.f32 v10, v34;
	v58 =	vpop (erf)  }
0x552: {  	v11 =	vadd.f32 v63, v11;
	v63, _, _ =	vpop (xrf2);
	v7 =	vadd.f32 v7, v58  }
0x553: {  	v36 =	vmul.f32 v55, v37;
	v26 =	vadd.f32 v27, v26;
	v27 =	vld [tilespmem:s21+$0xFFFFFF70];
	v61 =	vadd.f32 $0.0e+00, v61;
	v54 =	vpop (erf)  }
0x554: {  	v60 =	vmul.f32 v15, v37;
	v62 =	vld [tilespmem:s13+$0xFFFFFFF0];
	v35 =	vadd.f32 v59, v35;
	v7 =	vadd.f32 v7, v54;
	v59, _, _ =	vpop (xrf2)  }
0x555: {  	v36 =	vadd.f32 v36, v26;
	v26 =	vld [tilespmem:s21+$0xFFFFFF80];
	v63 =	vadd.f32 $0.0e+00, v63;
	v34, _, _ =	vpop (xrf2)  }
0x556: {  	v11 =	vadd.f32 v60, v11;
	(erf) = vrcp.f32 v7;
	v7 =	vmul.f32 v56, v37;
	v3, _, _ =	vpop (xrf2)  }
0x557: {  	v61 =	vbroadcast v61, $0xF;
	v60 =	vadd.f32 $0.0e+00, v34;
	v3 =	vadd.f32 $0.0e+00, v3  }
0x558: {  	v1 =	vmul.f32 v27, v24;
	v2 =	vadd.f32 v7, v2;
	v7 =	vbroadcast v63, $0xF  }
0x559: {  	v61 =	vadd.f32 v57, v61;
	v60 =	vbroadcast v60, $0xF;
	v3 =	vbroadcast v3, $0xF  }
0x55a: {  	v0 =	vmul.f32 v26, v25;
	v37 =	vmul.f32 v62, v37;
	v7 =	vadd.f32 v57, v7  }
0x55b: {  	(xrf2) =	vadd.scan.msk.f32 $0xffff, v11;
	v11 =	vadd.f32 v57, v60;
	v3 =	vadd.f32 v57, v3  }
0x55c: {  	(xrf2) =	vadd.scan.msk.f32 $0xffff, v36;
	v0 =	vadd.f32 v0, v1;
	v1 =	vmax.f32 v61, $0.0e+00;
	v35 =	vadd.f32 v37, v35  }
0x55d: {  	(xrf2) =	vadd.scan.msk.f32 $0xffff, v2;
	v2 =	vmax.f32 v7, $0.0e+00;
	v7 =	vmax.f32 v11, $0.0e+00;
	v3 =	vmax.f32 v3, $0.0e+00  }
0x55e: {  	v25 =	vsub.f32 v16, v12;
	(xrf2) =	vadd.scan.msk.f32 $0xffff, v35;
	v11 =	vmax.f32 v1, v2;
	v12 =	vmax.f32 v7, v3  }
0x55f: {  	(xrf2) =	vadd.scan.msk.f32 $0xffff, v0;
	v0 =	vmax.f32 v11, v12  }
0x560: {  	v1 =	vsub.f32 v1, v0  }
0x561: {  	v35 =	vsub.f32 v5, v10;
	v5 =	vpop (erf);
	v10 =	vsub.f32 v2, v0  }
0x562: {  	v34 =	vsub.f32 v42, v14;
	v42 =	vmul.f32 v5, v8;
	v1 =	vmul.f32 $1.442695020e+00, v1  }
0x563: {  	v7 =	vsub.f32 v7, v0;
	v2 =	vsub.f32 v13, v62;
	v13 =	vld [tilespmem:$0x1FC60];
	v10 =	vmul.f32 $1.442695020e+00, v10  }
0x564: {  	v0 =	vsub.f32 v3, v0;
	v12 =	vmul.f32 v42, v44;
	v44 =	vmul.f32 v5, v9;
	v9 =	vld [tilespmem:$0x1FC70]  }
0x565: {  	v11 =	vmul.f32 v42, v45  }
0x566: {  	v24 =	vsub.f32 v40, v55;
	v0 =	vmul.f32 $1.442695020e+00, v0;
	(erf) = vpow2.f32 v1;
	v1, _, _ =	vpop (xrf2)  }
0x567: {  	s14 =	simm.s32 $0x101;
	s25 =	simm.s32 $0x300;
	v36 =	vsub.f32 v4, v15;
	v7 =	vmul.f32 $1.442695020e+00, v7;
	(erf) = vpow2.f32 v10;
	v10, _, _ =	vpop (xrf2)  }
0x568: {  	v4 =	vmov s14;
	v61 =	vmov s25;
	v11 =	vadd.f32 v11, v13;
	v13, _, _ =	vpop (xrf2)  }
0x569: {  	s24 =	simm.s32 $0x100;
	v37 =	vsub.f32 v46, v56;
	v9 =	vadd.f32 v12, v9;
	(erf) = vpow2.f32 v7;
	v12, _, _ =	vpop (xrf2)  }
0x56a: {  	v46 =	vsub.f32 v52, v53;
	v60 =	vmov s24;
	(erf) = vpow2.f32 v0;
	v0, _, _ =	vpop (xrf2)  }
0x56b: {  	v10 =	vadd.f32 $0.0e+00, v10;
	v13 =	vadd.f32 $0.0e+00, v13;
	v0 =	vbroadcast v0, $0xF  }
0x56c: {  	v45 =	vmul.f32 v5, v58;
	v43 =	vmul.f32 v44, v43;
	v1 =	vadd.f32 $0.0e+00, v1  }
0x56d: {  	v10 =	vbroadcast v10, $0xF;
	v13 =	vbroadcast v13, $0xF;
	v0 =	vadd.f32 v0, v20  }
0x56e: {  	v11 =	vadd.f32 v11, v43;
	v1 =	vbroadcast v1, $0xF;
	v12 =	vadd.f32 $0.0e+00, v12  }
0x56f: {  	s15 =	simm.s32 $0x301;
	v43 =	vmul.f32 v5, v54;
	v5 =	vadd.f32 v0, v10;
	v10 =	vadd.f32 v0, v13;
	v13 =	vld [tilespmem:$0x1FC80]  }
0x570: {  	s16 =	simm.s32 $0x501;
	v8 =	vmov s15;
	v12 =	vbroadcast v12, $0xF;
	v1 =	vadd.f32 v0, v1  }
0x571: {  	s17 =	simm.s32 $0x701;
	s26 =	simm.s32 $0x500;
	v3 =	vmov s16;
	v62 =	vmul.f32 v45, v6;
	v63 =	vmul.f32 v45, v51  }
0x572: {  	v7 =	vmov s17;
	v0 =	vadd.f32 v0, v12;
	v12 =	vmov s26;
	[tilespmem:v4+s1+$0x0] =	vst.idx.msk vm0, v59  }
0x573: {  	[tilespmem:v4+s4+$0x0] =	vst.idx.msk $0x1, v50;
	v50 =	vand.u32 $0xFFFFFFFE, v60;
	v53 =	vmax.f32 v1, $0.0e+00;
	v52 =	vmax.f32 v5, $0.0e+00  }
0x574: {  	s28 =	simm.s32 $0x700;
	v51 =	vmax.f32 v10, $0.0e+00;
	v10 =	vmax.f32 v0, $0.0e+00;
	v1 =	vpop (erf);
	v13 =	vmul.f32 v44, v13  }
0x575: {  	v5 =	vadd.f32 v11, v62;
	[tilespmem:v8+s4+$0x0] =	vst.idx.msk $0x1, v47;
	v8 =	vmov s28;
	v0 =	vmax.f32 v53, v52;
	v6 =	vpop (erf)  }
0x576: {  	v4 =	vmax.f32 v51, v10;
	v11 =	vadd.f32 v6, v1;
	v9 =	vadd.f32 v9, v13  }
0x577: {  	[tilespmem:v3+s4+$0x0] =	vst.idx.msk $0x1, v48;
	v3 =	vand.u32 $0xFFFFFFFE, v12;
	v54 =	vmax.f32 v0, v4;
	v4 =	vand.u32 $0xFFFFFFFE, v61;
	v47 =	vpop (erf)  }
0x578: {  	s29 =	simm.s32 $0x2;
	s31 =	simm.s32 $0x8880;
	s24 =	simm.s32 $0x0;
	[tilespmem:v7+s4+$0x0] =	vst.idx.msk $0x1, v49;
	v0 =	vand.u32 $0xFFFFFFFE, v8;
	v13 =	vadd.f32 v11, v47;
	v9 =	vadd.f32 v9, v63  }
.LBB2_14:
0x579: {  	v8 =	vsub.f32 v53, v54;
	v11 =	vsub.f32 v52, v54  }
0x57a: {  	v12 =	vpop (erf);
	v51 =	vsub.f32 v51, v54  }
0x57b: {  	v13 =	vadd.f32 v13, v12;
	v8 =	vmul.f32 $1.442695020e+00, v8;
	v11 =	vmul.f32 $1.442695020e+00, v11  }
0x57c: {  	[tilespmem:$0x1FBE0] =	vst v37;
	v48 =	vmul.f32 v43, v17;
	v37 =	vmul.f32 v43, v22  }
0x57d: {  	v14 =	vmov v2;
	v2 =	vmul.f32 $1.442695020e+00, v51;
	(erf) = vrcp.f32 v13  }
0x57e: {  	(erf) = vpow2.f32 v8;
	v5 =	vadd.f32 v5, v48;
	v8 =	vadd.f32 v9, v37  }
0x57f: {  	(erf) = vpow2.f32 v11  }
0x580: {  	(erf) = vpow2.f32 v2;
	v5 =	vand.u32 $0x7FFFFFFF, v5;
	v2 =	vand.u32 $0x7FFFFFFF, v8  }
0x581: {  	v2 =	vadd.f32 v2, v5  }
0x582: {  	v7 =	vld [tilespmem:s31+$0x10]  }
0x583: {  	(xrf2) =	vadd.scan.msk.f32 $0xffff, v2;
	v2 =	vld [tilespmem:$0x1FC40]  }
0x584: {  	v49 =	vld [tilespmem:s31+$0x30]  }
0x585: {  	v16 =	vld [tilespmem:$0x1FF20]  }
0x586: {  	[tilespmem:$0x1FB80] =	vst v36;
	v36 =	vld [tilespmem:$0x1FF40]  }
0x587: {  	v39 =	vsub.f32 v28, v39;
	v28 =	vsub.f32 v38, v33;
	v38 =	vld [tilespmem:$0x1FEF0]  }
0x588: {  	s21 =	sadd.s32 $0x100, s21;
	v22 =	vsub.f32 v2, v18;
	v2 =	vld [tilespmem:$0x1FC50]  }
0x589: {  	v58 =	vld [tilespmem:s21+$0xFFFFFFF0]  }
0x58a: {  	v59 =	vld [tilespmem:s21+$0x0]  }
0x58b: {  	[tilespmem:$0x1FB70] =	vst v14;
	v14 =	vld [tilespmem:$0x1FC20]  }
0x58c: {  	s23 =	sadd.s32 $0x100, s23;
	v13 =	vld [tilespmem:s31+$0x0]  }
0x58d: {  	[tilespmem:$0x1FBD0] =	vst v34;
	v10 =	vsub.f32 v10, v54;
	v34 =	vmovc v25;
	v11 =	vld [tilespmem:s23+$0x0];
	v25 =	vsub.f32 v2, v19;
	v2 =	vmov v49  }
0x58e: {  	[tilespmem:$0x1FBB0] =	vst v2;
	v2 =	vld [tilespmem:$0x1FC10]  }
0x58f: {  	v10 =	vmul.f32 $1.442695020e+00, v10;
	v9 =	vld [tilespmem:s31+$0x20]  }
0x590: {  	v37 =	vld [tilespmem:$0x1FDF0]  }
0x591: {  	(erf) = vpow2.f32 v10;
	v10 =	vld [tilespmem:s23+$0x20]  }
0x592: {  	v8 =	vld [tilespmem:s23+$0x10]  }
0x593: {  	v54 =	vbroadcast v50, $0x0;
	v53 =	vbroadcast v4, $0x0;
	v20 =	vpop (erf);
	v19 =	vsub.f32 v14, v2;
	v14 =	vld [tilespmem:$0x1FBF0]  }
0x594: {  	v51 =	vbroadcast v3, $0x0;
	v55 =	vmul.f32 v20, v1;
	v2 =	vld [tilespmem:$0x1FC30]  }
0x595: {  	v29 =	vsub.f32 v23, v29;
	v60 =	vld [tilespmem:s23+$0x30];
	v3 =	vmul.f32 v58, v16;
	v23 =	vmul.f32 v59, v36  }
0x596: {  	[tilespmem:$0x1FB90] =	vst v35;
	v33 =	vld [tilespmem:s31+$0x50];
	v62 =	vmul.f32 v11, v30;
	v19 =	vmul.f32 v55, v19  }
0x597: {  	v41 =	vsub.f32 v32, v41;
	v4 =	vld [tilespmem:s23+$0xFFFFFF90];
	v40 =	vmul.f32 v7, v37;
	v61 =	vmul.f32 v49, v37;
	v35 =	vmovc v9  }
0x598: {  	[tilespmem:$0x1FBA0] =	vst v24;
	v9 =	vmul.f32 v13, v38;
	v24 =	vmul.f32 v35, v38;
	v19 =	vadd.f32 v19, v14;
	v14 =	vld [tilespmem:$0x1FC00]  }
0x599: {  	v52 =	vld [tilespmem:s23+$0xFFFFFFB0];
	v56 =	vmul.f32 v10, v30;
	v63 =	vmul.f32 v8, v31;
	v18 =	vsub.f32 v2, v21  }
0x59a: {  	v50 =	vld [tilespmem:s23+$0xFFFFFFC0];
	v6 =	vmul.f32 v20, v6;
	v21 =	vadd.f32 v23, v3;
	v23 =	vmul.f32 v60, v31  }
0x59b: {  	v15 =	vmovc v46;
	v46 =	vld [tilespmem:s23+$0xFFFFFFD0];
	v57 =	vmul.f32 v20, v12;
	v32 =	vadd.f32 v63, v62;
	v18 =	vmul.f32 v55, v18  }
0x59c: {  	[tilespmem:$0x1FB60] =	vst v15;
	v5 =	vld [tilespmem:s23+$0xFFFFFFA0];
	v15 =	vmul.f32 v6, v22;
	v62 =	vadd.f32 v23, v56;
	v56 =	vmul.f32 v20, v47  }
0x59d: {  	v12 =	vmovc v58;
	v25 =	vmul.f32 v6, v25;
	v23 =	vld [tilespmem:s23+$0x40];
	v17 =	vadd.f32 v18, v14;
	v14 =	vmov v7  }
0x59e: {  	v22 =	vld [tilespmem:s23+$0x50];
	[tilespmem:$0x1FBF0] =	vst v12;
	v2 =	vpop (erf);
	v12 =	vadd.f32 v19, v15;
	v20 =	vmul.f32 v56, v28;
	v7 =	vadd.f32 v9, v32  }
0x59f: {  	v3 =	vpop (erf);
	(xrf2) =	vadd.scan.msk.f32 $0xffff, v21;
	v21 =	vadd.f32 v24, v62;
	v28 =	vld [tilespmem:s23+$0x70];
	v9 =	vmul.f32 v56, v29;
	v19 =	vadd.f32 v17, v25  }
0x5a0: {  	v62 =	vadd.f32 v3, v2;
	v29 =	vld [tilespmem:s31+$0x40];
	[tilespmem:$0x1FBC0] =	vst v14;
	v7 =	vadd.f32 v40, v7;
	v14 =	vmov v59  }
0x5a1: {  	v24 =	vmul.f32 v57, v41;
	v32 =	vld [tilespmem:s23+$0x60];
	v9 =	vadd.f32 v12, v9;
	v12 =	vadd.f32 v19, v20  }
0x5a2: {  	v48 =	vld [tilespmem:s23+$0xFFFFFFF0];
	v63, _, _ =	vpop (xrf2);
	v25 =	vadd.f32 v61, v21;
	v58 =	vmul.f32 v23, v30;
	v59 =	vmul.f32 v5, v30  }
0x5a3: {  	v41 =	vld [tilespmem:s31+$0x60];
	[tilespmem:$0x1FC00] =	vst v14;
	v20 =	vmul.f32 v57, v39;
	(xrf2) =	vadd.scan.msk.f32 $0xffff, v7;
	v7 =	vmul.f32 v22, v31;
	v14 =	vmovc v13  }
0x5a4: {  	v15 =	vmovc v11;
	v11 =	vld [tilespmem:s23+$0xFFFFFF80];
	v18 =	vadd.f32 v9, v24;
	v40 =	vmul.f32 v28, v31;
	v19 =	vmul.f32 v33, v37  }
0x5a5: {  	v39 =	vld [tilespmem:s31+$0x70];
	v61 =	vmul.f32 v29, v38;
	v17 =	vadd.f32 v12, v20;
	[tilespmem:$0x1FC10] =	vst v14;
	v12 =	vmov v10  }
0x5a6: {  	v49 =	vld [tilespmem:s23+$0xFFFFFFE0];
	(xrf2) =	vadd.scan.msk.f32 $0xffff, v25;
	v25 =	vmul.f32 v46, v31;
	v14 =	vmovc v8;
	[tilespmem:$0x1FC40] =	vst v12;
	v12 =	vmul.f32 v32, v30  }
0x5a7: {  	v7 =	vadd.f32 v7, v58;
	v10 =	vld [tilespmem:s31+$0xFFFFFF80];
	v8 =	vand.u32 $0x7FFFFFFF, v18;
	[tilespmem:$0x1FC30] =	vst v14;
	v14 =	vand.u32 $0x7FFFFFFF, v17  }
0x5a8: {  	[tilespmem:$0x1FC20] =	vst v15;
	v15 =	vld [tilespmem:s31+$0xFFFFFFC0];
	v8 =	vadd.f32 v14, v8;
	v12 =	vadd.f32 v40, v12;
	v40 =	vmul.f32 v41, v38  }
0x5a9: {  	v13 =	vmul.f32 v4, v31;
	v9 =	vmovc v60;
	v7 =	vadd.f32 v61, v7;
	v17 =	vmul.f32 v50, v30;
	v14 =	vld [tilespmem:s31+$0xFFFFFFA0]  }
0x5aa: {  	v60 =	vld [tilespmem:s31+$0xFFFFFFE0];
	(xrf2) =	vadd.scan.msk.f32 $0xffff, v8;
	v8 =	vmul.f32 v11, v30;
	v12 =	vadd.f32 v40, v12;
	v40 =	vmul.f32 v39, v37  }
0x5ab: {  	v20 =	vmul.f32 v49, v30;
	[tilespmem:$0x1FC50] =	vst v9;
	v9 =	vmul.f32 v52, v31;
	v7 =	vadd.f32 v19, v7;
	v19 =	vld [tilespmem:s31+$0xFFFFFF90]  }
0x5ac: {  	v17 =	vadd.f32 v25, v17;
	v24 =	vmul.f32 v10, v38;
	v8 =	vadd.f32 v13, v8  }
0x5ad: {  	v21 =	vld [tilespmem:s31+$0xFFFFFFB0];
	v13 =	vadd.f32 v9, v59;
	v59 =	vmul.f32 v48, v31;
	v12 =	vadd.f32 v40, v12  }
0x5ae: {  	v61, _, _ =	vpop (xrf2);
	v10 =	vsub.f32 v11, v10;
	(xrf2) =	vadd.scan.msk.f32 $0xffff, v7;
	v7 =	vld [tilespmem:s31+$0xFFFFFFD0];
	v25 =	vmul.f32 v14, v38;
	v40 =	vmov v26  }
0x5af: {  	s2 =	sadd.s32 $0x103, s24;
	v18, _, _ =	vpop (xrf2);
	v9 =	vld [tilespmem:s31+$0xFFFFFFF0];
	v26 =	vmul.f32 v15, v38;
	v20 =	vadd.f32 v59, v20;
	v8 =	vadd.f32 v24, v8;
	(xrf2) =	vadd.scan.msk.f32 $0xffff, v12  }
0x5b0: {  	v59 =	vld [tilespmem:s21+$0xFFFFFF70];
	v24 =	vmul.f32 v60, v38;
	v38 =	vmovc v22;
	v12 =	vmov s2;
	v22 =	vmovc v27;
	v27 =	vmul.f32 v19, v37  }
0x5b1: {  	v58 =	vld [tilespmem:s21+$0xFFFFFF80];
	v4 =	vsub.f32 v4, v19;
	[tilespmem:v54+s1+$0x0] =	vst.idx.msk vm0, v63;
	v13 =	vadd.f32 v25, v13  }
0x5b2: {  	s14 =	sadd.s32 $0x303, s24;
	v17 =	vadd.f32 v26, v17;
	v26 =	vmul.f32 v21, v37;
	v8 =	vadd.f32 v27, v8  }
0x5b3: {  	[tilespmem:v54+s4+$0x0] =	vst.idx.msk $0x1, v42;
	v20 =	vadd.f32 v24, v20;
	v24 =	vmov s14;
	v27 =	vmul.f32 v7, v37;
	v25, _, _ =	vpop (xrf2)  }
0x5b4: {  	[tilespmem:v53+s4+$0x0] =	vst.idx.msk $0x1, v44;
	v13 =	vadd.f32 v26, v13;
	v26 =	vmul.f32 v9, v37;
	v37, _, _ =	vpop (xrf2);
	(xrf2) =	vadd.scan.msk.f32 $0xffff, v8  }
0x5b5: {  	v1 =	vpop (erf);
	v5 =	vsub.f32 v5, v14;
	v53 =	vmul.f32 v59, v16;
	[tilespmem:v12+s1+$0x0] =	vst.idx.msk vm0, v37  }
0x5b6: {  	v16 =	vld [tilespmem:$0x1FFA0];
	v8 =	vmul.f32 v58, v36;
	[tilespmem:v12+s4+$0x0] =	vst.idx.msk $0x1, v55;
	v12 =	vadd.f32 v62, v1  }
0x5b7: {  	v47 =	vpop (erf);
	v14 =	vadd.f32 $0.0e+00, v18;
	v17 =	vadd.f32 v27, v17  }
0x5b8: {  	v11, _, _ =	vpop (xrf2);
	[tilespmem:v24+s4+$0x0] =	vst.idx.msk $0x1, v6;
	v6 =	vadd.f32 v8, v53;
	v8 =	vadd.f32 v12, v47  }
0x5b9: {  	v18 =	vadd.f32 $0.0e+00, v25;
	v20 =	vadd.f32 v26, v20;
	(xrf2) =	vadd.scan.msk.f32 $0xffff, v13;
	v13 =	vbroadcast v61, $0xF;
	v19, _, _ =	vpop (xrf2)  }
0x5ba: {  	v11 =	vadd.f32 $0.0e+00, v11;
	v19 =	vadd.f32 $0.0e+00, v19;
	(erf) = vrcp.f32 v8  }
0x5bb: {  	v8 =	vadd.f32 v13, v16;
	v13 =	vbroadcast v14, $0xF;
	v14 =	vbroadcast v18, $0xF  }
0x5bc: {  	(xrf2) =	vadd.scan.msk.f32 $0xffff, v17;
	v11 =	vbroadcast v11, $0xF;
	v19 =	vbroadcast v19, $0xF  }
0x5bd: {  	(xrf2) =	vadd.scan.msk.f32 $0xffff, v20;
	v13 =	vadd.f32 v8, v13;
	v14 =	vadd.f32 v8, v14  }
0x5be: {  	s15 =	sadd.s32 $0x503, s24;
	v0 =	vbroadcast v0, $0x0;
	v11 =	vadd.f32 v8, v11;
	v8 =	vadd.f32 v8, v19;
	v17, _, _ =	vpop (xrf2)  }
0x5bf: {  	v63 =	vmov s15;
	v13 =	vmax.f32 v13, $0.0e+00;
	v17 =	vadd.f32 $0.0e+00, v17  }
0x5c0: {  	v14 =	vmax.f32 v14, $0.0e+00;
	v11 =	vmax.f32 v11, $0.0e+00;
	v8 =	vmax.f32 v8, $0.0e+00  }
0x5c1: {  	s16 =	sadd.s32 $0x703, s24;
	(xrf2) =	vadd.scan.msk.f32 $0xffff, v6;
	v24 =	vmax.f32 v11, v8;
	v6 =	vbroadcast v17, $0xF;
	v17 =	vmax.f32 v13, v14  }
0x5c2: {  	v42 =	vmov s16;
	v17 =	vmax.f32 v17, v24  }
0x5c3: {  	[tilespmem:v51+s4+$0x0] =	vst.idx.msk $0x1, v45;
	v13 =	vsub.f32 v13, v17  }
0x5c4: {  	[tilespmem:v0+s4+$0x0] =	vst.idx.msk $0x1, v43;
	v0 =	vsub.f32 v52, v21;
	v21, _, _ =	vpop (xrf2);
	v14 =	vsub.f32 v14, v17  }
0x5c5: {  	v20 =	vpop (erf);
	v13 =	vmul.f32 $1.442695020e+00, v13  }
0x5c6: {  	[tilespmem:v63+s4+$0x0] =	vst.idx.msk $0x1, v56;
	v24, _, _ =	vpop (xrf2);
	v44 =	vmul.f32 v20, v3;
	v3 =	vmul.f32 $1.442695020e+00, v14  }
0x5c7: {  	v25 =	vmov v10;
	[tilespmem:v42+s4+$0x0] =	vst.idx.msk $0x1, v57;
	v42 =	vmul.f32 v20, v2;
	v10, _, _ =	vpop (xrf2);
	(erf) = vpow2.f32 v13  }
0x5c8: {  	s25 =	sadd.s32 $0x302, s24;
	(erf) = vpow2.f32 v3;
	v3 =	vadd.f32 $0.0e+00, v10  }
0x5c9: {  	v15 =	vsub.f32 v50, v15;
	v12 =	vmov s25;
	v14 =	vmul.f32 v42, v34  }
0x5ca: {  	v36 =	vmovc v4;
	v4 =	vand.u32 $0xFFFFFFFE, v12;
	v11 =	vsub.f32 v11, v17;
	v12 =	vbroadcast v3, $0xF;
	v3 =	vld [tilespmem:$0x1FB90]  }
0x5cb: {  	s26 =	sadd.s32 $0x502, s24;
	v21 =	vadd.f32 $0.0e+00, v21;
	v8 =	vsub.f32 v8, v17  }
0x5cc: {  	v18 =	vmov s26;
	v45 =	vmul.f32 v20, v1;
	v1 =	vld [tilespmem:$0x1FBA0];
	v11 =	vmul.f32 $1.442695020e+00, v11  }
0x5cd: {  	v21 =	vbroadcast v21, $0xF;
	v8 =	vmul.f32 $1.442695020e+00, v8;
	v13 =	vld [tilespmem:$0x1FB80];
	v10 =	vadd.f32 v14, v22;
	v14, _, _ =	vpop (xrf2)  }
0x5ce: {  	v7 =	vsub.f32 v46, v7;
	(erf) = vpow2.f32 v11;
	v11 =	vbroadcast v14, $0xF  }
0x5cf: {  	v24 =	vadd.f32 $0.0e+00, v24;
	(erf) = vpow2.f32 v8;
	v8 =	vmul.f32 v44, v3  }
0x5d0: {  	v2 =	vsub.f32 v48, v9;
	v3 =	vand.u32 $0xFFFFFFFE, v18;
	v18 =	vmovc v35;
	v35 =	vmovc v5;
	v5 =	vadd.f32 v11, v16  }
0x5d1: {  	v9 =	vbroadcast v24, $0xF;
	v11 =	vmul.f32 v44, v1;
	v1 =	vld [tilespmem:$0x1FBD0];
	v8 =	vadd.f32 v10, v8  }
0x5d2: {  	v13 =	vmul.f32 v42, v13;
	v16 =	vadd.f32 v5, v6;
	v10 =	vadd.f32 v5, v21  }
0x5d3: {  	s17 =	sadd.s32 $0x102, s24;
	v9 =	vadd.f32 v5, v9;
	v5 =	vadd.f32 v5, v12;
	v12 =	vld [tilespmem:$0x1FBE0]  }
0x5d4: {  	s7 =	smov.u32 s29;
	s29 =	sadd.s32 $0x2, s29;
	s28 =	sadd.s32 $0x702, s24;
	v46 =	vsub.f32 v49, v60;
	v26 =	vmov s17;
	v13 =	vadd.f32 v13, v40  }
0x5d5: {  	p1 =	slt.u32 s29, $0x7E;
	v27 =	vmovc v59;
	v50 =	vand.u32 $0xFFFFFFFE, v26;
	v19 =	vmov s28;
	v43 =	vmul.f32 v20, v47;
	v24 =	vmovc v0  }
.Ltmp6:
0x5d6: {  	v0 =	vand.u32 $0xFFFFFFFE, v19;
	v11 =	vadd.f32 v13, v11;
	v14 =	vmul.f32 v45, v1;
	v1 =	vpop (erf);
	(pc) =	sbr.rel @p1 .LBB2_14-.Ltmp6, $4  }
0x5d7: {  	v17 =	vld [tilespmem:$0x1FB60];
	v53 =	vmax.f32 v16, $0.0e+00;
	v52 =	vmax.f32 v10, $0.0e+00;
	v51 =	vmax.f32 v9, $0.0e+00;
	v6 =	vpop (erf)  }
0x5d8: {  	v37 =	vmovc v7;
	v26 =	vmovc v58;
	v22 =	vld [tilespmem:$0x1FB70];
	v10 =	vmax.f32 v5, $0.0e+00;
	v12 =	vmul.f32 v45, v12;
	v9 =	vadd.f32 v6, v1  }
0x5d9: {  	v19 =	vld [tilespmem:$0x1FBB0];
	v7 =	vmax.f32 v53, v52;
	v13 =	vmax.f32 v51, v10;
	v47 =	vpop (erf);
	v5 =	vadd.f32 v8, v14  }
0x5da: {  	s24 =	smov.u32 s7;
	s31 =	sadd.s32 $0x100, s31;
	v34 =	vmovc v15;
	v21 =	vld [tilespmem:$0x1FBC0];
	v54 =	vmax.f32 v7, v13;
	v13 =	vadd.f32 v9, v47;
	v9 =	vadd.f32 v11, v12  }
0x5db: {  	v7 =	vsub.f32 v53, v54;
	v8 =	vpop (erf)  }
0x5dc: {  	v11 =	vsub.f32 v52, v54;
	v12 =	vadd.f32 v13, v8  }
0x5dd: {  	v7 =	vmul.f32 $1.442695020e+00, v7  }
0x5de: {  	v13 =	vsub.f32 v51, v54;
	v11 =	vmul.f32 $1.442695020e+00, v11;
	(erf) = vrcp.f32 v12  }
0x5df: {  	(erf) = vpow2.f32 v7  }
0x5e0: {  	v7 =	vsub.f32 v10, v54;
	v10 =	vmul.f32 $1.442695020e+00, v13;
	(erf) = vpow2.f32 v11;
	_ =	sdelay $0x1  }
0x5e1: {  	v7 =	vmul.f32 $1.442695020e+00, v7;
	(erf) = vpow2.f32 v10;
	_ =	sdelay $0x1  }
0x5e2: {  	(erf) = vpow2.f32 v7;
	_ =	sdelay $0x2  }
0x5e3: {  	v7 =	vpop (erf)  }
0x5e4: {  	v10 =	vpop (erf)  }
0x5e5: {  	v11 =	vpop (erf)  }
0x5e6: {  	v12 =	vadd.f32 v11, v10  }
0x5e7: {  	v13 =	vpop (erf)  }
0x5e8: {  	v12 =	vadd.f32 v12, v13  }
0x5e9: {  	v16 =	vld [tilespmem:$0x1FC30];
	v15 =	vmul.f32 v43, v17;
	v14 =	vpop (erf)  }
0x5ea: {  	v12 =	vadd.f32 v12, v14  }
0x5eb: {  	v5 =	vadd.f32 v5, v15;
	v15 =	vld [tilespmem:$0x1FC20]  }
0x5ec: {  	v17 =	vmul.f32 v43, v22;
	(erf) = vrcp.f32 v12;
	v12 =	vld [tilespmem:$0x1FC10];
	_ =	sdelay $0x1  }
0x5ed: {  	v9 =	vadd.f32 v9, v17;
	v17 =	vsub.f32 v16, v21;
	v16 =	vld [tilespmem:$0x1FC40]  }
0x5ee: {  	v20 =	vld [tilespmem:$0x1FC50]  }
0x5ef: {  	v21 =	vld [tilespmem:$0x1FBF0]  }
0x5f0: {  	v22 =	vld [tilespmem:$0x1FC00];
	v1 =	vmul.f32 v7, v1;
	v12 =	vsub.f32 v15, v12;
	_ =	sdelay $0x1  }
0x5f1: {  	v16 =	vsub.f32 v16, v18;
	v6 =	vmul.f32 v7, v6;
	v12 =	vmul.f32 v1, v12  }
0x5f2: {  	v17 =	vmul.f32 v1, v17  }
0x5f3: {  	v19 =	vsub.f32 v20, v19;
	v16 =	vmul.f32 v6, v16;
	v12 =	vadd.f32 v12, v21  }
0x5f4: {  	v18 =	vsub.f32 v23, v29;
	v20 =	vmul.f32 v7, v47;
	v17 =	vadd.f32 v17, v22  }
0x5f5: {  	v19 =	vmul.f32 v6, v19;
	v21 =	vsub.f32 v38, v33;
	v12 =	vadd.f32 v12, v16  }
0x5f6: {  	v7 =	vmul.f32 v7, v8;
	v8 =	vmul.f32 v20, v18;
	v15 =	vsub.f32 v32, v41  }
0x5f7: {  	v17 =	vadd.f32 v17, v19;
	v16 =	vsub.f32 v28, v39;
	v18 =	vmul.f32 v20, v21  }
0x5f8: {  	v5 =	vand.u32 $0x7FFFFFFF, v5;
	v15 =	vmul.f32 v7, v15;
	v8 =	vadd.f32 v12, v8  }
0x5f9: {  	v9 =	vand.u32 $0x7FFFFFFF, v9;
	v17 =	vadd.f32 v17, v18;
	v16 =	vmul.f32 v7, v16;
	v12 =	vpop (erf)  }
0x5fa: {  	v5 =	vadd.f32 v9, v5;
	v8 =	vadd.f32 v8, v15;
	v10 =	vmul.f32 v12, v10  }
0x5fb: {  	v15 =	vadd.f32 v17, v16;
	v9 =	vmul.f32 v12, v11;
	v13 =	vmul.f32 v12, v13  }
0x5fc: {  	v11 =	vmul.f32 v10, v25;
	v16 =	vmul.f32 v10, v36  }
0x5fd: {  	v8 =	vand.u32 $0x7FFFFFFF, v8;
	v15 =	vand.u32 $0x7FFFFFFF, v15;
	v17 =	vmul.f32 v9, v35  }
0x5fe: {  	v18 =	vmul.f32 v9, v24;
	v11 =	vadd.f32 v11, v27;
	v16 =	vadd.f32 v16, v26  }
0x5ff: {  	(xrf2) =	vadd.scan.msk.f32 $0xffff, v5;
	v12 =	vmul.f32 v12, v14;
	v5 =	vadd.f32 v15, v8;
	v14 =	vmul.f32 v13, v37  }
0x600: {  	v8 =	vadd.f32 v11, v17;
	v11 =	vmul.f32 v13, v34;
	v15 =	vadd.f32 v16, v18  }
0x601: {  	v2 =	vmul.f32 v12, v2  }
0x602: {  	(xrf2) =	vadd.scan.msk.f32 $0xffff, v5;
	v8 =	vadd.f32 v8, v11;
	v5 =	vadd.f32 v15, v14;
	v11 =	vmul.f32 v12, v46;
	_ =	sdelay $0x1  }
0x603: {  	v14 =	vbroadcast v50, $0x0;
	v8 =	vadd.f32 v8, v11;
	v2 =	vadd.f32 v5, v2;
	_ =	sdelay $0x1  }
0x604: {  	v4 =	vbroadcast v4, $0x0;
	v5 =	vand.u32 $0x7FFFFFFF, v8;
	v2 =	vand.u32 $0x7FFFFFFF, v2  }
0x605: {  	s2 =	sadd.s32 $0x103, s24;
	v2 =	vadd.f32 v2, v5  }
0x606: {  	v5 =	vmov s2  }
0x607: {  	s25 =	sadd.s32 $0x303, s24;
	v8, _, _ =	vpop (xrf2);
	(xrf2) =	vadd.scan.msk.f32 $0xffff, v2  }
0x608: {  	v3 =	vbroadcast v3, $0x0;
	v2 =	vmov s25;
	[tilespmem:v14+s1+$0x0] =	vst.idx.msk vm0, v8  }
0x609: {  	s3 =	sadd.s32 $0x102, s24;
	v0 =	vbroadcast v0, $0x0;
	[tilespmem:v14+s4+$0x0] =	vst.idx.msk $0x1, v42  }
0x60a: {  	s26 =	sadd.s32 $0x503, s24;
	v14, _, _ =	vpop (xrf2);
	[tilespmem:v4+s4+$0x0] =	vst.idx.msk $0x1, v44;
	v4 =	vmov s3  }
0x60b: {  	s28 =	sadd.s32 $0x703, s24;
	s7 =	sadd.s32 $0x302, s24;
	v8 =	vmov s26;
	[tilespmem:v5+s1+$0x0] =	vst.idx.msk vm0, v14;
	v4 =	vand.u32 $0xFFFFFFFE, v4  }
0x60c: {  	s8 =	sadd.s32 $0x502, s24;
	v11 =	vmov s28;
	[tilespmem:v5+s4+$0x0] =	vst.idx.msk $0x1, v1;
	v1 =	vmov s7;
	v4 =	vbroadcast v4, $0x0  }
0x60d: {  	s9 =	sadd.s32 $0x702, s24;
	[tilespmem:v2+s4+$0x0] =	vst.idx.msk $0x1, v6;
	v2 =	vmov s8;
	v1 =	vand.u32 $0xFFFFFFFE, v1  }
0x60e: {  	[tilespmem:v3+s4+$0x0] =	vst.idx.msk $0x1, v45;
	v5 =	vmov s9;
	v2 =	vand.u32 $0xFFFFFFFE, v2;
	v1 =	vbroadcast v1, $0x0  }
0x60f: {  	[tilespmem:v0+s4+$0x0] =	vst.idx.msk $0x1, v43;
	v5 =	vand.u32 $0xFFFFFFFE, v5;
	v2 =	vbroadcast v2, $0x0  }
0x610: {  	[tilespmem:v8+s4+$0x0] =	vst.idx.msk $0x1, v20;
	v3 =	vbroadcast v5, $0x0  }
0x611: {  	[tilespmem:v11+s4+$0x0] =	vst.idx.msk $0x1, v7;
	v0, _, _ =	vpop (xrf2)  }
0x612: {  	[tilespmem:v4+s1+$0x0] =	vst.idx.msk vm0, v0  }
0x613: {  	[tilespmem:v4+s4+$0x0] =	vst.idx.msk $0x1, v10  }
0x614: {  	[tilespmem:v1+s4+$0x0] =	vst.idx.msk $0x1, v9  }
0x615: {  	[tilespmem:v2+s4+$0x0] =	vst.idx.msk $0x1, v13  }
0x616: {  	s10 =	simm.s32 $0x2;
	[tilespmem:v3+s4+$0x0] =	vst.idx.msk $0x1, v12  }
0x617: {  	_ =	swait.ge [sflag:s10], $0x4000  }
0x618: {  	[sflag:s10] =	ssyncset.done $0x0  }
0x619: {  	s11 =	simm.s32 $0x4;
	[sflag:s10] =	ssyncadd.s32 $0xFFFFC000  }
0x61a: {  	_ =	swait.ge [sflag:s11], $0x4000  }
0x61b: {  	[sflag:s11] =	ssyncset.done $0x0  }
0x61c: {  	[sflag:s11] =	ssyncadd.s32 $0xFFFFC000  }
0x61d: {  	_ =	swait.ge [sflag:s30], $0x4000  }
0x61e: {  	v52 =	vld [tilespmem:$0x1FF20]  }
0x61f: {  	v53 =	vld [tilespmem:$0x1FF40]  }
0x620: {  	v37 =	vld [tilespmem:$0x1FDF0]  }
0x621: {  	[sflag:s30] =	ssyncset.done $0x0;
	v34 =	vld [tilespmem:$0x1FEF0]  }
0x622: {  	s8 =	simm.s32 $0xC680;
	v25 =	vld [tilespmem:$0x1FFA0];
	[sflag:s30] =	ssyncadd.s32 $0xFFFFC000  }
0x623: {  	v22 =	vld [tilespmem:s8+$0x10]  }
0x624: {  	s7 =	simm.s32 $0x14690;
	v33 =	vld [tilespmem:s8+$0x30]  }
0x625: {  	v28 =	vld [tilespmem:s7+$0xFFFFFFF0]  }
0x626: {  	v29 =	vld [tilespmem:s7+$0x0]  }
0x627: {  	v23 =	vld [tilespmem:s8+$0x0]  }
0x628: {  	s12 =	simm.s32 $0x4680;
	v38 =	vld [tilespmem:s8+$0x20]  }
0x629: {  	v36 =	vld [tilespmem:s12+$0x0]  }
0x62a: {  	v32 =	vld [tilespmem:s12+$0x10]  }
0x62b: {  	v40 =	vld [tilespmem:s12+$0x20]  }
0x62c: {  	v39 =	vld [tilespmem:s12+$0x30]  }
0x62d: {  	v16 =	vld [tilespmem:s12+$0xFFFFFF90]  }
0x62e: {  	v20 =	vld [tilespmem:s12+$0xFFFFFFA0]  }
0x62f: {  	v3 =	vld [tilespmem:s12+$0xFFFFFFB0]  }
0x630: {  	v5 =	vld [tilespmem:s12+$0x40]  }
0x631: {  	v4 =	vld [tilespmem:s12+$0x50]  }
0x632: {  	v24 =	vld [tilespmem:s12+$0x60];
	v0 =	vmul.f32 v28, v52;
	v1 =	vmul.f32 v29, v53  }
0x633: {  	v50 =	vld [tilespmem:s12+$0x70];
	v7 =	vmul.f32 v22, v37;
	v8 =	vmul.f32 v33, v37  }
0x634: {  	v6 =	vld [tilespmem:s8+$0x40];
	v2 =	vmul.f32 v23, v34;
	v9 =	vmul.f32 v38, v34  }
0x635: {  	v42 =	vld [tilespmem:s8+$0x60];
	v10 =	vmul.f32 v36, v30;
	v11 =	vmul.f32 v32, v31  }
0x636: {  	v62 =	vld [tilespmem:s8+$0x50];
	v12 =	vmul.f32 v40, v30;
	v0 =	vadd.f32 v1, v0;
	v1 =	vmul.f32 v39, v31  }
0x637: {  	v63 =	vld [tilespmem:s8+$0x70];
	v13 =	vmul.f32 v4, v31;
	v10 =	vadd.f32 v11, v10;
	v11 =	vmul.f32 v5, v30  }
0x638: {  	v54 =	vld [tilespmem:s12+$0xFFFFFFD0];
	v14 =	vmul.f32 v50, v31;
	v1 =	vadd.f32 v1, v12;
	v12 =	vmul.f32 v24, v30  }
0x639: {  	v27 =	vld [tilespmem:s12+$0xFFFFFFE0];
	v15 =	vmul.f32 v6, v34;
	v10 =	vadd.f32 v2, v10;
	v11 =	vadd.f32 v13, v11  }
0x63a: {  	v19 =	vld [tilespmem:s12+$0xFFFFFF80];
	v13 =	vmul.f32 v42, v34;
	v1 =	vadd.f32 v9, v1;
	v12 =	vadd.f32 v14, v12  }
0x63b: {  	v26 =	vld [tilespmem:s12+$0xFFFFFFC0];
	(xrf2) =	vadd.scan.msk.f32 $0xffff, v0;
	v7 =	vadd.f32 v7, v10;
	v10 =	vadd.f32 v15, v11;
	v11 =	vmul.f32 v62, v37  }
0x63c: {  	v21 =	vld [tilespmem:s8+$0xFFFFFFA0];
	v0 =	vadd.f32 v8, v1;
	v1 =	vadd.f32 v13, v12;
	v8 =	vmul.f32 v63, v37  }
0x63d: {  	v2 =	vld [tilespmem:s12+$0xFFFFFFF0];
	(xrf2) =	vadd.scan.msk.f32 $0xffff, v7;
	v7 =	vadd.f32 v11, v10  }
0x63e: {  	v56 =	vld [tilespmem:s8+$0xFFFFFFC0];
	v14 =	vmul.f32 v27, v30;
	(xrf2) =	vadd.scan.msk.f32 $0xffff, v0;
	v0 =	vadd.f32 v8, v1  }
0x63f: {  	v9 =	vld [tilespmem:s8+$0xFFFFFF80];
	v12 =	vmul.f32 v19, v30;
	v13 =	vmul.f32 v54, v31;
	(xrf2) =	vadd.scan.msk.f32 $0xffff, v7  }
0x640: {  	v11 =	vld [tilespmem:s8+$0xFFFFFF90];
	v1 =	vmul.f32 v16, v31;
	v8 =	vmul.f32 v3, v31;
	(xrf2) =	vadd.scan.msk.f32 $0xffff, v0  }
0x641: {  	v55 =	vld [tilespmem:s8+$0xFFFFFFE0];
	v7 =	vmul.f32 v20, v30;
	v0 =	vmul.f32 v26, v30  }
0x642: {  	v10 =	vld [tilespmem:s8+$0xFFFFFFB0];
	v1 =	vadd.f32 v1, v12;
	v12 =	vmul.f32 v2, v31  }
0x643: {  	v7 =	vadd.f32 v8, v7;
	v8 =	vadd.f32 v13, v0;
	v13 =	vmul.f32 v21, v34;
	v0 =	vld [tilespmem:s7+$0xFFFFFF70]  }
0x644: {  	v57 =	vld [tilespmem:s8+$0xFFFFFFD0];
	v15 =	vmul.f32 v9, v34  }
0x645: {  	v35 =	vld [tilespmem:s8+$0xFFFFFFF0];
	v17 =	vmul.f32 v56, v34;
	v18 =	vmul.f32 v11, v37;
	v12 =	vadd.f32 v12, v14;
	v14, _, _ =	vpop (xrf2)  }
0x646: {  	v1 =	vadd.f32 v15, v1;
	v15 =	vmul.f32 v55, v34;
	v14 =	vbroadcast v14, $0xF  }
0x647: {  	v7 =	vadd.f32 v13, v7;
	v8 =	vadd.f32 v17, v8;
	v17 =	vmul.f32 v10, v37;
	v13, _, _ =	vpop (xrf2)  }
0x648: {  	v12 =	vadd.f32 v15, v12;
	v15 =	vadd.f32 v18, v1;
	[tilespmem:$0x1FB20] =	vst v0;
	v49, _, _ =	vpop (xrf2)  }
0x649: {  	v48 =	vmul.f32 v57, v37;
	v14 =	vadd.f32 v14, v25;
	v7 =	vadd.f32 v17, v7;
	v1 =	vld [tilespmem:s7+$0xFFFFFF80];
	v18, _, _ =	vpop (xrf2)  }
0x64a: {  	v17 =	vmul.f32 v35, v37;
	v13 =	vadd.f32 $0.0e+00, v13;
	v51 =	vadd.f32 $0.0e+00, v49;
	v58, _, _ =	vpop (xrf2)  }
0x64b: {  	v59 =	vmul.f32 v0, v52;
	v18 =	vadd.f32 $0.0e+00, v18;
	v44 =	vadd.f32 $0.0e+00, v58  }
0x64c: {  	v8 =	vadd.f32 v48, v8;
	v13 =	vbroadcast v13, $0xF;
	v43 =	vbroadcast v51, $0xF  }
0x64d: {  	v12 =	vadd.f32 v17, v12;
	v17 =	vbroadcast v18, $0xF;
	v18 =	vbroadcast v44, $0xF  }
0x64e: {  	(xrf2) =	vadd.scan.msk.f32 $0xffff, v15;
	v13 =	vadd.f32 v14, v13;
	v15 =	vmul.f32 v1, v53;
	v43 =	vadd.f32 v14, v43  }
0x64f: {  	(xrf2) =	vadd.scan.msk.f32 $0xffff, v7;
	v7 =	vadd.f32 v14, v17;
	v14 =	vadd.f32 v14, v18  }
0x650: {  	(xrf2) =	vadd.scan.msk.f32 $0xffff, v8;
	v8 =	vmax.f32 v13, $0.0e+00;
	v15 =	vadd.f32 v15, v59  }
0x651: {  	(xrf2) =	vadd.scan.msk.f32 $0xffff, v12;
	v12 =	vmax.f32 v43, $0.0e+00;
	v7 =	vmax.f32 v7, $0.0e+00;
	v13 =	vmax.f32 v14, $0.0e+00  }
0x652: {  	(xrf2) =	vadd.scan.msk.f32 $0xffff, v15;
	v14 =	vmax.f32 v8, v12;
	v15 =	vmax.f32 v7, v13  }
0x653: {  	v14 =	vmax.f32 v14, v15  }
0x654: {  	v8 =	vsub.f32 v8, v14  }
0x655: {  	v12 =	vsub.f32 v12, v14  }
0x656: {  	v8 =	vmul.f32 $1.442695020e+00, v8  }
0x657: {  	v12 =	vmul.f32 $1.442695020e+00, v12;
	_ =	sdelay $0x1  }
0x658: {  	v7 =	vsub.f32 v7, v14;
	v15, _, _ =	vpop (xrf2);
	(erf) = vpow2.f32 v8  }
0x659: {  	(erf) = vpow2.f32 v12;
	v8, _, _ =	vpop (xrf2)  }
0x65a: {  	v13 =	vsub.f32 v13, v14;
	v7 =	vmul.f32 $1.442695020e+00, v7;
	v12, _, _ =	vpop (xrf2)  }
0x65b: {  	v14, _, _ =	vpop (xrf2)  }
0x65c: {  	v13 =	vmul.f32 $1.442695020e+00, v13;
	(erf) = vpow2.f32 v7;
	v7 =	vadd.f32 $0.0e+00, v15;
	v15, _, _ =	vpop (xrf2)  }
0x65d: {  	v8 =	vadd.f32 $0.0e+00, v8;
	v15 =	vbroadcast v15, $0xF  }
0x65e: {  	(erf) = vpow2.f32 v13;
	v12 =	vadd.f32 $0.0e+00, v12;
	v13 =	vadd.f32 $0.0e+00, v14  }
0x65f: {  	v7 =	vbroadcast v7, $0xF;
	v8 =	vbroadcast v8, $0xF;
	v14 =	vadd.f32 v15, v25  }
0x660: {  	v12 =	vbroadcast v12, $0xF;
	v13 =	vbroadcast v13, $0xF  }
0x661: {  	v47 =	vpop (erf);
	v7 =	vadd.f32 v14, v7;
	v8 =	vadd.f32 v14, v8  }
0x662: {  	v12 =	vadd.f32 v14, v12;
	v13 =	vadd.f32 v14, v13;
	v48 =	vpop (erf)  }
0x663: {  	s13 =	simm.s32 $0xC780;
	[tilespmem:$0x1FB30] =	vst v1;
	v14 =	vadd.f32 v48, v47;
	v7 =	vmax.f32 v7, $0.0e+00  }
0x664: {  	v0 =	vld [tilespmem:s13+$0x30];
	v8 =	vmax.f32 v8, $0.0e+00;
	v12 =	vmax.f32 v12, $0.0e+00;
	v13 =	vmax.f32 v13, $0.0e+00  }
0x665: {  	v49 =	vpop (erf);
	v15 =	vmax.f32 v7, v8;
	v17 =	vmax.f32 v12, v13  }
0x666: {  	v60 =	vadd.f32 v14, v49;
	v61 =	vmax.f32 v15, v17  }
0x667: {  	s21 =	simm.s32 $0x14790;
	v51 =	vpop (erf);
	v7 =	vsub.f32 v7, v61  }
0x668: {  	v1 =	vld [tilespmem:s21+$0xFFFFFFF0];
	v43 =	vadd.f32 v60, v51  }
0x669: {  	v45 =	vsub.f32 v19, v9;
	v19 =	vmov v0;
	v0 =	vld [tilespmem:s13+$0x0];
	v7 =	vmul.f32 $1.442695020e+00, v7  }
0x66a: {  	v18 =	vld [tilespmem:s13+$0x20];
	(erf) = vrcp.f32 v43  }
0x66b: {  	v15 =	vld [tilespmem:s13+$0x10];
	(erf) = vpow2.f32 v7;
	v7 =	vsub.f32 v20, v21  }
0x66c: {  	v3 =	vsub.f32 v3, v10;
	v14 =	vld [tilespmem:s21+$0x0];
	v8 =	vsub.f32 v8, v61  }
0x66d: {  	s23 =	simm.s32 $0x4780;
	v6 =	vsub.f32 v5, v6;
	[tilespmem:$0x1FB40] =	vst v7  }
0x66e: {  	v44 =	vsub.f32 v16, v11;
	v12 =	vsub.f32 v12, v61;
	v8 =	vmul.f32 $1.442695020e+00, v8;
	v20 =	vmovc v0;
	v0 =	vld [tilespmem:s23+$0x0];
	[tilespmem:$0x1FB50] =	vst v3  }
0x66f: {  	v46 =	vmul.f32 v18, v34;
	v9 =	vsub.f32 v13, v61;
	v13 =	vmul.f32 v19, v37;
	v3 =	vld [tilespmem:s23+$0x10]  }
0x670: {  	v11 =	vmul.f32 $1.442695020e+00, v12;
	v21 =	vmovc v15;
	(erf) = vpow2.f32 v8;
	v8 =	vsub.f32 v24, v42;
	v24 =	vld [tilespmem:s23+$0x20]  }
0x671: {  	v38 =	vsub.f32 v40, v38;
	v10 =	vmul.f32 v14, v53;
	v12 =	vmul.f32 v21, v37;
	v15 =	vld [tilespmem:s23+$0x30];
	[tilespmem:$0x1FAD0] =	vst v1  }
0x672: {  	v33 =	vsub.f32 v39, v33;
	v41 =	vmul.f32 v20, v34;
	v7 =	vmul.f32 $1.442695020e+00, v9;
	[tilespmem:$0x1FAE0] =	vst v14  }
0x673: {  	(erf) = vpow2.f32 v11;
	v9 =	vmul.f32 v1, v52;
	v11 =	vsub.f32 v4, v62;
	v4 =	vld [tilespmem:s23+$0xFFFFFF90]  }
0x674: {  	v23 =	vsub.f32 v36, v23;
	(erf) = vpow2.f32 v7;
	v5 =	vld [tilespmem:s23+$0xFFFFFFA0];
	v58 =	vpop (erf);
	[tilespmem:$0x1FAF0] =	vst v0;
	v62 =	vmul.f32 v0, v30  }
0x675: {  	v7 =	vsub.f32 v50, v63;
	v50 =	vmul.f32 v58, v47;
	v47 =	vmul.f32 v58, v48;
	[tilespmem:$0x1FB00] =	vst v3  }
0x676: {  	v22 =	vsub.f32 v32, v22;
	v48 =	vmul.f32 v58, v49;
	v49 =	vmul.f32 v58, v51;
	v17 =	vld [tilespmem:s23+$0xFFFFFFB0]  }
0x677: {  	v9 =	vadd.f32 v10, v9;
	v63 =	vmul.f32 v3, v31;
	v59 =	vmul.f32 v24, v30;
	v42 =	vld [tilespmem:s23+$0xFFFFFFC0];
	[tilespmem:$0x1FB10] =	vst v15  }
0x678: {  	v51 =	vsub.f32 v54, v57;
	v60 =	vmul.f32 v50, v23;
	v61 =	vmul.f32 v50, v22;
	v23 =	vld [tilespmem:s23+$0x40]  }
0x679: {  	v10 =	vmul.f32 v15, v31;
	v0 =	vmul.f32 v47, v38;
	v39 =	vadd.f32 v63, v62;
	v22 =	vld [tilespmem:s23+$0x50]  }
0x67a: {  	v1 =	vmovc v52;
	v33 =	vmul.f32 v47, v33;
	v40 =	vld [tilespmem:s23+$0x60];
	v62 =	vadd.f32 v60, v28;
	v52 =	vadd.f32 v61, v29  }
0x67b: {  	v6 =	vmul.f32 v48, v6;
	v10 =	vadd.f32 v10, v59;
	v28 =	vld [tilespmem:s23+$0x70];
	v39 =	vadd.f32 v41, v39  }
0x67c: {  	(xrf2) =	vadd.scan.msk.f32 $0xffff, v9;
	v11 =	vmul.f32 v48, v11;
	v29 =	vld [tilespmem:s13+$0x40];
	v63 =	vadd.f32 v62, v0;
	v33 =	vadd.f32 v52, v33  }
0x67d: {  	v8 =	vmul.f32 v49, v8;
	v10 =	vadd.f32 v46, v10;
	v41 =	vld [tilespmem:s13+$0x60];
	v12 =	vadd.f32 v12, v39  }
0x67e: {  	v7 =	vmul.f32 v49, v7;
	v6 =	vadd.f32 v63, v6;
	v11 =	vadd.f32 v33, v11;
	v33 =	vld [tilespmem:s13+$0x50]  }
0x67f: {  	v10 =	vadd.f32 v13, v10;
	v39 =	vld [tilespmem:s13+$0x70];
	v13 =	vmul.f32 v23, v30;
	v32 =	vmul.f32 v22, v31  }
0x680: {  	v16 =	vld [tilespmem:s23+$0xFFFFFF80];
	v0 =	vmul.f32 v28, v31;
	v6 =	vadd.f32 v6, v8;
	v8 =	vmul.f32 v40, v30  }
0x681: {  	v14 =	vld [tilespmem:s13+$0xFFFFFFC0];
	v9 =	vmul.f32 v29, v34;
	v7 =	vadd.f32 v11, v7;
	v11 =	vadd.f32 v32, v13  }
0x682: {  	v43 =	vmovc v53;
	v46 =	vld [tilespmem:s23+$0xFFFFFFD0];
	(xrf2) =	vadd.scan.msk.f32 $0xffff, v12;
	v53 =	vmul.f32 v41, v34;
	v6 =	vand.u32 $0x7FFFFFFF, v6;
	v8 =	vadd.f32 v0, v8  }
0x683: {  	v52 =	vld [tilespmem:s23+$0xFFFFFFE0];
	v7 =	vand.u32 $0x7FFFFFFF, v7;
	v9 =	vadd.f32 v9, v11;
	v11 =	vmul.f32 v33, v37  }
0x684: {  	v12 =	vld [tilespmem:s13+$0xFFFFFF80];
	(xrf2) =	vadd.scan.msk.f32 $0xffff, v10;
	v58 =	vmul.f32 v39, v37;
	v7 =	vadd.f32 v7, v6;
	v8 =	vadd.f32 v53, v8  }
0x685: {  	v38 =	vsub.f32 v2, v35;
	v2 =	vmul.f32 v42, v30;
	v13 =	vld [tilespmem:s23+$0xFFFFFFF0];
	v9 =	vadd.f32 v11, v9  }
0x686: {  	v59 =	vmul.f32 v16, v30;
	v57, _, _ =	vpop (xrf2);
	v36 =	vmul.f32 v14, v34;
	v10 =	vld [tilespmem:s13+$0xFFFFFFA0];
	(xrf2) =	vadd.scan.msk.f32 $0xffff, v7;
	v7 =	vadd.f32 v58, v8  }
0x687: {  	v57 =	vbroadcast v57, $0xF;
	v32 =	vsub.f32 v27, v55;
	v27 =	vmul.f32 v17, v31;
	v53 =	vld [tilespmem:s13+$0xFFFFFFE0];
	(xrf2) =	vadd.scan.msk.f32 $0xffff, v9  }
0x688: {  	v60 =	vmul.f32 v46, v31;
	v55 =	vld [tilespmem:s13+$0xFFFFFFB0];
	v61 =	vmul.f32 v52, v30;
	(xrf2) =	vadd.scan.msk.f32 $0xffff, v7  }
0x689: {  	v6 =	vsub.f32 v26, v56;
	v26 =	vmul.f32 v5, v30;
	v11 =	vmul.f32 v4, v31  }
0x68a: {  	v15 =	vld [tilespmem:s13+$0xFFFFFF90];
	v2 =	vadd.f32 v60, v2;
	v63 =	vmul.f32 v12, v34;
	v62 =	vmul.f32 v13, v31;
	v8 =	vpop (erf)  }
0x68b: {  	v26 =	vadd.f32 v27, v26;
	v27 =	vmul.f32 v10, v34;
	v11 =	vadd.f32 v11, v59;
	v9 =	vpop (erf)  }
0x68c: {  	v35 =	vadd.f32 v62, v61;
	v59 =	vmul.f32 v53, v34;
	v61, _, _ =	vpop (xrf2);
	v7 =	vadd.f32 v9, v8  }
0x68d: {  	v56 =	vld [tilespmem:s13+$0xFFFFFFD0];
	v2 =	vadd.f32 v36, v2;
	v36 =	vmul.f32 v55, v37;
	v26 =	vadd.f32 v27, v26;
	v58 =	vpop (erf)  }
0x68e: {  	v11 =	vadd.f32 v63, v11;
	v63, _, _ =	vpop (xrf2);
	v7 =	vadd.f32 v7, v58  }
0x68f: {  	v57 =	vadd.f32 v57, v25;
	v60 =	vmul.f32 v15, v37;
	v27 =	vld [tilespmem:s21+$0xFFFFFF70];
	v36 =	vadd.f32 v36, v26;
	v54 =	vpop (erf)  }
0x690: {  	v62 =	vld [tilespmem:s13+$0xFFFFFFF0];
	v35 =	vadd.f32 v59, v35;
	v7 =	vadd.f32 v7, v54;
	v59, _, _ =	vpop (xrf2)  }
0x691: {  	v26 =	vld [tilespmem:s21+$0xFFFFFF80];
	v61 =	vadd.f32 $0.0e+00, v61;
	v11 =	vadd.f32 v60, v11;
	v34, _, _ =	vpop (xrf2)  }
0x692: {  	v63 =	vadd.f32 $0.0e+00, v63;
	(erf) = vrcp.f32 v7;
	v7 =	vmul.f32 v56, v37;
	v3, _, _ =	vpop (xrf2)  }
0x693: {  	v61 =	vbroadcast v61, $0xF;
	v60 =	vadd.f32 $0.0e+00, v34;
	v3 =	vadd.f32 $0.0e+00, v3  }
0x694: {  	v1 =	vmul.f32 v27, v1;
	v2 =	vadd.f32 v7, v2;
	v7 =	vbroadcast v63, $0xF  }
0x695: {  	v61 =	vadd.f32 v57, v61;
	v60 =	vbroadcast v60, $0xF;
	v3 =	vbroadcast v3, $0xF  }
0x696: {  	v0 =	vmul.f32 v26, v43;
	v37 =	vmul.f32 v62, v37;
	v7 =	vadd.f32 v57, v7  }
0x697: {  	(xrf2) =	vadd.scan.msk.f32 $0xffff, v11;
	v11 =	vadd.f32 v57, v60;
	v3 =	vadd.f32 v57, v3  }
0x698: {  	(xrf2) =	vadd.scan.msk.f32 $0xffff, v36;
	v0 =	vadd.f32 v0, v1;
	v1 =	vmax.f32 v61, $0.0e+00;
	v35 =	vadd.f32 v37, v35  }
0x699: {  	(xrf2) =	vadd.scan.msk.f32 $0xffff, v2;
	v2 =	vmax.f32 v7, $0.0e+00;
	v7 =	vmax.f32 v11, $0.0e+00;
	v3 =	vmax.f32 v3, $0.0e+00  }
0x69a: {  	v36 =	vsub.f32 v16, v12;
	(xrf2) =	vadd.scan.msk.f32 $0xffff, v35;
	v11 =	vmax.f32 v1, v2;
	v12 =	vmax.f32 v7, v3  }
0x69b: {  	(xrf2) =	vadd.scan.msk.f32 $0xffff, v0;
	v0 =	vmax.f32 v11, v12  }
0x69c: {  	v1 =	vsub.f32 v1, v0  }
0x69d: {  	v37 =	vsub.f32 v5, v10;
	v5 =	vpop (erf);
	v10 =	vsub.f32 v2, v0  }
0x69e: {  	v34 =	vsub.f32 v42, v14;
	v42 =	vmul.f32 v5, v8;
	v1 =	vmul.f32 $1.442695020e+00, v1  }
0x69f: {  	v7 =	vsub.f32 v7, v0;
	v2 =	vsub.f32 v13, v62;
	v13 =	vld [tilespmem:$0x1FB20];
	v10 =	vmul.f32 $1.442695020e+00, v10  }
0x6a0: {  	v0 =	vsub.f32 v3, v0;
	v12 =	vmul.f32 v42, v44;
	v44 =	vmul.f32 v5, v9;
	v9 =	vld [tilespmem:$0x1FB30]  }
0x6a1: {  	v11 =	vmul.f32 v42, v45  }
0x6a2: {  	v61 =	vsub.f32 v46, v56;
	v0 =	vmul.f32 $1.442695020e+00, v0;
	(erf) = vpow2.f32 v1;
	v1, _, _ =	vpop (xrf2)  }
0x6a3: {  	s25 =	simm.s32 $0x380;
	v46 =	vsub.f32 v52, v53;
	v7 =	vmul.f32 $1.442695020e+00, v7;
	(erf) = vpow2.f32 v10;
	v10, _, _ =	vpop (xrf2)  }
0x6a4: {  	s24 =	simm.s32 $0x180;
	v56 =	vmov s25;
	v35 =	vsub.f32 v17, v55;
	v11 =	vadd.f32 v11, v13;
	v13, _, _ =	vpop (xrf2)  }
0x6a5: {  	s14 =	simm.s32 $0x181;
	v55 =	vmov s24;
	v9 =	vadd.f32 v12, v9;
	(erf) = vpow2.f32 v7;
	v12, _, _ =	vpop (xrf2)  }
0x6a6: {  	v60 =	vsub.f32 v4, v15;
	v4 =	vmov s14;
	(erf) = vpow2.f32 v0;
	v0, _, _ =	vpop (xrf2)  }
0x6a7: {  	s15 =	simm.s32 $0x381;
	v14 =	vld [tilespmem:$0x1FB40];
	v10 =	vadd.f32 $0.0e+00, v10;
	v13 =	vadd.f32 $0.0e+00, v13;
	v0 =	vbroadcast v0, $0xF  }
0x6a8: {  	v8 =	vmov s15;
	v43 =	vmul.f32 v5, v54;
	v1 =	vadd.f32 $0.0e+00, v1  }
0x6a9: {  	s16 =	simm.s32 $0x581;
	v10 =	vbroadcast v10, $0xF;
	v13 =	vbroadcast v13, $0xF;
	v0 =	vadd.f32 v0, v25  }
0x6aa: {  	v3 =	vmov s16;
	v1 =	vbroadcast v1, $0xF;
	v12 =	vadd.f32 $0.0e+00, v12  }
0x6ab: {  	v45 =	vmul.f32 v5, v58;
	v5 =	vadd.f32 v0, v10;
	v10 =	vadd.f32 v0, v13;
	v13 =	vld [tilespmem:$0x1FB50]  }
0x6ac: {  	s17 =	simm.s32 $0x781;
	v57 =	vmul.f32 v44, v14;
	v12 =	vbroadcast v12, $0xF;
	v1 =	vadd.f32 v0, v1  }
0x6ad: {  	s26 =	simm.s32 $0x580;
	v62 =	vmul.f32 v45, v6;
	v63 =	vmul.f32 v45, v51;
	v7 =	vmov s17  }
0x6ae: {  	v11 =	vadd.f32 v11, v57;
	v0 =	vadd.f32 v0, v12;
	v12 =	vmov s26;
	[tilespmem:v4+s1+$0x0] =	vst.idx.msk vm0, v59  }
0x6af: {  	[tilespmem:v4+s4+$0x0] =	vst.idx.msk $0x1, v50;
	v50 =	vand.u32 $0xFFFFFFFE, v55;
	v53 =	vmax.f32 v1, $0.0e+00;
	v52 =	vmax.f32 v5, $0.0e+00  }
0x6b0: {  	s28 =	simm.s32 $0x780;
	v51 =	vmax.f32 v10, $0.0e+00;
	v10 =	vmax.f32 v0, $0.0e+00;
	v1 =	vpop (erf);
	v13 =	vmul.f32 v44, v13  }
0x6b1: {  	v5 =	vadd.f32 v11, v62;
	[tilespmem:v8+s4+$0x0] =	vst.idx.msk $0x1, v47;
	v8 =	vmov s28;
	v0 =	vmax.f32 v53, v52;
	v6 =	vpop (erf)  }
0x6b2: {  	v4 =	vmax.f32 v51, v10;
	v11 =	vadd.f32 v6, v1;
	v9 =	vadd.f32 v9, v13  }
0x6b3: {  	[tilespmem:v3+s4+$0x0] =	vst.idx.msk $0x1, v48;
	v3 =	vand.u32 $0xFFFFFFFE, v12;
	v54 =	vmax.f32 v0, v4;
	v4 =	vand.u32 $0xFFFFFFFE, v56;
	v47 =	vpop (erf)  }
0x6b4: {  	s29 =	simm.s32 $0x2;
	s31 =	simm.s32 $0xC880;
	s24 =	simm.s32 $0x0;
	[tilespmem:v7+s4+$0x0] =	vst.idx.msk $0x1, v49;
	v0 =	vand.u32 $0xFFFFFFFE, v8;
	v13 =	vadd.f32 v11, v47;
	v9 =	vadd.f32 v9, v63  }
.LBB2_16:
0x6b5: {  	v8 =	vsub.f32 v53, v54;
	v11 =	vsub.f32 v52, v54  }
0x6b6: {  	v12 =	vpop (erf);
	v51 =	vsub.f32 v51, v54  }
0x6b7: {  	v13 =	vadd.f32 v13, v12;
	v8 =	vmul.f32 $1.442695020e+00, v8;
	v11 =	vmul.f32 $1.442695020e+00, v11  }
0x6b8: {  	[tilespmem:$0x1FAC0] =	vst v61;
	v48 =	vmul.f32 v43, v32;
	v61 =	vmul.f32 v43, v38  }
0x6b9: {  	v14 =	vmov v2;
	v2 =	vmul.f32 $1.442695020e+00, v51;
	(erf) = vrcp.f32 v13  }
0x6ba: {  	v7 =	vld [tilespmem:s31+$0x10];
	(erf) = vpow2.f32 v8;
	v5 =	vadd.f32 v5, v48;
	v8 =	vadd.f32 v9, v61  }
0x6bb: {  	v49 =	vld [tilespmem:s31+$0x30];
	(erf) = vpow2.f32 v11  }
0x6bc: {  	v16 =	vld [tilespmem:$0x1FF20];
	(erf) = vpow2.f32 v2;
	v5 =	vand.u32 $0x7FFFFFFF, v5;
	v2 =	vand.u32 $0x7FFFFFFF, v8  }
0x6bd: {  	[tilespmem:$0x1FA20] =	vst v36;
	v36 =	vld [tilespmem:$0x1FF40];
	v2 =	vadd.f32 v2, v5  }
0x6be: {  	[tilespmem:$0x1FAB0] =	vst v34;
	v34 =	vld [tilespmem:$0x1FDF0]  }
0x6bf: {  	(xrf2) =	vadd.scan.msk.f32 $0xffff, v2;
	v2 =	vld [tilespmem:$0x1FB10]  }
0x6c0: {  	s21 =	sadd.s32 $0x100, s21;
	v41 =	vsub.f32 v40, v41;
	v40 =	vld [tilespmem:$0x1FEF0]  }
0x6c1: {  	v58 =	vld [tilespmem:s21+$0xFFFFFFF0]  }
0x6c2: {  	s23 =	sadd.s32 $0x100, s23;
	v59 =	vld [tilespmem:s21+$0x0]  }
0x6c3: {  	[tilespmem:$0x1FA40] =	vst v60;
	v60 =	vld [tilespmem:s23+$0x30]  }
0x6c4: {  	[tilespmem:$0x1FA50] =	vst v14;
	v14 =	vld [tilespmem:$0x1FAD0];
	v25 =	vsub.f32 v2, v19;
	v2 =	vmov v49  }
0x6c5: {  	v10 =	vsub.f32 v10, v54;
	[tilespmem:$0x1FA90] =	vst v2;
	v2 =	vld [tilespmem:$0x1FAF0]  }
0x6c6: {  	v13 =	vld [tilespmem:s31+$0x0]  }
0x6c7: {  	v10 =	vmul.f32 $1.442695020e+00, v10;
	v11 =	vld [tilespmem:s23+$0x0]  }
0x6c8: {  	v9 =	vld [tilespmem:s31+$0x20]  }
0x6c9: {  	(erf) = vpow2.f32 v10;
	v10 =	vld [tilespmem:s23+$0x20]  }
0x6ca: {  	v54 =	vbroadcast v50, $0x0;
	v8 =	vld [tilespmem:s23+$0x10];
	v19 =	vsub.f32 v2, v20;
	v20 =	vpop (erf)  }
0x6cb: {  	v53 =	vbroadcast v4, $0x0;
	v39 =	vsub.f32 v28, v39;
	v2 =	vld [tilespmem:$0x1FB00];
	v55 =	vmul.f32 v20, v1  }
0x6cc: {  	v28 =	vsub.f32 v22, v33;
	v4 =	vld [tilespmem:s23+$0xFFFFFF90];
	v51 =	vbroadcast v3, $0x0;
	v33 =	vmul.f32 v7, v34  }
0x6cd: {  	v29 =	vsub.f32 v23, v29;
	v52 =	vld [tilespmem:s23+$0xFFFFFFB0];
	v3 =	vmul.f32 v58, v16;
	v19 =	vmul.f32 v55, v19  }
0x6ce: {  	[tilespmem:$0x1FA70] =	vst v35;
	v22 =	vsub.f32 v24, v18;
	v50 =	vld [tilespmem:s23+$0xFFFFFFC0];
	v23 =	vmul.f32 v59, v36;
	v61 =	vmul.f32 v49, v34  }
0x6cf: {  	v62 =	vmul.f32 v11, v30;
	v35 =	vmovc v9;
	v9 =	vmul.f32 v13, v40;
	v19 =	vadd.f32 v19, v14;
	v14 =	vld [tilespmem:$0x1FAE0]  }
0x6d0: {  	v15 =	vmovc v46;
	v46 =	vld [tilespmem:s23+$0xFFFFFFD0];
	v56 =	vmul.f32 v10, v30;
	v63 =	vmul.f32 v8, v31;
	v18 =	vsub.f32 v2, v21  }
0x6d1: {  	[tilespmem:$0x1FA60] =	vst v37;
	v37 =	vld [tilespmem:s23+$0x60];
	v6 =	vmul.f32 v20, v6;
	v21 =	vadd.f32 v23, v3;
	v23 =	vmul.f32 v60, v31  }
0x6d2: {  	v5 =	vld [tilespmem:s23+$0xFFFFFFA0];
	v24 =	vmul.f32 v35, v40;
	v32 =	vadd.f32 v63, v62;
	v18 =	vmul.f32 v55, v18  }
0x6d3: {  	[tilespmem:$0x1FA30] =	vst v15;
	v15 =	vmul.f32 v6, v22;
	v22 =	vld [tilespmem:s23+$0x50];
	v62 =	vadd.f32 v23, v56;
	v56 =	vmul.f32 v20, v47  }
0x6d4: {  	v57 =	vmul.f32 v20, v12;
	v12 =	vmovc v58;
	v23 =	vld [tilespmem:s23+$0x40];
	v17 =	vadd.f32 v18, v14;
	v14 =	vmov v7  }
0x6d5: {  	[tilespmem:$0x1FAD0] =	vst v12;
	v25 =	vmul.f32 v6, v25;
	v20 =	vmul.f32 v56, v28;
	v28 =	vld [tilespmem:s23+$0x70];
	v7 =	vadd.f32 v9, v32  }
0x6d6: {  	(xrf2) =	vadd.scan.msk.f32 $0xffff, v21;
	v12 =	vadd.f32 v19, v15;
	v21 =	vadd.f32 v24, v62;
	v9 =	vmul.f32 v56, v29;
	v29 =	vld [tilespmem:s31+$0x40]  }
0x6d7: {  	v48 =	vld [tilespmem:s23+$0xFFFFFFF0];
	[tilespmem:$0x1FAA0] =	vst v14;
	v19 =	vadd.f32 v17, v25;
	v7 =	vadd.f32 v33, v7;
	v14 =	vmov v59  }
0x6d8: {  	v49 =	vld [tilespmem:s23+$0xFFFFFFE0];
	v63, _, _ =	vpop (xrf2);
	v24 =	vmul.f32 v57, v41;
	v9 =	vadd.f32 v12, v9;
	v25 =	vadd.f32 v61, v21  }
0x6d9: {  	v58 =	vld [tilespmem:s21+$0xFFFFFF80];
	v15 =	vmovc v11;
	v32 =	vmul.f32 v23, v30;
	v59 =	vmul.f32 v5, v30;
	v12 =	vadd.f32 v19, v20  }
0x6da: {  	v33 =	vld [tilespmem:s31+$0x50];
	[tilespmem:$0x1FAE0] =	vst v14;
	v20 =	vmul.f32 v57, v39;
	(xrf2) =	vadd.scan.msk.f32 $0xffff, v7;
	v7 =	vmul.f32 v22, v31;
	v14 =	vmovc v13  }
0x6db: {  	[tilespmem:$0x1FAF0] =	vst v15;
	v41 =	vld [tilespmem:s31+$0x60];
	v17 =	vadd.f32 v9, v24;
	v38 =	vmul.f32 v28, v31;
	v61 =	vmul.f32 v29, v40  }
0x6dc: {  	v11 =	vld [tilespmem:s23+$0xFFFFFF80];
	(xrf2) =	vadd.scan.msk.f32 $0xffff, v25;
	v25 =	vmul.f32 v46, v31;
	v13 =	vmul.f32 v4, v31;
	v12 =	vadd.f32 v12, v20  }
0x6dd: {  	v39 =	vld [tilespmem:s31+$0x70];
	v7 =	vadd.f32 v7, v32;
	v20 =	vmul.f32 v49, v30;
	[tilespmem:$0x1FA80] =	vst v14;
	v14 =	vmov v8  }
0x6de: {  	v15 =	vld [tilespmem:s31+$0xFFFFFFC0];
	v32 =	vmovc v10;
	v9 =	vmovc v60;
	v8 =	vand.u32 $0x7FFFFFFF, v17;
	[tilespmem:$0x1FB00] =	vst v14;
	v14 =	vand.u32 $0x7FFFFFFF, v12;
	v12 =	vmul.f32 v37, v30  }
0x6df: {  	v10 =	vld [tilespmem:s31+$0xFFFFFF80];
	[tilespmem:$0x1FB10] =	vst v9;
	v9 =	vmul.f32 v52, v31;
	v19 =	vmul.f32 v33, v34;
	v8 =	vadd.f32 v14, v8  }
0x6e0: {  	v7 =	vadd.f32 v61, v7;
	v14 =	vld [tilespmem:s31+$0xFFFFFFA0];
	v12 =	vadd.f32 v38, v12;
	v38 =	vmul.f32 v41, v40  }
0x6e1: {  	v60 =	vld [tilespmem:s31+$0xFFFFFFE0];
	v17 =	vmul.f32 v50, v30;
	(xrf2) =	vadd.scan.msk.f32 $0xffff, v8;
	v8 =	vmul.f32 v11, v30  }
0x6e2: {  	v2 =	vpop (erf);
	v7 =	vadd.f32 v19, v7;
	v19 =	vld [tilespmem:s31+$0xFFFFFF90];
	v12 =	vadd.f32 v38, v12;
	v38 =	vmul.f32 v39, v34  }
0x6e3: {  	v3 =	vpop (erf);
	v21 =	vld [tilespmem:s31+$0xFFFFFFB0];
	v8 =	vadd.f32 v13, v8;
	v13 =	vadd.f32 v9, v59;
	v59 =	vmul.f32 v48, v31  }
0x6e4: {  	v62 =	vadd.f32 v3, v2;
	v61, _, _ =	vpop (xrf2);
	v24 =	vmul.f32 v10, v40;
	(xrf2) =	vadd.scan.msk.f32 $0xffff, v7;
	v7 =	vld [tilespmem:s31+$0xFFFFFFD0];
	v12 =	vadd.f32 v38, v12  }
0x6e5: {  	v17 =	vadd.f32 v25, v17;
	v9 =	vld [tilespmem:s31+$0xFFFFFFF0];
	v25 =	vmul.f32 v14, v40;
	v20 =	vadd.f32 v59, v20  }
0x6e6: {  	s2 =	sadd.s32 $0x183, s24;
	v18, _, _ =	vpop (xrf2);
	v59 =	vld [tilespmem:s21+$0xFFFFFF70];
	v8 =	vadd.f32 v24, v8;
	v24 =	vmul.f32 v60, v40;
	[tilespmem:v54+s1+$0x0] =	vst.idx.msk vm0, v63;
	(xrf2) =	vadd.scan.msk.f32 $0xffff, v12  }
0x6e7: {  	v38 =	vmovc v26;
	v26 =	vmul.f32 v15, v40;
	v12 =	vmov s2;
	v40 =	vmovc v27;
	v27 =	vmul.f32 v19, v34  }
0x6e8: {  	v10 =	vsub.f32 v11, v10;
	v13 =	vadd.f32 v25, v13;
	[tilespmem:v54+s4+$0x0] =	vst.idx.msk $0x1, v42  }
0x6e9: {  	s14 =	sadd.s32 $0x383, s24;
	v17 =	vadd.f32 v26, v17;
	v26 =	vmul.f32 v21, v34;
	v8 =	vadd.f32 v27, v8  }
0x6ea: {  	v4 =	vsub.f32 v4, v19;
	v20 =	vadd.f32 v24, v20;
	v24 =	vmov s14;
	[tilespmem:v53+s4+$0x0] =	vst.idx.msk $0x1, v44;
	v25, _, _ =	vpop (xrf2)  }
0x6eb: {  	v27 =	vmul.f32 v7, v34;
	v13 =	vadd.f32 v26, v13;
	v26 =	vmul.f32 v9, v34;
	v34, _, _ =	vpop (xrf2);
	(xrf2) =	vadd.scan.msk.f32 $0xffff, v8  }
0x6ec: {  	v1 =	vpop (erf);
	v5 =	vsub.f32 v5, v14;
	v53 =	vmul.f32 v59, v16;
	[tilespmem:v12+s1+$0x0] =	vst.idx.msk vm0, v34  }
0x6ed: {  	v16 =	vld [tilespmem:$0x1FFA0];
	v8 =	vmul.f32 v58, v36;
	[tilespmem:v12+s4+$0x0] =	vst.idx.msk $0x1, v55;
	v12 =	vadd.f32 v62, v1  }
0x6ee: {  	v47 =	vpop (erf);
	v14 =	vadd.f32 $0.0e+00, v18;
	v18 =	vadd.f32 $0.0e+00, v25  }
0x6ef: {  	v11, _, _ =	vpop (xrf2);
	[tilespmem:v24+s4+$0x0] =	vst.idx.msk $0x1, v6;
	v6 =	vadd.f32 v8, v53;
	v8 =	vadd.f32 v12, v47  }
0x6f0: {  	v17 =	vadd.f32 v27, v17;
	v20 =	vadd.f32 v26, v20;
	(xrf2) =	vadd.scan.msk.f32 $0xffff, v13;
	v13 =	vbroadcast v61, $0xF;
	v19, _, _ =	vpop (xrf2)  }
0x6f1: {  	v11 =	vadd.f32 $0.0e+00, v11;
	v19 =	vadd.f32 $0.0e+00, v19;
	(erf) = vrcp.f32 v8  }
0x6f2: {  	v8 =	vadd.f32 v13, v16;
	v13 =	vbroadcast v14, $0xF;
	v14 =	vbroadcast v18, $0xF  }
0x6f3: {  	v11 =	vbroadcast v11, $0xF;
	(xrf2) =	vadd.scan.msk.f32 $0xffff, v17;
	v19 =	vbroadcast v19, $0xF  }
0x6f4: {  	s15 =	sadd.s32 $0x583, s24;
	v0 =	vbroadcast v0, $0x0;
	(xrf2) =	vadd.scan.msk.f32 $0xffff, v20;
	v13 =	vadd.f32 v8, v13;
	v14 =	vadd.f32 v8, v14  }
0x6f5: {  	s16 =	sadd.s32 $0x783, s24;
	v63 =	vmov s15;
	v11 =	vadd.f32 v8, v11;
	v8 =	vadd.f32 v8, v19;
	v17, _, _ =	vpop (xrf2)  }
0x6f6: {  	v42 =	vmov s16;
	v13 =	vmax.f32 v13, $0.0e+00;
	v17 =	vadd.f32 $0.0e+00, v17  }
0x6f7: {  	v14 =	vmax.f32 v14, $0.0e+00;
	v11 =	vmax.f32 v11, $0.0e+00;
	v8 =	vmax.f32 v8, $0.0e+00  }
0x6f8: {  	(xrf2) =	vadd.scan.msk.f32 $0xffff, v6;
	v6 =	vbroadcast v17, $0xF;
	v17 =	vmax.f32 v13, v14;
	v24 =	vmax.f32 v11, v8  }
0x6f9: {  	[tilespmem:v51+s4+$0x0] =	vst.idx.msk $0x1, v45;
	v17 =	vmax.f32 v17, v24  }
0x6fa: {  	[tilespmem:v63+s4+$0x0] =	vst.idx.msk $0x1, v56;
	v13 =	vsub.f32 v13, v17;
	v20 =	vpop (erf)  }
0x6fb: {  	[tilespmem:v42+s4+$0x0] =	vst.idx.msk $0x1, v57;
	v14 =	vsub.f32 v14, v17;
	v42 =	vmul.f32 v20, v2;
	v2 =	vld [tilespmem:$0x1FA20]  }
0x6fc: {  	[tilespmem:v0+s4+$0x0] =	vst.idx.msk $0x1, v43;
	v0 =	vsub.f32 v52, v21;
	v21, _, _ =	vpop (xrf2);
	v13 =	vmul.f32 $1.442695020e+00, v13  }
0x6fd: {  	v24, _, _ =	vpop (xrf2);
	v44 =	vmul.f32 v20, v3;
	v3 =	vmul.f32 $1.442695020e+00, v14  }
0x6fe: {  	v36 =	vmov v10;
	v10, _, _ =	vpop (xrf2);
	(erf) = vpow2.f32 v13  }
0x6ff: {  	s25 =	sadd.s32 $0x382, s24;
	v7 =	vsub.f32 v46, v7;
	(erf) = vpow2.f32 v3;
	v3 =	vadd.f32 $0.0e+00, v10  }
0x700: {  	v46 =	vsub.f32 v49, v60;
	v12 =	vmov s25;
	v14 =	vmul.f32 v42, v2  }
0x701: {  	v60 =	vmovc v4;
	v4 =	vand.u32 $0xFFFFFFFE, v12;
	v11 =	vsub.f32 v11, v17;
	v12 =	vbroadcast v3, $0xF;
	v3 =	vld [tilespmem:$0x1FA60]  }
0x702: {  	v8 =	vsub.f32 v8, v17  }
0x703: {  	s26 =	sadd.s32 $0x582, s24;
	v15 =	vsub.f32 v50, v15;
	v45 =	vmul.f32 v20, v1;
	v1 =	vld [tilespmem:$0x1FA70];
	v11 =	vmul.f32 $1.442695020e+00, v11  }
0x704: {  	v18 =	vmov s26;
	v8 =	vmul.f32 $1.442695020e+00, v8;
	v13 =	vld [tilespmem:$0x1FA40];
	v10 =	vadd.f32 v14, v40;
	v14, _, _ =	vpop (xrf2)  }
0x705: {  	v21 =	vadd.f32 $0.0e+00, v21;
	(erf) = vpow2.f32 v11;
	v11 =	vbroadcast v14, $0xF  }
0x706: {  	v25 =	vadd.f32 $0.0e+00, v24;
	(erf) = vpow2.f32 v8;
	v8 =	vmul.f32 v44, v3  }
0x707: {  	v21 =	vbroadcast v21, $0xF;
	v2 =	vsub.f32 v48, v9;
	v40 =	vmovc v37;
	v37 =	vmovc v5;
	v5 =	vadd.f32 v11, v16  }
0x708: {  	v9 =	vbroadcast v25, $0xF;
	v11 =	vmul.f32 v44, v1;
	v1 =	vld [tilespmem:$0x1FAB0];
	v8 =	vadd.f32 v10, v8  }
0x709: {  	s17 =	sadd.s32 $0x182, s24;
	v13 =	vmul.f32 v42, v13;
	v16 =	vadd.f32 v5, v6;
	v10 =	vadd.f32 v5, v21  }
0x70a: {  	s28 =	sadd.s32 $0x782, s24;
	v26 =	vmov s17;
	v9 =	vadd.f32 v5, v9;
	v5 =	vadd.f32 v5, v12;
	v12 =	vld [tilespmem:$0x1FAC0]  }
0x70b: {  	s7 =	smov.u32 s29;
	s29 =	sadd.s32 $0x2, s29;
	v27 =	vmovc v59;
	v50 =	vand.u32 $0xFFFFFFFE, v26;
	v19 =	vmov s28;
	v13 =	vadd.f32 v13, v38  }
0x70c: {  	p1 =	slt.u32 s29, $0x7E;
	v43 =	vmul.f32 v20, v47;
	v24 =	vmovc v32;
	v3 =	vand.u32 $0xFFFFFFFE, v18;
	v18 =	vmovc v35;
	v35 =	vmov v0  }
.Ltmp7:
0x70d: {  	v20 =	vld [tilespmem:$0x1FA80];
	v0 =	vand.u32 $0xFFFFFFFE, v19;
	v11 =	vadd.f32 v13, v11;
	v14 =	vmul.f32 v45, v1;
	v1 =	vpop (erf);
	(pc) =	sbr.rel @p1 .LBB2_16-.Ltmp7, $4  }
0x70e: {  	v32 =	vld [tilespmem:$0x1FA30];
	v53 =	vmax.f32 v16, $0.0e+00;
	v52 =	vmax.f32 v10, $0.0e+00;
	v51 =	vmax.f32 v9, $0.0e+00;
	v6 =	vpop (erf)  }
0x70f: {  	v34 =	vmovc v15;
	v61 =	vmovc v7;
	v38 =	vld [tilespmem:$0x1FA50];
	v10 =	vmax.f32 v5, $0.0e+00;
	v12 =	vmul.f32 v45, v12;
	v9 =	vadd.f32 v6, v1  }
0x710: {  	v19 =	vld [tilespmem:$0x1FA90];
	v7 =	vmax.f32 v53, v52;
	v13 =	vmax.f32 v51, v10;
	v47 =	vpop (erf);
	v5 =	vadd.f32 v8, v14  }
0x711: {  	s24 =	smov.u32 s7;
	s31 =	sadd.s32 $0x100, s31;
	v26 =	vmovc v58;
	v21 =	vld [tilespmem:$0x1FAA0];
	v54 =	vmax.f32 v7, v13;
	v13 =	vadd.f32 v9, v47;
	v9 =	vadd.f32 v11, v12  }
0x712: {  	v7 =	vsub.f32 v53, v54;
	v8 =	vpop (erf)  }
0x713: {  	v11 =	vsub.f32 v52, v54;
	v12 =	vadd.f32 v13, v8  }
0x714: {  	v7 =	vmul.f32 $1.442695020e+00, v7  }
0x715: {  	v25 =	vsub.f32 v51, v54;
	v11 =	vmul.f32 $1.442695020e+00, v11;
	(erf) = vrcp.f32 v12  }
0x716: {  	(erf) = vpow2.f32 v7  }
0x717: {  	v30 =	vsub.f32 v10, v54;
	v31 =	vmul.f32 $1.442695020e+00, v25;
	(erf) = vpow2.f32 v11;
	_ =	sdelay $0x1  }
0x718: {  	v7 =	vmul.f32 $1.442695020e+00, v30;
	(erf) = vpow2.f32 v31;
	_ =	sdelay $0x1  }
0x719: {  	(erf) = vpow2.f32 v7;
	_ =	sdelay $0x2  }
0x71a: {  	v48 =	vpop (erf)  }
0x71b: {  	v49 =	vpop (erf)  }
0x71c: {  	v11 =	vpop (erf)  }
0x71d: {  	v51 =	vadd.f32 v11, v49  }
0x71e: {  	v52 =	vpop (erf)  }
0x71f: {  	v16 =	vld [tilespmem:$0x1FB00];
	v12 =	vadd.f32 v51, v52  }
0x720: {  	v53 =	vld [tilespmem:$0x1FAF0];
	v14 =	vpop (erf)  }
0x721: {  	v58 =	vld [tilespmem:$0x1FB10];
	v12 =	vadd.f32 v12, v14  }
0x722: {  	v54 =	vsub.f32 v40, v41;
	v56 =	vsub.f32 v24, v18  }
0x723: {  	v57 =	vsub.f32 v23, v29;
	v63 =	vld [tilespmem:$0x1FAE0];
	v17 =	vmul.f32 v43, v38;
	(erf) = vrcp.f32 v12  }
0x724: {  	v59 =	vld [tilespmem:$0x1FAD0];
	v62 =	vsub.f32 v22, v33;
	v55 =	vsub.f32 v16, v21;
	v1 =	vmul.f32 v48, v1  }
0x725: {  	v9 =	vadd.f32 v9, v17;
	v12 =	vsub.f32 v53, v20  }
0x726: {  	v19 =	vsub.f32 v58, v19;
	v6 =	vmul.f32 v48, v6;
	v17 =	vmul.f32 v1, v55  }
0x727: {  	v15 =	vmul.f32 v43, v32;
	v25 =	vsub.f32 v28, v39;
	v12 =	vmul.f32 v1, v12  }
0x728: {  	v19 =	vmul.f32 v6, v19;
	v17 =	vadd.f32 v17, v63;
	v20 =	vmul.f32 v48, v47  }
0x729: {  	v5 =	vadd.f32 v5, v15;
	v16 =	vmul.f32 v6, v56;
	v12 =	vadd.f32 v12, v59  }
0x72a: {  	v7 =	vmul.f32 v48, v8;
	v17 =	vadd.f32 v17, v19;
	v28 =	vmul.f32 v20, v62  }
0x72b: {  	v5 =	vand.u32 $0x7FFFFFFF, v5;
	v24 =	vmul.f32 v20, v57;
	v12 =	vadd.f32 v12, v16  }
0x72c: {  	v9 =	vand.u32 $0x7FFFFFFF, v9;
	v17 =	vadd.f32 v17, v28;
	v16 =	vmul.f32 v7, v25;
	v29 =	vpop (erf)  }
0x72d: {  	v15 =	vmul.f32 v7, v54;
	v8 =	vadd.f32 v12, v24;
	v10 =	vmul.f32 v29, v49  }
0x72e: {  	v5 =	vadd.f32 v9, v5;
	v32 =	vadd.f32 v17, v16;
	v30 =	vmul.f32 v29, v11  }
0x72f: {  	v8 =	vadd.f32 v8, v15;
	v31 =	vmul.f32 v10, v36;
	v33 =	vmul.f32 v10, v60  }
0x730: {  	v13 =	vmul.f32 v29, v52;
	v15 =	vand.u32 $0x7FFFFFFF, v32;
	v36 =	vmul.f32 v30, v37  }
0x731: {  	v37 =	vmul.f32 v30, v35;
	v11 =	vadd.f32 v31, v27;
	v16 =	vadd.f32 v33, v26  }
0x732: {  	(xrf2) =	vadd.scan.msk.f32 $0xffff, v5;
	v12 =	vmul.f32 v29, v14;
	v8 =	vand.u32 $0x7FFFFFFF, v8;
	v40 =	vmul.f32 v13, v34  }
0x733: {  	v41 =	vmul.f32 v13, v61;
	v39 =	vadd.f32 v11, v36;
	v47 =	vadd.f32 v16, v37  }
0x734: {  	v49 =	vmul.f32 v12, v46;
	v38 =	vadd.f32 v15, v8  }
0x735: {  	v2 =	vmul.f32 v12, v2;
	v8 =	vadd.f32 v39, v40;
	v48 =	vadd.f32 v47, v41  }
0x736: {  	(xrf2) =	vadd.scan.msk.f32 $0xffff, v38  }
0x737: {  	v50 =	vbroadcast v50, $0x0;
	v8 =	vadd.f32 v8, v49;
	v2 =	vadd.f32 v48, v2;
	_ =	sdelay $0x1  }
0x738: {  	v4 =	vbroadcast v4, $0x0;
	v51 =	vand.u32 $0x7FFFFFFF, v8;
	v2 =	vand.u32 $0x7FFFFFFF, v2  }
0x739: {  	v3 =	vbroadcast v3, $0x0;
	v2 =	vadd.f32 v2, v51  }
0x73a: {  	s2 =	sadd.s32 $0x183, s24  }
0x73b: {  	v53, _, _ =	vpop (xrf2);
	v52 =	vmov s2;
	(xrf2) =	vadd.scan.msk.f32 $0xffff, v2  }
0x73c: {  	v0 =	vbroadcast v0, $0x0;
	[tilespmem:v50+s1+$0x0] =	vst.idx.msk vm0, v53  }
0x73d: {  	s10 =	sadd.s32 $0x383, s24;
	s3 =	sadd.s32 $0x182, s24;
	[tilespmem:v50+s4+$0x0] =	vst.idx.msk $0x1, v42  }
0x73e: {  	s11 =	sadd.s32 $0x583, s24;
	v58 =	vmov s3;
	v54 =	vmov s10;
	[tilespmem:v4+s4+$0x0] =	vst.idx.msk $0x1, v44  }
0x73f: {  	s12 =	sadd.s32 $0x783, s24;
	s13 =	sadd.s32 $0x382, s24;
	v55 =	vmov s11;
	v4 =	vand.u32 $0xFFFFFFFE, v58;
	[tilespmem:v3+s4+$0x0] =	vst.idx.msk $0x1, v45;
	v56, _, _ =	vpop (xrf2)  }
0x740: {  	s14 =	sadd.s32 $0x582, s24;
	v57 =	vmov s12;
	v59 =	vmov s13;
	v4 =	vbroadcast v4, $0x0;
	[tilespmem:v52+s1+$0x0] =	vst.idx.msk vm0, v56  }
0x741: {  	s15 =	sadd.s32 $0x782, s24;
	v60 =	vmov s14;
	[tilespmem:v52+s4+$0x0] =	vst.idx.msk $0x1, v1;
	v1 =	vand.u32 $0xFFFFFFFE, v59  }
0x742: {  	[tilespmem:v0+s4+$0x0] =	vst.idx.msk $0x1, v43;
	v61 =	vmov s15;
	v2 =	vand.u32 $0xFFFFFFFE, v60;
	v1 =	vbroadcast v1, $0x0  }
0x743: {  	v5 =	vand.u32 $0xFFFFFFFE, v61;
	v2 =	vbroadcast v2, $0x0;
	[tilespmem:v54+s4+$0x0] =	vst.idx.msk $0x1, v6  }
0x744: {  	v62 =	vbroadcast v5, $0x0;
	[tilespmem:v55+s4+$0x0] =	vst.idx.msk $0x1, v20  }
0x745: {  	[tilespmem:v57+s4+$0x0] =	vst.idx.msk $0x1, v7;
	v63, _, _ =	vpop (xrf2)  }
0x746: {  	[tilespmem:v4+s1+$0x0] =	vst.idx.msk vm0, v63  }
0x747: {  	[tilespmem:v4+s4+$0x0] =	vst.idx.msk $0x1, v10  }
0x748: {  	[tilespmem:v1+s4+$0x0] =	vst.idx.msk $0x1, v30  }
0x749: {  	[tilespmem:v2+s4+$0x0] =	vst.idx.msk $0x1, v13  }
0x74a: {  	[tilespmem:v62+s4+$0x0] =	vst.idx.msk $0x1, v12  }
0x74b: {  	s16 =	rddreg [dreg:$0xc]  }
0x74c: {  	[hbm4b:s16+s5] =	stream.linear.scatter [tilespmem:s4], [sflag:$0x7], $0x200, $0x38;
	[tilespmem:$0x19300] =	vst v63  }
0x74d: {  	_ =	swait.ge [sflag:s19], $0x200  }
0x74e: {  	[sflag:s19] =	ssyncset.done $0x0  }
0x74f: {  	s21 =	simm.s32 $0x18A00;
	s17 =	rddreg [dreg:$0xd];
	[sflag:s19] =	ssyncadd.s32 $0xFFFFFE00  }
0x750: {  	[hbm4b:s17+s5] =	stream.linear.scatter [tilespmem:s21], [sflag:$0x7], $0x200, $0x38;
	[tilespmem:$0x19300] =	vst v63  }
0x751: {  	_ =	swait.ge [sflag:s19], $0x200  }
0x752: {  	[sflag:s19] =	ssyncset.done $0x0  }
0x753: {  	s24 =	simm.s32 $0x18C00;
	s23 =	rddreg [dreg:$0xe];
	[sflag:s19] =	ssyncadd.s32 $0xFFFFFE00  }
0x754: {  	[hbm4b:s23+s5] =	stream.linear.scatter [tilespmem:s24], [sflag:$0x7], $0x200, $0x38;
	[tilespmem:$0x19300] =	vst v63  }
0x755: {  	_ =	swait.ge [sflag:s19], $0x200  }
0x756: {  	[sflag:s19] =	ssyncset.done $0x0  }
0x757: {  	s26 =	simm.s32 $0x18E00;
	s25 =	rddreg [dreg:$0xf];
	[sflag:s19] =	ssyncadd.s32 $0xFFFFFE00  }
0x758: {  	[hbm4b:s25+s5] =	stream.linear.scatter [tilespmem:s26], [sflag:$0x7], $0x200, $0x38;
	[tilespmem:$0x19300] =	vst v63  }
0x759: {  	_ =	swait.ge [sflag:s19], $0x200  }
0x75a: {  	s3 =	simm.s32 @!p0 $0x18600;
	[sflag:s19] =	ssyncset.done $0x0  }
0x75b: {  	s2 =	simm.s32 @!p0 $0x0;
	s7 =	rddreg [dreg:$0x10];
	[sflag:s19] =	ssyncadd.s32 $0xFFFFFE00  }
0x75c: {  	[hbm4b:s7+s2] =	stream.linear.scatter @!p0 [tilespmem:s3], [sflag:$0x7], $0x200, $0x38;
	[tilespmem:$0x19300] =	vst v63  }
0x75d: {  	s2 =	simm.s32 @!p0 $0x7  }
0x75e: {  	_ =	swait.ge @!p0 [sflag:s2], $0x200  }
0x75f: {  	[sflag:s2] =	ssyncset.done @!p0 $0x0  }
0x760: {  	s28 =	rddreg [dreg:$0x11];
	[sflag:s2] =	ssyncadd.s32 @!p0 $0xFFFFFE00  }
0x761: {  	[hbm4b:s28+s5] =	stream.linear.scatter [tilespmem:s1], [sflag:$0x7], $0x200, $0x38;
	[tilespmem:$0x19300] =	vst v63  }
0x762: {  	_ =	swait.ge [sflag:s19], $0x200  }
0x763: {  	[sflag:s19] =	ssyncset.done $0x0  }
0x764: {  	s3 =	simm.s32 @p0 $0x19000;
	s29 =	rddreg [dreg:$0x12];
	[sflag:s19] =	ssyncadd.s32 $0xFFFFFE00  }
0x765: {  	[hbm4b:s29+s5] =	stream.linear.scatter [tilespmem:s3], [sflag:$0x7], $0x200, $0x38;
	[tilespmem:$0x19300] =	vst v63  }
0x766: {  	_ =	swait.ge [sflag:s19], $0x200  }
0x767: {  	s20 =	sadd.s32 $0x1, s20;
	s31 =	rddreg [dreg:$0x13]  }
0x768: {  	p1 =	sne.s32 s20, s31  }
.Ltmp8:
0x769: {  	_ = 	snop;
	(pc) =	sbr.rel @p1 .LBB2_1-.Ltmp8, $3  }
0x76a: {  	_ =	sdelay $0x1  }
0x76b: {  	[sflag:s19] =	ssyncset.done $0x0  }
0x76c: {  	[sflag:s19] =	ssyncadd.s32 $0xFFFFFE00  }
0x76d: {  	_ =	sfence.sel $0x180000  }
0x76e: {  	[bflag:$0x0] =	sbarrier.arrive $0xFFFF  }
0x76f: {  	_ =	strace $0x90000047  }
0x770: {  	s0 =	stileid.u32;
	[bflag:$0x2] =	sbarrier.arrive $0xFFFF  }
0x771: {  	p0 =	sne.s32 s0, $0x0;
	s0 =	rddreg [dreg:$0x8]  }
0x772: {  	s0 =	sadd.s32 @!p0 $0x100000, s0  }
0x773: {  	[sflag:s0] =	ssyncadd.tile.s32 @!p0 $0x1;
	_ =	shalt  }
.Lfunc_end2:
_tile_overlayer_lowered:
.L_overlay_start_2:
0x774: {  	(tag) =	ssettag $0x2  }
0x775: {  	s0 =	rddreg [dreg:$0x0];
	s2 =	stileid.u32  }
0x776: {  	s1 =	rddreg [dreg:$0x1];
	p0 =	sne.s32 s2, $0x0  }
0x777: {  	s3 =	rddreg [dreg:$0x2];
	[bflag:$0x3] =	sbarrier.arrive $0xFFFF;
	s2 =	simm.s32 @!p0 $0x1C07  }
0x778: {  	[timem:s3], [sflag:s2] =	dma.local @!p0 [hbm:s0], s1  }
0x779: {  	s0 =	simm.s32 @!p0 $0x7  }
0x77a: {  	_ =	swait.ge @!p0 [sflag:s0], s1  }
0x77b: {  	s1 =	ssub.s32 @!p0 $0x0, s1;
	[sflag:s0] =	ssyncset.done @!p0 $0x0  }
0x77c: {  	[sflag:s0] =	ssyncadd.s32 @!p0 s1  }
0x77d: {  	[bflag:$0x3] =	sbarrier.arrive $0xFFFF  }
0x77e: {  	_ =	shalt  }

</sc_bundles>
